<compile_context>
chip_gen: v7x
topology: tpu7x:2x2x1
jax: 0.10.2.dev20260603
libtpu: 0.0.44.dev20260713+nightly
codegen_flags: <defaults>
</compile_context>

<pallas_src>
import functools

import jax
import jax.numpy as jnp
from jax import lax
from jax.experimental import pallas as pl
from jax.experimental.pallas import tpu as pltpu
from jax.experimental.pallas import tpu_sc as plsc

B, N, P, K, D, H = 4, 8192, 8192, 16, 128, 64
L = 16
NC, NS = 2, 16
NW = NC * NS
WPB = NW // B
BN = B * N
BP = B * P
PW = BP // NW
W = 8
CW = W * K
NCHUNK = PW // W
NBUF = 4
STG = 128
BLK = 8192
NBLK = N // BLK


def _score_body(x_ref, w1_ref, b1_ref, v_ref, bv_ref, y_ref, sv_ref):
    xb = x_ref[0]
    h = jnp.tanh(
        jnp.dot(xb.astype(jnp.bfloat16), w1_ref[...].astype(jnp.bfloat16),
                preferred_element_type=jnp.float32) + b1_ref[...])
    logit = jnp.dot(h, v_ref[...],
                    preferred_element_type=jnp.float32) + bv_ref[...]
    s = jax.nn.sigmoid(logit)
    ht = jnp.swapaxes(h, 0, 1)
    logit_row = jnp.dot(jnp.swapaxes(v_ref[...], 0, 1), ht,
                        preferred_element_type=jnp.float32) + bv_ref[...]
    sv_ref[...] = jax.nn.sigmoid(logit_row)[0]
    y_ref[...] = xb * s


def _scores_and_table(x, W1, b1, V, bV):
    y, sv = pl.pallas_call(
        _score_body,
        grid=(B, NBLK),
        in_specs=[
            pl.BlockSpec((1, BLK, D), lambda b, i: (b, i, 0)),
            pl.BlockSpec((D, H), lambda b, i: (0, 0)),
            pl.BlockSpec((1, H), lambda b, i: (0, 0)),
            pl.BlockSpec((H, 1), lambda b, i: (0, 0)),
            pl.BlockSpec((1, 1), lambda b, i: (0, 0)),
        ],
        out_specs=[
            pl.BlockSpec((BLK, D), lambda b, i: (b * NBLK + i, 0)),
            pl.BlockSpec((BLK,), lambda b, i: (b * NBLK + i,)),
        ],
        out_shape=[
            jax.ShapeDtypeStruct((BN, D), jnp.float32),
            jax.ShapeDtypeStruct((BN,), jnp.float32),
        ],
    )(x, W1, b1.reshape(1, H), V, bV.reshape(1, 1))
    return y, sv


_VECTOR_MESH = plsc.VectorSubcoreMesh(core_axis_name="c", subcore_axis_name="s")


@functools.partial(
    pl.kernel,
    out_type=jax.ShapeDtypeStruct((BP, D), jnp.float32),
    mesh=_VECTOR_MESH,
    compiler_params=pltpu.CompilerParams(needs_layout_passes=False),
    scratch_types=(
        [pltpu.VMEM((K, STG), jnp.int32),
         pltpu.VMEM((PW * K,), jnp.int32),
         pltpu.VMEM((N,), jnp.float32)]
        + [pltpu.VMEM((CW, D), jnp.float32)] * NBUF
        + [pltpu.VMEM((W, D), jnp.float32)] * NBUF
        + [pltpu.SemaphoreType.DMA] * (2 * NBUF)
    ),
)
def _pool(y_hbm, idx_hbm, xs_hbm, out_hbm, idx_v, idx_f, sv, *bufs):
    rows = bufs[:NBUF]
    outs = bufs[NBUF:2 * NBUF]
    gss = bufs[2 * NBUF:3 * NBUF]
    oss = bufs[3 * NBUF:4 * NBUF]
    cid = lax.axis_index("c")
    sid = lax.axis_index("s")
    wid = sid * NC + cid
    b = wid // WPB
    p0 = (wid % WPB) * PW
    pbase = wid * PW
    rowbase = b * N

    iota = lax.iota(jnp.int32, L)
    iK = iota * K

    def stage(g):
        pltpu.sync_copy(idx_hbm.at[b, :, pl.ds(p0 + g * STG, STG)], idx_v)

        @pl.loop(0, K)
        def _(k):
            for t in range(STG // L):
                vals = idx_v[k, pl.ds(t * L, L)] + rowbase
                offs = iK + ((g * STG + t * L) * K + k)
                plsc.store_scatter(idx_f, [offs], vals)

    def fire_gather(c, rbuf, sem):
        pltpu.async_copy(y_hbm.at[idx_f.at[pl.ds(c * CW, CW)]], rbuf, sem)

    def wait_gather(rbuf, sem):
        pltpu.make_async_copy(y_hbm.at[idx_f.at[pl.ds(0, CW)]], rbuf,
                              sem).wait()

    def compute(c, rbuf, obuf):
        @pl.loop(0, W)
        def _(w):
            r0 = w * K
            iloc = idx_f[pl.ds((c * W + w) * K, K)] - rowbase
            svec = plsc.load_gather(sv, [iloc])
            ssum = jnp.sum(svec)
            accs = [rbuf[r0, pl.ds(j * L, L)] for j in range(D // L)]
            for k in range(1, K):
                accs = [a + rbuf[r0 + k, pl.ds(j * L, L)]
                        for j, a in enumerate(accs)]
            for j in range(D // L):
                obuf[w, pl.ds(j * L, L)] = accs[j] / ssum

    def wait_out(obuf, sem):
        pltpu.make_async_copy(obuf, out_hbm.at[pl.ds(pbase, W)], sem).wait()

    stage(0)
    for j in range(NBUF):
        fire_gather(j, rows[j], gss[j])
    pltpu.sync_copy(xs_hbm.at[pl.ds(rowbase, N)], sv)

    @pl.loop(1, PW // STG, step=1)
    def _(g):
        stage(g)

    @pl.loop(0, NCHUNK, step=NBUF)
    def _(c):
        for j in range(NBUF):
            cc = c + j
            wait_gather(rows[j], gss[j])

            @pl.when(c >= NBUF)
            def _():
                wait_out(outs[j], oss[j])

            compute(cc, rows[j], outs[j])

            @pl.when(cc + NBUF < NCHUNK)
            def _():
                fire_gather(cc + NBUF, rows[j], gss[j])

            pltpu.async_copy(outs[j], out_hbm.at[pl.ds(pbase + cc * W, W)],
                             oss[j])

    for j in range(NBUF):
        wait_out(outs[j], oss[j])


def kernel(x, idx, W1, b1, V, bV):
    y, sv = _scores_and_table(x, W1, b1, V, bV)
    idx_t = jnp.swapaxes(idx.astype(jnp.int32), 1, 2)
    out = _pool(y, idx_t, sv)
    return out.reshape(B, P, D), sv.reshape(B, N, 1)

# --- scband reference (transcript-rebuilt; emitter-appended) ---
"""Pipeline reference for scband-attention-pooling-idx-15960098472038 (READ-ONLY COPY).

The authoritative reference and input builder live on the scoring server;
editing this copy changes nothing except your own understanding.
"""

import jax, jax.numpy as jnp
import numpy as np

B, N, P, K, D, H = 4, 8192, 8192, 16, 128, 64


def knn_gather(x, idx):
    # x: [B, N, D], idx: [B, P, K] -> [B, P, K, D]
    return jax.vmap(lambda xb, ib: jnp.take(xb, ib, axis=0))(x, idx)


def setup_inputs(seed: int = 0) -> dict:
    key = jax.random.key(seed)
    k1, k2, k3, k4 = jax.random.split(key, 4)
    x = jax.random.normal(k1, (B, N, D), dtype=jnp.float32)
    idx = jax.random.randint(k2, (B, P, K), 0, N, dtype=jnp.int64)
    W1 = jax.random.normal(k3, (D, H), dtype=jnp.float32) * (1.0 / np.sqrt(D))
    b1 = jnp.zeros((H,), dtype=jnp.float32)
    V = jax.random.normal(k4, (H, 1), dtype=jnp.float32) * (1.0 / np.sqrt(H))
    bV = jnp.zeros((1,), dtype=jnp.float32)
    return {"x": x, "idx": idx, "W1": W1, "b1": b1, "V": V, "bV": bV}


def reference(x, idx, W1, b1, V, bV):
    # x_s = Sigmoid(V(Tanh(W1(x))))  -> [B, N, 1]
    x_s = jax.nn.sigmoid(jnp.tanh(x @ W1 + b1) @ V + bV)
    # knn_gather of features and scores
    xg = knn_gather(x, idx)          # [B, P, K, D]
    score = knn_gather(x_s, idx)     # [B, P, K, 1]
    attention_weights = score / jnp.sum(score, axis=2, keepdims=True)
    out = jnp.sum(attention_weights * xg, axis=2)  # [B, P, D]
    return (out, x_s)

if __name__ == "__main__":
    import jax
    _d = setup_inputs()
    print(jax.jit(kernel)(*tuple(_d.values())))

</pallas_src>

<mosaic_0001>
#map = affine_map<(d0, d1) -> (0, 0)>
#map1 = affine_map<(d0, d1) -> (0, 0, 0)>
#map2 = affine_map<(d0, d1) -> (0)>
module attributes {stable_mosaic.version = 14 : i64} {
  func.func @_pool(%arg0: i32, %arg1: i32, %arg2: memref<32768x128xf32, #tpu.memory_space<hbm>>, %arg3: memref<4x16x8192xi32, #tpu.memory_space<hbm>>, %arg4: memref<32768xf32, #tpu.memory_space<hbm>>, %arg5: memref<32768x128xf32, #tpu.memory_space<hbm>>, %arg6: memref<16x128xi32, #tpu.memory_space<vmem>>, %arg7: memref<16384xi32, #tpu.memory_space<vmem>>, %arg8: memref<8192xf32, #tpu.memory_space<vmem>>, %arg9: memref<128x128xf32, #tpu.memory_space<vmem>>, %arg10: memref<128x128xf32, #tpu.memory_space<vmem>>, %arg11: memref<128x128xf32, #tpu.memory_space<vmem>>, %arg12: memref<128x128xf32, #tpu.memory_space<vmem>>, %arg13: memref<8x128xf32, #tpu.memory_space<vmem>>, %arg14: memref<8x128xf32, #tpu.memory_space<vmem>>, %arg15: memref<8x128xf32, #tpu.memory_space<vmem>>, %arg16: memref<8x128xf32, #tpu.memory_space<vmem>>, %arg17: memref<!tpu.dma_semaphore, #tpu.memory_space<semaphore_mem>>, %arg18: memref<!tpu.dma_semaphore, #tpu.memory_space<semaphore_mem>>, %arg19: memref<!tpu.dma_semaphore, #tpu.memory_space<semaphore_mem>>, %arg20: memref<!tpu.dma_semaphore, #tpu.memory_space<semaphore_mem>>, %arg21: memref<!tpu.dma_semaphore, #tpu.memory_space<semaphore_mem>>, %arg22: memref<!tpu.dma_semaphore, #tpu.memory_space<semaphore_mem>>, %arg23: memref<!tpu.dma_semaphore, #tpu.memory_space<semaphore_mem>>, %arg24: memref<!tpu.dma_semaphore, #tpu.memory_space<semaphore_mem>>) attributes {dimension_semantics = [#tpu.dimension_semantics<core_parallel>, #tpu.dimension_semantics<subcore_parallel>], iteration_bounds = array<i64: 2, 16>, scalar_prefetch = 0 : i64, scratch_operands = 19 : i64, tpu.core_type = #tpu.core_type<sc_vector_subcore>, window_params = [{transform_indices = #map}, {transform_indices = #map1}, {transform_indices = #map2}, {transform_indices = #map}]} {
    %mul3A = arith.constant 2 : i32
    %mul3A_0 = arith.muli %arg1, %mul3A : i32
    %add3A = arith.addi %mul3A_0, %arg0 : i32
    %jit3A = arith.constant 8 : i32
    %div3A = arith.divsi %add3A, %jit3A : i32
    %sign3A = arith.constant 0 : i32
    %sign3A_1 = arith.cmpi sgt, %add3A, %sign3A : i32
    %sign3A_2 = arith.extui %sign3A_1 : i1 to i32
    %sign3A_3 = arith.constant 0 : i32
    %sign3A_4 = arith.cmpi slt, %add3A, %sign3A_3 : i32
    %sign3A_5 = arith.extui %sign3A_4 : i1 to i32
    %sign3A_6 = arith.subi %sign3A_2, %sign3A_5 : i32
    %sign3A_7 = arith.constant 0 : i32
    %sign3A_8 = arith.cmpi sgt, %jit3A, %sign3A_7 : i32
    %sign3A_9 = arith.extui %sign3A_8 : i1 to i32
    %sign3A_10 = arith.constant 0 : i32
    %sign3A_11 = arith.cmpi slt, %jit3A, %sign3A_10 : i32
    %sign3A_12 = arith.extui %sign3A_11 : i1 to i32
    %sign3A_13 = arith.subi %sign3A_9, %sign3A_12 : i32
    %ne3A = arith.cmpi ne, %sign3A_6, %sign3A_13 : i32
    %rem3A = arith.remsi %add3A, %jit3A : i32
    %ne3A_14 = arith.constant 0 : i32
    %ne3A_15 = arith.cmpi ne, %rem3A, %ne3A_14 : i32
    %and3A = arith.andi %ne3A, %ne3A_15 : i1
    %sub3A = arith.constant 1 : i32
    %sub3A_16 = arith.subi %div3A, %sub3A : i32
    %select_n3A = arith.select %and3A, %sub3A_16, %div3A : i32
    %jit3A_17 = arith.constant 8 : i32
    %eq3A = arith.constant 0 : i32
    %eq3A_18 = arith.cmpi eq, %jit3A_17, %eq3A : i32
    %jit3A_19 = arith.constant 1 : i32
    %select_n3A_20 = arith.select %eq3A_18, %jit3A_19, %jit3A_17 : i32
    %rem3A_21 = arith.remsi %add3A, %select_n3A_20 : i32
    %ne3A_22 = arith.constant 0 : i32
    %ne3A_23 = arith.cmpi ne, %rem3A_21, %ne3A_22 : i32
    %lt3A = arith.constant 0 : i32
    %lt3A_24 = arith.cmpi slt, %rem3A_21, %lt3A : i32
    %lt3A_25 = arith.constant 0 : i32
    %lt3A_26 = arith.cmpi slt, %select_n3A_20, %lt3A_25 : i32
    %ne3A_27 = arith.xori %lt3A_24, %lt3A_26 : i1
    %and3A_28 = arith.andi %ne3A_27, %ne3A_23 : i1
    %add3A_29 = arith.addi %rem3A_21, %select_n3A_20 : i32
    %select_n3A_30 = arith.select %and3A_28, %add3A_29, %rem3A_21 : i32
    %mul3A_31 = arith.constant 1024 : i32
    %mul3A_32 = arith.muli %select_n3A_30, %mul3A_31 : i32
    %mul3A_33 = arith.constant 1024 : i32
    %mul3A_34 = arith.muli %add3A, %mul3A_33 : i32
    %mul3A_35 = arith.constant 8192 : i32
    %mul3A_36 = arith.muli %select_n3A, %mul3A_35 : i32
    %iota3A = tpu.iota {dimensions = array<i32: 0>} : vector<16xi32>
    %mul3A_37 = arith.constant 16 : i32
    %mul3A_38 = vector.broadcast %mul3A_37 : i32 to vector<16xi32>
    %mul3A_39 = arith.muli %iota3A, %mul3A_38 : vector<16xi32>
    %add3A_40 = arith.constant 0 : i32
    %add3A_41 = arith.addi %mul3A_32, %add3A_40 : i32
    "tpu.region"() ({
      %run_scoped3A = tpu.sem_alloc : memref<!tpu.dma_semaphore, #tpu.memory_space<semaphore_mem>>
      %dma_start3A_90 = arith.constant 0 : i32
      %dma_start3A_91 = tpu.memref_slice %arg3[%select_n3A, %dma_start3A_90, %add3A_41] : memref<4x16x8192xi32, #tpu.memory_space<hbm>> -> memref<1x16x128xi32, #tpu.memory_space<hbm>>
      %dma_start3A_92 = tpu.memref_squeeze %dma_start3A_91 : memref<1x16x128xi32, #tpu.memory_space<hbm>> -> memref<16x128xi32, #tpu.memory_space<hbm>>
      %dma_start3A_93 = arith.constant 0 : i32
      %dma_start3A_94 = tpu.memref_slice %arg3[%select_n3A, %dma_start3A_93, %add3A_41] : memref<4x16x8192xi32, #tpu.memory_space<hbm>> -> memref<1x16x128xi32, #tpu.memory_space<hbm>>
      %dma_start3A_95 = tpu.memref_squeeze %dma_start3A_94 : memref<1x16x128xi32, #tpu.memory_space<hbm>> -> memref<16x128xi32, #tpu.memory_space<hbm>>
      tpu.enqueue_dma source(%dma_start3A_95 : memref<16x128xi32, #tpu.memory_space<hbm>>) target(%arg6 : memref<16x128xi32, #tpu.memory_space<vmem>>) target_semaphore(%run_scoped3A : memref<!tpu.dma_semaphore, #tpu.memory_space<semaphore_mem>>)
      %dma_wait3A_96 = arith.constant 0 : i32
      %dma_wait3A_97 = tpu.memref_slice %arg3[%select_n3A, %dma_wait3A_96, %add3A_41] : memref<4x16x8192xi32, #tpu.memory_space<hbm>> -> memref<1x16x128xi32, #tpu.memory_space<hbm>>
      %dma_wait3A_98 = tpu.memref_squeeze %dma_wait3A_97 : memref<1x16x128xi32, #tpu.memory_space<hbm>> -> memref<16x128xi32, #tpu.memory_space<hbm>>
      %dma_wait3A_99 = arith.constant 0 : i32
      %dma_wait3A_100 = tpu.memref_slice %arg3[%select_n3A, %dma_wait3A_99, %add3A_41] : memref<4x16x8192xi32, #tpu.memory_space<hbm>> -> memref<1x16x128xi32, #tpu.memory_space<hbm>>
      %dma_wait3A_101 = tpu.memref_squeeze %dma_wait3A_100 : memref<1x16x128xi32, #tpu.memory_space<hbm>> -> memref<16x128xi32, #tpu.memory_space<hbm>>
      tpu.wait_dma2 semaphore(%run_scoped3A : memref<!tpu.dma_semaphore, #tpu.memory_space<semaphore_mem>>) src(%dma_wait3A_101 : memref<16x128xi32, #tpu.memory_space<hbm>>) dst(%arg6 : memref<16x128xi32, #tpu.memory_space<vmem>>)
      tpu.yield
    }) : () -> ()
    %scan3A = arith.constant 0 : i32
    %scan3A_42 = arith.constant 16 : i32
    %scan3A_43 = arith.addi %scan3A, %scan3A_42 : i32
    %scan3A_44 = arith.constant 1 : i32
    scf.for %scan3A_90 = %scan3A to %scan3A_43 step %scan3A_44  : i32 {
      %mul3A_91 = arith.constant 1 : i32
      %mul3A_92 = arith.muli %scan3A_90, %mul3A_91 : i32
      %add3A_93 = arith.constant 0 : i32
      %add3A_94 = arith.addi %add3A_93, %mul3A_92 : i32
      %get3A = arith.index_cast %add3A_94 : i32 to index
      %get3A_95 = arith.constant 0 : index
      %get3A_96 = tpu.vector_load %arg6[%get3A, %get3A_95] {strides = array<i32>} : memref<16x128xi32, #tpu.memory_space<vmem>>, vector<16xi32>,
      %add3A_97 = vector.broadcast %mul3A_36 : i32 to vector<16xi32>
      %add3A_98 = arith.addi %get3A_96, %add3A_97 : vector<16xi32>
      %add3A_99 = arith.constant 0 : i32
      %add3A_100 = arith.addi %add3A_99, %add3A_94 : i32
      %add3A_101 = vector.broadcast %add3A_100 : i32 to vector<16xi32>
      %add3A_102 = arith.addi %mul3A_39, %add3A_101 : vector<16xi32>
      tpu.vector_store_idx %arg7[%add3A_102], %add3A_98 : memref<16384xi32, #tpu.memory_space<vmem>>[vector<16xi32>], vector<16xi32>,
      %get3A_103 = arith.index_cast %add3A_94 : i32 to index
      %get3A_104 = arith.constant 16 : index
      %get3A_105 = tpu.vector_load %arg6[%get3A_103, %get3A_104] {strides = array<i32>} : memref<16x128xi32, #tpu.memory_space<vmem>>, vector<16xi32>,
      %add3A_106 = vector.broadcast %mul3A_36 : i32 to vector<16xi32>
      %add3A_107 = arith.addi %get3A_105, %add3A_106 : vector<16xi32>
      %add3A_108 = arith.constant 256 : i32
      %add3A_109 = arith.addi %add3A_108, %add3A_94 : i32
      %add3A_110 = vector.broadcast %add3A_109 : i32 to vector<16xi32>
      %add3A_111 = arith.addi %mul3A_39, %add3A_110 : vector<16xi32>
      tpu.vector_store_idx %arg7[%add3A_111], %add3A_107 : memref<16384xi32, #tpu.memory_space<vmem>>[vector<16xi32>], vector<16xi32>,
      %get3A_112 = arith.index_cast %add3A_94 : i32 to index
      %get3A_113 = arith.constant 32 : index
      %get3A_114 = tpu.vector_load %arg6[%get3A_112, %get3A_113] {strides = array<i32>} : memref<16x128xi32, #tpu.memory_space<vmem>>, vector<16xi32>,
      %add3A_115 = vector.broadcast %mul3A_36 : i32 to vector<16xi32>
      %add3A_116 = arith.addi %get3A_114, %add3A_115 : vector<16xi32>
      %add3A_117 = arith.constant 512 : i32
      %add3A_118 = arith.addi %add3A_117, %add3A_94 : i32
      %add3A_119 = vector.broadcast %add3A_118 : i32 to vector<16xi32>
      %add3A_120 = arith.addi %mul3A_39, %add3A_119 : vector<16xi32>
      tpu.vector_store_idx %arg7[%add3A_120], %add3A_116 : memref<16384xi32, #tpu.memory_space<vmem>>[vector<16xi32>], vector<16xi32>,
      %get3A_121 = arith.index_cast %add3A_94 : i32 to index
      %get3A_122 = arith.constant 48 : index
      %get3A_123 = tpu.vector_load %arg6[%get3A_121, %get3A_122] {strides = array<i32>} : memref<16x128xi32, #tpu.memory_space<vmem>>, vector<16xi32>,
      %add3A_124 = vector.broadcast %mul3A_36 : i32 to vector<16xi32>
      %add3A_125 = arith.addi %get3A_123, %add3A_124 : vector<16xi32>
      %add3A_126 = arith.constant 768 : i32
      %add3A_127 = arith.addi %add3A_126, %add3A_94 : i32
      %add3A_128 = vector.broadcast %add3A_127 : i32 to vector<16xi32>
      %add3A_129 = arith.addi %mul3A_39, %add3A_128 : vector<16xi32>
      tpu.vector_store_idx %arg7[%add3A_129], %add3A_125 : memref<16384xi32, #tpu.memory_space<vmem>>[vector<16xi32>], vector<16xi32>,
      %get3A_130 = arith.index_cast %add3A_94 : i32 to index
      %get3A_131 = arith.constant 64 : index
      %get3A_132 = tpu.vector_load %arg6[%get3A_130, %get3A_131] {strides = array<i32>} : memref<16x128xi32, #tpu.memory_space<vmem>>, vector<16xi32>,
      %add3A_133 = vector.broadcast %mul3A_36 : i32 to vector<16xi32>
      %add3A_134 = arith.addi %get3A_132, %add3A_133 : vector<16xi32>
      %add3A_135 = arith.constant 1024 : i32
      %add3A_136 = arith.addi %add3A_135, %add3A_94 : i32
      %add3A_137 = vector.broadcast %add3A_136 : i32 to vector<16xi32>
      %add3A_138 = arith.addi %mul3A_39, %add3A_137 : vector<16xi32>
      tpu.vector_store_idx %arg7[%add3A_138], %add3A_134 : memref<16384xi32, #tpu.memory_space<vmem>>[vector<16xi32>], vector<16xi32>,
      %get3A_139 = arith.index_cast %add3A_94 : i32 to index
      %get3A_140 = arith.constant 80 : index
      %get3A_141 = tpu.vector_load %arg6[%get3A_139, %get3A_140] {strides = array<i32>} : memref<16x128xi32, #tpu.memory_space<vmem>>, vector<16xi32>,
      %add3A_142 = vector.broadcast %mul3A_36 : i32 to vector<16xi32>
      %add3A_143 = arith.addi %get3A_141, %add3A_142 : vector<16xi32>
      %add3A_144 = arith.constant 1280 : i32
      %add3A_145 = arith.addi %add3A_144, %add3A_94 : i32
      %add3A_146 = vector.broadcast %add3A_145 : i32 to vector<16xi32>
      %add3A_147 = arith.addi %mul3A_39, %add3A_146 : vector<16xi32>
      tpu.vector_store_idx %arg7[%add3A_147], %add3A_143 : memref<16384xi32, #tpu.memory_space<vmem>>[vector<16xi32>], vector<16xi32>,
      %get3A_148 = arith.index_cast %add3A_94 : i32 to index
      %get3A_149 = arith.constant 96 : index
      %get3A_150 = tpu.vector_load %arg6[%get3A_148, %get3A_149] {strides = array<i32>} : memref<16x128xi32, #tpu.memory_space<vmem>>, vector<16xi32>,
      %add3A_151 = vector.broadcast %mul3A_36 : i32 to vector<16xi32>
      %add3A_152 = arith.addi %get3A_150, %add3A_151 : vector<16xi32>
      %add3A_153 = arith.constant 1536 : i32
      %add3A_154 = arith.addi %add3A_153, %add3A_94 : i32
      %add3A_155 = vector.broadcast %add3A_154 : i32 to vector<16xi32>
      %add3A_156 = arith.addi %mul3A_39, %add3A_155 : vector<16xi32>
      tpu.vector_store_idx %arg7[%add3A_156], %add3A_152 : memref<16384xi32, #tpu.memory_space<vmem>>[vector<16xi32>], vector<16xi32>,
      %get3A_157 = arith.index_cast %add3A_94 : i32 to index
      %get3A_158 = arith.constant 112 : index
      %get3A_159 = tpu.vector_load %arg6[%get3A_157, %get3A_158] {strides = array<i32>} : memref<16x128xi32, #tpu.memory_space<vmem>>, vector<16xi32>,
      %add3A_160 = vector.broadcast %mul3A_36 : i32 to vector<16xi32>
      %add3A_161 = arith.addi %get3A_159, %add3A_160 : vector<16xi32>
      %add3A_162 = arith.constant 1792 : i32
      %add3A_163 = arith.addi %add3A_162, %add3A_94 : i32
      %add3A_164 = vector.broadcast %add3A_163 : i32 to vector<16xi32>
      %add3A_165 = arith.addi %mul3A_39, %add3A_164 : vector<16xi32>
      tpu.vector_store_idx %arg7[%add3A_165], %add3A_161 : memref<16384xi32, #tpu.memory_space<vmem>>[vector<16xi32>], vector<16xi32>,
    }
    %scan3A_45 = arith.constant 16 : i32
    %dma_start3A = arith.constant 0 : i32
    %dma_start3A_46 = tpu.memref_slice %arg7[%dma_start3A] : memref<16384xi32, #tpu.memory_space<vmem>> -> memref<128xi32, #tpu.memory_space<vmem>>
    %dma_start3A_47 = arith.constant 0 : i32
    %dma_start3A_48 = arith.constant 0 : i32
    %dma_start3A_49 = tpu.memref_slice %arg2[%dma_start3A_47, %dma_start3A_48] : memref<32768x128xf32, #tpu.memory_space<hbm>> -> memref<32768x128xf32, #tpu.memory_space<hbm>>
    tpu.enqueue_indirect_dma source(%dma_start3A_49 : memref<32768x128xf32, #tpu.memory_space<hbm>>) target(%arg9 : memref<128x128xf32, #tpu.memory_space<vmem>>) offsets(%dma_start3A_46 : memref<128xi32, #tpu.memory_space<vmem>>) semaphore(%arg17 : memref<!tpu.dma_semaphore, #tpu.memory_space<semaphore_mem>>)
    %dma_start3A_50 = arith.constant 128 : i32
    %dma_start3A_51 = tpu.memref_slice %arg7[%dma_start3A_50] : memref<16384xi32, #tpu.memory_space<vmem>> -> memref<128xi32, #tpu.memory_space<vmem>>
    %dma_start3A_52 = arith.constant 0 : i32
    %dma_start3A_53 = arith.constant 0 : i32
    %dma_start3A_54 = tpu.memref_slice %arg2[%dma_start3A_52, %dma_start3A_53] : memref<32768x128xf32, #tpu.memory_space<hbm>> -> memref<32768x128xf32, #tpu.memory_space<hbm>>
    tpu.enqueue_indirect_dma source(%dma_start3A_54 : memref<32768x128xf32, #tpu.memory_space<hbm>>) target(%arg10 : memref<128x128xf32, #tpu.memory_space<vmem>>) offsets(%dma_start3A_51 : memref<128xi32, #tpu.memory_space<vmem>>) semaphore(%arg18 : memref<!tpu.dma_semaphore, #tpu.memory_space<semaphore_mem>>)
    %dma_start3A_55 = arith.constant 256 : i32
    %dma_start3A_56 = tpu.memref_slice %arg7[%dma_start3A_55] : memref<16384xi32, #tpu.memory_space<vmem>> -> memref<128xi32, #tpu.memory_space<vmem>>
    %dma_start3A_57 = arith.constant 0 : i32
    %dma_start3A_58 = arith.constant 0 : i32
    %dma_start3A_59 = tpu.memref_slice %arg2[%dma_start3A_57, %dma_start3A_58] : memref<32768x128xf32, #tpu.memory_space<hbm>> -> memref<32768x128xf32, #tpu.memory_space<hbm>>
    tpu.enqueue_indirect_dma source(%dma_start3A_59 : memref<32768x128xf32, #tpu.memory_space<hbm>>) target(%arg11 : memref<128x128xf32, #tpu.memory_space<vmem>>) offsets(%dma_start3A_56 : memref<128xi32, #tpu.memory_space<vmem>>) semaphore(%arg19 : memref<!tpu.dma_semaphore, #tpu.memory_space<semaphore_mem>>)
    %dma_start3A_60 = arith.constant 384 : i32
    %dma_start3A_61 = tpu.memref_slice %arg7[%dma_start3A_60] : memref<16384xi32, #tpu.memory_space<vmem>> -> memref<128xi32, #tpu.memory_space<vmem>>
    %dma_start3A_62 = arith.constant 0 : i32
    %dma_start3A_63 = arith.constant 0 : i32
    %dma_start3A_64 = tpu.memref_slice %arg2[%dma_start3A_62, %dma_start3A_63] : memref<32768x128xf32, #tpu.memory_space<hbm>> -> memref<32768x128xf32, #tpu.memory_space<hbm>>
    tpu.enqueue_indirect_dma source(%dma_start3A_64 : memref<32768x128xf32, #tpu.memory_space<hbm>>) target(%arg12 : memref<128x128xf32, #tpu.memory_space<vmem>>) offsets(%dma_start3A_61 : memref<128xi32, #tpu.memory_space<vmem>>) semaphore(%arg20 : memref<!tpu.dma_semaphore, #tpu.memory_space<semaphore_mem>>)
    "tpu.region"() ({
      %run_scoped3A = tpu.sem_alloc : memref<!tpu.dma_semaphore, #tpu.memory_space<semaphore_mem>>
      %dma_start3A_90 = tpu.memref_slice %arg4[%mul3A_36] : memref<32768xf32, #tpu.memory_space<hbm>> -> memref<8192xf32, #tpu.memory_space<hbm>>
      %dma_start3A_91 = tpu.memref_slice %arg4[%mul3A_36] : memref<32768xf32, #tpu.memory_space<hbm>> -> memref<8192xf32, #tpu.memory_space<hbm>>
      tpu.enqueue_dma source(%dma_start3A_91 : memref<8192xf32, #tpu.memory_space<hbm>>) target(%arg8 : memref<8192xf32, #tpu.memory_space<vmem>>) target_semaphore(%run_scoped3A : memref<!tpu.dma_semaphore, #tpu.memory_space<semaphore_mem>>)
      %dma_wait3A_92 = tpu.memref_slice %arg4[%mul3A_36] : memref<32768xf32, #tpu.memory_space<hbm>> -> memref<8192xf32, #tpu.memory_space<hbm>>
      %dma_wait3A_93 = tpu.memref_slice %arg4[%mul3A_36] : memref<32768xf32, #tpu.memory_space<hbm>> -> memref<8192xf32, #tpu.memory_space<hbm>>
      tpu.wait_dma2 semaphore(%run_scoped3A : memref<!tpu.dma_semaphore, #tpu.memory_space<semaphore_mem>>) src(%dma_wait3A_93 : memref<8192xf32, #tpu.memory_space<hbm>>) dst(%arg8 : memref<8192xf32, #tpu.memory_space<vmem>>)
      tpu.yield
    }) : () -> ()
    %scan3A_65 = arith.constant 0 : i32
    %scan3A_66 = arith.constant 7 : i32
    %scan3A_67 = arith.addi %scan3A_65, %scan3A_66 : i32
    %scan3A_68 = arith.constant 1 : i32
    scf.for %scan3A_90 = %scan3A_65 to %scan3A_67 step %scan3A_68  : i32 {
      %mul3A_91 = arith.constant 1 : i32
      %mul3A_92 = arith.muli %scan3A_90, %mul3A_91 : i32
      %add3A_93 = arith.constant 1 : i32
      %add3A_94 = arith.addi %add3A_93, %mul3A_92 : i32
      %mul3A_95 = arith.constant 128 : i32
      %mul3A_96 = arith.muli %add3A_94, %mul3A_95 : i32
      %add3A_97 = arith.addi %mul3A_32, %mul3A_96 : i32
      "tpu.region"() ({
        %run_scoped3A = tpu.sem_alloc : memref<!tpu.dma_semaphore, #tpu.memory_space<semaphore_mem>>
        %dma_start3A_103 = arith.constant 0 : i32
        %dma_start3A_104 = tpu.memref_slice %arg3[%select_n3A, %dma_start3A_103, %add3A_97] : memref<4x16x8192xi32, #tpu.memory_space<hbm>> -> memref<1x16x128xi32, #tpu.memory_space<hbm>>
        %dma_start3A_105 = tpu.memref_squeeze %dma_start3A_104 : memref<1x16x128xi32, #tpu.memory_space<hbm>> -> memref<16x128xi32, #tpu.memory_space<hbm>>
        %dma_start3A_106 = arith.constant 0 : i32
        %dma_start3A_107 = tpu.memref_slice %arg3[%select_n3A, %dma_start3A_106, %add3A_97] : memref<4x16x8192xi32, #tpu.memory_space<hbm>> -> memref<1x16x128xi32, #tpu.memory_space<hbm>>
        %dma_start3A_108 = tpu.memref_squeeze %dma_start3A_107 : memref<1x16x128xi32, #tpu.memory_space<hbm>> -> memref<16x128xi32, #tpu.memory_space<hbm>>
        tpu.enqueue_dma source(%dma_start3A_108 : memref<16x128xi32, #tpu.memory_space<hbm>>) target(%arg6 : memref<16x128xi32, #tpu.memory_space<vmem>>) target_semaphore(%run_scoped3A : memref<!tpu.dma_semaphore, #tpu.memory_space<semaphore_mem>>)
        %dma_wait3A_109 = arith.constant 0 : i32
        %dma_wait3A_110 = tpu.memref_slice %arg3[%select_n3A, %dma_wait3A_109, %add3A_97] : memref<4x16x8192xi32, #tpu.memory_space<hbm>> -> memref<1x16x128xi32, #tpu.memory_space<hbm>>
        %dma_wait3A_111 = tpu.memref_squeeze %dma_wait3A_110 : memref<1x16x128xi32, #tpu.memory_space<hbm>> -> memref<16x128xi32, #tpu.memory_space<hbm>>
        %dma_wait3A_112 = arith.constant 0 : i32
        %dma_wait3A_113 = tpu.memref_slice %arg3[%select_n3A, %dma_wait3A_112, %add3A_97] : memref<4x16x8192xi32, #tpu.memory_space<hbm>> -> memref<1x16x128xi32, #tpu.memory_space<hbm>>
        %dma_wait3A_114 = tpu.memref_squeeze %dma_wait3A_113 : memref<1x16x128xi32, #tpu.memory_space<hbm>> -> memref<16x128xi32, #tpu.memory_space<hbm>>
        tpu.wait_dma2 semaphore(%run_scoped3A : memref<!tpu.dma_semaphore, #tpu.memory_space<semaphore_mem>>) src(%dma_wait3A_114 : memref<16x128xi32, #tpu.memory_space<hbm>>) dst(%arg6 : memref<16x128xi32, #tpu.memory_space<vmem>>)
        tpu.yield
      }) : () -> ()
      %scan3A_98 = arith.constant 0 : i32
      %scan3A_99 = arith.constant 16 : i32
      %scan3A_100 = arith.addi %scan3A_98, %scan3A_99 : i32
      %scan3A_101 = arith.constant 1 : i32
      scf.for %scan3A_103 = %scan3A_98 to %scan3A_100 step %scan3A_101  : i32 {
        %mul3A_104 = arith.constant 1 : i32
        %mul3A_105 = arith.muli %scan3A_103, %mul3A_104 : i32
        %add3A_106 = arith.constant 0 : i32
        %add3A_107 = arith.addi %add3A_106, %mul3A_105 : i32
        %get3A = arith.index_cast %add3A_107 : i32 to index
        %get3A_108 = arith.constant 0 : index
        %get3A_109 = tpu.vector_load %arg6[%get3A, %get3A_108] {strides = array<i32>} : memref<16x128xi32, #tpu.memory_space<vmem>>, vector<16xi32>,
        %add3A_110 = vector.broadcast %mul3A_36 : i32 to vector<16xi32>
        %add3A_111 = arith.addi %get3A_109, %add3A_110 : vector<16xi32>
        %mul3A_112 = arith.constant 128 : i32
        %mul3A_113 = arith.muli %add3A_94, %mul3A_112 : i32
        %add3A_114 = arith.constant 0 : i32
        %add3A_115 = arith.addi %mul3A_113, %add3A_114 : i32
        %mul3A_116 = arith.constant 16 : i32
        %mul3A_117 = arith.muli %add3A_115, %mul3A_116 : i32
        %add3A_118 = arith.addi %mul3A_117, %add3A_107 : i32
        %add3A_119 = vector.broadcast %add3A_118 : i32 to vector<16xi32>
        %add3A_120 = arith.addi %mul3A_39, %add3A_119 : vector<16xi32>
        tpu.vector_store_idx %arg7[%add3A_120], %add3A_111 : memref<16384xi32, #tpu.memory_space<vmem>>[vector<16xi32>], vector<16xi32>,
        %get3A_121 = arith.index_cast %add3A_107 : i32 to index
        %get3A_122 = arith.constant 16 : index
        %get3A_123 = tpu.vector_load %arg6[%get3A_121, %get3A_122] {strides = array<i32>} : memref<16x128xi32, #tpu.memory_space<vmem>>, vector<16xi32>,
        %add3A_124 = vector.broadcast %mul3A_36 : i32 to vector<16xi32>
        %add3A_125 = arith.addi %get3A_123, %add3A_124 : vector<16xi32>
        %mul3A_126 = arith.constant 128 : i32
        %mul3A_127 = arith.muli %add3A_94, %mul3A_126 : i32
        %add3A_128 = arith.constant 16 : i32
        %add3A_129 = arith.addi %mul3A_127, %add3A_128 : i32
        %mul3A_130 = arith.constant 16 : i32
        %mul3A_131 = arith.muli %add3A_129, %mul3A_130 : i32
        %add3A_132 = arith.addi %mul3A_131, %add3A_107 : i32
        %add3A_133 = vector.broadcast %add3A_132 : i32 to vector<16xi32>
        %add3A_134 = arith.addi %mul3A_39, %add3A_133 : vector<16xi32>
        tpu.vector_store_idx %arg7[%add3A_134], %add3A_125 : memref<16384xi32, #tpu.memory_space<vmem>>[vector<16xi32>], vector<16xi32>,
        %get3A_135 = arith.index_cast %add3A_107 : i32 to index
        %get3A_136 = arith.constant 32 : index
        %get3A_137 = tpu.vector_load %arg6[%get3A_135, %get3A_136] {strides = array<i32>} : memref<16x128xi32, #tpu.memory_space<vmem>>, vector<16xi32>,
        %add3A_138 = vector.broadcast %mul3A_36 : i32 to vector<16xi32>
        %add3A_139 = arith.addi %get3A_137, %add3A_138 : vector<16xi32>
        %mul3A_140 = arith.constant 128 : i32
        %mul3A_141 = arith.muli %add3A_94, %mul3A_140 : i32
        %add3A_142 = arith.constant 32 : i32
        %add3A_143 = arith.addi %mul3A_141, %add3A_142 : i32
        %mul3A_144 = arith.constant 16 : i32
        %mul3A_145 = arith.muli %add3A_143, %mul3A_144 : i32
        %add3A_146 = arith.addi %mul3A_145, %add3A_107 : i32
        %add3A_147 = vector.broadcast %add3A_146 : i32 to vector<16xi32>
        %add3A_148 = arith.addi %mul3A_39, %add3A_147 : vector<16xi32>
        tpu.vector_store_idx %arg7[%add3A_148], %add3A_139 : memref<16384xi32, #tpu.memory_space<vmem>>[vector<16xi32>], vector<16xi32>,
        %get3A_149 = arith.index_cast %add3A_107 : i32 to index
        %get3A_150 = arith.constant 48 : index
        %get3A_151 = tpu.vector_load %arg6[%get3A_149, %get3A_150] {strides = array<i32>} : memref<16x128xi32, #tpu.memory_space<vmem>>, vector<16xi32>,
        %add3A_152 = vector.broadcast %mul3A_36 : i32 to vector<16xi32>
        %add3A_153 = arith.addi %get3A_151, %add3A_152 : vector<16xi32>
        %mul3A_154 = arith.constant 128 : i32
        %mul3A_155 = arith.muli %add3A_94, %mul3A_154 : i32
        %add3A_156 = arith.constant 48 : i32
        %add3A_157 = arith.addi %mul3A_155, %add3A_156 : i32
        %mul3A_158 = arith.constant 16 : i32
        %mul3A_159 = arith.muli %add3A_157, %mul3A_158 : i32
        %add3A_160 = arith.addi %mul3A_159, %add3A_107 : i32
        %add3A_161 = vector.broadcast %add3A_160 : i32 to vector<16xi32>
        %add3A_162 = arith.addi %mul3A_39, %add3A_161 : vector<16xi32>
        tpu.vector_store_idx %arg7[%add3A_162], %add3A_153 : memref<16384xi32, #tpu.memory_space<vmem>>[vector<16xi32>], vector<16xi32>,
        %get3A_163 = arith.index_cast %add3A_107 : i32 to index
        %get3A_164 = arith.constant 64 : index
        %get3A_165 = tpu.vector_load %arg6[%get3A_163, %get3A_164] {strides = array<i32>} : memref<16x128xi32, #tpu.memory_space<vmem>>, vector<16xi32>,
        %add3A_166 = vector.broadcast %mul3A_36 : i32 to vector<16xi32>
        %add3A_167 = arith.addi %get3A_165, %add3A_166 : vector<16xi32>
        %mul3A_168 = arith.constant 128 : i32
        %mul3A_169 = arith.muli %add3A_94, %mul3A_168 : i32
        %add3A_170 = arith.constant 64 : i32
        %add3A_171 = arith.addi %mul3A_169, %add3A_170 : i32
        %mul3A_172 = arith.constant 16 : i32
        %mul3A_173 = arith.muli %add3A_171, %mul3A_172 : i32
        %add3A_174 = arith.addi %mul3A_173, %add3A_107 : i32
        %add3A_175 = vector.broadcast %add3A_174 : i32 to vector<16xi32>
        %add3A_176 = arith.addi %mul3A_39, %add3A_175 : vector<16xi32>
        tpu.vector_store_idx %arg7[%add3A_176], %add3A_167 : memref<16384xi32, #tpu.memory_space<vmem>>[vector<16xi32>], vector<16xi32>,
        %get3A_177 = arith.index_cast %add3A_107 : i32 to index
        %get3A_178 = arith.constant 80 : index
        %get3A_179 = tpu.vector_load %arg6[%get3A_177, %get3A_178] {strides = array<i32>} : memref<16x128xi32, #tpu.memory_space<vmem>>, vector<16xi32>,
        %add3A_180 = vector.broadcast %mul3A_36 : i32 to vector<16xi32>
        %add3A_181 = arith.addi %get3A_179, %add3A_180 : vector<16xi32>
        %mul3A_182 = arith.constant 128 : i32
        %mul3A_183 = arith.muli %add3A_94, %mul3A_182 : i32
        %add3A_184 = arith.constant 80 : i32
        %add3A_185 = arith.addi %mul3A_183, %add3A_184 : i32
        %mul3A_186 = arith.constant 16 : i32
        %mul3A_187 = arith.muli %add3A_185, %mul3A_186 : i32
        %add3A_188 = arith.addi %mul3A_187, %add3A_107 : i32
        %add3A_189 = vector.broadcast %add3A_188 : i32 to vector<16xi32>
        %add3A_190 = arith.addi %mul3A_39, %add3A_189 : vector<16xi32>
        tpu.vector_store_idx %arg7[%add3A_190], %add3A_181 : memref<16384xi32, #tpu.memory_space<vmem>>[vector<16xi32>], vector<16xi32>,
        %get3A_191 = arith.index_cast %add3A_107 : i32 to index
        %get3A_192 = arith.constant 96 : index
        %get3A_193 = tpu.vector_load %arg6[%get3A_191, %get3A_192] {strides = array<i32>} : memref<16x128xi32, #tpu.memory_space<vmem>>, vector<16xi32>,
        %add3A_194 = vector.broadcast %mul3A_36 : i32 to vector<16xi32>
        %add3A_195 = arith.addi %get3A_193, %add3A_194 : vector<16xi32>
        %mul3A_196 = arith.constant 128 : i32
        %mul3A_197 = arith.muli %add3A_94, %mul3A_196 : i32
        %add3A_198 = arith.constant 96 : i32
        %add3A_199 = arith.addi %mul3A_197, %add3A_198 : i32
        %mul3A_200 = arith.constant 16 : i32
        %mul3A_201 = arith.muli %add3A_199, %mul3A_200 : i32
        %add3A_202 = arith.addi %mul3A_201, %add3A_107 : i32
        %add3A_203 = vector.broadcast %add3A_202 : i32 to vector<16xi32>
        %add3A_204 = arith.addi %mul3A_39, %add3A_203 : vector<16xi32>
        tpu.vector_store_idx %arg7[%add3A_204], %add3A_195 : memref<16384xi32, #tpu.memory_space<vmem>>[vector<16xi32>], vector<16xi32>,
        %get3A_205 = arith.index_cast %add3A_107 : i32 to index
        %get3A_206 = arith.constant 112 : index
        %get3A_207 = tpu.vector_load %arg6[%get3A_205, %get3A_206] {strides = array<i32>} : memref<16x128xi32, #tpu.memory_space<vmem>>, vector<16xi32>,
        %add3A_208 = vector.broadcast %mul3A_36 : i32 to vector<16xi32>
        %add3A_209 = arith.addi %get3A_207, %add3A_208 : vector<16xi32>
        %mul3A_210 = arith.constant 128 : i32
        %mul3A_211 = arith.muli %add3A_94, %mul3A_210 : i32
        %add3A_212 = arith.constant 112 : i32
        %add3A_213 = arith.addi %mul3A_211, %add3A_212 : i32
        %mul3A_214 = arith.constant 16 : i32
        %mul3A_215 = arith.muli %add3A_213, %mul3A_214 : i32
        %add3A_216 = arith.addi %mul3A_215, %add3A_107 : i32
        %add3A_217 = vector.broadcast %add3A_216 : i32 to vector<16xi32>
        %add3A_218 = arith.addi %mul3A_39, %add3A_217 : vector<16xi32>
        tpu.vector_store_idx %arg7[%add3A_218], %add3A_209 : memref<16384xi32, #tpu.memory_space<vmem>>[vector<16xi32>], vector<16xi32>,
      }
      %scan3A_102 = arith.constant 16 : i32
    }
    %scan3A_69 = arith.constant 7 : i32
    %scan3A_70 = arith.constant 0 : i32
    %scan3A_71 = arith.constant 32 : i32
    %scan3A_72 = arith.addi %scan3A_70, %scan3A_71 : i32
    %scan3A_73 = arith.constant 1 : i32
    scf.for %scan3A_90 = %scan3A_70 to %scan3A_72 step %scan3A_73  : i32 {
      %mul3A_91 = arith.constant 4 : i32
      %mul3A_92 = arith.muli %scan3A_90, %mul3A_91 : i32
      %add3A_93 = arith.constant 0 : i32
      %add3A_94 = arith.addi %add3A_93, %mul3A_92 : i32
      %add3A_95 = arith.constant 0 : i32
      %add3A_96 = arith.addi %add3A_94, %add3A_95 : i32
      %dma_wait3A_97 = arith.constant 0 : i32
      %dma_wait3A_98 = tpu.memref_slice %arg7[%dma_wait3A_97] : memref<16384xi32, #tpu.memory_space<vmem>> -> memref<128xi32, #tpu.memory_space<vmem>>
      %dma_wait3A_99 = arith.constant 0 : i32
      %dma_wait3A_100 = arith.constant 0 : i32
      %dma_wait3A_101 = tpu.memref_slice %arg2[%dma_wait3A_99, %dma_wait3A_100] : memref<32768x128xf32, #tpu.memory_space<hbm>> -> memref<32768x128xf32, #tpu.memory_space<hbm>>
      tpu.wait_indirect_dma semaphore(%arg17 : memref<!tpu.dma_semaphore, #tpu.memory_space<semaphore_mem>>) src(%dma_wait3A_101 : memref<32768x128xf32, #tpu.memory_space<hbm>>) dst(%arg9 : memref<128x128xf32, #tpu.memory_space<vmem>>)
      %ge3A = arith.constant 4 : i32
      %ge3A_102 = arith.cmpi sge, %add3A_94, %ge3A : i32
      %convert_element_type3A = arith.extui %ge3A_102 : i1 to i32
      %cond3A = arith.constant 0 : i32
      %cond3A_103 = arith.cmpi ne, %convert_element_type3A, %cond3A : i32
      scf.if %cond3A_103 {
        %dma_wait3A_216 = arith.constant 0 : i32
        %dma_wait3A_217 = tpu.memref_slice %arg5[%mul3A_34, %dma_wait3A_216] : memref<32768x128xf32, #tpu.memory_space<hbm>> -> memref<8x128xf32, #tpu.memory_space<hbm>>
        %dma_wait3A_218 = arith.constant 0 : i32
        %dma_wait3A_219 = tpu.memref_slice %arg5[%mul3A_34, %dma_wait3A_218] : memref<32768x128xf32, #tpu.memory_space<hbm>> -> memref<8x128xf32, #tpu.memory_space<hbm>>
        tpu.wait_dma2 semaphore(%arg21 : memref<!tpu.dma_semaphore, #tpu.memory_space<semaphore_mem>>) src(%arg13 : memref<8x128xf32, #tpu.memory_space<vmem>>) dst(%dma_wait3A_219 : memref<8x128xf32, #tpu.memory_space<hbm>>)
      } else {
      }
      %scan3A_104 = arith.constant 0 : i32
      %scan3A_105 = arith.constant 8 : i32
      %scan3A_106 = arith.addi %scan3A_104, %scan3A_105 : i32
      %scan3A_107 = arith.constant 1 : i32
      scf.for %scan3A_216 = %scan3A_104 to %scan3A_106 step %scan3A_107  : i32 {
        %mul3A_217 = arith.constant 1 : i32
        %mul3A_218 = arith.muli %scan3A_216, %mul3A_217 : i32
        %add3A_219 = arith.constant 0 : i32
        %add3A_220 = arith.addi %add3A_219, %mul3A_218 : i32
        %mul3A_221 = arith.constant 16 : i32
        %mul3A_222 = arith.muli %add3A_220, %mul3A_221 : i32
        %mul3A_223 = arith.constant 8 : i32
        %mul3A_224 = arith.muli %add3A_96, %mul3A_223 : i32
        %add3A_225 = arith.addi %mul3A_224, %add3A_220 : i32
        %mul3A_226 = arith.constant 16 : i32
        %mul3A_227 = arith.muli %add3A_225, %mul3A_226 : i32
        %get3A = arith.index_cast %mul3A_227 : i32 to index
        %get3A_228 = tpu.vector_load %arg7[%get3A] {strides = array<i32>} : memref<16384xi32, #tpu.memory_space<vmem>>, vector<16xi32>,
        %sub3A_229 = vector.broadcast %mul3A_36 : i32 to vector<16xi32>
        %sub3A_230 = arith.subi %get3A_228, %sub3A_229 : vector<16xi32>
        %gather3A = tpu.vector_load_idx %arg8[%sub3A_230] : memref<8192xf32, #tpu.memory_space<vmem>>[vector<16xi32>], vector<16xf32>,
        %reduce_sum3A = arith.constant true
        %reduce_sum3A_231 = vector.broadcast %reduce_sum3A : i1 to vector<16xi1>
        %reduce_sum3A_232 = tpu.scan <sum>, %gather3A masked %reduce_sum3A_231 : vector<16xf32>, vector<16xi1> -> vector<16xf32>
        %reduce_sum3A_233 = vector.extract %reduce_sum3A_232[15] : f32 from vector<16xf32>
        %get3A_234 = arith.index_cast %mul3A_222 : i32 to index
        %get3A_235 = arith.constant 0 : index
        %get3A_236 = tpu.vector_load %arg9[%get3A_234, %get3A_235] {strides = array<i32>} : memref<128x128xf32, #tpu.memory_space<vmem>>, vector<16xf32>,
        %get3A_237 = arith.index_cast %mul3A_222 : i32 to index
        %get3A_238 = arith.constant 16 : index
        %get3A_239 = tpu.vector_load %arg9[%get3A_237, %get3A_238] {strides = array<i32>} : memref<128x128xf32, #tpu.memory_space<vmem>>, vector<16xf32>,
        %get3A_240 = arith.index_cast %mul3A_222 : i32 to index
        %get3A_241 = arith.constant 32 : index
        %get3A_242 = tpu.vector_load %arg9[%get3A_240, %get3A_241] {strides = array<i32>} : memref<128x128xf32, #tpu.memory_space<vmem>>, vector<16xf32>,
        %get3A_243 = arith.index_cast %mul3A_222 : i32 to index
        %get3A_244 = arith.constant 48 : index
        %get3A_245 = tpu.vector_load %arg9[%get3A_243, %get3A_244] {strides = array<i32>} : memref<128x128xf32, #tpu.memory_space<vmem>>, vector<16xf32>,
        %get3A_246 = arith.index_cast %mul3A_222 : i32 to index
        %get3A_247 = arith.constant 64 : index
        %get3A_248 = tpu.vector_load %arg9[%get3A_246, %get3A_247] {strides = array<i32>} : memref<128x128xf32, #tpu.memory_space<vmem>>, vector<16xf32>,
        %get3A_249 = arith.index_cast %mul3A_222 : i32 to index
        %get3A_250 = arith.constant 80 : index
        %get3A_251 = tpu.vector_load %arg9[%get3A_249, %get3A_250] {strides = array<i32>} : memref<128x128xf32, #tpu.memory_space<vmem>>, vector<16xf32>,
        %get3A_252 = arith.index_cast %mul3A_222 : i32 to index
        %get3A_253 = arith.constant 96 : index
        %get3A_254 = tpu.vector_load %arg9[%get3A_252, %get3A_253] {strides = array<i32>} : memref<128x128xf32, #tpu.memory_space<vmem>>, vector<16xf32>,
        %get3A_255 = arith.index_cast %mul3A_222 : i32 to index
        %get3A_256 = arith.constant 112 : index
        %get3A_257 = tpu.vector_load %arg9[%get3A_255, %get3A_256] {strides = array<i32>} : memref<128x128xf32, #tpu.memory_space<vmem>>, vector<16xf32>,
        %add3A_258 = arith.constant 1 : i32
        %add3A_259 = arith.addi %mul3A_222, %add3A_258 : i32
        %get3A_260 = arith.index_cast %add3A_259 : i32 to index
        %get3A_261 = arith.constant 0 : index
        %get3A_262 = tpu.vector_load %arg9[%get3A_260, %get3A_261] {strides = array<i32>} : memref<128x128xf32, #tpu.memory_space<vmem>>, vector<16xf32>,
        %add3A_263 = arith.addf %get3A_236, %get3A_262 : vector<16xf32>
        %add3A_264 = arith.constant 1 : i32
        %add3A_265 = arith.addi %mul3A_222, %add3A_264 : i32
        %get3A_266 = arith.index_cast %add3A_265 : i32 to index
        %get3A_267 = arith.constant 16 : index
        %get3A_268 = tpu.vector_load %arg9[%get3A_266, %get3A_267] {strides = array<i32>} : memref<128x128xf32, #tpu.memory_space<vmem>>, vector<16xf32>,
        %add3A_269 = arith.addf %get3A_239, %get3A_268 : vector<16xf32>
        %add3A_270 = arith.constant 1 : i32
        %add3A_271 = arith.addi %mul3A_222, %add3A_270 : i32
        %get3A_272 = arith.index_cast %add3A_271 : i32 to index
        %get3A_273 = arith.constant 32 : index
        %get3A_274 = tpu.vector_load %arg9[%get3A_272, %get3A_273] {strides = array<i32>} : memref<128x128xf32, #tpu.memory_space<vmem>>, vector<16xf32>,
        %add3A_275 = arith.addf %get3A_242, %get3A_274 : vector<16xf32>
        %add3A_276 = arith.constant 1 : i32
        %add3A_277 = arith.addi %mul3A_222, %add3A_276 : i32
        %get3A_278 = arith.index_cast %add3A_277 : i32 to index
        %get3A_279 = arith.constant 48 : index
        %get3A_280 = tpu.vector_load %arg9[%get3A_278, %get3A_279] {strides = array<i32>} : memref<128x128xf32, #tpu.memory_space<vmem>>, vector<16xf32>,
        %add3A_281 = arith.addf %get3A_245, %get3A_280 : vector<16xf32>
        %add3A_282 = arith.constant 1 : i32
        %add3A_283 = arith.addi %mul3A_222, %add3A_282 : i32
        %get3A_284 = arith.index_cast %add3A_283 : i32 to index
        %get3A_285 = arith.constant 64 : index
        %get3A_286 = tpu.vector_load %arg9[%get3A_284, %get3A_285] {strides = array<i32>} : memref<128x128xf32, #tpu.memory_space<vmem>>, vector<16xf32>,
        %add3A_287 = arith.addf %get3A_248, %get3A_286 : vector<16xf32>
        %add3A_288 = arith.constant 1 : i32
        %add3A_289 = arith.addi %mul3A_222, %add3A_288 : i32
        %get3A_290 = arith.index_cast %add3A_289 : i32 to index
        %get3A_291 = arith.constant 80 : index
        %get3A_292 = tpu.vector_load %arg9[%get3A_290, %get3A_291] {strides = array<i32>} : memref<128x128xf32, #tpu.memory_space<vmem>>, vector<16xf32>,
        %add3A_293 = arith.addf %get3A_251, %get3A_292 : vector<16xf32>
        %add3A_294 = arith.constant 1 : i32
        %add3A_295 = arith.addi %mul3A_222, %add3A_294 : i32
        %get3A_296 = arith.index_cast %add3A_295 : i32 to index
        %get3A_297 = arith.constant 96 : index
        %get3A_298 = tpu.vector_load %arg9[%get3A_296, %get3A_297] {strides = array<i32>} : memref<128x128xf32, #tpu.memory_space<vmem>>, vector<16xf32>,
        %add3A_299 = arith.addf %get3A_254, %get3A_298 : vector<16xf32>
        %add3A_300 = arith.constant 1 : i32
        %add3A_301 = arith.addi %mul3A_222, %add3A_300 : i32
        %get3A_302 = arith.index_cast %add3A_301 : i32 to index
        %get3A_303 = arith.constant 112 : index
        %get3A_304 = tpu.vector_load %arg9[%get3A_302, %get3A_303] {strides = array<i32>} : memref<128x128xf32, #tpu.memory_space<vmem>>, vector<16xf32>,
        %add3A_305 = arith.addf %get3A_257, %get3A_304 : vector<16xf32>
        %add3A_306 = arith.constant 2 : i32
        %add3A_307 = arith.addi %mul3A_222, %add3A_306 : i32
        %get3A_308 = arith.index_cast %add3A_307 : i32 to index
        %get3A_309 = arith.constant 0 : index
        %get3A_310 = tpu.vector_load %arg9[%get3A_308, %get3A_309] {strides = array<i32>} : memref<128x128xf32, #tpu.memory_space<vmem>>, vector<16xf32>,
        %add3A_311 = arith.addf %add3A_263, %get3A_310 : vector<16xf32>
        %add3A_312 = arith.constant 2 : i32
        %add3A_313 = arith.addi %mul3A_222, %add3A_312 : i32
        %get3A_314 = arith.index_cast %add3A_313 : i32 to index
        %get3A_315 = arith.constant 16 : index
        %get3A_316 = tpu.vector_load %arg9[%get3A_314, %get3A_315] {strides = array<i32>} : memref<128x128xf32, #tpu.memory_space<vmem>>, vector<16xf32>,
        %add3A_317 = arith.addf %add3A_269, %get3A_316 : vector<16xf32>
        %add3A_318 = arith.constant 2 : i32
        %add3A_319 = arith.addi %mul3A_222, %add3A_318 : i32
        %get3A_320 = arith.index_cast %add3A_319 : i32 to index
        %get3A_321 = arith.constant 32 : index
        %get3A_322 = tpu.vector_load %arg9[%get3A_320, %get3A_321] {strides = array<i32>} : memref<128x128xf32, #tpu.memory_space<vmem>>, vector<16xf32>,
        %add3A_323 = arith.addf %add3A_275, %get3A_322 : vector<16xf32>
        %add3A_324 = arith.constant 2 : i32
        %add3A_325 = arith.addi %mul3A_222, %add3A_324 : i32
        %get3A_326 = arith.index_cast %add3A_325 : i32 to index
        %get3A_327 = arith.constant 48 : index
        %get3A_328 = tpu.vector_load %arg9[%get3A_326, %get3A_327] {strides = array<i32>} : memref<128x128xf32, #tpu.memory_space<vmem>>, vector<16xf32>,
        %add3A_329 = arith.addf %add3A_281, %get3A_328 : vector<16xf32>
        %add3A_330 = arith.constant 2 : i32
        %add3A_331 = arith.addi %mul3A_222, %add3A_330 : i32
        %get3A_332 = arith.index_cast %add3A_331 : i32 to index
        %get3A_333 = arith.constant 64 : index
        %get3A_334 = tpu.vector_load %arg9[%get3A_332, %get3A_333] {strides = array<i32>} : memref<128x128xf32, #tpu.memory_space<vmem>>, vector<16xf32>,
        %add3A_335 = arith.addf %add3A_287, %get3A_334 : vector<16xf32>
        %add3A_336 = arith.constant 2 : i32
        %add3A_337 = arith.addi %mul3A_222, %add3A_336 : i32
        %get3A_338 = arith.index_cast %add3A_337 : i32 to index
        %get3A_339 = arith.constant 80 : index
        %get3A_340 = tpu.vector_load %arg9[%get3A_338, %get3A_339] {strides = array<i32>} : memref<128x128xf32, #tpu.memory_space<vmem>>, vector<16xf32>,
        %add3A_341 = arith.addf %add3A_293, %get3A_340 : vector<16xf32>
        %add3A_342 = arith.constant 2 : i32
        %add3A_343 = arith.addi %mul3A_222, %add3A_342 : i32
        %get3A_344 = arith.index_cast %add3A_343 : i32 to index
        %get3A_345 = arith.constant 96 : index
        %get3A_346 = tpu.vector_load %arg9[%get3A_344, %get3A_345] {strides = array<i32>} : memref<128x128xf32, #tpu.memory_space<vmem>>, vector<16xf32>,
        %add3A_347 = arith.addf %add3A_299, %get3A_346 : vector<16xf32>
        %add3A_348 = arith.constant 2 : i32
        %add3A_349 = arith.addi %mul3A_222, %add3A_348 : i32
        %get3A_350 = arith.index_cast %add3A_349 : i32 to index
        %get3A_351 = arith.constant 112 : index
        %get3A_352 = tpu.vector_load %arg9[%get3A_350, %get3A_351] {strides = array<i32>} : memref<128x128xf32, #tpu.memory_space<vmem>>, vector<16xf32>,
        %add3A_353 = arith.addf %add3A_305, %get3A_352 : vector<16xf32>
        %add3A_354 = arith.constant 3 : i32
        %add3A_355 = arith.addi %mul3A_222, %add3A_354 : i32
        %get3A_356 = arith.index_cast %add3A_355 : i32 to index
        %get3A_357 = arith.constant 0 : index
        %get3A_358 = tpu.vector_load %arg9[%get3A_356, %get3A_357] {strides = array<i32>} : memref<128x128xf32, #tpu.memory_space<vmem>>, vector<16xf32>,
        %add3A_359 = arith.addf %add3A_311, %get3A_358 : vector<16xf32>
        %add3A_360 = arith.constant 3 : i32
        %add3A_361 = arith.addi %mul3A_222, %add3A_360 : i32
        %get3A_362 = arith.index_cast %add3A_361 : i32 to index
        %get3A_363 = arith.constant 16 : index
        %get3A_364 = tpu.vector_load %arg9[%get3A_362, %get3A_363] {strides = array<i32>} : memref<128x128xf32, #tpu.memory_space<vmem>>, vector<16xf32>,
        %add3A_365 = arith.addf %add3A_317, %get3A_364 : vector<16xf32>
        %add3A_366 = arith.constant 3 : i32
        %add3A_367 = arith.addi %mul3A_222, %add3A_366 : i32
        %get3A_368 = arith.index_cast %add3A_367 : i32 to index
        %get3A_369 = arith.constant 32 : index
        %get3A_370 = tpu.vector_load %arg9[%get3A_368, %get3A_369] {strides = array<i32>} : memref<128x128xf32, #tpu.memory_space<vmem>>, vector<16xf32>,
        %add3A_371 = arith.addf %add3A_323, %get3A_370 : vector<16xf32>
        %add3A_372 = arith.constant 3 : i32
        %add3A_373 = arith.addi %mul3A_222, %add3A_372 : i32
        %get3A_374 = arith.index_cast %add3A_373 : i32 to index
        %get3A_375 = arith.constant 48 : index
        %get3A_376 = tpu.vector_load %arg9[%get3A_374, %get3A_375] {strides = array<i32>} : memref<128x128xf32, #tpu.memory_space<vmem>>, vector<16xf32>,
        %add3A_377 = arith.addf %add3A_329, %get3A_376 : vector<16xf32>
        %add3A_378 = arith.constant 3 : i32
        %add3A_379 = arith.addi %mul3A_222, %add3A_378 : i32
        %get3A_380 = arith.index_cast %add3A_379 : i32 to index
        %get3A_381 = arith.constant 64 : index
        %get3A_382 = tpu.vector_load %arg9[%get3A_380, %get3A_381] {strides = array<i32>} : memref<128x128xf32, #tpu.memory_space<vmem>>, vector<16xf32>,
        %add3A_383 = arith.addf %add3A_335, %get3A_382 : vector<16xf32>
        %add3A_384 = arith.constant 3 : i32
        %add3A_385 = arith.addi %mul3A_222, %add3A_384 : i32
        %get3A_386 = arith.index_cast %add3A_385 : i32 to index
        %get3A_387 = arith.constant 80 : index
        %get3A_388 = tpu.vector_load %arg9[%get3A_386, %get3A_387] {strides = array<i32>} : memref<128x128xf32, #tpu.memory_space<vmem>>, vector<16xf32>,
        %add3A_389 = arith.addf %add3A_341, %get3A_388 : vector<16xf32>
        %add3A_390 = arith.constant 3 : i32
        %add3A_391 = arith.addi %mul3A_222, %add3A_390 : i32
        %get3A_392 = arith.index_cast %add3A_391 : i32 to index
        %get3A_393 = arith.constant 96 : index
        %get3A_394 = tpu.vector_load %arg9[%get3A_392, %get3A_393] {strides = array<i32>} : memref<128x128xf32, #tpu.memory_space<vmem>>, vector<16xf32>,
        %add3A_395 = arith.addf %add3A_347, %get3A_394 : vector<16xf32>
        %add3A_396 = arith.constant 3 : i32
        %add3A_397 = arith.addi %mul3A_222, %add3A_396 : i32
        %get3A_398 = arith.index_cast %add3A_397 : i32 to index
        %get3A_399 = arith.constant 112 : index
        %get3A_400 = tpu.vector_load %arg9[%get3A_398, %get3A_399] {strides = array<i32>} : memref<128x128xf32, #tpu.memory_space<vmem>>, vector<16xf32>,
        %add3A_401 = arith.addf %add3A_353, %get3A_400 : vector<16xf32>
        %add3A_402 = arith.constant 4 : i32
        %add3A_403 = arith.addi %mul3A_222, %add3A_402 : i32
        %get3A_404 = arith.index_cast %add3A_403 : i32 to index
        %get3A_405 = arith.constant 0 : index
        %get3A_406 = tpu.vector_load %arg9[%get3A_404, %get3A_405] {strides = array<i32>} : memref<128x128xf32, #tpu.memory_space<vmem>>, vector<16xf32>,
        %add3A_407 = arith.addf %add3A_359, %get3A_406 : vector<16xf32>
        %add3A_408 = arith.constant 4 : i32
        %add3A_409 = arith.addi %mul3A_222, %add3A_408 : i32
        %get3A_410 = arith.index_cast %add3A_409 : i32 to index
        %get3A_411 = arith.constant 16 : index
        %get3A_412 = tpu.vector_load %arg9[%get3A_410, %get3A_411] {strides = array<i32>} : memref<128x128xf32, #tpu.memory_space<vmem>>, vector<16xf32>,
        %add3A_413 = arith.addf %add3A_365, %get3A_412 : vector<16xf32>
        %add3A_414 = arith.constant 4 : i32
        %add3A_415 = arith.addi %mul3A_222, %add3A_414 : i32
        %get3A_416 = arith.index_cast %add3A_415 : i32 to index
        %get3A_417 = arith.constant 32 : index
        %get3A_418 = tpu.vector_load %arg9[%get3A_416, %get3A_417] {strides = array<i32>} : memref<128x128xf32, #tpu.memory_space<vmem>>, vector<16xf32>,
        %add3A_419 = arith.addf %add3A_371, %get3A_418 : vector<16xf32>
        %add3A_420 = arith.constant 4 : i32
        %add3A_421 = arith.addi %mul3A_222, %add3A_420 : i32
        %get3A_422 = arith.index_cast %add3A_421 : i32 to index
        %get3A_423 = arith.constant 48 : index
        %get3A_424 = tpu.vector_load %arg9[%get3A_422, %get3A_423] {strides = array<i32>} : memref<128x128xf32, #tpu.memory_space<vmem>>, vector<16xf32>,
        %add3A_425 = arith.addf %add3A_377, %get3A_424 : vector<16xf32>
        %add3A_426 = arith.constant 4 : i32
        %add3A_427 = arith.addi %mul3A_222, %add3A_426 : i32
        %get3A_428 = arith.index_cast %add3A_427 : i32 to index
        %get3A_429 = arith.constant 64 : index
        %get3A_430 = tpu.vector_load %arg9[%get3A_428, %get3A_429] {strides = array<i32>} : memref<128x128xf32, #tpu.memory_space<vmem>>, vector<16xf32>,
        %add3A_431 = arith.addf %add3A_383, %get3A_430 : vector<16xf32>
        %add3A_432 = arith.constant 4 : i32
        %add3A_433 = arith.addi %mul3A_222, %add3A_432 : i32
        %get3A_434 = arith.index_cast %add3A_433 : i32 to index
        %get3A_435 = arith.constant 80 : index
        %get3A_436 = tpu.vector_load %arg9[%get3A_434, %get3A_435] {strides = array<i32>} : memref<128x128xf32, #tpu.memory_space<vmem>>, vector<16xf32>,
        %add3A_437 = arith.addf %add3A_389, %get3A_436 : vector<16xf32>
        %add3A_438 = arith.constant 4 : i32
        %add3A_439 = arith.addi %mul3A_222, %add3A_438 : i32
        %get3A_440 = arith.index_cast %add3A_439 : i32 to index
        %get3A_441 = arith.constant 96 : index
        %get3A_442 = tpu.vector_load %arg9[%get3A_440, %get3A_441] {strides = array<i32>} : memref<128x128xf32, #tpu.memory_space<vmem>>, vector<16xf32>,
        %add3A_443 = arith.addf %add3A_395, %get3A_442 : vector<16xf32>
        %add3A_444 = arith.constant 4 : i32
        %add3A_445 = arith.addi %mul3A_222, %add3A_444 : i32
        %get3A_446 = arith.index_cast %add3A_445 : i32 to index
        %get3A_447 = arith.constant 112 : index
        %get3A_448 = tpu.vector_load %arg9[%get3A_446, %get3A_447] {strides = array<i32>} : memref<128x128xf32, #tpu.memory_space<vmem>>, vector<16xf32>,
        %add3A_449 = arith.addf %add3A_401, %get3A_448 : vector<16xf32>
        %add3A_450 = arith.constant 5 : i32
        %add3A_451 = arith.addi %mul3A_222, %add3A_450 : i32
        %get3A_452 = arith.index_cast %add3A_451 : i32 to index
        %get3A_453 = arith.constant 0 : index
        %get3A_454 = tpu.vector_load %arg9[%get3A_452, %get3A_453] {strides = array<i32>} : memref<128x128xf32, #tpu.memory_space<vmem>>, vector<16xf32>,
        %add3A_455 = arith.addf %add3A_407, %get3A_454 : vector<16xf32>
        %add3A_456 = arith.constant 5 : i32
        %add3A_457 = arith.addi %mul3A_222, %add3A_456 : i32
        %get3A_458 = arith.index_cast %add3A_457 : i32 to index
        %get3A_459 = arith.constant 16 : index
        %get3A_460 = tpu.vector_load %arg9[%get3A_458, %get3A_459] {strides = array<i32>} : memref<128x128xf32, #tpu.memory_space<vmem>>, vector<16xf32>,
        %add3A_461 = arith.addf %add3A_413, %get3A_460 : vector<16xf32>
        %add3A_462 = arith.constant 5 : i32
        %add3A_463 = arith.addi %mul3A_222, %add3A_462 : i32
        %get3A_464 = arith.index_cast %add3A_463 : i32 to index
        %get3A_465 = arith.constant 32 : index
        %get3A_466 = tpu.vector_load %arg9[%get3A_464, %get3A_465] {strides = array<i32>} : memref<128x128xf32, #tpu.memory_space<vmem>>, vector<16xf32>,
        %add3A_467 = arith.addf %add3A_419, %get3A_466 : vector<16xf32>
        %add3A_468 = arith.constant 5 : i32
        %add3A_469 = arith.addi %mul3A_222, %add3A_468 : i32
        %get3A_470 = arith.index_cast %add3A_469 : i32 to index
        %get3A_471 = arith.constant 48 : index
        %get3A_472 = tpu.vector_load %arg9[%get3A_470, %get3A_471] {strides = array<i32>} : memref<128x128xf32, #tpu.memory_space<vmem>>, vector<16xf32>,
        %add3A_473 = arith.addf %add3A_425, %get3A_472 : vector<16xf32>
        %add3A_474 = arith.constant 5 : i32
        %add3A_475 = arith.addi %mul3A_222, %add3A_474 : i32
        %get3A_476 = arith.index_cast %add3A_475 : i32 to index
        %get3A_477 = arith.constant 64 : index
        %get3A_478 = tpu.vector_load %arg9[%get3A_476, %get3A_477] {strides = array<i32>} : memref<128x128xf32, #tpu.memory_space<vmem>>, vector<16xf32>,
        %add3A_479 = arith.addf %add3A_431, %get3A_478 : vector<16xf32>
        %add3A_480 = arith.constant 5 : i32
        %add3A_481 = arith.addi %mul3A_222, %add3A_480 : i32
        %get3A_482 = arith.index_cast %add3A_481 : i32 to index
        %get3A_483 = arith.constant 80 : index
        %get3A_484 = tpu.vector_load %arg9[%get3A_482, %get3A_483] {strides = array<i32>} : memref<128x128xf32, #tpu.memory_space<vmem>>, vector<16xf32>,
        %add3A_485 = arith.addf %add3A_437, %get3A_484 : vector<16xf32>
        %add3A_486 = arith.constant 5 : i32
        %add3A_487 = arith.addi %mul3A_222, %add3A_486 : i32
        %get3A_488 = arith.index_cast %add3A_487 : i32 to index
        %get3A_489 = arith.constant 96 : index
        %get3A_490 = tpu.vector_load %arg9[%get3A_488, %get3A_489] {strides = array<i32>} : memref<128x128xf32, #tpu.memory_space<vmem>>, vector<16xf32>,
        %add3A_491 = arith.addf %add3A_443, %get3A_490 : vector<16xf32>
        %add3A_492 = arith.constant 5 : i32
        %add3A_493 = arith.addi %mul3A_222, %add3A_492 : i32
        %get3A_494 = arith.index_cast %add3A_493 : i32 to index
        %get3A_495 = arith.constant 112 : index
        %get3A_496 = tpu.vector_load %arg9[%get3A_494, %get3A_495] {strides = array<i32>} : memref<128x128xf32, #tpu.memory_space<vmem>>, vector<16xf32>,
        %add3A_497 = arith.addf %add3A_449, %get3A_496 : vector<16xf32>
        %add3A_498 = arith.constant 6 : i32
        %add3A_499 = arith.addi %mul3A_222, %add3A_498 : i32
        %get3A_500 = arith.index_cast %add3A_499 : i32 to index
        %get3A_501 = arith.constant 0 : index
        %get3A_502 = tpu.vector_load %arg9[%get3A_500, %get3A_501] {strides = array<i32>} : memref<128x128xf32, #tpu.memory_space<vmem>>, vector<16xf32>,
        %add3A_503 = arith.addf %add3A_455, %get3A_502 : vector<16xf32>
        %add3A_504 = arith.constant 6 : i32
        %add3A_505 = arith.addi %mul3A_222, %add3A_504 : i32
        %get3A_506 = arith.index_cast %add3A_505 : i32 to index
        %get3A_507 = arith.constant 16 : index
        %get3A_508 = tpu.vector_load %arg9[%get3A_506, %get3A_507] {strides = array<i32>} : memref<128x128xf32, #tpu.memory_space<vmem>>, vector<16xf32>,
        %add3A_509 = arith.addf %add3A_461, %get3A_508 : vector<16xf32>
        %add3A_510 = arith.constant 6 : i32
        %add3A_511 = arith.addi %mul3A_222, %add3A_510 : i32
        %get3A_512 = arith.index_cast %add3A_511 : i32 to index
        %get3A_513 = arith.constant 32 : index
        %get3A_514 = tpu.vector_load %arg9[%get3A_512, %get3A_513] {strides = array<i32>} : memref<128x128xf32, #tpu.memory_space<vmem>>, vector<16xf32>,
        %add3A_515 = arith.addf %add3A_467, %get3A_514 : vector<16xf32>
        %add3A_516 = arith.constant 6 : i32
        %add3A_517 = arith.addi %mul3A_222, %add3A_516 : i32
        %get3A_518 = arith.index_cast %add3A_517 : i32 to index
        %get3A_519 = arith.constant 48 : index
        %get3A_520 = tpu.vector_load %arg9[%get3A_518, %get3A_519] {strides = array<i32>} : memref<128x128xf32, #tpu.memory_space<vmem>>, vector<16xf32>,
        %add3A_521 = arith.addf %add3A_473, %get3A_520 : vector<16xf32>
        %add3A_522 = arith.constant 6 : i32
        %add3A_523 = arith.addi %mul3A_222, %add3A_522 : i32
        %get3A_524 = arith.index_cast %add3A_523 : i32 to index
        %get3A_525 = arith.constant 64 : index
        %get3A_526 = tpu.vector_load %arg9[%get3A_524, %get3A_525] {strides = array<i32>} : memref<128x128xf32, #tpu.memory_space<vmem>>, vector<16xf32>,
        %add3A_527 = arith.addf %add3A_479, %get3A_526 : vector<16xf32>
        %add3A_528 = arith.constant 6 : i32
        %add3A_529 = arith.addi %mul3A_222, %add3A_528 : i32
        %get3A_530 = arith.index_cast %add3A_529 : i32 to index
        %get3A_531 = arith.constant 80 : index
        %get3A_532 = tpu.vector_load %arg9[%get3A_530, %get3A_531] {strides = array<i32>} : memref<128x128xf32, #tpu.memory_space<vmem>>, vector<16xf32>,
        %add3A_533 = arith.addf %add3A_485, %get3A_532 : vector<16xf32>
        %add3A_534 = arith.constant 6 : i32
        %add3A_535 = arith.addi %mul3A_222, %add3A_534 : i32
        %get3A_536 = arith.index_cast %add3A_535 : i32 to index
        %get3A_537 = arith.constant 96 : index
        %get3A_538 = tpu.vector_load %arg9[%get3A_536, %get3A_537] {strides = array<i32>} : memref<128x128xf32, #tpu.memory_space<vmem>>, vector<16xf32>,
        %add3A_539 = arith.addf %add3A_491, %get3A_538 : vector<16xf32>
        %add3A_540 = arith.constant 6 : i32
        %add3A_541 = arith.addi %mul3A_222, %add3A_540 : i32
        %get3A_542 = arith.index_cast %add3A_541 : i32 to index
        %get3A_543 = arith.constant 112 : index
        %get3A_544 = tpu.vector_load %arg9[%get3A_542, %get3A_543] {strides = array<i32>} : memref<128x128xf32, #tpu.memory_space<vmem>>, vector<16xf32>,
        %add3A_545 = arith.addf %add3A_497, %get3A_544 : vector<16xf32>
        %add3A_546 = arith.constant 7 : i32
        %add3A_547 = arith.addi %mul3A_222, %add3A_546 : i32
        %get3A_548 = arith.index_cast %add3A_547 : i32 to index
        %get3A_549 = arith.constant 0 : index
        %get3A_550 = tpu.vector_load %arg9[%get3A_548, %get3A_549] {strides = array<i32>} : memref<128x128xf32, #tpu.memory_space<vmem>>, vector<16xf32>,
        %add3A_551 = arith.addf %add3A_503, %get3A_550 : vector<16xf32>
        %add3A_552 = arith.constant 7 : i32
        %add3A_553 = arith.addi %mul3A_222, %add3A_552 : i32
        %get3A_554 = arith.index_cast %add3A_553 : i32 to index
        %get3A_555 = arith.constant 16 : index
        %get3A_556 = tpu.vector_load %arg9[%get3A_554, %get3A_555] {strides = array<i32>} : memref<128x128xf32, #tpu.memory_space<vmem>>, vector<16xf32>,
        %add3A_557 = arith.addf %add3A_509, %get3A_556 : vector<16xf32>
        %add3A_558 = arith.constant 7 : i32
        %add3A_559 = arith.addi %mul3A_222, %add3A_558 : i32
        %get3A_560 = arith.index_cast %add3A_559 : i32 to index
        %get3A_561 = arith.constant 32 : index
        %get3A_562 = tpu.vector_load %arg9[%get3A_560, %get3A_561] {strides = array<i32>} : memref<128x128xf32, #tpu.memory_space<vmem>>, vector<16xf32>,
        %add3A_563 = arith.addf %add3A_515, %get3A_562 : vector<16xf32>
        %add3A_564 = arith.constant 7 : i32
        %add3A_565 = arith.addi %mul3A_222, %add3A_564 : i32
        %get3A_566 = arith.index_cast %add3A_565 : i32 to index
        %get3A_567 = arith.constant 48 : index
        %get3A_568 = tpu.vector_load %arg9[%get3A_566, %get3A_567] {strides = array<i32>} : memref<128x128xf32, #tpu.memory_space<vmem>>, vector<16xf32>,
        %add3A_569 = arith.addf %add3A_521, %get3A_568 : vector<16xf32>
        %add3A_570 = arith.constant 7 : i32
        %add3A_571 = arith.addi %mul3A_222, %add3A_570 : i32
        %get3A_572 = arith.index_cast %add3A_571 : i32 to index
        %get3A_573 = arith.constant 64 : index
        %get3A_574 = tpu.vector_load %arg9[%get3A_572, %get3A_573] {strides = array<i32>} : memref<128x128xf32, #tpu.memory_space<vmem>>, vector<16xf32>,
        %add3A_575 = arith.addf %add3A_527, %get3A_574 : vector<16xf32>
        %add3A_576 = arith.constant 7 : i32
        %add3A_577 = arith.addi %mul3A_222, %add3A_576 : i32
        %get3A_578 = arith.index_cast %add3A_577 : i32 to index
        %get3A_579 = arith.constant 80 : index
        %get3A_580 = tpu.vector_load %arg9[%get3A_578, %get3A_579] {strides = array<i32>} : memref<128x128xf32, #tpu.memory_space<vmem>>, vector<16xf32>,
        %add3A_581 = arith.addf %add3A_533, %get3A_580 : vector<16xf32>
        %add3A_582 = arith.constant 7 : i32
        %add3A_583 = arith.addi %mul3A_222, %add3A_582 : i32
        %get3A_584 = arith.index_cast %add3A_583 : i32 to index
        %get3A_585 = arith.constant 96 : index
        %get3A_586 = tpu.vector_load %arg9[%get3A_584, %get3A_585] {strides = array<i32>} : memref<128x128xf32, #tpu.memory_space<vmem>>, vector<16xf32>,
        %add3A_587 = arith.addf %add3A_539, %get3A_586 : vector<16xf32>
        %add3A_588 = arith.constant 7 : i32
        %add3A_589 = arith.addi %mul3A_222, %add3A_588 : i32
        %get3A_590 = arith.index_cast %add3A_589 : i32 to index
        %get3A_591 = arith.constant 112 : index
        %get3A_592 = tpu.vector_load %arg9[%get3A_590, %get3A_591] {strides = array<i32>} : memref<128x128xf32, #tpu.memory_space<vmem>>, vector<16xf32>,
        %add3A_593 = arith.addf %add3A_545, %get3A_592 : vector<16xf32>
        %add3A_594 = arith.constant 8 : i32
        %add3A_595 = arith.addi %mul3A_222, %add3A_594 : i32
        %get3A_596 = arith.index_cast %add3A_595 : i32 to index
        %get3A_597 = arith.constant 0 : index
        %get3A_598 = tpu.vector_load %arg9[%get3A_596, %get3A_597] {strides = array<i32>} : memref<128x128xf32, #tpu.memory_space<vmem>>, vector<16xf32>,
        %add3A_599 = arith.addf %add3A_551, %get3A_598 : vector<16xf32>
        %add3A_600 = arith.constant 8 : i32
        %add3A_601 = arith.addi %mul3A_222, %add3A_600 : i32
        %get3A_602 = arith.index_cast %add3A_601 : i32 to index
        %get3A_603 = arith.constant 16 : index
        %get3A_604 = tpu.vector_load %arg9[%get3A_602, %get3A_603] {strides = array<i32>} : memref<128x128xf32, #tpu.memory_space<vmem>>, vector<16xf32>,
        %add3A_605 = arith.addf %add3A_557, %get3A_604 : vector<16xf32>
        %add3A_606 = arith.constant 8 : i32
        %add3A_607 = arith.addi %mul3A_222, %add3A_606 : i32
        %get3A_608 = arith.index_cast %add3A_607 : i32 to index
        %get3A_609 = arith.constant 32 : index
        %get3A_610 = tpu.vector_load %arg9[%get3A_608, %get3A_609] {strides = array<i32>} : memref<128x128xf32, #tpu.memory_space<vmem>>, vector<16xf32>,
        %add3A_611 = arith.addf %add3A_563, %get3A_610 : vector<16xf32>
        %add3A_612 = arith.constant 8 : i32
        %add3A_613 = arith.addi %mul3A_222, %add3A_612 : i32
        %get3A_614 = arith.index_cast %add3A_613 : i32 to index
        %get3A_615 = arith.constant 48 : index
        %get3A_616 = tpu.vector_load %arg9[%get3A_614, %get3A_615] {strides = array<i32>} : memref<128x128xf32, #tpu.memory_space<vmem>>, vector<16xf32>,
        %add3A_617 = arith.addf %add3A_569, %get3A_616 : vector<16xf32>
        %add3A_618 = arith.constant 8 : i32
        %add3A_619 = arith.addi %mul3A_222, %add3A_618 : i32
        %get3A_620 = arith.index_cast %add3A_619 : i32 to index
        %get3A_621 = arith.constant 64 : index
        %get3A_622 = tpu.vector_load %arg9[%get3A_620, %get3A_621] {strides = array<i32>} : memref<128x128xf32, #tpu.memory_space<vmem>>, vector<16xf32>,
        %add3A_623 = arith.addf %add3A_575, %get3A_622 : vector<16xf32>
        %add3A_624 = arith.constant 8 : i32
        %add3A_625 = arith.addi %mul3A_222, %add3A_624 : i32
        %get3A_626 = arith.index_cast %add3A_625 : i32 to index
        %get3A_627 = arith.constant 80 : index
        %get3A_628 = tpu.vector_load %arg9[%get3A_626, %get3A_627] {strides = array<i32>} : memref<128x128xf32, #tpu.memory_space<vmem>>, vector<16xf32>,
        %add3A_629 = arith.addf %add3A_581, %get3A_628 : vector<16xf32>
        %add3A_630 = arith.constant 8 : i32
        %add3A_631 = arith.addi %mul3A_222, %add3A_630 : i32
        %get3A_632 = arith.index_cast %add3A_631 : i32 to index
        %get3A_633 = arith.constant 96 : index
        %get3A_634 = tpu.vector_load %arg9[%get3A_632, %get3A_633] {strides = array<i32>} : memref<128x128xf32, #tpu.memory_space<vmem>>, vector<16xf32>,
        %add3A_635 = arith.addf %add3A_587, %get3A_634 : vector<16xf32>
        %add3A_636 = arith.constant 8 : i32
        %add3A_637 = arith.addi %mul3A_222, %add3A_636 : i32
        %get3A_638 = arith.index_cast %add3A_637 : i32 to index
        %get3A_639 = arith.constant 112 : index
        %get3A_640 = tpu.vector_load %arg9[%get3A_638, %get3A_639] {strides = array<i32>} : memref<128x128xf32, #tpu.memory_space<vmem>>, vector<16xf32>,
        %add3A_641 = arith.addf %add3A_593, %get3A_640 : vector<16xf32>
        %add3A_642 = arith.constant 9 : i32
        %add3A_643 = arith.addi %mul3A_222, %add3A_642 : i32
        %get3A_644 = arith.index_cast %add3A_643 : i32 to index
        %get3A_645 = arith.constant 0 : index
        %get3A_646 = tpu.vector_load %arg9[%get3A_644, %get3A_645] {strides = array<i32>} : memref<128x128xf32, #tpu.memory_space<vmem>>, vector<16xf32>,
        %add3A_647 = arith.addf %add3A_599, %get3A_646 : vector<16xf32>
        %add3A_648 = arith.constant 9 : i32
        %add3A_649 = arith.addi %mul3A_222, %add3A_648 : i32
        %get3A_650 = arith.index_cast %add3A_649 : i32 to index
        %get3A_651 = arith.constant 16 : index
        %get3A_652 = tpu.vector_load %arg9[%get3A_650, %get3A_651] {strides = array<i32>} : memref<128x128xf32, #tpu.memory_space<vmem>>, vector<16xf32>,
        %add3A_653 = arith.addf %add3A_605, %get3A_652 : vector<16xf32>
        %add3A_654 = arith.constant 9 : i32
        %add3A_655 = arith.addi %mul3A_222, %add3A_654 : i32
        %get3A_656 = arith.index_cast %add3A_655 : i32 to index
        %get3A_657 = arith.constant 32 : index
        %get3A_658 = tpu.vector_load %arg9[%get3A_656, %get3A_657] {strides = array<i32>} : memref<128x128xf32, #tpu.memory_space<vmem>>, vector<16xf32>,
        %add3A_659 = arith.addf %add3A_611, %get3A_658 : vector<16xf32>
        %add3A_660 = arith.constant 9 : i32
        %add3A_661 = arith.addi %mul3A_222, %add3A_660 : i32
        %get3A_662 = arith.index_cast %add3A_661 : i32 to index
        %get3A_663 = arith.constant 48 : index
        %get3A_664 = tpu.vector_load %arg9[%get3A_662, %get3A_663] {strides = array<i32>} : memref<128x128xf32, #tpu.memory_space<vmem>>, vector<16xf32>,
        %add3A_665 = arith.addf %add3A_617, %get3A_664 : vector<16xf32>
        %add3A_666 = arith.constant 9 : i32
        %add3A_667 = arith.addi %mul3A_222, %add3A_666 : i32
        %get3A_668 = arith.index_cast %add3A_667 : i32 to index
        %get3A_669 = arith.constant 64 : index
        %get3A_670 = tpu.vector_load %arg9[%get3A_668, %get3A_669] {strides = array<i32>} : memref<128x128xf32, #tpu.memory_space<vmem>>, vector<16xf32>,
        %add3A_671 = arith.addf %add3A_623, %get3A_670 : vector<16xf32>
        %add3A_672 = arith.constant 9 : i32
        %add3A_673 = arith.addi %mul3A_222, %add3A_672 : i32
        %get3A_674 = arith.index_cast %add3A_673 : i32 to index
        %get3A_675 = arith.constant 80 : index
        %get3A_676 = tpu.vector_load %arg9[%get3A_674, %get3A_675] {strides = array<i32>} : memref<128x128xf32, #tpu.memory_space<vmem>>, vector<16xf32>,
        %add3A_677 = arith.addf %add3A_629, %get3A_676 : vector<16xf32>
        %add3A_678 = arith.constant 9 : i32
        %add3A_679 = arith.addi %mul3A_222, %add3A_678 : i32
        %get3A_680 = arith.index_cast %add3A_679 : i32 to index
        %get3A_681 = arith.constant 96 : index
        %get3A_682 = tpu.vector_load %arg9[%get3A_680, %get3A_681] {strides = array<i32>} : memref<128x128xf32, #tpu.memory_space<vmem>>, vector<16xf32>,
        %add3A_683 = arith.addf %add3A_635, %get3A_682 : vector<16xf32>
        %add3A_684 = arith.constant 9 : i32
        %add3A_685 = arith.addi %mul3A_222, %add3A_684 : i32
        %get3A_686 = arith.index_cast %add3A_685 : i32 to index
        %get3A_687 = arith.constant 112 : index
        %get3A_688 = tpu.vector_load %arg9[%get3A_686, %get3A_687] {strides = array<i32>} : memref<128x128xf32, #tpu.memory_space<vmem>>, vector<16xf32>,
        %add3A_689 = arith.addf %add3A_641, %get3A_688 : vector<16xf32>
        %add3A_690 = arith.constant 10 : i32
        %add3A_691 = arith.addi %mul3A_222, %add3A_690 : i32
        %get3A_692 = arith.index_cast %add3A_691 : i32 to index
        %get3A_693 = arith.constant 0 : index
        %get3A_694 = tpu.vector_load %arg9[%get3A_692, %get3A_693] {strides = array<i32>} : memref<128x128xf32, #tpu.memory_space<vmem>>, vector<16xf32>,
        %add3A_695 = arith.addf %add3A_647, %get3A_694 : vector<16xf32>
        %add3A_696 = arith.constant 10 : i32
        %add3A_697 = arith.addi %mul3A_222, %add3A_696 : i32
        %get3A_698 = arith.index_cast %add3A_697 : i32 to index
        %get3A_699 = arith.constant 16 : index
        %get3A_700 = tpu.vector_load %arg9[%get3A_698, %get3A_699] {strides = array<i32>} : memref<128x128xf32, #tpu.memory_space<vmem>>, vector<16xf32>,
        %add3A_701 = arith.addf %add3A_653, %get3A_700 : vector<16xf32>
        %add3A_702 = arith.constant 10 : i32
        %add3A_703 = arith.addi %mul3A_222, %add3A_702 : i32
        %get3A_704 = arith.index_cast %add3A_703 : i32 to index
        %get3A_705 = arith.constant 32 : index
        %get3A_706 = tpu.vector_load %arg9[%get3A_704, %get3A_705] {strides = array<i32>} : memref<128x128xf32, #tpu.memory_space<vmem>>, vector<16xf32>,
        %add3A_707 = arith.addf %add3A_659, %get3A_706 : vector<16xf32>
        %add3A_708 = arith.constant 10 : i32
        %add3A_709 = arith.addi %mul3A_222, %add3A_708 : i32
        %get3A_710 = arith.index_cast %add3A_709 : i32 to index
        %get3A_711 = arith.constant 48 : index
        %get3A_712 = tpu.vector_load %arg9[%get3A_710, %get3A_711] {strides = array<i32>} : memref<128x128xf32, #tpu.memory_space<vmem>>, vector<16xf32>,
        %add3A_713 = arith.addf %add3A_665, %get3A_712 : vector<16xf32>
        %add3A_714 = arith.constant 10 : i32
        %add3A_715 = arith.addi %mul3A_222, %add3A_714 : i32
        %get3A_716 = arith.index_cast %add3A_715 : i32 to index
        %get3A_717 = arith.constant 64 : index
        %get3A_718 = tpu.vector_load %arg9[%get3A_716, %get3A_717] {strides = array<i32>} : memref<128x128xf32, #tpu.memory_space<vmem>>, vector<16xf32>,
        %add3A_719 = arith.addf %add3A_671, %get3A_718 : vector<16xf32>
        %add3A_720 = arith.constant 10 : i32
        %add3A_721 = arith.addi %mul3A_222, %add3A_720 : i32
        %get3A_722 = arith.index_cast %add3A_721 : i32 to index
        %get3A_723 = arith.constant 80 : index
        %get3A_724 = tpu.vector_load %arg9[%get3A_722, %get3A_723] {strides = array<i32>} : memref<128x128xf32, #tpu.memory_space<vmem>>, vector<16xf32>,
        %add3A_725 = arith.addf %add3A_677, %get3A_724 : vector<16xf32>
        %add3A_726 = arith.constant 10 : i32
        %add3A_727 = arith.addi %mul3A_222, %add3A_726 : i32
        %get3A_728 = arith.index_cast %add3A_727 : i32 to index
        %get3A_729 = arith.constant 96 : index
        %get3A_730 = tpu.vector_load %arg9[%get3A_728, %get3A_729] {strides = array<i32>} : memref<128x128xf32, #tpu.memory_space<vmem>>, vector<16xf32>,
        %add3A_731 = arith.addf %add3A_683, %get3A_730 : vector<16xf32>
        %add3A_732 = arith.constant 10 : i32
        %add3A_733 = arith.addi %mul3A_222, %add3A_732 : i32
        %get3A_734 = arith.index_cast %add3A_733 : i32 to index
        %get3A_735 = arith.constant 112 : index
        %get3A_736 = tpu.vector_load %arg9[%get3A_734, %get3A_735] {strides = array<i32>} : memref<128x128xf32, #tpu.memory_space<vmem>>, vector<16xf32>,
        %add3A_737 = arith.addf %add3A_689, %get3A_736 : vector<16xf32>
        %add3A_738 = arith.constant 11 : i32
        %add3A_739 = arith.addi %mul3A_222, %add3A_738 : i32
        %get3A_740 = arith.index_cast %add3A_739 : i32 to index
        %get3A_741 = arith.constant 0 : index
        %get3A_742 = tpu.vector_load %arg9[%get3A_740, %get3A_741] {strides = array<i32>} : memref<128x128xf32, #tpu.memory_space<vmem>>, vector<16xf32>,
        %add3A_743 = arith.addf %add3A_695, %get3A_742 : vector<16xf32>
        %add3A_744 = arith.constant 11 : i32
        %add3A_745 = arith.addi %mul3A_222, %add3A_744 : i32
        %get3A_746 = arith.index_cast %add3A_745 : i32 to index
        %get3A_747 = arith.constant 16 : index
        %get3A_748 = tpu.vector_load %arg9[%get3A_746, %get3A_747] {strides = array<i32>} : memref<128x128xf32, #tpu.memory_space<vmem>>, vector<16xf32>,
        %add3A_749 = arith.addf %add3A_701, %get3A_748 : vector<16xf32>
        %add3A_750 = arith.constant 11 : i32
        %add3A_751 = arith.addi %mul3A_222, %add3A_750 : i32
        %get3A_752 = arith.index_cast %add3A_751 : i32 to index
        %get3A_753 = arith.constant 32 : index
        %get3A_754 = tpu.vector_load %arg9[%get3A_752, %get3A_753] {strides = array<i32>} : memref<128x128xf32, #tpu.memory_space<vmem>>, vector<16xf32>,
        %add3A_755 = arith.addf %add3A_707, %get3A_754 : vector<16xf32>
        %add3A_756 = arith.constant 11 : i32
        %add3A_757 = arith.addi %mul3A_222, %add3A_756 : i32
        %get3A_758 = arith.index_cast %add3A_757 : i32 to index
        %get3A_759 = arith.constant 48 : index
        %get3A_760 = tpu.vector_load %arg9[%get3A_758, %get3A_759] {strides = array<i32>} : memref<128x128xf32, #tpu.memory_space<vmem>>, vector<16xf32>,
        %add3A_761 = arith.addf %add3A_713, %get3A_760 : vector<16xf32>
        %add3A_762 = arith.constant 11 : i32
        %add3A_763 = arith.addi %mul3A_222, %add3A_762 : i32
        %get3A_764 = arith.index_cast %add3A_763 : i32 to index
        %get3A_765 = arith.constant 64 : index
        %get3A_766 = tpu.vector_load %arg9[%get3A_764, %get3A_765] {strides = array<i32>} : memref<128x128xf32, #tpu.memory_space<vmem>>, vector<16xf32>,
        %add3A_767 = arith.addf %add3A_719, %get3A_766 : vector<16xf32>
        %add3A_768 = arith.constant 11 : i32
        %add3A_769 = arith.addi %mul3A_222, %add3A_768 : i32
        %get3A_770 = arith.index_cast %add3A_769 : i32 to index
        %get3A_771 = arith.constant 80 : index
        %get3A_772 = tpu.vector_load %arg9[%get3A_770, %get3A_771] {strides = array<i32>} : memref<128x128xf32, #tpu.memory_space<vmem>>, vector<16xf32>,
        %add3A_773 = arith.addf %add3A_725, %get3A_772 : vector<16xf32>
        %add3A_774 = arith.constant 11 : i32
        %add3A_775 = arith.addi %mul3A_222, %add3A_774 : i32
        %get3A_776 = arith.index_cast %add3A_775 : i32 to index
        %get3A_777 = arith.constant 96 : index
        %get3A_778 = tpu.vector_load %arg9[%get3A_776, %get3A_777] {strides = array<i32>} : memref<128x128xf32, #tpu.memory_space<vmem>>, vector<16xf32>,
        %add3A_779 = arith.addf %add3A_731, %get3A_778 : vector<16xf32>
        %add3A_780 = arith.constant 11 : i32
        %add3A_781 = arith.addi %mul3A_222, %add3A_780 : i32
        %get3A_782 = arith.index_cast %add3A_781 : i32 to index
        %get3A_783 = arith.constant 112 : index
        %get3A_784 = tpu.vector_load %arg9[%get3A_782, %get3A_783] {strides = array<i32>} : memref<128x128xf32, #tpu.memory_space<vmem>>, vector<16xf32>,
        %add3A_785 = arith.addf %add3A_737, %get3A_784 : vector<16xf32>
        %add3A_786 = arith.constant 12 : i32
        %add3A_787 = arith.addi %mul3A_222, %add3A_786 : i32
        %get3A_788 = arith.index_cast %add3A_787 : i32 to index
        %get3A_789 = arith.constant 0 : index
        %get3A_790 = tpu.vector_load %arg9[%get3A_788, %get3A_789] {strides = array<i32>} : memref<128x128xf32, #tpu.memory_space<vmem>>, vector<16xf32>,
        %add3A_791 = arith.addf %add3A_743, %get3A_790 : vector<16xf32>
        %add3A_792 = arith.constant 12 : i32
        %add3A_793 = arith.addi %mul3A_222, %add3A_792 : i32
        %get3A_794 = arith.index_cast %add3A_793 : i32 to index
        %get3A_795 = arith.constant 16 : index
        %get3A_796 = tpu.vector_load %arg9[%get3A_794, %get3A_795] {strides = array<i32>} : memref<128x128xf32, #tpu.memory_space<vmem>>, vector<16xf32>,
        %add3A_797 = arith.addf %add3A_749, %get3A_796 : vector<16xf32>
        %add3A_798 = arith.constant 12 : i32
        %add3A_799 = arith.addi %mul3A_222, %add3A_798 : i32
        %get3A_800 = arith.index_cast %add3A_799 : i32 to index
        %get3A_801 = arith.constant 32 : index
        %get3A_802 = tpu.vector_load %arg9[%get3A_800, %get3A_801] {strides = array<i32>} : memref<128x128xf32, #tpu.memory_space<vmem>>, vector<16xf32>,
        %add3A_803 = arith.addf %add3A_755, %get3A_802 : vector<16xf32>
        %add3A_804 = arith.constant 12 : i32
        %add3A_805 = arith.addi %mul3A_222, %add3A_804 : i32
        %get3A_806 = arith.index_cast %add3A_805 : i32 to index
        %get3A_807 = arith.constant 48 : index
        %get3A_808 = tpu.vector_load %arg9[%get3A_806, %get3A_807] {strides = array<i32>} : memref<128x128xf32, #tpu.memory_space<vmem>>, vector<16xf32>,
        %add3A_809 = arith.addf %add3A_761, %get3A_808 : vector<16xf32>
        %add3A_810 = arith.constant 12 : i32
        %add3A_811 = arith.addi %mul3A_222, %add3A_810 : i32
        %get3A_812 = arith.index_cast %add3A_811 : i32 to index
        %get3A_813 = arith.constant 64 : index
        %get3A_814 = tpu.vector_load %arg9[%get3A_812, %get3A_813] {strides = array<i32>} : memref<128x128xf32, #tpu.memory_space<vmem>>, vector<16xf32>,
        %add3A_815 = arith.addf %add3A_767, %get3A_814 : vector<16xf32>
        %add3A_816 = arith.constant 12 : i32
        %add3A_817 = arith.addi %mul3A_222, %add3A_816 : i32
        %get3A_818 = arith.index_cast %add3A_817 : i32 to index
        %get3A_819 = arith.constant 80 : index
        %get3A_820 = tpu.vector_load %arg9[%get3A_818, %get3A_819] {strides = array<i32>} : memref<128x128xf32, #tpu.memory_space<vmem>>, vector<16xf32>,
        %add3A_821 = arith.addf %add3A_773, %get3A_820 : vector<16xf32>
        %add3A_822 = arith.constant 12 : i32
        %add3A_823 = arith.addi %mul3A_222, %add3A_822 : i32
        %get3A_824 = arith.index_cast %add3A_823 : i32 to index
        %get3A_825 = arith.constant 96 : index
        %get3A_826 = tpu.vector_load %arg9[%get3A_824, %get3A_825] {strides = array<i32>} : memref<128x128xf32, #tpu.memory_space<vmem>>, vector<16xf32>,
        %add3A_827 = arith.addf %add3A_779, %get3A_826 : vector<16xf32>
        %add3A_828 = arith.constant 12 : i32
        %add3A_829 = arith.addi %mul3A_222, %add3A_828 : i32
        %get3A_830 = arith.index_cast %add3A_829 : i32 to index
        %get3A_831 = arith.constant 112 : index
        %get3A_832 = tpu.vector_load %arg9[%get3A_830, %get3A_831] {strides = array<i32>} : memref<128x128xf32, #tpu.memory_space<vmem>>, vector<16xf32>,
        %add3A_833 = arith.addf %add3A_785, %get3A_832 : vector<16xf32>
        %add3A_834 = arith.constant 13 : i32
        %add3A_835 = arith.addi %mul3A_222, %add3A_834 : i32
        %get3A_836 = arith.index_cast %add3A_835 : i32 to index
        %get3A_837 = arith.constant 0 : index
        %get3A_838 = tpu.vector_load %arg9[%get3A_836, %get3A_837] {strides = array<i32>} : memref<128x128xf32, #tpu.memory_space<vmem>>, vector<16xf32>,
        %add3A_839 = arith.addf %add3A_791, %get3A_838 : vector<16xf32>
        %add3A_840 = arith.constant 13 : i32
        %add3A_841 = arith.addi %mul3A_222, %add3A_840 : i32
        %get3A_842 = arith.index_cast %add3A_841 : i32 to index
        %get3A_843 = arith.constant 16 : index
        %get3A_844 = tpu.vector_load %arg9[%get3A_842, %get3A_843] {strides = array<i32>} : memref<128x128xf32, #tpu.memory_space<vmem>>, vector<16xf32>,
        %add3A_845 = arith.addf %add3A_797, %get3A_844 : vector<16xf32>
        %add3A_846 = arith.constant 13 : i32
        %add3A_847 = arith.addi %mul3A_222, %add3A_846 : i32
        %get3A_848 = arith.index_cast %add3A_847 : i32 to index
        %get3A_849 = arith.constant 32 : index
        %get3A_850 = tpu.vector_load %arg9[%get3A_848, %get3A_849] {strides = array<i32>} : memref<128x128xf32, #tpu.memory_space<vmem>>, vector<16xf32>,
        %add3A_851 = arith.addf %add3A_803, %get3A_850 : vector<16xf32>
        %add3A_852 = arith.constant 13 : i32
        %add3A_853 = arith.addi %mul3A_222, %add3A_852 : i32
        %get3A_854 = arith.index_cast %add3A_853 : i32 to index
        %get3A_855 = arith.constant 48 : index
        %get3A_856 = tpu.vector_load %arg9[%get3A_854, %get3A_855] {strides = array<i32>} : memref<128x128xf32, #tpu.memory_space<vmem>>, vector<16xf32>,
        %add3A_857 = arith.addf %add3A_809, %get3A_856 : vector<16xf32>
        %add3A_858 = arith.constant 13 : i32
        %add3A_859 = arith.addi %mul3A_222, %add3A_858 : i32
        %get3A_860 = arith.index_cast %add3A_859 : i32 to index
        %get3A_861 = arith.constant 64 : index
        %get3A_862 = tpu.vector_load %arg9[%get3A_860, %get3A_861] {strides = array<i32>} : memref<128x128xf32, #tpu.memory_space<vmem>>, vector<16xf32>,
        %add3A_863 = arith.addf %add3A_815, %get3A_862 : vector<16xf32>
        %add3A_864 = arith.constant 13 : i32
        %add3A_865 = arith.addi %mul3A_222, %add3A_864 : i32
        %get3A_866 = arith.index_cast %add3A_865 : i32 to index
        %get3A_867 = arith.constant 80 : index
        %get3A_868 = tpu.vector_load %arg9[%get3A_866, %get3A_867] {strides = array<i32>} : memref<128x128xf32, #tpu.memory_space<vmem>>, vector<16xf32>,
        %add3A_869 = arith.addf %add3A_821, %get3A_868 : vector<16xf32>
        %add3A_870 = arith.constant 13 : i32
        %add3A_871 = arith.addi %mul3A_222, %add3A_870 : i32
        %get3A_872 = arith.index_cast %add3A_871 : i32 to index
        %get3A_873 = arith.constant 96 : index
        %get3A_874 = tpu.vector_load %arg9[%get3A_872, %get3A_873] {strides = array<i32>} : memref<128x128xf32, #tpu.memory_space<vmem>>, vector<16xf32>,
        %add3A_875 = arith.addf %add3A_827, %get3A_874 : vector<16xf32>
        %add3A_876 = arith.constant 13 : i32
        %add3A_877 = arith.addi %mul3A_222, %add3A_876 : i32
        %get3A_878 = arith.index_cast %add3A_877 : i32 to index
        %get3A_879 = arith.constant 112 : index
        %get3A_880 = tpu.vector_load %arg9[%get3A_878, %get3A_879] {strides = array<i32>} : memref<128x128xf32, #tpu.memory_space<vmem>>, vector<16xf32>,
        %add3A_881 = arith.addf %add3A_833, %get3A_880 : vector<16xf32>
        %add3A_882 = arith.constant 14 : i32
        %add3A_883 = arith.addi %mul3A_222, %add3A_882 : i32
        %get3A_884 = arith.index_cast %add3A_883 : i32 to index
        %get3A_885 = arith.constant 0 : index
        %get3A_886 = tpu.vector_load %arg9[%get3A_884, %get3A_885] {strides = array<i32>} : memref<128x128xf32, #tpu.memory_space<vmem>>, vector<16xf32>,
        %add3A_887 = arith.addf %add3A_839, %get3A_886 : vector<16xf32>
        %add3A_888 = arith.constant 14 : i32
        %add3A_889 = arith.addi %mul3A_222, %add3A_888 : i32
        %get3A_890 = arith.index_cast %add3A_889 : i32 to index
        %get3A_891 = arith.constant 16 : index
        %get3A_892 = tpu.vector_load %arg9[%get3A_890, %get3A_891] {strides = array<i32>} : memref<128x128xf32, #tpu.memory_space<vmem>>, vector<16xf32>,
        %add3A_893 = arith.addf %add3A_845, %get3A_892 : vector<16xf32>
        %add3A_894 = arith.constant 14 : i32
        %add3A_895 = arith.addi %mul3A_222, %add3A_894 : i32
        %get3A_896 = arith.index_cast %add3A_895 : i32 to index
        %get3A_897 = arith.constant 32 : index
        %get3A_898 = tpu.vector_load %arg9[%get3A_896, %get3A_897] {strides = array<i32>} : memref<128x128xf32, #tpu.memory_space<vmem>>, vector<16xf32>,
        %add3A_899 = arith.addf %add3A_851, %get3A_898 : vector<16xf32>
        %add3A_900 = arith.constant 14 : i32
        %add3A_901 = arith.addi %mul3A_222, %add3A_900 : i32
        %get3A_902 = arith.index_cast %add3A_901 : i32 to index
        %get3A_903 = arith.constant 48 : index
        %get3A_904 = tpu.vector_load %arg9[%get3A_902, %get3A_903] {strides = array<i32>} : memref<128x128xf32, #tpu.memory_space<vmem>>, vector<16xf32>,
        %add3A_905 = arith.addf %add3A_857, %get3A_904 : vector<16xf32>
        %add3A_906 = arith.constant 14 : i32
        %add3A_907 = arith.addi %mul3A_222, %add3A_906 : i32
        %get3A_908 = arith.index_cast %add3A_907 : i32 to index
        %get3A_909 = arith.constant 64 : index
        %get3A_910 = tpu.vector_load %arg9[%get3A_908, %get3A_909] {strides = array<i32>} : memref<128x128xf32, #tpu.memory_space<vmem>>, vector<16xf32>,
        %add3A_911 = arith.addf %add3A_863, %get3A_910 : vector<16xf32>
        %add3A_912 = arith.constant 14 : i32
        %add3A_913 = arith.addi %mul3A_222, %add3A_912 : i32
        %get3A_914 = arith.index_cast %add3A_913 : i32 to index
        %get3A_915 = arith.constant 80 : index
        %get3A_916 = tpu.vector_load %arg9[%get3A_914, %get3A_915] {strides = array<i32>} : memref<128x128xf32, #tpu.memory_space<vmem>>, vector<16xf32>,
        %add3A_917 = arith.addf %add3A_869, %get3A_916 : vector<16xf32>
        %add3A_918 = arith.constant 14 : i32
        %add3A_919 = arith.addi %mul3A_222, %add3A_918 : i32
        %get3A_920 = arith.index_cast %add3A_919 : i32 to index
        %get3A_921 = arith.constant 96 : index
        %get3A_922 = tpu.vector_load %arg9[%get3A_920, %get3A_921] {strides = array<i32>} : memref<128x128xf32, #tpu.memory_space<vmem>>, vector<16xf32>,
        %add3A_923 = arith.addf %add3A_875, %get3A_922 : vector<16xf32>
        %add3A_924 = arith.constant 14 : i32
        %add3A_925 = arith.addi %mul3A_222, %add3A_924 : i32
        %get3A_926 = arith.index_cast %add3A_925 : i32 to index
        %get3A_927 = arith.constant 112 : index
        %get3A_928 = tpu.vector_load %arg9[%get3A_926, %get3A_927] {strides = array<i32>} : memref<128x128xf32, #tpu.memory_space<vmem>>, vector<16xf32>,
        %add3A_929 = arith.addf %add3A_881, %get3A_928 : vector<16xf32>
        %add3A_930 = arith.constant 15 : i32
        %add3A_931 = arith.addi %mul3A_222, %add3A_930 : i32
        %get3A_932 = arith.index_cast %add3A_931 : i32 to index
        %get3A_933 = arith.constant 0 : index
        %get3A_934 = tpu.vector_load %arg9[%get3A_932, %get3A_933] {strides = array<i32>} : memref<128x128xf32, #tpu.memory_space<vmem>>, vector<16xf32>,
        %add3A_935 = arith.addf %add3A_887, %get3A_934 : vector<16xf32>
        %add3A_936 = arith.constant 15 : i32
        %add3A_937 = arith.addi %mul3A_222, %add3A_936 : i32
        %get3A_938 = arith.index_cast %add3A_937 : i32 to index
        %get3A_939 = arith.constant 16 : index
        %get3A_940 = tpu.vector_load %arg9[%get3A_938, %get3A_939] {strides = array<i32>} : memref<128x128xf32, #tpu.memory_space<vmem>>, vector<16xf32>,
        %add3A_941 = arith.addf %add3A_893, %get3A_940 : vector<16xf32>
        %add3A_942 = arith.constant 15 : i32
        %add3A_943 = arith.addi %mul3A_222, %add3A_942 : i32
        %get3A_944 = arith.index_cast %add3A_943 : i32 to index
        %get3A_945 = arith.constant 32 : index
        %get3A_946 = tpu.vector_load %arg9[%get3A_944, %get3A_945] {strides = array<i32>} : memref<128x128xf32, #tpu.memory_space<vmem>>, vector<16xf32>,
        %add3A_947 = arith.addf %add3A_899, %get3A_946 : vector<16xf32>
        %add3A_948 = arith.constant 15 : i32
        %add3A_949 = arith.addi %mul3A_222, %add3A_948 : i32
        %get3A_950 = arith.index_cast %add3A_949 : i32 to index
        %get3A_951 = arith.constant 48 : index
        %get3A_952 = tpu.vector_load %arg9[%get3A_950, %get3A_951] {strides = array<i32>} : memref<128x128xf32, #tpu.memory_space<vmem>>, vector<16xf32>,
        %add3A_953 = arith.addf %add3A_905, %get3A_952 : vector<16xf32>
        %add3A_954 = arith.constant 15 : i32
        %add3A_955 = arith.addi %mul3A_222, %add3A_954 : i32
        %get3A_956 = arith.index_cast %add3A_955 : i32 to index
        %get3A_957 = arith.constant 64 : index
        %get3A_958 = tpu.vector_load %arg9[%get3A_956, %get3A_957] {strides = array<i32>} : memref<128x128xf32, #tpu.memory_space<vmem>>, vector<16xf32>,
        %add3A_959 = arith.addf %add3A_911, %get3A_958 : vector<16xf32>
        %add3A_960 = arith.constant 15 : i32
        %add3A_961 = arith.addi %mul3A_222, %add3A_960 : i32
        %get3A_962 = arith.index_cast %add3A_961 : i32 to index
        %get3A_963 = arith.constant 80 : index
        %get3A_964 = tpu.vector_load %arg9[%get3A_962, %get3A_963] {strides = array<i32>} : memref<128x128xf32, #tpu.memory_space<vmem>>, vector<16xf32>,
        %add3A_965 = arith.addf %add3A_917, %get3A_964 : vector<16xf32>
        %add3A_966 = arith.constant 15 : i32
        %add3A_967 = arith.addi %mul3A_222, %add3A_966 : i32
        %get3A_968 = arith.index_cast %add3A_967 : i32 to index
        %get3A_969 = arith.constant 96 : index
        %get3A_970 = tpu.vector_load %arg9[%get3A_968, %get3A_969] {strides = array<i32>} : memref<128x128xf32, #tpu.memory_space<vmem>>, vector<16xf32>,
        %add3A_971 = arith.addf %add3A_923, %get3A_970 : vector<16xf32>
        %add3A_972 = arith.constant 15 : i32
        %add3A_973 = arith.addi %mul3A_222, %add3A_972 : i32
        %get3A_974 = arith.index_cast %add3A_973 : i32 to index
        %get3A_975 = arith.constant 112 : index
        %get3A_976 = tpu.vector_load %arg9[%get3A_974, %get3A_975] {strides = array<i32>} : memref<128x128xf32, #tpu.memory_space<vmem>>, vector<16xf32>,
        %add3A_977 = arith.addf %add3A_929, %get3A_976 : vector<16xf32>
        %div3A_978 = vector.broadcast %reduce_sum3A_233 : f32 to vector<16xf32>
        %div3A_979 = arith.divf %add3A_935, %div3A_978 : vector<16xf32>
        %swap3A = arith.index_cast %add3A_220 : i32 to index
        %swap3A_980 = arith.constant 0 : index
        %swap3A_981 = tpu.vector_load %arg13[%swap3A, %swap3A_980] {strides = array<i32>} : memref<8x128xf32, #tpu.memory_space<vmem>>, vector<16xf32>,
        tpu.vector_store %arg13[%swap3A, %swap3A_980], %div3A_979 {strides = array<i32>} : memref<8x128xf32, #tpu.memory_space<vmem>>, vector<16xf32>,
        %div3A_982 = vector.broadcast %reduce_sum3A_233 : f32 to vector<16xf32>
        %div3A_983 = arith.divf %add3A_941, %div3A_982 : vector<16xf32>
        %swap3A_984 = arith.index_cast %add3A_220 : i32 to index
        %swap3A_985 = arith.constant 16 : index
        %swap3A_986 = tpu.vector_load %arg13[%swap3A_984, %swap3A_985] {strides = array<i32>} : memref<8x128xf32, #tpu.memory_space<vmem>>, vector<16xf32>,
        tpu.vector_store %arg13[%swap3A_984, %swap3A_985], %div3A_983 {strides = array<i32>} : memref<8x128xf32, #tpu.memory_space<vmem>>, vector<16xf32>,
        %div3A_987 = vector.broadcast %reduce_sum3A_233 : f32 to vector<16xf32>
        %div3A_988 = arith.divf %add3A_947, %div3A_987 : vector<16xf32>
        %swap3A_989 = arith.index_cast %add3A_220 : i32 to index
        %swap3A_990 = arith.constant 32 : index
        %swap3A_991 = tpu.vector_load %arg13[%swap3A_989, %swap3A_990] {strides = array<i32>} : memref<8x128xf32, #tpu.memory_space<vmem>>, vector<16xf32>,
        tpu.vector_store %arg13[%swap3A_989, %swap3A_990], %div3A_988 {strides = array<i32>} : memref<8x128xf32, #tpu.memory_space<vmem>>, vector<16xf32>,
        %div3A_992 = vector.broadcast %reduce_sum3A_233 : f32 to vector<16xf32>
        %div3A_993 = arith.divf %add3A_953, %div3A_992 : vector<16xf32>
        %swap3A_994 = arith.index_cast %add3A_220 : i32 to index
        %swap3A_995 = arith.constant 48 : index
        %swap3A_996 = tpu.vector_load %arg13[%swap3A_994, %swap3A_995] {strides = array<i32>} : memref<8x128xf32, #tpu.memory_space<vmem>>, vector<16xf32>,
        tpu.vector_store %arg13[%swap3A_994, %swap3A_995], %div3A_993 {strides = array<i32>} : memref<8x128xf32, #tpu.memory_space<vmem>>, vector<16xf32>,
        %div3A_997 = vector.broadcast %reduce_sum3A_233 : f32 to vector<16xf32>
        %div3A_998 = arith.divf %add3A_959, %div3A_997 : vector<16xf32>
        %swap3A_999 = arith.index_cast %add3A_220 : i32 to index
        %swap3A_1000 = arith.constant 64 : index
        %swap3A_1001 = tpu.vector_load %arg13[%swap3A_999, %swap3A_1000] {strides = array<i32>} : memref<8x128xf32, #tpu.memory_space<vmem>>, vector<16xf32>,
        tpu.vector_store %arg13[%swap3A_999, %swap3A_1000], %div3A_998 {strides = array<i32>} : memref<8x128xf32, #tpu.memory_space<vmem>>, vector<16xf32>,
        %div3A_1002 = vector.broadcast %reduce_sum3A_233 : f32 to vector<16xf32>
        %div3A_1003 = arith.divf %add3A_965, %div3A_1002 : vector<16xf32>
        %swap3A_1004 = arith.index_cast %add3A_220 : i32 to index
        %swap3A_1005 = arith.constant 80 : index
        %swap3A_1006 = tpu.vector_load %arg13[%swap3A_1004, %swap3A_1005] {strides = array<i32>} : memref<8x128xf32, #tpu.memory_space<vmem>>, vector<16xf32>,
        tpu.vector_store %arg13[%swap3A_1004, %swap3A_1005], %div3A_1003 {strides = array<i32>} : memref<8x128xf32, #tpu.memory_space<vmem>>, vector<16xf32>,
        %div3A_1007 = vector.broadcast %reduce_sum3A_233 : f32 to vector<16xf32>
        %div3A_1008 = arith.divf %add3A_971, %div3A_1007 : vector<16xf32>
        %swap3A_1009 = arith.index_cast %add3A_220 : i32 to index
        %swap3A_1010 = arith.constant 96 : index
        %swap3A_1011 = tpu.vector_load %arg13[%swap3A_1009, %swap3A_1010] {strides = array<i32>} : memref<8x128xf32, #tpu.memory_space<vmem>>, vector<16xf32>,
        tpu.vector_store %arg13[%swap3A_1009, %swap3A_1010], %div3A_1008 {strides = array<i32>} : memref<8x128xf32, #tpu.memory_space<vmem>>, vector<16xf32>,
        %div3A_1012 = vector.broadcast %reduce_sum3A_233 : f32 to vector<16xf32>
        %div3A_1013 = arith.divf %add3A_977, %div3A_1012 : vector<16xf32>
        %swap3A_1014 = arith.index_cast %add3A_220 : i32 to index
        %swap3A_1015 = arith.constant 112 : index
        %swap3A_1016 = tpu.vector_load %arg13[%swap3A_1014, %swap3A_1015] {strides = array<i32>} : memref<8x128xf32, #tpu.memory_space<vmem>>, vector<16xf32>,
        tpu.vector_store %arg13[%swap3A_1014, %swap3A_1015], %div3A_1013 {strides = array<i32>} : memref<8x128xf32, #tpu.memory_space<vmem>>, vector<16xf32>,
      }
      %scan3A_108 = arith.constant 8 : i32
      %add3A_109 = arith.constant 4 : i32
      %add3A_110 = arith.addi %add3A_96, %add3A_109 : i32
      %lt3A_111 = arith.constant 128 : i32
      %lt3A_112 = arith.cmpi slt, %add3A_110, %lt3A_111 : i32
      %convert_element_type3A_113 = arith.extui %lt3A_112 : i1 to i32
      %cond3A_114 = arith.constant 0 : i32
      %cond3A_115 = arith.cmpi ne, %convert_element_type3A_113, %cond3A_114 : i32
      scf.if %cond3A_115 {
        %add3A_216 = arith.constant 4 : i32
        %add3A_217 = arith.addi %add3A_96, %add3A_216 : i32
        %mul3A_218 = arith.constant 128 : i32
        %mul3A_219 = arith.muli %add3A_217, %mul3A_218 : i32
        %dma_start3A_220 = tpu.memref_slice %arg7[%mul3A_219] : memref<16384xi32, #tpu.memory_space<vmem>> -> memref<128xi32, #tpu.memory_space<vmem>>
        %dma_start3A_221 = arith.constant 0 : i32
        %dma_start3A_222 = arith.constant 0 : i32
        %dma_start3A_223 = tpu.memref_slice %arg2[%dma_start3A_221, %dma_start3A_222] : memref<32768x128xf32, #tpu.memory_space<hbm>> -> memref<32768x128xf32, #tpu.memory_space<hbm>>
        tpu.enqueue_indirect_dma source(%dma_start3A_223 : memref<32768x128xf32, #tpu.memory_space<hbm>>) target(%arg9 : memref<128x128xf32, #tpu.memory_space<vmem>>) offsets(%dma_start3A_220 : memref<128xi32, #tpu.memory_space<vmem>>) semaphore(%arg17 : memref<!tpu.dma_semaphore, #tpu.memory_space<semaphore_mem>>)
      } else {
      }
      %mul3A_116 = arith.constant 8 : i32
      %mul3A_117 = arith.muli %add3A_96, %mul3A_116 : i32
      %add3A_118 = arith.addi %mul3A_34, %mul3A_117 : i32
      %dma_start3A_119 = arith.constant 0 : i32
      %dma_start3A_120 = tpu.memref_slice %arg5[%add3A_118, %dma_start3A_119] : memref<32768x128xf32, #tpu.memory_space<hbm>> -> memref<8x128xf32, #tpu.memory_space<hbm>>
      %dma_start3A_121 = arith.constant 0 : i32
      %dma_start3A_122 = tpu.memref_slice %arg5[%add3A_118, %dma_start3A_121] : memref<32768x128xf32, #tpu.memory_space<hbm>> -> memref<8x128xf32, #tpu.memory_space<hbm>>
      tpu.enqueue_dma source(%arg13 : memref<8x128xf32, #tpu.memory_space<vmem>>) target(%dma_start3A_122 : memref<8x128xf32, #tpu.memory_space<hbm>>) target_semaphore(%arg21 : memref<!tpu.dma_semaphore, #tpu.memory_space<semaphore_mem>>)
      %add3A_123 = arith.constant 1 : i32
      %add3A_124 = arith.addi %add3A_94, %add3A_123 : i32
      %dma_wait3A_125 = arith.constant 0 : i32
      %dma_wait3A_126 = tpu.memref_slice %arg7[%dma_wait3A_125] : memref<16384xi32, #tpu.memory_space<vmem>> -> memref<128xi32, #tpu.memory_space<vmem>>
      %dma_wait3A_127 = arith.constant 0 : i32
      %dma_wait3A_128 = arith.constant 0 : i32
      %dma_wait3A_129 = tpu.memref_slice %arg2[%dma_wait3A_127, %dma_wait3A_128] : memref<32768x128xf32, #tpu.memory_space<hbm>> -> memref<32768x128xf32, #tpu.memory_space<hbm>>
      tpu.wait_indirect_dma semaphore(%arg18 : memref<!tpu.dma_semaphore, #tpu.memory_space<semaphore_mem>>) src(%dma_wait3A_129 : memref<32768x128xf32, #tpu.memory_space<hbm>>) dst(%arg10 : memref<128x128xf32, #tpu.memory_space<vmem>>)
      %ge3A_130 = arith.constant 4 : i32
      %ge3A_131 = arith.cmpi sge, %add3A_94, %ge3A_130 : i32
      %convert_element_type3A_132 = arith.extui %ge3A_131 : i1 to i32
      %cond3A_133 = arith.constant 0 : i32
      %cond3A_134 = arith.cmpi ne, %convert_element_type3A_132, %cond3A_133 : i32
      scf.if %cond3A_134 {
        %dma_wait3A_216 = arith.constant 0 : i32
        %dma_wait3A_217 = tpu.memref_slice %arg5[%mul3A_34, %dma_wait3A_216] : memref<32768x128xf32, #tpu.memory_space<hbm>> -> memref<8x128xf32, #tpu.memory_space<hbm>>
        %dma_wait3A_218 = arith.constant 0 : i32
        %dma_wait3A_219 = tpu.memref_slice %arg5[%mul3A_34, %dma_wait3A_218] : memref<32768x128xf32, #tpu.memory_space<hbm>> -> memref<8x128xf32, #tpu.memory_space<hbm>>
        tpu.wait_dma2 semaphore(%arg22 : memref<!tpu.dma_semaphore, #tpu.memory_space<semaphore_mem>>) src(%arg14 : memref<8x128xf32, #tpu.memory_space<vmem>>) dst(%dma_wait3A_219 : memref<8x128xf32, #tpu.memory_space<hbm>>)
      } else {
      }
      %scan3A_135 = arith.constant 0 : i32
      %scan3A_136 = arith.constant 8 : i32
      %scan3A_137 = arith.addi %scan3A_135, %scan3A_136 : i32
      %scan3A_138 = arith.constant 1 : i32
      scf.for %scan3A_216 = %scan3A_135 to %scan3A_137 step %scan3A_138  : i32 {
        %mul3A_217 = arith.constant 1 : i32
        %mul3A_218 = arith.muli %scan3A_216, %mul3A_217 : i32
        %add3A_219 = arith.constant 0 : i32
        %add3A_220 = arith.addi %add3A_219, %mul3A_218 : i32
        %mul3A_221 = arith.constant 16 : i32
        %mul3A_222 = arith.muli %add3A_220, %mul3A_221 : i32
        %mul3A_223 = arith.constant 8 : i32
        %mul3A_224 = arith.muli %add3A_124, %mul3A_223 : i32
        %add3A_225 = arith.addi %mul3A_224, %add3A_220 : i32
        %mul3A_226 = arith.constant 16 : i32
        %mul3A_227 = arith.muli %add3A_225, %mul3A_226 : i32
        %get3A = arith.index_cast %mul3A_227 : i32 to index
        %get3A_228 = tpu.vector_load %arg7[%get3A] {strides = array<i32>} : memref<16384xi32, #tpu.memory_space<vmem>>, vector<16xi32>,
        %sub3A_229 = vector.broadcast %mul3A_36 : i32 to vector<16xi32>
        %sub3A_230 = arith.subi %get3A_228, %sub3A_229 : vector<16xi32>
        %gather3A = tpu.vector_load_idx %arg8[%sub3A_230] : memref<8192xf32, #tpu.memory_space<vmem>>[vector<16xi32>], vector<16xf32>,
        %reduce_sum3A = arith.constant true
        %reduce_sum3A_231 = vector.broadcast %reduce_sum3A : i1 to vector<16xi1>
        %reduce_sum3A_232 = tpu.scan <sum>, %gather3A masked %reduce_sum3A_231 : vector<16xf32>, vector<16xi1> -> vector<16xf32>
        %reduce_sum3A_233 = vector.extract %reduce_sum3A_232[15] : f32 from vector<16xf32>
        %get3A_234 = arith.index_cast %mul3A_222 : i32 to index
        %get3A_235 = arith.constant 0 : index
        %get3A_236 = tpu.vector_load %arg10[%get3A_234, %get3A_235] {strides = array<i32>} : memref<128x128xf32, #tpu.memory_space<vmem>>, vector<16xf32>,
        %get3A_237 = arith.index_cast %mul3A_222 : i32 to index
        %get3A_238 = arith.constant 16 : index
        %get3A_239 = tpu.vector_load %arg10[%get3A_237, %get3A_238] {strides = array<i32>} : memref<128x128xf32, #tpu.memory_space<vmem>>, vector<16xf32>,
        %get3A_240 = arith.index_cast %mul3A_222 : i32 to index
        %get3A_241 = arith.constant 32 : index
        %get3A_242 = tpu.vector_load %arg10[%get3A_240, %get3A_241] {strides = array<i32>} : memref<128x128xf32, #tpu.memory_space<vmem>>, vector<16xf32>,
        %get3A_243 = arith.index_cast %mul3A_222 : i32 to index
        %get3A_244 = arith.constant 48 : index
        %get3A_245 = tpu.vector_load %arg10[%get3A_243, %get3A_244] {strides = array<i32>} : memref<128x128xf32, #tpu.memory_space<vmem>>, vector<16xf32>,
        %get3A_246 = arith.index_cast %mul3A_222 : i32 to index
        %get3A_247 = arith.constant 64 : index
        %get3A_248 = tpu.vector_load %arg10[%get3A_246, %get3A_247] {strides = array<i32>} : memref<128x128xf32, #tpu.memory_space<vmem>>, vector<16xf32>,
        %get3A_249 = arith.index_cast %mul3A_222 : i32 to index
        %get3A_250 = arith.constant 80 : index
        %get3A_251 = tpu.vector_load %arg10[%get3A_249, %get3A_250] {strides = array<i32>} : memref<128x128xf32, #tpu.memory_space<vmem>>, vector<16xf32>,
        %get3A_252 = arith.index_cast %mul3A_222 : i32 to index
        %get3A_253 = arith.constant 96 : index
        %get3A_254 = tpu.vector_load %arg10[%get3A_252, %get3A_253] {strides = array<i32>} : memref<128x128xf32, #tpu.memory_space<vmem>>, vector<16xf32>,
        %get3A_255 = arith.index_cast %mul3A_222 : i32 to index
        %get3A_256 = arith.constant 112 : index
        %get3A_257 = tpu.vector_load %arg10[%get3A_255, %get3A_256] {strides = array<i32>} : memref<128x128xf32, #tpu.memory_space<vmem>>, vector<16xf32>,
        %add3A_258 = arith.constant 1 : i32
        %add3A_259 = arith.addi %mul3A_222, %add3A_258 : i32
        %get3A_260 = arith.index_cast %add3A_259 : i32 to index
        %get3A_261 = arith.constant 0 : index
        %get3A_262 = tpu.vector_load %arg10[%get3A_260, %get3A_261] {strides = array<i32>} : memref<128x128xf32, #tpu.memory_space<vmem>>, vector<16xf32>,
        %add3A_263 = arith.addf %get3A_236, %get3A_262 : vector<16xf32>
        %add3A_264 = arith.constant 1 : i32
        %add3A_265 = arith.addi %mul3A_222, %add3A_264 : i32
        %get3A_266 = arith.index_cast %add3A_265 : i32 to index
        %get3A_267 = arith.constant 16 : index
        %get3A_268 = tpu.vector_load %arg10[%get3A_266, %get3A_267] {strides = array<i32>} : memref<128x128xf32, #tpu.memory_space<vmem>>, vector<16xf32>,
        %add3A_269 = arith.addf %get3A_239, %get3A_268 : vector<16xf32>
        %add3A_270 = arith.constant 1 : i32
        %add3A_271 = arith.addi %mul3A_222, %add3A_270 : i32
        %get3A_272 = arith.index_cast %add3A_271 : i32 to index
        %get3A_273 = arith.constant 32 : index
        %get3A_274 = tpu.vector_load %arg10[%get3A_272, %get3A_273] {strides = array<i32>} : memref<128x128xf32, #tpu.memory_space<vmem>>, vector<16xf32>,
        %add3A_275 = arith.addf %get3A_242, %get3A_274 : vector<16xf32>
        %add3A_276 = arith.constant 1 : i32
        %add3A_277 = arith.addi %mul3A_222, %add3A_276 : i32
        %get3A_278 = arith.index_cast %add3A_277 : i32 to index
        %get3A_279 = arith.constant 48 : index
        %get3A_280 = tpu.vector_load %arg10[%get3A_278, %get3A_279] {strides = array<i32>} : memref<128x128xf32, #tpu.memory_space<vmem>>, vector<16xf32>,
        %add3A_281 = arith.addf %get3A_245, %get3A_280 : vector<16xf32>
        %add3A_282 = arith.constant 1 : i32
        %add3A_283 = arith.addi %mul3A_222, %add3A_282 : i32
        %get3A_284 = arith.index_cast %add3A_283 : i32 to index
        %get3A_285 = arith.constant 64 : index
        %get3A_286 = tpu.vector_load %arg10[%get3A_284, %get3A_285] {strides = array<i32>} : memref<128x128xf32, #tpu.memory_space<vmem>>, vector<16xf32>,
        %add3A_287 = arith.addf %get3A_248, %get3A_286 : vector<16xf32>
        %add3A_288 = arith.constant 1 : i32
        %add3A_289 = arith.addi %mul3A_222, %add3A_288 : i32
        %get3A_290 = arith.index_cast %add3A_289 : i32 to index
        %get3A_291 = arith.constant 80 : index
        %get3A_292 = tpu.vector_load %arg10[%get3A_290, %get3A_291] {strides = array<i32>} : memref<128x128xf32, #tpu.memory_space<vmem>>, vector<16xf32>,
        %add3A_293 = arith.addf %get3A_251, %get3A_292 : vector<16xf32>
        %add3A_294 = arith.constant 1 : i32
        %add3A_295 = arith.addi %mul3A_222, %add3A_294 : i32
        %get3A_296 = arith.index_cast %add3A_295 : i32 to index
        %get3A_297 = arith.constant 96 : index
        %get3A_298 = tpu.vector_load %arg10[%get3A_296, %get3A_297] {strides = array<i32>} : memref<128x128xf32, #tpu.memory_space<vmem>>, vector<16xf32>,
        %add3A_299 = arith.addf %get3A_254, %get3A_298 : vector<16xf32>
        %add3A_300 = arith.constant 1 : i32
        %add3A_301 = arith.addi %mul3A_222, %add3A_300 : i32
        %get3A_302 = arith.index_cast %add3A_301 : i32 to index
        %get3A_303 = arith.constant 112 : index
        %get3A_304 = tpu.vector_load %arg10[%get3A_302, %get3A_303] {strides = array<i32>} : memref<128x128xf32, #tpu.memory_space<vmem>>, vector<16xf32>,
        %add3A_305 = arith.addf %get3A_257, %get3A_304 : vector<16xf32>
        %add3A_306 = arith.constant 2 : i32
        %add3A_307 = arith.addi %mul3A_222, %add3A_306 : i32
        %get3A_308 = arith.index_cast %add3A_307 : i32 to index
        %get3A_309 = arith.constant 0 : index
        %get3A_310 = tpu.vector_load %arg10[%get3A_308, %get3A_309] {strides = array<i32>} : memref<128x128xf32, #tpu.memory_space<vmem>>, vector<16xf32>,
        %add3A_311 = arith.addf %add3A_263, %get3A_310 : vector<16xf32>
        %add3A_312 = arith.constant 2 : i32
        %add3A_313 = arith.addi %mul3A_222, %add3A_312 : i32
        %get3A_314 = arith.index_cast %add3A_313 : i32 to index
        %get3A_315 = arith.constant 16 : index
        %get3A_316 = tpu.vector_load %arg10[%get3A_314, %get3A_315] {strides = array<i32>} : memref<128x128xf32, #tpu.memory_space<vmem>>, vector<16xf32>,
        %add3A_317 = arith.addf %add3A_269, %get3A_316 : vector<16xf32>
        %add3A_318 = arith.constant 2 : i32
        %add3A_319 = arith.addi %mul3A_222, %add3A_318 : i32
        %get3A_320 = arith.index_cast %add3A_319 : i32 to index
        %get3A_321 = arith.constant 32 : index
        %get3A_322 = tpu.vector_load %arg10[%get3A_320, %get3A_321] {strides = array<i32>} : memref<128x128xf32, #tpu.memory_space<vmem>>, vector<16xf32>,
        %add3A_323 = arith.addf %add3A_275, %get3A_322 : vector<16xf32>
        %add3A_324 = arith.constant 2 : i32
        %add3A_325 = arith.addi %mul3A_222, %add3A_324 : i32
        %get3A_326 = arith.index_cast %add3A_325 : i32 to index
        %get3A_327 = arith.constant 48 : index
        %get3A_328 = tpu.vector_load %arg10[%get3A_326, %get3A_327] {strides = array<i32>} : memref<128x128xf32, #tpu.memory_space<vmem>>, vector<16xf32>,
        %add3A_329 = arith.addf %add3A_281, %get3A_328 : vector<16xf32>
        %add3A_330 = arith.constant 2 : i32
        %add3A_331 = arith.addi %mul3A_222, %add3A_330 : i32
        %get3A_332 = arith.index_cast %add3A_331 : i32 to index
        %get3A_333 = arith.constant 64 : index
        %get3A_334 = tpu.vector_load %arg10[%get3A_332, %get3A_333] {strides = array<i32>} : memref<128x128xf32, #tpu.memory_space<vmem>>, vector<16xf32>,
        %add3A_335 = arith.addf %add3A_287, %get3A_334 : vector<16xf32>
        %add3A_336 = arith.constant 2 : i32
        %add3A_337 = arith.addi %mul3A_222, %add3A_336 : i32
        %get3A_338 = arith.index_cast %add3A_337 : i32 to index
        %get3A_339 = arith.constant 80 : index
        %get3A_340 = tpu.vector_load %arg10[%get3A_338, %get3A_339] {strides = array<i32>} : memref<128x128xf32, #tpu.memory_space<vmem>>, vector<16xf32>,
        %add3A_341 = arith.addf %add3A_293, %get3A_340 : vector<16xf32>
        %add3A_342 = arith.constant 2 : i32
        %add3A_343 = arith.addi %mul3A_222, %add3A_342 : i32
        %get3A_344 = arith.index_cast %add3A_343 : i32 to index
        %get3A_345 = arith.constant 96 : index
        %get3A_346 = tpu.vector_load %arg10[%get3A_344, %get3A_345] {strides = array<i32>} : memref<128x128xf32, #tpu.memory_space<vmem>>, vector<16xf32>,
        %add3A_347 = arith.addf %add3A_299, %get3A_346 : vector<16xf32>
        %add3A_348 = arith.constant 2 : i32
        %add3A_349 = arith.addi %mul3A_222, %add3A_348 : i32
        %get3A_350 = arith.index_cast %add3A_349 : i32 to index
        %get3A_351 = arith.constant 112 : index
        %get3A_352 = tpu.vector_load %arg10[%get3A_350, %get3A_351] {strides = array<i32>} : memref<128x128xf32, #tpu.memory_space<vmem>>, vector<16xf32>,
        %add3A_353 = arith.addf %add3A_305, %get3A_352 : vector<16xf32>
        %add3A_354 = arith.constant 3 : i32
        %add3A_355 = arith.addi %mul3A_222, %add3A_354 : i32
        %get3A_356 = arith.index_cast %add3A_355 : i32 to index
        %get3A_357 = arith.constant 0 : index
        %get3A_358 = tpu.vector_load %arg10[%get3A_356, %get3A_357] {strides = array<i32>} : memref<128x128xf32, #tpu.memory_space<vmem>>, vector<16xf32>,
        %add3A_359 = arith.addf %add3A_311, %get3A_358 : vector<16xf32>
        %add3A_360 = arith.constant 3 : i32
        %add3A_361 = arith.addi %mul3A_222, %add3A_360 : i32
        %get3A_362 = arith.index_cast %add3A_361 : i32 to index
        %get3A_363 = arith.constant 16 : index
        %get3A_364 = tpu.vector_load %arg10[%get3A_362, %get3A_363] {strides = array<i32>} : memref<128x128xf32, #tpu.memory_space<vmem>>, vector<16xf32>,
        %add3A_365 = arith.addf %add3A_317, %get3A_364 : vector<16xf32>
        %add3A_366 = arith.constant 3 : i32
        %add3A_367 = arith.addi %mul3A_222, %add3A_366 : i32
        %get3A_368 = arith.index_cast %add3A_367 : i32 to index
        %get3A_369 = arith.constant 32 : index
        %get3A_370 = tpu.vector_load %arg10[%get3A_368, %get3A_369] {strides = array<i32>} : memref<128x128xf32, #tpu.memory_space<vmem>>, vector<16xf32>,
        %add3A_371 = arith.addf %add3A_323, %get3A_370 : vector<16xf32>
        %add3A_372 = arith.constant 3 : i32
        %add3A_373 = arith.addi %mul3A_222, %add3A_372 : i32
        %get3A_374 = arith.index_cast %add3A_373 : i32 to index
        %get3A_375 = arith.constant 48 : index
        %get3A_376 = tpu.vector_load %arg10[%get3A_374, %get3A_375] {strides = array<i32>} : memref<128x128xf32, #tpu.memory_space<vmem>>, vector<16xf32>,
        %add3A_377 = arith.addf %add3A_329, %get3A_376 : vector<16xf32>
        %add3A_378 = arith.constant 3 : i32
        %add3A_379 = arith.addi %mul3A_222, %add3A_378 : i32
        %get3A_380 = arith.index_cast %add3A_379 : i32 to index
        %get3A_381 = arith.constant 64 : index
        %get3A_382 = tpu.vector_load %arg10[%get3A_380, %get3A_381] {strides = array<i32>} : memref<128x128xf32, #tpu.memory_space<vmem>>, vector<16xf32>,
        %add3A_383 = arith.addf %add3A_335, %get3A_382 : vector<16xf32>
        %add3A_384 = arith.constant 3 : i32
        %add3A_385 = arith.addi %mul3A_222, %add3A_384 : i32
        %get3A_386 = arith.index_cast %add3A_385 : i32 to index
        %get3A_387 = arith.constant 80 : index
        %get3A_388 = tpu.vector_load %arg10[%get3A_386, %get3A_387] {strides = array<i32>} : memref<128x128xf32, #tpu.memory_space<vmem>>, vector<16xf32>,
        %add3A_389 = arith.addf %add3A_341, %get3A_388 : vector<16xf32>
        %add3A_390 = arith.constant 3 : i32
        %add3A_391 = arith.addi %mul3A_222, %add3A_390 : i32
        %get3A_392 = arith.index_cast %add3A_391 : i32 to index
        %get3A_393 = arith.constant 96 : index
        %get3A_394 = tpu.vector_load %arg10[%get3A_392, %get3A_393] {strides = array<i32>} : memref<128x128xf32, #tpu.memory_space<vmem>>, vector<16xf32>,
        %add3A_395 = arith.addf %add3A_347, %get3A_394 : vector<16xf32>
        %add3A_396 = arith.constant 3 : i32
        %add3A_397 = arith.addi %mul3A_222, %add3A_396 : i32
        %get3A_398 = arith.index_cast %add3A_397 : i32 to index
        %get3A_399 = arith.constant 112 : index
        %get3A_400 = tpu.vector_load %arg10[%get3A_398, %get3A_399] {strides = array<i32>} : memref<128x128xf32, #tpu.memory_space<vmem>>, vector<16xf32>,
        %add3A_401 = arith.addf %add3A_353, %get3A_400 : vector<16xf32>
        %add3A_402 = arith.constant 4 : i32
        %add3A_403 = arith.addi %mul3A_222, %add3A_402 : i32
        %get3A_404 = arith.index_cast %add3A_403 : i32 to index
        %get3A_405 = arith.constant 0 : index
        %get3A_406 = tpu.vector_load %arg10[%get3A_404, %get3A_405] {strides = array<i32>} : memref<128x128xf32, #tpu.memory_space<vmem>>, vector<16xf32>,
        %add3A_407 = arith.addf %add3A_359, %get3A_406 : vector<16xf32>
        %add3A_408 = arith.constant 4 : i32
        %add3A_409 = arith.addi %mul3A_222, %add3A_408 : i32
        %get3A_410 = arith.index_cast %add3A_409 : i32 to index
        %get3A_411 = arith.constant 16 : index
        %get3A_412 = tpu.vector_load %arg10[%get3A_410, %get3A_411] {strides = array<i32>} : memref<128x128xf32, #tpu.memory_space<vmem>>, vector<16xf32>,
        %add3A_413 = arith.addf %add3A_365, %get3A_412 : vector<16xf32>
        %add3A_414 = arith.constant 4 : i32
        %add3A_415 = arith.addi %mul3A_222, %add3A_414 : i32
        %get3A_416 = arith.index_cast %add3A_415 : i32 to index
        %get3A_417 = arith.constant 32 : index
        %get3A_418 = tpu.vector_load %arg10[%get3A_416, %get3A_417] {strides = array<i32>} : memref<128x128xf32, #tpu.memory_space<vmem>>, vector<16xf32>,
        %add3A_419 = arith.addf %add3A_371, %get3A_418 : vector<16xf32>
        %add3A_420 = arith.constant 4 : i32
        %add3A_421 = arith.addi %mul3A_222, %add3A_420 : i32
        %get3A_422 = arith.index_cast %add3A_421 : i32 to index
        %get3A_423 = arith.constant 48 : index
        %get3A_424 = tpu.vector_load %arg10[%get3A_422, %get3A_423] {strides = array<i32>} : memref<128x128xf32, #tpu.memory_space<vmem>>, vector<16xf32>,
        %add3A_425 = arith.addf %add3A_377, %get3A_424 : vector<16xf32>
        %add3A_426 = arith.constant 4 : i32
        %add3A_427 = arith.addi %mul3A_222, %add3A_426 : i32
        %get3A_428 = arith.index_cast %add3A_427 : i32 to index
        %get3A_429 = arith.constant 64 : index
        %get3A_430 = tpu.vector_load %arg10[%get3A_428, %get3A_429] {strides = array<i32>} : memref<128x128xf32, #tpu.memory_space<vmem>>, vector<16xf32>,
        %add3A_431 = arith.addf %add3A_383, %get3A_430 : vector<16xf32>
        %add3A_432 = arith.constant 4 : i32
        %add3A_433 = arith.addi %mul3A_222, %add3A_432 : i32
        %get3A_434 = arith.index_cast %add3A_433 : i32 to index
        %get3A_435 = arith.constant 80 : index
        %get3A_436 = tpu.vector_load %arg10[%get3A_434, %get3A_435] {strides = array<i32>} : memref<128x128xf32, #tpu.memory_space<vmem>>, vector<16xf32>,
        %add3A_437 = arith.addf %add3A_389, %get3A_436 : vector<16xf32>
        %add3A_438 = arith.constant 4 : i32
        %add3A_439 = arith.addi %mul3A_222, %add3A_438 : i32
        %get3A_440 = arith.index_cast %add3A_439 : i32 to index
        %get3A_441 = arith.constant 96 : index
        %get3A_442 = tpu.vector_load %arg10[%get3A_440, %get3A_441] {strides = array<i32>} : memref<128x128xf32, #tpu.memory_space<vmem>>, vector<16xf32>,
        %add3A_443 = arith.addf %add3A_395, %get3A_442 : vector<16xf32>
        %add3A_444 = arith.constant 4 : i32
        %add3A_445 = arith.addi %mul3A_222, %add3A_444 : i32
        %get3A_446 = arith.index_cast %add3A_445 : i32 to index
        %get3A_447 = arith.constant 112 : index
        %get3A_448 = tpu.vector_load %arg10[%get3A_446, %get3A_447] {strides = array<i32>} : memref<128x128xf32, #tpu.memory_space<vmem>>, vector<16xf32>,
        %add3A_449 = arith.addf %add3A_401, %get3A_448 : vector<16xf32>
        %add3A_450 = arith.constant 5 : i32
        %add3A_451 = arith.addi %mul3A_222, %add3A_450 : i32
        %get3A_452 = arith.index_cast %add3A_451 : i32 to index
        %get3A_453 = arith.constant 0 : index
        %get3A_454 = tpu.vector_load %arg10[%get3A_452, %get3A_453] {strides = array<i32>} : memref<128x128xf32, #tpu.memory_space<vmem>>, vector<16xf32>,
        %add3A_455 = arith.addf %add3A_407, %get3A_454 : vector<16xf32>
        %add3A_456 = arith.constant 5 : i32
        %add3A_457 = arith.addi %mul3A_222, %add3A_456 : i32
        %get3A_458 = arith.index_cast %add3A_457 : i32 to index
        %get3A_459 = arith.constant 16 : index
        %get3A_460 = tpu.vector_load %arg10[%get3A_458, %get3A_459] {strides = array<i32>} : memref<128x128xf32, #tpu.memory_space<vmem>>, vector<16xf32>,
        %add3A_461 = arith.addf %add3A_413, %get3A_460 : vector<16xf32>
        %add3A_462 = arith.constant 5 : i32
        %add3A_463 = arith.addi %mul3A_222, %add3A_462 : i32
        %get3A_464 = arith.index_cast %add3A_463 : i32 to index
        %get3A_465 = arith.constant 32 : index
        %get3A_466 = tpu.vector_load %arg10[%get3A_464, %get3A_465] {strides = array<i32>} : memref<128x128xf32, #tpu.memory_space<vmem>>, vector<16xf32>,
        %add3A_467 = arith.addf %add3A_419, %get3A_466 : vector<16xf32>
        %add3A_468 = arith.constant 5 : i32
        %add3A_469 = arith.addi %mul3A_222, %add3A_468 : i32
        %get3A_470 = arith.index_cast %add3A_469 : i32 to index
        %get3A_471 = arith.constant 48 : index
        %get3A_472 = tpu.vector_load %arg10[%get3A_470, %get3A_471] {strides = array<i32>} : memref<128x128xf32, #tpu.memory_space<vmem>>, vector<16xf32>,
        %add3A_473 = arith.addf %add3A_425, %get3A_472 : vector<16xf32>
        %add3A_474 = arith.constant 5 : i32
        %add3A_475 = arith.addi %mul3A_222, %add3A_474 : i32
        %get3A_476 = arith.index_cast %add3A_475 : i32 to index
        %get3A_477 = arith.constant 64 : index
        %get3A_478 = tpu.vector_load %arg10[%get3A_476, %get3A_477] {strides = array<i32>} : memref<128x128xf32, #tpu.memory_space<vmem>>, vector<16xf32>,
        %add3A_479 = arith.addf %add3A_431, %get3A_478 : vector<16xf32>
        %add3A_480 = arith.constant 5 : i32
        %add3A_481 = arith.addi %mul3A_222, %add3A_480 : i32
        %get3A_482 = arith.index_cast %add3A_481 : i32 to index
        %get3A_483 = arith.constant 80 : index
        %get3A_484 = tpu.vector_load %arg10[%get3A_482, %get3A_483] {strides = array<i32>} : memref<128x128xf32, #tpu.memory_space<vmem>>, vector<16xf32>,
        %add3A_485 = arith.addf %add3A_437, %get3A_484 : vector<16xf32>
        %add3A_486 = arith.constant 5 : i32
        %add3A_487 = arith.addi %mul3A_222, %add3A_486 : i32
        %get3A_488 = arith.index_cast %add3A_487 : i32 to index
        %get3A_489 = arith.constant 96 : index
        %get3A_490 = tpu.vector_load %arg10[%get3A_488, %get3A_489] {strides = array<i32>} : memref<128x128xf32, #tpu.memory_space<vmem>>, vector<16xf32>,
        %add3A_491 = arith.addf %add3A_443, %get3A_490 : vector<16xf32>
        %add3A_492 = arith.constant 5 : i32
        %add3A_493 = arith.addi %mul3A_222, %add3A_492 : i32
        %get3A_494 = arith.index_cast %add3A_493 : i32 to index
        %get3A_495 = arith.constant 112 : index
        %get3A_496 = tpu.vector_load %arg10[%get3A_494, %get3A_495] {strides = array<i32>} : memref<128x128xf32, #tpu.memory_space<vmem>>, vector<16xf32>,
        %add3A_497 = arith.addf %add3A_449, %get3A_496 : vector<16xf32>
        %add3A_498 = arith.constant 6 : i32
        %add3A_499 = arith.addi %mul3A_222, %add3A_498 : i32
        %get3A_500 = arith.index_cast %add3A_499 : i32 to index
        %get3A_501 = arith.constant 0 : index
        %get3A_502 = tpu.vector_load %arg10[%get3A_500, %get3A_501] {strides = array<i32>} : memref<128x128xf32, #tpu.memory_space<vmem>>, vector<16xf32>,
        %add3A_503 = arith.addf %add3A_455, %get3A_502 : vector<16xf32>
        %add3A_504 = arith.constant 6 : i32
        %add3A_505 = arith.addi %mul3A_222, %add3A_504 : i32
        %get3A_506 = arith.index_cast %add3A_505 : i32 to index
        %get3A_507 = arith.constant 16 : index
        %get3A_508 = tpu.vector_load %arg10[%get3A_506, %get3A_507] {strides = array<i32>} : memref<128x128xf32, #tpu.memory_space<vmem>>, vector<16xf32>,
        %add3A_509 = arith.addf %add3A_461, %get3A_508 : vector<16xf32>
        %add3A_510 = arith.constant 6 : i32
        %add3A_511 = arith.addi %mul3A_222, %add3A_510 : i32
        %get3A_512 = arith.index_cast %add3A_511 : i32 to index
        %get3A_513 = arith.constant 32 : index
        %get3A_514 = tpu.vector_load %arg10[%get3A_512, %get3A_513] {strides = array<i32>} : memref<128x128xf32, #tpu.memory_space<vmem>>, vector<16xf32>,
        %add3A_515 = arith.addf %add3A_467, %get3A_514 : vector<16xf32>
        %add3A_516 = arith.constant 6 : i32
        %add3A_517 = arith.addi %mul3A_222, %add3A_516 : i32
        %get3A_518 = arith.index_cast %add3A_517 : i32 to index
        %get3A_519 = arith.constant 48 : index
        %get3A_520 = tpu.vector_load %arg10[%get3A_518, %get3A_519] {strides = array<i32>} : memref<128x128xf32, #tpu.memory_space<vmem>>, vector<16xf32>,
        %add3A_521 = arith.addf %add3A_473, %get3A_520 : vector<16xf32>
        %add3A_522 = arith.constant 6 : i32
        %add3A_523 = arith.addi %mul3A_222, %add3A_522 : i32
        %get3A_524 = arith.index_cast %add3A_523 : i32 to index
        %get3A_525 = arith.constant 64 : index
        %get3A_526 = tpu.vector_load %arg10[%get3A_524, %get3A_525] {strides = array<i32>} : memref<128x128xf32, #tpu.memory_space<vmem>>, vector<16xf32>,
        %add3A_527 = arith.addf %add3A_479, %get3A_526 : vector<16xf32>
        %add3A_528 = arith.constant 6 : i32
        %add3A_529 = arith.addi %mul3A_222, %add3A_528 : i32
        %get3A_530 = arith.index_cast %add3A_529 : i32 to index
        %get3A_531 = arith.constant 80 : index
        %get3A_532 = tpu.vector_load %arg10[%get3A_530, %get3A_531] {strides = array<i32>} : memref<128x128xf32, #tpu.memory_space<vmem>>, vector<16xf32>,
        %add3A_533 = arith.addf %add3A_485, %get3A_532 : vector<16xf32>
        %add3A_534 = arith.constant 6 : i32
        %add3A_535 = arith.addi %mul3A_222, %add3A_534 : i32
        %get3A_536 = arith.index_cast %add3A_535 : i32 to index
        %get3A_537 = arith.constant 96 : index
        %get3A_538 = tpu.vector_load %arg10[%get3A_536, %get3A_537] {strides = array<i32>} : memref<128x128xf32, #tpu.memory_space<vmem>>, vector<16xf32>,
        %add3A_539 = arith.addf %add3A_491, %get3A_538 : vector<16xf32>
        %add3A_540 = arith.constant 6 : i32
        %add3A_541 = arith.addi %mul3A_222, %add3A_540 : i32
        %get3A_542 = arith.index_cast %add3A_541 : i32 to index
        %get3A_543 = arith.constant 112 : index
        %get3A_544 = tpu.vector_load %arg10[%get3A_542, %get3A_543] {strides = array<i32>} : memref<128x128xf32, #tpu.memory_space<vmem>>, vector<16xf32>,
        %add3A_545 = arith.addf %add3A_497, %get3A_544 : vector<16xf32>
        %add3A_546 = arith.constant 7 : i32
        %add3A_547 = arith.addi %mul3A_222, %add3A_546 : i32
        %get3A_548 = arith.index_cast %add3A_547 : i32 to index
        %get3A_549 = arith.constant 0 : index
        %get3A_550 = tpu.vector_load %arg10[%get3A_548, %get3A_549] {strides = array<i32>} : memref<128x128xf32, #tpu.memory_space<vmem>>, vector<16xf32>,
        %add3A_551 = arith.addf %add3A_503, %get3A_550 : vector<16xf32>
        %add3A_552 = arith.constant 7 : i32
        %add3A_553 = arith.addi %mul3A_222, %add3A_552 : i32
        %get3A_554 = arith.index_cast %add3A_553 : i32 to index
        %get3A_555 = arith.constant 16 : index
        %get3A_556 = tpu.vector_load %arg10[%get3A_554, %get3A_555] {strides = array<i32>} : memref<128x128xf32, #tpu.memory_space<vmem>>, vector<16xf32>,
        %add3A_557 = arith.addf %add3A_509, %get3A_556 : vector<16xf32>
        %add3A_558 = arith.constant 7 : i32
        %add3A_559 = arith.addi %mul3A_222, %add3A_558 : i32
        %get3A_560 = arith.index_cast %add3A_559 : i32 to index
        %get3A_561 = arith.constant 32 : index
        %get3A_562 = tpu.vector_load %arg10[%get3A_560, %get3A_561] {strides = array<i32>} : memref<128x128xf32, #tpu.memory_space<vmem>>, vector<16xf32>,
        %add3A_563 = arith.addf %add3A_515, %get3A_562 : vector<16xf32>
        %add3A_564 = arith.constant 7 : i32
        %add3A_565 = arith.addi %mul3A_222, %add3A_564 : i32
        %get3A_566 = arith.index_cast %add3A_565 : i32 to index
        %get3A_567 = arith.constant 48 : index
        %get3A_568 = tpu.vector_load %arg10[%get3A_566, %get3A_567] {strides = array<i32>} : memref<128x128xf32, #tpu.memory_space<vmem>>, vector<16xf32>,
        %add3A_569 = arith.addf %add3A_521, %get3A_568 : vector<16xf32>
        %add3A_570 = arith.constant 7 : i32
        %add3A_571 = arith.addi %mul3A_222, %add3A_570 : i32
        %get3A_572 = arith.index_cast %add3A_571 : i32 to index
        %get3A_573 = arith.constant 64 : index
        %get3A_574 = tpu.vector_load %arg10[%get3A_572, %get3A_573] {strides = array<i32>} : memref<128x128xf32, #tpu.memory_space<vmem>>, vector<16xf32>,
        %add3A_575 = arith.addf %add3A_527, %get3A_574 : vector<16xf32>
        %add3A_576 = arith.constant 7 : i32
        %add3A_577 = arith.addi %mul3A_222, %add3A_576 : i32
        %get3A_578 = arith.index_cast %add3A_577 : i32 to index
        %get3A_579 = arith.constant 80 : index
        %get3A_580 = tpu.vector_load %arg10[%get3A_578, %get3A_579] {strides = array<i32>} : memref<128x128xf32, #tpu.memory_space<vmem>>, vector<16xf32>,
        %add3A_581 = arith.addf %add3A_533, %get3A_580 : vector<16xf32>
        %add3A_582 = arith.constant 7 : i32
        %add3A_583 = arith.addi %mul3A_222, %add3A_582 : i32
        %get3A_584 = arith.index_cast %add3A_583 : i32 to index
        %get3A_585 = arith.constant 96 : index
        %get3A_586 = tpu.vector_load %arg10[%get3A_584, %get3A_585] {strides = array<i32>} : memref<128x128xf32, #tpu.memory_space<vmem>>, vector<16xf32>,
        %add3A_587 = arith.addf %add3A_539, %get3A_586 : vector<16xf32>
        %add3A_588 = arith.constant 7 : i32
        %add3A_589 = arith.addi %mul3A_222, %add3A_588 : i32
        %get3A_590 = arith.index_cast %add3A_589 : i32 to index
        %get3A_591 = arith.constant 112 : index
        %get3A_592 = tpu.vector_load %arg10[%get3A_590, %get3A_591] {strides = array<i32>} : memref<128x128xf32, #tpu.memory_space<vmem>>, vector<16xf32>,
        %add3A_593 = arith.addf %add3A_545, %get3A_592 : vector<16xf32>
        %add3A_594 = arith.constant 8 : i32
        %add3A_595 = arith.addi %mul3A_222, %add3A_594 : i32
        %get3A_596 = arith.index_cast %add3A_595 : i32 to index
        %get3A_597 = arith.constant 0 : index
        %get3A_598 = tpu.vector_load %arg10[%get3A_596, %get3A_597] {strides = array<i32>} : memref<128x128xf32, #tpu.memory_space<vmem>>, vector<16xf32>,
        %add3A_599 = arith.addf %add3A_551, %get3A_598 : vector<16xf32>
        %add3A_600 = arith.constant 8 : i32
        %add3A_601 = arith.addi %mul3A_222, %add3A_600 : i32
        %get3A_602 = arith.index_cast %add3A_601 : i32 to index
        %get3A_603 = arith.constant 16 : index
        %get3A_604 = tpu.vector_load %arg10[%get3A_602, %get3A_603] {strides = array<i32>} : memref<128x128xf32, #tpu.memory_space<vmem>>, vector<16xf32>,
        %add3A_605 = arith.addf %add3A_557, %get3A_604 : vector<16xf32>
        %add3A_606 = arith.constant 8 : i32
        %add3A_607 = arith.addi %mul3A_222, %add3A_606 : i32
        %get3A_608 = arith.index_cast %add3A_607 : i32 to index
        %get3A_609 = arith.constant 32 : index
        %get3A_610 = tpu.vector_load %arg10[%get3A_608, %get3A_609] {strides = array<i32>} : memref<128x128xf32, #tpu.memory_space<vmem>>, vector<16xf32>,
        %add3A_611 = arith.addf %add3A_563, %get3A_610 : vector<16xf32>
        %add3A_612 = arith.constant 8 : i32
        %add3A_613 = arith.addi %mul3A_222, %add3A_612 : i32
        %get3A_614 = arith.index_cast %add3A_613 : i32 to index
        %get3A_615 = arith.constant 48 : index
        %get3A_616 = tpu.vector_load %arg10[%get3A_614, %get3A_615] {strides = array<i32>} : memref<128x128xf32, #tpu.memory_space<vmem>>, vector<16xf32>,
        %add3A_617 = arith.addf %add3A_569, %get3A_616 : vector<16xf32>
        %add3A_618 = arith.constant 8 : i32
        %add3A_619 = arith.addi %mul3A_222, %add3A_618 : i32
        %get3A_620 = arith.index_cast %add3A_619 : i32 to index
        %get3A_621 = arith.constant 64 : index
        %get3A_622 = tpu.vector_load %arg10[%get3A_620, %get3A_621] {strides = array<i32>} : memref<128x128xf32, #tpu.memory_space<vmem>>, vector<16xf32>,
        %add3A_623 = arith.addf %add3A_575, %get3A_622 : vector<16xf32>
        %add3A_624 = arith.constant 8 : i32
        %add3A_625 = arith.addi %mul3A_222, %add3A_624 : i32
        %get3A_626 = arith.index_cast %add3A_625 : i32 to index
        %get3A_627 = arith.constant 80 : index
        %get3A_628 = tpu.vector_load %arg10[%get3A_626, %get3A_627] {strides = array<i32>} : memref<128x128xf32, #tpu.memory_space<vmem>>, vector<16xf32>,
        %add3A_629 = arith.addf %add3A_581, %get3A_628 : vector<16xf32>
        %add3A_630 = arith.constant 8 : i32
        %add3A_631 = arith.addi %mul3A_222, %add3A_630 : i32
        %get3A_632 = arith.index_cast %add3A_631 : i32 to index
        %get3A_633 = arith.constant 96 : index
        %get3A_634 = tpu.vector_load %arg10[%get3A_632, %get3A_633] {strides = array<i32>} : memref<128x128xf32, #tpu.memory_space<vmem>>, vector<16xf32>,
        %add3A_635 = arith.addf %add3A_587, %get3A_634 : vector<16xf32>
        %add3A_636 = arith.constant 8 : i32
        %add3A_637 = arith.addi %mul3A_222, %add3A_636 : i32
        %get3A_638 = arith.index_cast %add3A_637 : i32 to index
        %get3A_639 = arith.constant 112 : index
        %get3A_640 = tpu.vector_load %arg10[%get3A_638, %get3A_639] {strides = array<i32>} : memref<128x128xf32, #tpu.memory_space<vmem>>, vector<16xf32>,
        %add3A_641 = arith.addf %add3A_593, %get3A_640 : vector<16xf32>
        %add3A_642 = arith.constant 9 : i32
        %add3A_643 = arith.addi %mul3A_222, %add3A_642 : i32
        %get3A_644 = arith.index_cast %add3A_643 : i32 to index
        %get3A_645 = arith.constant 0 : index
        %get3A_646 = tpu.vector_load %arg10[%get3A_644, %get3A_645] {strides = array<i32>} : memref<128x128xf32, #tpu.memory_space<vmem>>, vector<16xf32>,
        %add3A_647 = arith.addf %add3A_599, %get3A_646 : vector<16xf32>
        %add3A_648 = arith.constant 9 : i32
        %add3A_649 = arith.addi %mul3A_222, %add3A_648 : i32
        %get3A_650 = arith.index_cast %add3A_649 : i32 to index
        %get3A_651 = arith.constant 16 : index
        %get3A_652 = tpu.vector_load %arg10[%get3A_650, %get3A_651] {strides = array<i32>} : memref<128x128xf32, #tpu.memory_space<vmem>>, vector<16xf32>,
        %add3A_653 = arith.addf %add3A_605, %get3A_652 : vector<16xf32>
        %add3A_654 = arith.constant 9 : i32
        %add3A_655 = arith.addi %mul3A_222, %add3A_654 : i32
        %get3A_656 = arith.index_cast %add3A_655 : i32 to index
        %get3A_657 = arith.constant 32 : index
        %get3A_658 = tpu.vector_load %arg10[%get3A_656, %get3A_657] {strides = array<i32>} : memref<128x128xf32, #tpu.memory_space<vmem>>, vector<16xf32>,
        %add3A_659 = arith.addf %add3A_611, %get3A_658 : vector<16xf32>
        %add3A_660 = arith.constant 9 : i32
        %add3A_661 = arith.addi %mul3A_222, %add3A_660 : i32
        %get3A_662 = arith.index_cast %add3A_661 : i32 to index
        %get3A_663 = arith.constant 48 : index
        %get3A_664 = tpu.vector_load %arg10[%get3A_662, %get3A_663] {strides = array<i32>} : memref<128x128xf32, #tpu.memory_space<vmem>>, vector<16xf32>,
        %add3A_665 = arith.addf %add3A_617, %get3A_664 : vector<16xf32>
        %add3A_666 = arith.constant 9 : i32
        %add3A_667 = arith.addi %mul3A_222, %add3A_666 : i32
        %get3A_668 = arith.index_cast %add3A_667 : i32 to index
        %get3A_669 = arith.constant 64 : index
        %get3A_670 = tpu.vector_load %arg10[%get3A_668, %get3A_669] {strides = array<i32>} : memref<128x128xf32, #tpu.memory_space<vmem>>, vector<16xf32>,
        %add3A_671 = arith.addf %add3A_623, %get3A_670 : vector<16xf32>
        %add3A_672 = arith.constant 9 : i32
        %add3A_673 = arith.addi %mul3A_222, %add3A_672 : i32
        %get3A_674 = arith.index_cast %add3A_673 : i32 to index
        %get3A_675 = arith.constant 80 : index
        %get3A_676 = tpu.vector_load %arg10[%get3A_674, %get3A_675] {strides = array<i32>} : memref<128x128xf32, #tpu.memory_space<vmem>>, vector<16xf32>,
        %add3A_677 = arith.addf %add3A_629, %get3A_676 : vector<16xf32>
        %add3A_678 = arith.constant 9 : i32
        %add3A_679 = arith.addi %mul3A_222, %add3A_678 : i32
        %get3A_680 = arith.index_cast %add3A_679 : i32 to index
        %get3A_681 = arith.constant 96 : index
        %get3A_682 = tpu.vector_load %arg10[%get3A_680, %get3A_681] {strides = array<i32>} : memref<128x128xf32, #tpu.memory_space<vmem>>, vector<16xf32>,
        %add3A_683 = arith.addf %add3A_635, %get3A_682 : vector<16xf32>
        %add3A_684 = arith.constant 9 : i32
        %add3A_685 = arith.addi %mul3A_222, %add3A_684 : i32
        %get3A_686 = arith.index_cast %add3A_685 : i32 to index
        %get3A_687 = arith.constant 112 : index
        %get3A_688 = tpu.vector_load %arg10[%get3A_686, %get3A_687] {strides = array<i32>} : memref<128x128xf32, #tpu.memory_space<vmem>>, vector<16xf32>,
        %add3A_689 = arith.addf %add3A_641, %get3A_688 : vector<16xf32>
        %add3A_690 = arith.constant 10 : i32
        %add3A_691 = arith.addi %mul3A_222, %add3A_690 : i32
        %get3A_692 = arith.index_cast %add3A_691 : i32 to index
        %get3A_693 = arith.constant 0 : index
        %get3A_694 = tpu.vector_load %arg10[%get3A_692, %get3A_693] {strides = array<i32>} : memref<128x128xf32, #tpu.memory_space<vmem>>, vector<16xf32>,
        %add3A_695 = arith.addf %add3A_647, %get3A_694 : vector<16xf32>
        %add3A_696 = arith.constant 10 : i32
        %add3A_697 = arith.addi %mul3A_222, %add3A_696 : i32
        %get3A_698 = arith.index_cast %add3A_697 : i32 to index
        %get3A_699 = arith.constant 16 : index
        %get3A_700 = tpu.vector_load %arg10[%get3A_698, %get3A_699] {strides = array<i32>} : memref<128x128xf32, #tpu.memory_space<vmem>>, vector<16xf32>,
        %add3A_701 = arith.addf %add3A_653, %get3A_700 : vector<16xf32>
        %add3A_702 = arith.constant 10 : i32
        %add3A_703 = arith.addi %mul3A_222, %add3A_702 : i32
        %get3A_704 = arith.index_cast %add3A_703 : i32 to index
        %get3A_705 = arith.constant 32 : index
        %get3A_706 = tpu.vector_load %arg10[%get3A_704, %get3A_705] {strides = array<i32>} : memref<128x128xf32, #tpu.memory_space<vmem>>, vector<16xf32>,
        %add3A_707 = arith.addf %add3A_659, %get3A_706 : vector<16xf32>
        %add3A_708 = arith.constant 10 : i32
        %add3A_709 = arith.addi %mul3A_222, %add3A_708 : i32
        %get3A_710 = arith.index_cast %add3A_709 : i32 to index
        %get3A_711 = arith.constant 48 : index
        %get3A_712 = tpu.vector_load %arg10[%get3A_710, %get3A_711] {strides = array<i32>} : memref<128x128xf32, #tpu.memory_space<vmem>>, vector<16xf32>,
        %add3A_713 = arith.addf %add3A_665, %get3A_712 : vector<16xf32>
        %add3A_714 = arith.constant 10 : i32
        %add3A_715 = arith.addi %mul3A_222, %add3A_714 : i32
        %get3A_716 = arith.index_cast %add3A_715 : i32 to index
        %get3A_717 = arith.constant 64 : index
        %get3A_718 = tpu.vector_load %arg10[%get3A_716, %get3A_717] {strides = array<i32>} : memref<128x128xf32, #tpu.memory_space<vmem>>, vector<16xf32>,
        %add3A_719 = arith.addf %add3A_671, %get3A_718 : vector<16xf32>
        %add3A_720 = arith.constant 10 : i32
        %add3A_721 = arith.addi %mul3A_222, %add3A_720 : i32
        %get3A_722 = arith.index_cast %add3A_721 : i32 to index
        %get3A_723 = arith.constant 80 : index
        %get3A_724 = tpu.vector_load %arg10[%get3A_722, %get3A_723] {strides = array<i32>} : memref<128x128xf32, #tpu.memory_space<vmem>>, vector<16xf32>,
        %add3A_725 = arith.addf %add3A_677, %get3A_724 : vector<16xf32>
        %add3A_726 = arith.constant 10 : i32
        %add3A_727 = arith.addi %mul3A_222, %add3A_726 : i32
        %get3A_728 = arith.index_cast %add3A_727 : i32 to index
        %get3A_729 = arith.constant 96 : index
        %get3A_730 = tpu.vector_load %arg10[%get3A_728, %get3A_729] {strides = array<i32>} : memref<128x128xf32, #tpu.memory_space<vmem>>, vector<16xf32>,
        %add3A_731 = arith.addf %add3A_683, %get3A_730 : vector<16xf32>
        %add3A_732 = arith.constant 10 : i32
        %add3A_733 = arith.addi %mul3A_222, %add3A_732 : i32
        %get3A_734 = arith.index_cast %add3A_733 : i32 to index
        %get3A_735 = arith.constant 112 : index
        %get3A_736 = tpu.vector_load %arg10[%get3A_734, %get3A_735] {strides = array<i32>} : memref<128x128xf32, #tpu.memory_space<vmem>>, vector<16xf32>,
        %add3A_737 = arith.addf %add3A_689, %get3A_736 : vector<16xf32>
        %add3A_738 = arith.constant 11 : i32
        %add3A_739 = arith.addi %mul3A_222, %add3A_738 : i32
        %get3A_740 = arith.index_cast %add3A_739 : i32 to index
        %get3A_741 = arith.constant 0 : index
        %get3A_742 = tpu.vector_load %arg10[%get3A_740, %get3A_741] {strides = array<i32>} : memref<128x128xf32, #tpu.memory_space<vmem>>, vector<16xf32>,
        %add3A_743 = arith.addf %add3A_695, %get3A_742 : vector<16xf32>
        %add3A_744 = arith.constant 11 : i32
        %add3A_745 = arith.addi %mul3A_222, %add3A_744 : i32
        %get3A_746 = arith.index_cast %add3A_745 : i32 to index
        %get3A_747 = arith.constant 16 : index
        %get3A_748 = tpu.vector_load %arg10[%get3A_746, %get3A_747] {strides = array<i32>} : memref<128x128xf32, #tpu.memory_space<vmem>>, vector<16xf32>,
        %add3A_749 = arith.addf %add3A_701, %get3A_748 : vector<16xf32>
        %add3A_750 = arith.constant 11 : i32
        %add3A_751 = arith.addi %mul3A_222, %add3A_750 : i32
        %get3A_752 = arith.index_cast %add3A_751 : i32 to index
        %get3A_753 = arith.constant 32 : index
        %get3A_754 = tpu.vector_load %arg10[%get3A_752, %get3A_753] {strides = array<i32>} : memref<128x128xf32, #tpu.memory_space<vmem>>, vector<16xf32>,
        %add3A_755 = arith.addf %add3A_707, %get3A_754 : vector<16xf32>
        %add3A_756 = arith.constant 11 : i32
        %add3A_757 = arith.addi %mul3A_222, %add3A_756 : i32
        %get3A_758 = arith.index_cast %add3A_757 : i32 to index
        %get3A_759 = arith.constant 48 : index
        %get3A_760 = tpu.vector_load %arg10[%get3A_758, %get3A_759] {strides = array<i32>} : memref<128x128xf32, #tpu.memory_space<vmem>>, vector<16xf32>,
        %add3A_761 = arith.addf %add3A_713, %get3A_760 : vector<16xf32>
        %add3A_762 = arith.constant 11 : i32
        %add3A_763 = arith.addi %mul3A_222, %add3A_762 : i32
        %get3A_764 = arith.index_cast %add3A_763 : i32 to index
        %get3A_765 = arith.constant 64 : index
        %get3A_766 = tpu.vector_load %arg10[%get3A_764, %get3A_765] {strides = array<i32>} : memref<128x128xf32, #tpu.memory_space<vmem>>, vector<16xf32>,
        %add3A_767 = arith.addf %add3A_719, %get3A_766 : vector<16xf32>
        %add3A_768 = arith.constant 11 : i32
        %add3A_769 = arith.addi %mul3A_222, %add3A_768 : i32
        %get3A_770 = arith.index_cast %add3A_769 : i32 to index
        %get3A_771 = arith.constant 80 : index
        %get3A_772 = tpu.vector_load %arg10[%get3A_770, %get3A_771] {strides = array<i32>} : memref<128x128xf32, #tpu.memory_space<vmem>>, vector<16xf32>,
        %add3A_773 = arith.addf %add3A_725, %get3A_772 : vector<16xf32>
        %add3A_774 = arith.constant 11 : i32
        %add3A_775 = arith.addi %mul3A_222, %add3A_774 : i32
        %get3A_776 = arith.index_cast %add3A_775 : i32 to index
        %get3A_777 = arith.constant 96 : index
        %get3A_778 = tpu.vector_load %arg10[%get3A_776, %get3A_777] {strides = array<i32>} : memref<128x128xf32, #tpu.memory_space<vmem>>, vector<16xf32>,
        %add3A_779 = arith.addf %add3A_731, %get3A_778 : vector<16xf32>
        %add3A_780 = arith.constant 11 : i32
        %add3A_781 = arith.addi %mul3A_222, %add3A_780 : i32
        %get3A_782 = arith.index_cast %add3A_781 : i32 to index
        %get3A_783 = arith.constant 112 : index
        %get3A_784 = tpu.vector_load %arg10[%get3A_782, %get3A_783] {strides = array<i32>} : memref<128x128xf32, #tpu.memory_space<vmem>>, vector<16xf32>,
        %add3A_785 = arith.addf %add3A_737, %get3A_784 : vector<16xf32>
        %add3A_786 = arith.constant 12 : i32
        %add3A_787 = arith.addi %mul3A_222, %add3A_786 : i32
        %get3A_788 = arith.index_cast %add3A_787 : i32 to index
        %get3A_789 = arith.constant 0 : index
        %get3A_790 = tpu.vector_load %arg10[%get3A_788, %get3A_789] {strides = array<i32>} : memref<128x128xf32, #tpu.memory_space<vmem>>, vector<16xf32>,
        %add3A_791 = arith.addf %add3A_743, %get3A_790 : vector<16xf32>
        %add3A_792 = arith.constant 12 : i32
        %add3A_793 = arith.addi %mul3A_222, %add3A_792 : i32
        %get3A_794 = arith.index_cast %add3A_793 : i32 to index
        %get3A_795 = arith.constant 16 : index
        %get3A_796 = tpu.vector_load %arg10[%get3A_794, %get3A_795] {strides = array<i32>} : memref<128x128xf32, #tpu.memory_space<vmem>>, vector<16xf32>,
        %add3A_797 = arith.addf %add3A_749, %get3A_796 : vector<16xf32>
        %add3A_798 = arith.constant 12 : i32
        %add3A_799 = arith.addi %mul3A_222, %add3A_798 : i32
        %get3A_800 = arith.index_cast %add3A_799 : i32 to index
        %get3A_801 = arith.constant 32 : index
        %get3A_802 = tpu.vector_load %arg10[%get3A_800, %get3A_801] {strides = array<i32>} : memref<128x128xf32, #tpu.memory_space<vmem>>, vector<16xf32>,
        %add3A_803 = arith.addf %add3A_755, %get3A_802 : vector<16xf32>
        %add3A_804 = arith.constant 12 : i32
        %add3A_805 = arith.addi %mul3A_222, %add3A_804 : i32
        %get3A_806 = arith.index_cast %add3A_805 : i32 to index
        %get3A_807 = arith.constant 48 : index
        %get3A_808 = tpu.vector_load %arg10[%get3A_806, %get3A_807] {strides = array<i32>} : memref<128x128xf32, #tpu.memory_space<vmem>>, vector<16xf32>,
        %add3A_809 = arith.addf %add3A_761, %get3A_808 : vector<16xf32>
        %add3A_810 = arith.constant 12 : i32
        %add3A_811 = arith.addi %mul3A_222, %add3A_810 : i32
        %get3A_812 = arith.index_cast %add3A_811 : i32 to index
        %get3A_813 = arith.constant 64 : index
        %get3A_814 = tpu.vector_load %arg10[%get3A_812, %get3A_813] {strides = array<i32>} : memref<128x128xf32, #tpu.memory_space<vmem>>, vector<16xf32>,
        %add3A_815 = arith.addf %add3A_767, %get3A_814 : vector<16xf32>
        %add3A_816 = arith.constant 12 : i32
        %add3A_817 = arith.addi %mul3A_222, %add3A_816 : i32
        %get3A_818 = arith.index_cast %add3A_817 : i32 to index
        %get3A_819 = arith.constant 80 : index
        %get3A_820 = tpu.vector_load %arg10[%get3A_818, %get3A_819] {strides = array<i32>} : memref<128x128xf32, #tpu.memory_space<vmem>>, vector<16xf32>,
        %add3A_821 = arith.addf %add3A_773, %get3A_820 : vector<16xf32>
        %add3A_822 = arith.constant 12 : i32
        %add3A_823 = arith.addi %mul3A_222, %add3A_822 : i32
        %get3A_824 = arith.index_cast %add3A_823 : i32 to index
        %get3A_825 = arith.constant 96 : index
        %get3A_826 = tpu.vector_load %arg10[%get3A_824, %get3A_825] {strides = array<i32>} : memref<128x128xf32, #tpu.memory_space<vmem>>, vector<16xf32>,
        %add3A_827 = arith.addf %add3A_779, %get3A_826 : vector<16xf32>
        %add3A_828 = arith.constant 12 : i32
        %add3A_829 = arith.addi %mul3A_222, %add3A_828 : i32
        %get3A_830 = arith.index_cast %add3A_829 : i32 to index
        %get3A_831 = arith.constant 112 : index
        %get3A_832 = tpu.vector_load %arg10[%get3A_830, %get3A_831] {strides = array<i32>} : memref<128x128xf32, #tpu.memory_space<vmem>>, vector<16xf32>,
        %add3A_833 = arith.addf %add3A_785, %get3A_832 : vector<16xf32>
        %add3A_834 = arith.constant 13 : i32
        %add3A_835 = arith.addi %mul3A_222, %add3A_834 : i32
        %get3A_836 = arith.index_cast %add3A_835 : i32 to index
        %get3A_837 = arith.constant 0 : index
        %get3A_838 = tpu.vector_load %arg10[%get3A_836, %get3A_837] {strides = array<i32>} : memref<128x128xf32, #tpu.memory_space<vmem>>, vector<16xf32>,
        %add3A_839 = arith.addf %add3A_791, %get3A_838 : vector<16xf32>
        %add3A_840 = arith.constant 13 : i32
        %add3A_841 = arith.addi %mul3A_222, %add3A_840 : i32
        %get3A_842 = arith.index_cast %add3A_841 : i32 to index
        %get3A_843 = arith.constant 16 : index
        %get3A_844 = tpu.vector_load %arg10[%get3A_842, %get3A_843] {strides = array<i32>} : memref<128x128xf32, #tpu.memory_space<vmem>>, vector<16xf32>,
        %add3A_845 = arith.addf %add3A_797, %get3A_844 : vector<16xf32>
        %add3A_846 = arith.constant 13 : i32
        %add3A_847 = arith.addi %mul3A_222, %add3A_846 : i32
        %get3A_848 = arith.index_cast %add3A_847 : i32 to index
        %get3A_849 = arith.constant 32 : index
        %get3A_850 = tpu.vector_load %arg10[%get3A_848, %get3A_849] {strides = array<i32>} : memref<128x128xf32, #tpu.memory_space<vmem>>, vector<16xf32>,
        %add3A_851 = arith.addf %add3A_803, %get3A_850 : vector<16xf32>
        %add3A_852 = arith.constant 13 : i32
        %add3A_853 = arith.addi %mul3A_222, %add3A_852 : i32
        %get3A_854 = arith.index_cast %add3A_853 : i32 to index
        %get3A_855 = arith.constant 48 : index
        %get3A_856 = tpu.vector_load %arg10[%get3A_854, %get3A_855] {strides = array<i32>} : memref<128x128xf32, #tpu.memory_space<vmem>>, vector<16xf32>,
        %add3A_857 = arith.addf %add3A_809, %get3A_856 : vector<16xf32>
        %add3A_858 = arith.constant 13 : i32
        %add3A_859 = arith.addi %mul3A_222, %add3A_858 : i32
        %get3A_860 = arith.index_cast %add3A_859 : i32 to index
        %get3A_861 = arith.constant 64 : index
        %get3A_862 = tpu.vector_load %arg10[%get3A_860, %get3A_861] {strides = array<i32>} : memref<128x128xf32, #tpu.memory_space<vmem>>, vector<16xf32>,
        %add3A_863 = arith.addf %add3A_815, %get3A_862 : vector<16xf32>
        %add3A_864 = arith.constant 13 : i32
        %add3A_865 = arith.addi %mul3A_222, %add3A_864 : i32
        %get3A_866 = arith.index_cast %add3A_865 : i32 to index
        %get3A_867 = arith.constant 80 : index
        %get3A_868 = tpu.vector_load %arg10[%get3A_866, %get3A_867] {strides = array<i32>} : memref<128x128xf32, #tpu.memory_space<vmem>>, vector<16xf32>,
        %add3A_869 = arith.addf %add3A_821, %get3A_868 : vector<16xf32>
        %add3A_870 = arith.constant 13 : i32
        %add3A_871 = arith.addi %mul3A_222, %add3A_870 : i32
        %get3A_872 = arith.index_cast %add3A_871 : i32 to index
        %get3A_873 = arith.constant 96 : index
        %get3A_874 = tpu.vector_load %arg10[%get3A_872, %get3A_873] {strides = array<i32>} : memref<128x128xf32, #tpu.memory_space<vmem>>, vector<16xf32>,
        %add3A_875 = arith.addf %add3A_827, %get3A_874 : vector<16xf32>
        %add3A_876 = arith.constant 13 : i32
        %add3A_877 = arith.addi %mul3A_222, %add3A_876 : i32
        %get3A_878 = arith.index_cast %add3A_877 : i32 to index
        %get3A_879 = arith.constant 112 : index
        %get3A_880 = tpu.vector_load %arg10[%get3A_878, %get3A_879] {strides = array<i32>} : memref<128x128xf32, #tpu.memory_space<vmem>>, vector<16xf32>,
        %add3A_881 = arith.addf %add3A_833, %get3A_880 : vector<16xf32>
        %add3A_882 = arith.constant 14 : i32
        %add3A_883 = arith.addi %mul3A_222, %add3A_882 : i32
        %get3A_884 = arith.index_cast %add3A_883 : i32 to index
        %get3A_885 = arith.constant 0 : index
        %get3A_886 = tpu.vector_load %arg10[%get3A_884, %get3A_885] {strides = array<i32>} : memref<128x128xf32, #tpu.memory_space<vmem>>, vector<16xf32>,
        %add3A_887 = arith.addf %add3A_839, %get3A_886 : vector<16xf32>
        %add3A_888 = arith.constant 14 : i32
        %add3A_889 = arith.addi %mul3A_222, %add3A_888 : i32
        %get3A_890 = arith.index_cast %add3A_889 : i32 to index
        %get3A_891 = arith.constant 16 : index
        %get3A_892 = tpu.vector_load %arg10[%get3A_890, %get3A_891] {strides = array<i32>} : memref<128x128xf32, #tpu.memory_space<vmem>>, vector<16xf32>,
        %add3A_893 = arith.addf %add3A_845, %get3A_892 : vector<16xf32>
        %add3A_894 = arith.constant 14 : i32
        %add3A_895 = arith.addi %mul3A_222, %add3A_894 : i32
        %get3A_896 = arith.index_cast %add3A_895 : i32 to index
        %get3A_897 = arith.constant 32 : index
        %get3A_898 = tpu.vector_load %arg10[%get3A_896, %get3A_897] {strides = array<i32>} : memref<128x128xf32, #tpu.memory_space<vmem>>, vector<16xf32>,
        %add3A_899 = arith.addf %add3A_851, %get3A_898 : vector<16xf32>
        %add3A_900 = arith.constant 14 : i32
        %add3A_901 = arith.addi %mul3A_222, %add3A_900 : i32
        %get3A_902 = arith.index_cast %add3A_901 : i32 to index
        %get3A_903 = arith.constant 48 : index
        %get3A_904 = tpu.vector_load %arg10[%get3A_902, %get3A_903] {strides = array<i32>} : memref<128x128xf32, #tpu.memory_space<vmem>>, vector<16xf32>,
        %add3A_905 = arith.addf %add3A_857, %get3A_904 : vector<16xf32>
        %add3A_906 = arith.constant 14 : i32
        %add3A_907 = arith.addi %mul3A_222, %add3A_906 : i32
        %get3A_908 = arith.index_cast %add3A_907 : i32 to index
        %get3A_909 = arith.constant 64 : index
        %get3A_910 = tpu.vector_load %arg10[%get3A_908, %get3A_909] {strides = array<i32>} : memref<128x128xf32, #tpu.memory_space<vmem>>, vector<16xf32>,
        %add3A_911 = arith.addf %add3A_863, %get3A_910 : vector<16xf32>
        %add3A_912 = arith.constant 14 : i32
        %add3A_913 = arith.addi %mul3A_222, %add3A_912 : i32
        %get3A_914 = arith.index_cast %add3A_913 : i32 to index
        %get3A_915 = arith.constant 80 : index
        %get3A_916 = tpu.vector_load %arg10[%get3A_914, %get3A_915] {strides = array<i32>} : memref<128x128xf32, #tpu.memory_space<vmem>>, vector<16xf32>,
        %add3A_917 = arith.addf %add3A_869, %get3A_916 : vector<16xf32>
        %add3A_918 = arith.constant 14 : i32
        %add3A_919 = arith.addi %mul3A_222, %add3A_918 : i32
        %get3A_920 = arith.index_cast %add3A_919 : i32 to index
        %get3A_921 = arith.constant 96 : index
        %get3A_922 = tpu.vector_load %arg10[%get3A_920, %get3A_921] {strides = array<i32>} : memref<128x128xf32, #tpu.memory_space<vmem>>, vector<16xf32>,
        %add3A_923 = arith.addf %add3A_875, %get3A_922 : vector<16xf32>
        %add3A_924 = arith.constant 14 : i32
        %add3A_925 = arith.addi %mul3A_222, %add3A_924 : i32
        %get3A_926 = arith.index_cast %add3A_925 : i32 to index
        %get3A_927 = arith.constant 112 : index
        %get3A_928 = tpu.vector_load %arg10[%get3A_926, %get3A_927] {strides = array<i32>} : memref<128x128xf32, #tpu.memory_space<vmem>>, vector<16xf32>,
        %add3A_929 = arith.addf %add3A_881, %get3A_928 : vector<16xf32>
        %add3A_930 = arith.constant 15 : i32
        %add3A_931 = arith.addi %mul3A_222, %add3A_930 : i32
        %get3A_932 = arith.index_cast %add3A_931 : i32 to index
        %get3A_933 = arith.constant 0 : index
        %get3A_934 = tpu.vector_load %arg10[%get3A_932, %get3A_933] {strides = array<i32>} : memref<128x128xf32, #tpu.memory_space<vmem>>, vector<16xf32>,
        %add3A_935 = arith.addf %add3A_887, %get3A_934 : vector<16xf32>
        %add3A_936 = arith.constant 15 : i32
        %add3A_937 = arith.addi %mul3A_222, %add3A_936 : i32
        %get3A_938 = arith.index_cast %add3A_937 : i32 to index
        %get3A_939 = arith.constant 16 : index
        %get3A_940 = tpu.vector_load %arg10[%get3A_938, %get3A_939] {strides = array<i32>} : memref<128x128xf32, #tpu.memory_space<vmem>>, vector<16xf32>,
        %add3A_941 = arith.addf %add3A_893, %get3A_940 : vector<16xf32>
        %add3A_942 = arith.constant 15 : i32
        %add3A_943 = arith.addi %mul3A_222, %add3A_942 : i32
        %get3A_944 = arith.index_cast %add3A_943 : i32 to index
        %get3A_945 = arith.constant 32 : index
        %get3A_946 = tpu.vector_load %arg10[%get3A_944, %get3A_945] {strides = array<i32>} : memref<128x128xf32, #tpu.memory_space<vmem>>, vector<16xf32>,
        %add3A_947 = arith.addf %add3A_899, %get3A_946 : vector<16xf32>
        %add3A_948 = arith.constant 15 : i32
        %add3A_949 = arith.addi %mul3A_222, %add3A_948 : i32
        %get3A_950 = arith.index_cast %add3A_949 : i32 to index
        %get3A_951 = arith.constant 48 : index
        %get3A_952 = tpu.vector_load %arg10[%get3A_950, %get3A_951] {strides = array<i32>} : memref<128x128xf32, #tpu.memory_space<vmem>>, vector<16xf32>,
        %add3A_953 = arith.addf %add3A_905, %get3A_952 : vector<16xf32>
        %add3A_954 = arith.constant 15 : i32
        %add3A_955 = arith.addi %mul3A_222, %add3A_954 : i32
        %get3A_956 = arith.index_cast %add3A_955 : i32 to index
        %get3A_957 = arith.constant 64 : index
        %get3A_958 = tpu.vector_load %arg10[%get3A_956, %get3A_957] {strides = array<i32>} : memref<128x128xf32, #tpu.memory_space<vmem>>, vector<16xf32>,
        %add3A_959 = arith.addf %add3A_911, %get3A_958 : vector<16xf32>
        %add3A_960 = arith.constant 15 : i32
        %add3A_961 = arith.addi %mul3A_222, %add3A_960 : i32
        %get3A_962 = arith.index_cast %add3A_961 : i32 to index
        %get3A_963 = arith.constant 80 : index
        %get3A_964 = tpu.vector_load %arg10[%get3A_962, %get3A_963] {strides = array<i32>} : memref<128x128xf32, #tpu.memory_space<vmem>>, vector<16xf32>,
        %add3A_965 = arith.addf %add3A_917, %get3A_964 : vector<16xf32>
        %add3A_966 = arith.constant 15 : i32
        %add3A_967 = arith.addi %mul3A_222, %add3A_966 : i32
        %get3A_968 = arith.index_cast %add3A_967 : i32 to index
        %get3A_969 = arith.constant 96 : index
        %get3A_970 = tpu.vector_load %arg10[%get3A_968, %get3A_969] {strides = array<i32>} : memref<128x128xf32, #tpu.memory_space<vmem>>, vector<16xf32>,
        %add3A_971 = arith.addf %add3A_923, %get3A_970 : vector<16xf32>
        %add3A_972 = arith.constant 15 : i32
        %add3A_973 = arith.addi %mul3A_222, %add3A_972 : i32
        %get3A_974 = arith.index_cast %add3A_973 : i32 to index
        %get3A_975 = arith.constant 112 : index
        %get3A_976 = tpu.vector_load %arg10[%get3A_974, %get3A_975] {strides = array<i32>} : memref<128x128xf32, #tpu.memory_space<vmem>>, vector<16xf32>,
        %add3A_977 = arith.addf %add3A_929, %get3A_976 : vector<16xf32>
        %div3A_978 = vector.broadcast %reduce_sum3A_233 : f32 to vector<16xf32>
        %div3A_979 = arith.divf %add3A_935, %div3A_978 : vector<16xf32>
        %swap3A = arith.index_cast %add3A_220 : i32 to index
        %swap3A_980 = arith.constant 0 : index
        %swap3A_981 = tpu.vector_load %arg14[%swap3A, %swap3A_980] {strides = array<i32>} : memref<8x128xf32, #tpu.memory_space<vmem>>, vector<16xf32>,
        tpu.vector_store %arg14[%swap3A, %swap3A_980], %div3A_979 {strides = array<i32>} : memref<8x128xf32, #tpu.memory_space<vmem>>, vector<16xf32>,
        %div3A_982 = vector.broadcast %reduce_sum3A_233 : f32 to vector<16xf32>
        %div3A_983 = arith.divf %add3A_941, %div3A_982 : vector<16xf32>
        %swap3A_984 = arith.index_cast %add3A_220 : i32 to index
        %swap3A_985 = arith.constant 16 : index
        %swap3A_986 = tpu.vector_load %arg14[%swap3A_984, %swap3A_985] {strides = array<i32>} : memref<8x128xf32, #tpu.memory_space<vmem>>, vector<16xf32>,
        tpu.vector_store %arg14[%swap3A_984, %swap3A_985], %div3A_983 {strides = array<i32>} : memref<8x128xf32, #tpu.memory_space<vmem>>, vector<16xf32>,
        %div3A_987 = vector.broadcast %reduce_sum3A_233 : f32 to vector<16xf32>
        %div3A_988 = arith.divf %add3A_947, %div3A_987 : vector<16xf32>
        %swap3A_989 = arith.index_cast %add3A_220 : i32 to index
        %swap3A_990 = arith.constant 32 : index
        %swap3A_991 = tpu.vector_load %arg14[%swap3A_989, %swap3A_990] {strides = array<i32>} : memref<8x128xf32, #tpu.memory_space<vmem>>, vector<16xf32>,
        tpu.vector_store %arg14[%swap3A_989, %swap3A_990], %div3A_988 {strides = array<i32>} : memref<8x128xf32, #tpu.memory_space<vmem>>, vector<16xf32>,
        %div3A_992 = vector.broadcast %reduce_sum3A_233 : f32 to vector<16xf32>
        %div3A_993 = arith.divf %add3A_953, %div3A_992 : vector<16xf32>
        %swap3A_994 = arith.index_cast %add3A_220 : i32 to index
        %swap3A_995 = arith.constant 48 : index
        %swap3A_996 = tpu.vector_load %arg14[%swap3A_994, %swap3A_995] {strides = array<i32>} : memref<8x128xf32, #tpu.memory_space<vmem>>, vector<16xf32>,
        tpu.vector_store %arg14[%swap3A_994, %swap3A_995], %div3A_993 {strides = array<i32>} : memref<8x128xf32, #tpu.memory_space<vmem>>, vector<16xf32>,
        %div3A_997 = vector.broadcast %reduce_sum3A_233 : f32 to vector<16xf32>
        %div3A_998 = arith.divf %add3A_959, %div3A_997 : vector<16xf32>
        %swap3A_999 = arith.index_cast %add3A_220 : i32 to index
        %swap3A_1000 = arith.constant 64 : index
        %swap3A_1001 = tpu.vector_load %arg14[%swap3A_999, %swap3A_1000] {strides = array<i32>} : memref<8x128xf32, #tpu.memory_space<vmem>>, vector<16xf32>,
        tpu.vector_store %arg14[%swap3A_999, %swap3A_1000], %div3A_998 {strides = array<i32>} : memref<8x128xf32, #tpu.memory_space<vmem>>, vector<16xf32>,
        %div3A_1002 = vector.broadcast %reduce_sum3A_233 : f32 to vector<16xf32>
        %div3A_1003 = arith.divf %add3A_965, %div3A_1002 : vector<16xf32>
        %swap3A_1004 = arith.index_cast %add3A_220 : i32 to index
        %swap3A_1005 = arith.constant 80 : index
        %swap3A_1006 = tpu.vector_load %arg14[%swap3A_1004, %swap3A_1005] {strides = array<i32>} : memref<8x128xf32, #tpu.memory_space<vmem>>, vector<16xf32>,
        tpu.vector_store %arg14[%swap3A_1004, %swap3A_1005], %div3A_1003 {strides = array<i32>} : memref<8x128xf32, #tpu.memory_space<vmem>>, vector<16xf32>,
        %div3A_1007 = vector.broadcast %reduce_sum3A_233 : f32 to vector<16xf32>
        %div3A_1008 = arith.divf %add3A_971, %div3A_1007 : vector<16xf32>
        %swap3A_1009 = arith.index_cast %add3A_220 : i32 to index
        %swap3A_1010 = arith.constant 96 : index
        %swap3A_1011 = tpu.vector_load %arg14[%swap3A_1009, %swap3A_1010] {strides = array<i32>} : memref<8x128xf32, #tpu.memory_space<vmem>>, vector<16xf32>,
        tpu.vector_store %arg14[%swap3A_1009, %swap3A_1010], %div3A_1008 {strides = array<i32>} : memref<8x128xf32, #tpu.memory_space<vmem>>, vector<16xf32>,
        %div3A_1012 = vector.broadcast %reduce_sum3A_233 : f32 to vector<16xf32>
        %div3A_1013 = arith.divf %add3A_977, %div3A_1012 : vector<16xf32>
        %swap3A_1014 = arith.index_cast %add3A_220 : i32 to index
        %swap3A_1015 = arith.constant 112 : index
        %swap3A_1016 = tpu.vector_load %arg14[%swap3A_1014, %swap3A_1015] {strides = array<i32>} : memref<8x128xf32, #tpu.memory_space<vmem>>, vector<16xf32>,
        tpu.vector_store %arg14[%swap3A_1014, %swap3A_1015], %div3A_1013 {strides = array<i32>} : memref<8x128xf32, #tpu.memory_space<vmem>>, vector<16xf32>,
      }
      %scan3A_139 = arith.constant 8 : i32
      %add3A_140 = arith.constant 4 : i32
      %add3A_141 = arith.addi %add3A_124, %add3A_140 : i32
      %lt3A_142 = arith.constant 128 : i32
      %lt3A_143 = arith.cmpi slt, %add3A_141, %lt3A_142 : i32
      %convert_element_type3A_144 = arith.extui %lt3A_143 : i1 to i32
      %cond3A_145 = arith.constant 0 : i32
      %cond3A_146 = arith.cmpi ne, %convert_element_type3A_144, %cond3A_145 : i32
      scf.if %cond3A_146 {
        %add3A_216 = arith.constant 4 : i32
        %add3A_217 = arith.addi %add3A_124, %add3A_216 : i32
        %mul3A_218 = arith.constant 128 : i32
        %mul3A_219 = arith.muli %add3A_217, %mul3A_218 : i32
        %dma_start3A_220 = tpu.memref_slice %arg7[%mul3A_219] : memref<16384xi32, #tpu.memory_space<vmem>> -> memref<128xi32, #tpu.memory_space<vmem>>
        %dma_start3A_221 = arith.constant 0 : i32
        %dma_start3A_222 = arith.constant 0 : i32
        %dma_start3A_223 = tpu.memref_slice %arg2[%dma_start3A_221, %dma_start3A_222] : memref<32768x128xf32, #tpu.memory_space<hbm>> -> memref<32768x128xf32, #tpu.memory_space<hbm>>
        tpu.enqueue_indirect_dma source(%dma_start3A_223 : memref<32768x128xf32, #tpu.memory_space<hbm>>) target(%arg10 : memref<128x128xf32, #tpu.memory_space<vmem>>) offsets(%dma_start3A_220 : memref<128xi32, #tpu.memory_space<vmem>>) semaphore(%arg18 : memref<!tpu.dma_semaphore, #tpu.memory_space<semaphore_mem>>)
      } else {
      }
      %mul3A_147 = arith.constant 8 : i32
      %mul3A_148 = arith.muli %add3A_124, %mul3A_147 : i32
      %add3A_149 = arith.addi %mul3A_34, %mul3A_148 : i32
      %dma_start3A_150 = arith.constant 0 : i32
      %dma_start3A_151 = tpu.memref_slice %arg5[%add3A_149, %dma_start3A_150] : memref<32768x128xf32, #tpu.memory_space<hbm>> -> memref<8x128xf32, #tpu.memory_space<hbm>>
      %dma_start3A_152 = arith.constant 0 : i32
      %dma_start3A_153 = tpu.memref_slice %arg5[%add3A_149, %dma_start3A_152] : memref<32768x128xf32, #tpu.memory_space<hbm>> -> memref<8x128xf32, #tpu.memory_space<hbm>>
      tpu.enqueue_dma source(%arg14 : memref<8x128xf32, #tpu.memory_space<vmem>>) target(%dma_start3A_153 : memref<8x128xf32, #tpu.memory_space<hbm>>) target_semaphore(%arg22 : memref<!tpu.dma_semaphore, #tpu.memory_space<semaphore_mem>>)
      %add3A_154 = arith.constant 2 : i32
      %add3A_155 = arith.addi %add3A_94, %add3A_154 : i32
      %dma_wait3A_156 = arith.constant 0 : i32
      %dma_wait3A_157 = tpu.memref_slice %arg7[%dma_wait3A_156] : memref<16384xi32, #tpu.memory_space<vmem>> -> memref<128xi32, #tpu.memory_space<vmem>>
      %dma_wait3A_158 = arith.constant 0 : i32
      %dma_wait3A_159 = arith.constant 0 : i32
      %dma_wait3A_160 = tpu.memref_slice %arg2[%dma_wait3A_158, %dma_wait3A_159] : memref<32768x128xf32, #tpu.memory_space<hbm>> -> memref<32768x128xf32, #tpu.memory_space<hbm>>
      tpu.wait_indirect_dma semaphore(%arg19 : memref<!tpu.dma_semaphore, #tpu.memory_space<semaphore_mem>>) src(%dma_wait3A_160 : memref<32768x128xf32, #tpu.memory_space<hbm>>) dst(%arg11 : memref<128x128xf32, #tpu.memory_space<vmem>>)
      %ge3A_161 = arith.constant 4 : i32
      %ge3A_162 = arith.cmpi sge, %add3A_94, %ge3A_161 : i32
      %convert_element_type3A_163 = arith.extui %ge3A_162 : i1 to i32
      %cond3A_164 = arith.constant 0 : i32
      %cond3A_165 = arith.cmpi ne, %convert_element_type3A_163, %cond3A_164 : i32
      scf.if %cond3A_165 {
        %dma_wait3A_216 = arith.constant 0 : i32
        %dma_wait3A_217 = tpu.memref_slice %arg5[%mul3A_34, %dma_wait3A_216] : memref<32768x128xf32, #tpu.memory_space<hbm>> -> memref<8x128xf32, #tpu.memory_space<hbm>>
        %dma_wait3A_218 = arith.constant 0 : i32
        %dma_wait3A_219 = tpu.memref_slice %arg5[%mul3A_34, %dma_wait3A_218] : memref<32768x128xf32, #tpu.memory_space<hbm>> -> memref<8x128xf32, #tpu.memory_space<hbm>>
        tpu.wait_dma2 semaphore(%arg23 : memref<!tpu.dma_semaphore, #tpu.memory_space<semaphore_mem>>) src(%arg15 : memref<8x128xf32, #tpu.memory_space<vmem>>) dst(%dma_wait3A_219 : memref<8x128xf32, #tpu.memory_space<hbm>>)
      } else {
      }
      %scan3A_166 = arith.constant 0 : i32
      %scan3A_167 = arith.constant 8 : i32
      %scan3A_168 = arith.addi %scan3A_166, %scan3A_167 : i32
      %scan3A_169 = arith.constant 1 : i32
      scf.for %scan3A_216 = %scan3A_166 to %scan3A_168 step %scan3A_169  : i32 {
        %mul3A_217 = arith.constant 1 : i32
        %mul3A_218 = arith.muli %scan3A_216, %mul3A_217 : i32
        %add3A_219 = arith.constant 0 : i32
        %add3A_220 = arith.addi %add3A_219, %mul3A_218 : i32
        %mul3A_221 = arith.constant 16 : i32
        %mul3A_222 = arith.muli %add3A_220, %mul3A_221 : i32
        %mul3A_223 = arith.constant 8 : i32
        %mul3A_224 = arith.muli %add3A_155, %mul3A_223 : i32
        %add3A_225 = arith.addi %mul3A_224, %add3A_220 : i32
        %mul3A_226 = arith.constant 16 : i32
        %mul3A_227 = arith.muli %add3A_225, %mul3A_226 : i32
        %get3A = arith.index_cast %mul3A_227 : i32 to index
        %get3A_228 = tpu.vector_load %arg7[%get3A] {strides = array<i32>} : memref<16384xi32, #tpu.memory_space<vmem>>, vector<16xi32>,
        %sub3A_229 = vector.broadcast %mul3A_36 : i32 to vector<16xi32>
        %sub3A_230 = arith.subi %get3A_228, %sub3A_229 : vector<16xi32>
        %gather3A = tpu.vector_load_idx %arg8[%sub3A_230] : memref<8192xf32, #tpu.memory_space<vmem>>[vector<16xi32>], vector<16xf32>,
        %reduce_sum3A = arith.constant true
        %reduce_sum3A_231 = vector.broadcast %reduce_sum3A : i1 to vector<16xi1>
        %reduce_sum3A_232 = tpu.scan <sum>, %gather3A masked %reduce_sum3A_231 : vector<16xf32>, vector<16xi1> -> vector<16xf32>
        %reduce_sum3A_233 = vector.extract %reduce_sum3A_232[15] : f32 from vector<16xf32>
        %get3A_234 = arith.index_cast %mul3A_222 : i32 to index
        %get3A_235 = arith.constant 0 : index
        %get3A_236 = tpu.vector_load %arg11[%get3A_234, %get3A_235] {strides = array<i32>} : memref<128x128xf32, #tpu.memory_space<vmem>>, vector<16xf32>,
        %get3A_237 = arith.index_cast %mul3A_222 : i32 to index
        %get3A_238 = arith.constant 16 : index
        %get3A_239 = tpu.vector_load %arg11[%get3A_237, %get3A_238] {strides = array<i32>} : memref<128x128xf32, #tpu.memory_space<vmem>>, vector<16xf32>,
        %get3A_240 = arith.index_cast %mul3A_222 : i32 to index
        %get3A_241 = arith.constant 32 : index
        %get3A_242 = tpu.vector_load %arg11[%get3A_240, %get3A_241] {strides = array<i32>} : memref<128x128xf32, #tpu.memory_space<vmem>>, vector<16xf32>,
        %get3A_243 = arith.index_cast %mul3A_222 : i32 to index
        %get3A_244 = arith.constant 48 : index
        %get3A_245 = tpu.vector_load %arg11[%get3A_243, %get3A_244] {strides = array<i32>} : memref<128x128xf32, #tpu.memory_space<vmem>>, vector<16xf32>,
        %get3A_246 = arith.index_cast %mul3A_222 : i32 to index
        %get3A_247 = arith.constant 64 : index
        %get3A_248 = tpu.vector_load %arg11[%get3A_246, %get3A_247] {strides = array<i32>} : memref<128x128xf32, #tpu.memory_space<vmem>>, vector<16xf32>,
        %get3A_249 = arith.index_cast %mul3A_222 : i32 to index
        %get3A_250 = arith.constant 80 : index
        %get3A_251 = tpu.vector_load %arg11[%get3A_249, %get3A_250] {strides = array<i32>} : memref<128x128xf32, #tpu.memory_space<vmem>>, vector<16xf32>,
        %get3A_252 = arith.index_cast %mul3A_222 : i32 to index
        %get3A_253 = arith.constant 96 : index
        %get3A_254 = tpu.vector_load %arg11[%get3A_252, %get3A_253] {strides = array<i32>} : memref<128x128xf32, #tpu.memory_space<vmem>>, vector<16xf32>,
        %get3A_255 = arith.index_cast %mul3A_222 : i32 to index
        %get3A_256 = arith.constant 112 : index
        %get3A_257 = tpu.vector_load %arg11[%get3A_255, %get3A_256] {strides = array<i32>} : memref<128x128xf32, #tpu.memory_space<vmem>>, vector<16xf32>,
        %add3A_258 = arith.constant 1 : i32
        %add3A_259 = arith.addi %mul3A_222, %add3A_258 : i32
        %get3A_260 = arith.index_cast %add3A_259 : i32 to index
        %get3A_261 = arith.constant 0 : index
        %get3A_262 = tpu.vector_load %arg11[%get3A_260, %get3A_261] {strides = array<i32>} : memref<128x128xf32, #tpu.memory_space<vmem>>, vector<16xf32>,
        %add3A_263 = arith.addf %get3A_236, %get3A_262 : vector<16xf32>
        %add3A_264 = arith.constant 1 : i32
        %add3A_265 = arith.addi %mul3A_222, %add3A_264 : i32
        %get3A_266 = arith.index_cast %add3A_265 : i32 to index
        %get3A_267 = arith.constant 16 : index
        %get3A_268 = tpu.vector_load %arg11[%get3A_266, %get3A_267] {strides = array<i32>} : memref<128x128xf32, #tpu.memory_space<vmem>>, vector<16xf32>,
        %add3A_269 = arith.addf %get3A_239, %get3A_268 : vector<16xf32>
        %add3A_270 = arith.constant 1 : i32
        %add3A_271 = arith.addi %mul3A_222, %add3A_270 : i32
        %get3A_272 = arith.index_cast %add3A_271 : i32 to index
        %get3A_273 = arith.constant 32 : index
        %get3A_274 = tpu.vector_load %arg11[%get3A_272, %get3A_273] {strides = array<i32>} : memref<128x128xf32, #tpu.memory_space<vmem>>, vector<16xf32>,
        %add3A_275 = arith.addf %get3A_242, %get3A_274 : vector<16xf32>
        %add3A_276 = arith.constant 1 : i32
        %add3A_277 = arith.addi %mul3A_222, %add3A_276 : i32
        %get3A_278 = arith.index_cast %add3A_277 : i32 to index
        %get3A_279 = arith.constant 48 : index
        %get3A_280 = tpu.vector_load %arg11[%get3A_278, %get3A_279] {strides = array<i32>} : memref<128x128xf32, #tpu.memory_space<vmem>>, vector<16xf32>,
        %add3A_281 = arith.addf %get3A_245, %get3A_280 : vector<16xf32>
        %add3A_282 = arith.constant 1 : i32
        %add3A_283 = arith.addi %mul3A_222, %add3A_282 : i32
        %get3A_284 = arith.index_cast %add3A_283 : i32 to index
        %get3A_285 = arith.constant 64 : index
        %get3A_286 = tpu.vector_load %arg11[%get3A_284, %get3A_285] {strides = array<i32>} : memref<128x128xf32, #tpu.memory_space<vmem>>, vector<16xf32>,
        %add3A_287 = arith.addf %get3A_248, %get3A_286 : vector<16xf32>
        %add3A_288 = arith.constant 1 : i32
        %add3A_289 = arith.addi %mul3A_222, %add3A_288 : i32
        %get3A_290 = arith.index_cast %add3A_289 : i32 to index
        %get3A_291 = arith.constant 80 : index
        %get3A_292 = tpu.vector_load %arg11[%get3A_290, %get3A_291] {strides = array<i32>} : memref<128x128xf32, #tpu.memory_space<vmem>>, vector<16xf32>,
        %add3A_293 = arith.addf %get3A_251, %get3A_292 : vector<16xf32>
        %add3A_294 = arith.constant 1 : i32
        %add3A_295 = arith.addi %mul3A_222, %add3A_294 : i32
        %get3A_296 = arith.index_cast %add3A_295 : i32 to index
        %get3A_297 = arith.constant 96 : index
        %get3A_298 = tpu.vector_load %arg11[%get3A_296, %get3A_297] {strides = array<i32>} : memref<128x128xf32, #tpu.memory_space<vmem>>, vector<16xf32>,
        %add3A_299 = arith.addf %get3A_254, %get3A_298 : vector<16xf32>
        %add3A_300 = arith.constant 1 : i32
        %add3A_301 = arith.addi %mul3A_222, %add3A_300 : i32
        %get3A_302 = arith.index_cast %add3A_301 : i32 to index
        %get3A_303 = arith.constant 112 : index
        %get3A_304 = tpu.vector_load %arg11[%get3A_302, %get3A_303] {strides = array<i32>} : memref<128x128xf32, #tpu.memory_space<vmem>>, vector<16xf32>,
        %add3A_305 = arith.addf %get3A_257, %get3A_304 : vector<16xf32>
        %add3A_306 = arith.constant 2 : i32
        %add3A_307 = arith.addi %mul3A_222, %add3A_306 : i32
        %get3A_308 = arith.index_cast %add3A_307 : i32 to index
        %get3A_309 = arith.constant 0 : index
        %get3A_310 = tpu.vector_load %arg11[%get3A_308, %get3A_309] {strides = array<i32>} : memref<128x128xf32, #tpu.memory_space<vmem>>, vector<16xf32>,
        %add3A_311 = arith.addf %add3A_263, %get3A_310 : vector<16xf32>
        %add3A_312 = arith.constant 2 : i32
        %add3A_313 = arith.addi %mul3A_222, %add3A_312 : i32
        %get3A_314 = arith.index_cast %add3A_313 : i32 to index
        %get3A_315 = arith.constant 16 : index
        %get3A_316 = tpu.vector_load %arg11[%get3A_314, %get3A_315] {strides = array<i32>} : memref<128x128xf32, #tpu.memory_space<vmem>>, vector<16xf32>,
        %add3A_317 = arith.addf %add3A_269, %get3A_316 : vector<16xf32>
        %add3A_318 = arith.constant 2 : i32
        %add3A_319 = arith.addi %mul3A_222, %add3A_318 : i32
        %get3A_320 = arith.index_cast %add3A_319 : i32 to index
        %get3A_321 = arith.constant 32 : index
        %get3A_322 = tpu.vector_load %arg11[%get3A_320, %get3A_321] {strides = array<i32>} : memref<128x128xf32, #tpu.memory_space<vmem>>, vector<16xf32>,
        %add3A_323 = arith.addf %add3A_275, %get3A_322 : vector<16xf32>
        %add3A_324 = arith.constant 2 : i32
        %add3A_325 = arith.addi %mul3A_222, %add3A_324 : i32
        %get3A_326 = arith.index_cast %add3A_325 : i32 to index
        %get3A_327 = arith.constant 48 : index
        %get3A_328 = tpu.vector_load %arg11[%get3A_326, %get3A_327] {strides = array<i32>} : memref<128x128xf32, #tpu.memory_space<vmem>>, vector<16xf32>,
        %add3A_329 = arith.addf %add3A_281, %get3A_328 : vector<16xf32>
        %add3A_330 = arith.constant 2 : i32
        %add3A_331 = arith.addi %mul3A_222, %add3A_330 : i32
        %get3A_332 = arith.index_cast %add3A_331 : i32 to index
        %get3A_333 = arith.constant 64 : index
        %get3A_334 = tpu.vector_load %arg11[%get3A_332, %get3A_333] {strides = array<i32>} : memref<128x128xf32, #tpu.memory_space<vmem>>, vector<16xf32>,
        %add3A_335 = arith.addf %add3A_287, %get3A_334 : vector<16xf32>
        %add3A_336 = arith.constant 2 : i32
        %add3A_337 = arith.addi %mul3A_222, %add3A_336 : i32
        %get3A_338 = arith.index_cast %add3A_337 : i32 to index
        %get3A_339 = arith.constant 80 : index
        %get3A_340 = tpu.vector_load %arg11[%get3A_338, %get3A_339] {strides = array<i32>} : memref<128x128xf32, #tpu.memory_space<vmem>>, vector<16xf32>,
        %add3A_341 = arith.addf %add3A_293, %get3A_340 : vector<16xf32>
        %add3A_342 = arith.constant 2 : i32
        %add3A_343 = arith.addi %mul3A_222, %add3A_342 : i32
        %get3A_344 = arith.index_cast %add3A_343 : i32 to index
        %get3A_345 = arith.constant 96 : index
        %get3A_346 = tpu.vector_load %arg11[%get3A_344, %get3A_345] {strides = array<i32>} : memref<128x128xf32, #tpu.memory_space<vmem>>, vector<16xf32>,
        %add3A_347 = arith.addf %add3A_299, %get3A_346 : vector<16xf32>
        %add3A_348 = arith.constant 2 : i32
        %add3A_349 = arith.addi %mul3A_222, %add3A_348 : i32
        %get3A_350 = arith.index_cast %add3A_349 : i32 to index
        %get3A_351 = arith.constant 112 : index
        %get3A_352 = tpu.vector_load %arg11[%get3A_350, %get3A_351] {strides = array<i32>} : memref<128x128xf32, #tpu.memory_space<vmem>>, vector<16xf32>,
        %add3A_353 = arith.addf %add3A_305, %get3A_352 : vector<16xf32>
        %add3A_354 = arith.constant 3 : i32
        %add3A_355 = arith.addi %mul3A_222, %add3A_354 : i32
        %get3A_356 = arith.index_cast %add3A_355 : i32 to index
        %get3A_357 = arith.constant 0 : index
        %get3A_358 = tpu.vector_load %arg11[%get3A_356, %get3A_357] {strides = array<i32>} : memref<128x128xf32, #tpu.memory_space<vmem>>, vector<16xf32>,
        %add3A_359 = arith.addf %add3A_311, %get3A_358 : vector<16xf32>
        %add3A_360 = arith.constant 3 : i32
        %add3A_361 = arith.addi %mul3A_222, %add3A_360 : i32
        %get3A_362 = arith.index_cast %add3A_361 : i32 to index
        %get3A_363 = arith.constant 16 : index
        %get3A_364 = tpu.vector_load %arg11[%get3A_362, %get3A_363] {strides = array<i32>} : memref<128x128xf32, #tpu.memory_space<vmem>>, vector<16xf32>,
        %add3A_365 = arith.addf %add3A_317, %get3A_364 : vector<16xf32>
        %add3A_366 = arith.constant 3 : i32
        %add3A_367 = arith.addi %mul3A_222, %add3A_366 : i32
        %get3A_368 = arith.index_cast %add3A_367 : i32 to index
        %get3A_369 = arith.constant 32 : index
        %get3A_370 = tpu.vector_load %arg11[%get3A_368, %get3A_369] {strides = array<i32>} : memref<128x128xf32, #tpu.memory_space<vmem>>, vector<16xf32>,
        %add3A_371 = arith.addf %add3A_323, %get3A_370 : vector<16xf32>
        %add3A_372 = arith.constant 3 : i32
        %add3A_373 = arith.addi %mul3A_222, %add3A_372 : i32
        %get3A_374 = arith.index_cast %add3A_373 : i32 to index
        %get3A_375 = arith.constant 48 : index
        %get3A_376 = tpu.vector_load %arg11[%get3A_374, %get3A_375] {strides = array<i32>} : memref<128x128xf32, #tpu.memory_space<vmem>>, vector<16xf32>,
        %add3A_377 = arith.addf %add3A_329, %get3A_376 : vector<16xf32>
        %add3A_378 = arith.constant 3 : i32
        %add3A_379 = arith.addi %mul3A_222, %add3A_378 : i32
        %get3A_380 = arith.index_cast %add3A_379 : i32 to index
        %get3A_381 = arith.constant 64 : index
        %get3A_382 = tpu.vector_load %arg11[%get3A_380, %get3A_381] {strides = array<i32>} : memref<128x128xf32, #tpu.memory_space<vmem>>, vector<16xf32>,
        %add3A_383 = arith.addf %add3A_335, %get3A_382 : vector<16xf32>
        %add3A_384 = arith.constant 3 : i32
        %add3A_385 = arith.addi %mul3A_222, %add3A_384 : i32
        %get3A_386 = arith.index_cast %add3A_385 : i32 to index
        %get3A_387 = arith.constant 80 : index
        %get3A_388 = tpu.vector_load %arg11[%get3A_386, %get3A_387] {strides = array<i32>} : memref<128x128xf32, #tpu.memory_space<vmem>>, vector<16xf32>,
        %add3A_389 = arith.addf %add3A_341, %get3A_388 : vector<16xf32>
        %add3A_390 = arith.constant 3 : i32
        %add3A_391 = arith.addi %mul3A_222, %add3A_390 : i32
        %get3A_392 = arith.index_cast %add3A_391 : i32 to index
        %get3A_393 = arith.constant 96 : index
        %get3A_394 = tpu.vector_load %arg11[%get3A_392, %get3A_393] {strides = array<i32>} : memref<128x128xf32, #tpu.memory_space<vmem>>, vector<16xf32>,
        %add3A_395 = arith.addf %add3A_347, %get3A_394 : vector<16xf32>
        %add3A_396 = arith.constant 3 : i32
        %add3A_397 = arith.addi %mul3A_222, %add3A_396 : i32
        %get3A_398 = arith.index_cast %add3A_397 : i32 to index
        %get3A_399 = arith.constant 112 : index
        %get3A_400 = tpu.vector_load %arg11[%get3A_398, %get3A_399] {strides = array<i32>} : memref<128x128xf32, #tpu.memory_space<vmem>>, vector<16xf32>,
        %add3A_401 = arith.addf %add3A_353, %get3A_400 : vector<16xf32>
        %add3A_402 = arith.constant 4 : i32
        %add3A_403 = arith.addi %mul3A_222, %add3A_402 : i32
        %get3A_404 = arith.index_cast %add3A_403 : i32 to index
        %get3A_405 = arith.constant 0 : index
        %get3A_406 = tpu.vector_load %arg11[%get3A_404, %get3A_405] {strides = array<i32>} : memref<128x128xf32, #tpu.memory_space<vmem>>, vector<16xf32>,
        %add3A_407 = arith.addf %add3A_359, %get3A_406 : vector<16xf32>
        %add3A_408 = arith.constant 4 : i32
        %add3A_409 = arith.addi %mul3A_222, %add3A_408 : i32
        %get3A_410 = arith.index_cast %add3A_409 : i32 to index
        %get3A_411 = arith.constant 16 : index
        %get3A_412 = tpu.vector_load %arg11[%get3A_410, %get3A_411] {strides = array<i32>} : memref<128x128xf32, #tpu.memory_space<vmem>>, vector<16xf32>,
        %add3A_413 = arith.addf %add3A_365, %get3A_412 : vector<16xf32>
        %add3A_414 = arith.constant 4 : i32
        %add3A_415 = arith.addi %mul3A_222, %add3A_414 : i32
        %get3A_416 = arith.index_cast %add3A_415 : i32 to index
        %get3A_417 = arith.constant 32 : index
        %get3A_418 = tpu.vector_load %arg11[%get3A_416, %get3A_417] {strides = array<i32>} : memref<128x128xf32, #tpu.memory_space<vmem>>, vector<16xf32>,
        %add3A_419 = arith.addf %add3A_371, %get3A_418 : vector<16xf32>
        %add3A_420 = arith.constant 4 : i32
        %add3A_421 = arith.addi %mul3A_222, %add3A_420 : i32
        %get3A_422 = arith.index_cast %add3A_421 : i32 to index
        %get3A_423 = arith.constant 48 : index
        %get3A_424 = tpu.vector_load %arg11[%get3A_422, %get3A_423] {strides = array<i32>} : memref<128x128xf32, #tpu.memory_space<vmem>>, vector<16xf32>,
        %add3A_425 = arith.addf %add3A_377, %get3A_424 : vector<16xf32>
        %add3A_426 = arith.constant 4 : i32
        %add3A_427 = arith.addi %mul3A_222, %add3A_426 : i32
        %get3A_428 = arith.index_cast %add3A_427 : i32 to index
        %get3A_429 = arith.constant 64 : index
        %get3A_430 = tpu.vector_load %arg11[%get3A_428, %get3A_429] {strides = array<i32>} : memref<128x128xf32, #tpu.memory_space<vmem>>, vector<16xf32>,
        %add3A_431 = arith.addf %add3A_383, %get3A_430 : vector<16xf32>
        %add3A_432 = arith.constant 4 : i32
        %add3A_433 = arith.addi %mul3A_222, %add3A_432 : i32
        %get3A_434 = arith.index_cast %add3A_433 : i32 to index
        %get3A_435 = arith.constant 80 : index
        %get3A_436 = tpu.vector_load %arg11[%get3A_434, %get3A_435] {strides = array<i32>} : memref<128x128xf32, #tpu.memory_space<vmem>>, vector<16xf32>,
        %add3A_437 = arith.addf %add3A_389, %get3A_436 : vector<16xf32>
        %add3A_438 = arith.constant 4 : i32
        %add3A_439 = arith.addi %mul3A_222, %add3A_438 : i32
        %get3A_440 = arith.index_cast %add3A_439 : i32 to index
        %get3A_441 = arith.constant 96 : index
        %get3A_442 = tpu.vector_load %arg11[%get3A_440, %get3A_441] {strides = array<i32>} : memref<128x128xf32, #tpu.memory_space<vmem>>, vector<16xf32>,
        %add3A_443 = arith.addf %add3A_395, %get3A_442 : vector<16xf32>
        %add3A_444 = arith.constant 4 : i32
        %add3A_445 = arith.addi %mul3A_222, %add3A_444 : i32
        %get3A_446 = arith.index_cast %add3A_445 : i32 to index
        %get3A_447 = arith.constant 112 : index
        %get3A_448 = tpu.vector_load %arg11[%get3A_446, %get3A_447] {strides = array<i32>} : memref<128x128xf32, #tpu.memory_space<vmem>>, vector<16xf32>,
        %add3A_449 = arith.addf %add3A_401, %get3A_448 : vector<16xf32>
        %add3A_450 = arith.constant 5 : i32
        %add3A_451 = arith.addi %mul3A_222, %add3A_450 : i32
        %get3A_452 = arith.index_cast %add3A_451 : i32 to index
        %get3A_453 = arith.constant 0 : index
        %get3A_454 = tpu.vector_load %arg11[%get3A_452, %get3A_453] {strides = array<i32>} : memref<128x128xf32, #tpu.memory_space<vmem>>, vector<16xf32>,
        %add3A_455 = arith.addf %add3A_407, %get3A_454 : vector<16xf32>
        %add3A_456 = arith.constant 5 : i32
        %add3A_457 = arith.addi %mul3A_222, %add3A_456 : i32
        %get3A_458 = arith.index_cast %add3A_457 : i32 to index
        %get3A_459 = arith.constant 16 : index
        %get3A_460 = tpu.vector_load %arg11[%get3A_458, %get3A_459] {strides = array<i32>} : memref<128x128xf32, #tpu.memory_space<vmem>>, vector<16xf32>,
        %add3A_461 = arith.addf %add3A_413, %get3A_460 : vector<16xf32>
        %add3A_462 = arith.constant 5 : i32
        %add3A_463 = arith.addi %mul3A_222, %add3A_462 : i32
        %get3A_464 = arith.index_cast %add3A_463 : i32 to index
        %get3A_465 = arith.constant 32 : index
        %get3A_466 = tpu.vector_load %arg11[%get3A_464, %get3A_465] {strides = array<i32>} : memref<128x128xf32, #tpu.memory_space<vmem>>, vector<16xf32>,
        %add3A_467 = arith.addf %add3A_419, %get3A_466 : vector<16xf32>
        %add3A_468 = arith.constant 5 : i32
        %add3A_469 = arith.addi %mul3A_222, %add3A_468 : i32
        %get3A_470 = arith.index_cast %add3A_469 : i32 to index
        %get3A_471 = arith.constant 48 : index
        %get3A_472 = tpu.vector_load %arg11[%get3A_470, %get3A_471] {strides = array<i32>} : memref<128x128xf32, #tpu.memory_space<vmem>>, vector<16xf32>,
        %add3A_473 = arith.addf %add3A_425, %get3A_472 : vector<16xf32>
        %add3A_474 = arith.constant 5 : i32
        %add3A_475 = arith.addi %mul3A_222, %add3A_474 : i32
        %get3A_476 = arith.index_cast %add3A_475 : i32 to index
        %get3A_477 = arith.constant 64 : index
        %get3A_478 = tpu.vector_load %arg11[%get3A_476, %get3A_477] {strides = array<i32>} : memref<128x128xf32, #tpu.memory_space<vmem>>, vector<16xf32>,
        %add3A_479 = arith.addf %add3A_431, %get3A_478 : vector<16xf32>
        %add3A_480 = arith.constant 5 : i32
        %add3A_481 = arith.addi %mul3A_222, %add3A_480 : i32
        %get3A_482 = arith.index_cast %add3A_481 : i32 to index
        %get3A_483 = arith.constant 80 : index
        %get3A_484 = tpu.vector_load %arg11[%get3A_482, %get3A_483] {strides = array<i32>} : memref<128x128xf32, #tpu.memory_space<vmem>>, vector<16xf32>,
        %add3A_485 = arith.addf %add3A_437, %get3A_484 : vector<16xf32>
        %add3A_486 = arith.constant 5 : i32
        %add3A_487 = arith.addi %mul3A_222, %add3A_486 : i32
        %get3A_488 = arith.index_cast %add3A_487 : i32 to index
        %get3A_489 = arith.constant 96 : index
        %get3A_490 = tpu.vector_load %arg11[%get3A_488, %get3A_489] {strides = array<i32>} : memref<128x128xf32, #tpu.memory_space<vmem>>, vector<16xf32>,
        %add3A_491 = arith.addf %add3A_443, %get3A_490 : vector<16xf32>
        %add3A_492 = arith.constant 5 : i32
        %add3A_493 = arith.addi %mul3A_222, %add3A_492 : i32
        %get3A_494 = arith.index_cast %add3A_493 : i32 to index
        %get3A_495 = arith.constant 112 : index
        %get3A_496 = tpu.vector_load %arg11[%get3A_494, %get3A_495] {strides = array<i32>} : memref<128x128xf32, #tpu.memory_space<vmem>>, vector<16xf32>,
        %add3A_497 = arith.addf %add3A_449, %get3A_496 : vector<16xf32>
        %add3A_498 = arith.constant 6 : i32
        %add3A_499 = arith.addi %mul3A_222, %add3A_498 : i32
        %get3A_500 = arith.index_cast %add3A_499 : i32 to index
        %get3A_501 = arith.constant 0 : index
        %get3A_502 = tpu.vector_load %arg11[%get3A_500, %get3A_501] {strides = array<i32>} : memref<128x128xf32, #tpu.memory_space<vmem>>, vector<16xf32>,
        %add3A_503 = arith.addf %add3A_455, %get3A_502 : vector<16xf32>
        %add3A_504 = arith.constant 6 : i32
        %add3A_505 = arith.addi %mul3A_222, %add3A_504 : i32
        %get3A_506 = arith.index_cast %add3A_505 : i32 to index
        %get3A_507 = arith.constant 16 : index
        %get3A_508 = tpu.vector_load %arg11[%get3A_506, %get3A_507] {strides = array<i32>} : memref<128x128xf32, #tpu.memory_space<vmem>>, vector<16xf32>,
        %add3A_509 = arith.addf %add3A_461, %get3A_508 : vector<16xf32>
        %add3A_510 = arith.constant 6 : i32
        %add3A_511 = arith.addi %mul3A_222, %add3A_510 : i32
        %get3A_512 = arith.index_cast %add3A_511 : i32 to index
        %get3A_513 = arith.constant 32 : index
        %get3A_514 = tpu.vector_load %arg11[%get3A_512, %get3A_513] {strides = array<i32>} : memref<128x128xf32, #tpu.memory_space<vmem>>, vector<16xf32>,
        %add3A_515 = arith.addf %add3A_467, %get3A_514 : vector<16xf32>
        %add3A_516 = arith.constant 6 : i32
        %add3A_517 = arith.addi %mul3A_222, %add3A_516 : i32
        %get3A_518 = arith.index_cast %add3A_517 : i32 to index
        %get3A_519 = arith.constant 48 : index
        %get3A_520 = tpu.vector_load %arg11[%get3A_518, %get3A_519] {strides = array<i32>} : memref<128x128xf32, #tpu.memory_space<vmem>>, vector<16xf32>,
        %add3A_521 = arith.addf %add3A_473, %get3A_520 : vector<16xf32>
        %add3A_522 = arith.constant 6 : i32
        %add3A_523 = arith.addi %mul3A_222, %add3A_522 : i32
        %get3A_524 = arith.index_cast %add3A_523 : i32 to index
        %get3A_525 = arith.constant 64 : index
        %get3A_526 = tpu.vector_load %arg11[%get3A_524, %get3A_525] {strides = array<i32>} : memref<128x128xf32, #tpu.memory_space<vmem>>, vector<16xf32>,
        %add3A_527 = arith.addf %add3A_479, %get3A_526 : vector<16xf32>
        %add3A_528 = arith.constant 6 : i32
        %add3A_529 = arith.addi %mul3A_222, %add3A_528 : i32
        %get3A_530 = arith.index_cast %add3A_529 : i32 to index
        %get3A_531 = arith.constant 80 : index
        %get3A_532 = tpu.vector_load %arg11[%get3A_530, %get3A_531] {strides = array<i32>} : memref<128x128xf32, #tpu.memory_space<vmem>>, vector<16xf32>,
        %add3A_533 = arith.addf %add3A_485, %get3A_532 : vector<16xf32>
        %add3A_534 = arith.constant 6 : i32
        %add3A_535 = arith.addi %mul3A_222, %add3A_534 : i32
        %get3A_536 = arith.index_cast %add3A_535 : i32 to index
        %get3A_537 = arith.constant 96 : index
        %get3A_538 = tpu.vector_load %arg11[%get3A_536, %get3A_537] {strides = array<i32>} : memref<128x128xf32, #tpu.memory_space<vmem>>, vector<16xf32>,
        %add3A_539 = arith.addf %add3A_491, %get3A_538 : vector<16xf32>
        %add3A_540 = arith.constant 6 : i32
        %add3A_541 = arith.addi %mul3A_222, %add3A_540 : i32
        %get3A_542 = arith.index_cast %add3A_541 : i32 to index
        %get3A_543 = arith.constant 112 : index
        %get3A_544 = tpu.vector_load %arg11[%get3A_542, %get3A_543] {strides = array<i32>} : memref<128x128xf32, #tpu.memory_space<vmem>>, vector<16xf32>,
        %add3A_545 = arith.addf %add3A_497, %get3A_544 : vector<16xf32>
        %add3A_546 = arith.constant 7 : i32
        %add3A_547 = arith.addi %mul3A_222, %add3A_546 : i32
        %get3A_548 = arith.index_cast %add3A_547 : i32 to index
        %get3A_549 = arith.constant 0 : index
        %get3A_550 = tpu.vector_load %arg11[%get3A_548, %get3A_549] {strides = array<i32>} : memref<128x128xf32, #tpu.memory_space<vmem>>, vector<16xf32>,
        %add3A_551 = arith.addf %add3A_503, %get3A_550 : vector<16xf32>
        %add3A_552 = arith.constant 7 : i32
        %add3A_553 = arith.addi %mul3A_222, %add3A_552 : i32
        %get3A_554 = arith.index_cast %add3A_553 : i32 to index
        %get3A_555 = arith.constant 16 : index
        %get3A_556 = tpu.vector_load %arg11[%get3A_554, %get3A_555] {strides = array<i32>} : memref<128x128xf32, #tpu.memory_space<vmem>>, vector<16xf32>,
        %add3A_557 = arith.addf %add3A_509, %get3A_556 : vector<16xf32>
        %add3A_558 = arith.constant 7 : i32
        %add3A_559 = arith.addi %mul3A_222, %add3A_558 : i32
        %get3A_560 = arith.index_cast %add3A_559 : i32 to index
        %get3A_561 = arith.constant 32 : index
        %get3A_562 = tpu.vector_load %arg11[%get3A_560, %get3A_561] {strides = array<i32>} : memref<128x128xf32, #tpu.memory_space<vmem>>, vector<16xf32>,
        %add3A_563 = arith.addf %add3A_515, %get3A_562 : vector<16xf32>
        %add3A_564 = arith.constant 7 : i32
        %add3A_565 = arith.addi %mul3A_222, %add3A_564 : i32
        %get3A_566 = arith.index_cast %add3A_565 : i32 to index
        %get3A_567 = arith.constant 48 : index
        %get3A_568 = tpu.vector_load %arg11[%get3A_566, %get3A_567] {strides = array<i32>} : memref<128x128xf32, #tpu.memory_space<vmem>>, vector<16xf32>,
        %add3A_569 = arith.addf %add3A_521, %get3A_568 : vector<16xf32>
        %add3A_570 = arith.constant 7 : i32
        %add3A_571 = arith.addi %mul3A_222, %add3A_570 : i32
        %get3A_572 = arith.index_cast %add3A_571 : i32 to index
        %get3A_573 = arith.constant 64 : index
        %get3A_574 = tpu.vector_load %arg11[%get3A_572, %get3A_573] {strides = array<i32>} : memref<128x128xf32, #tpu.memory_space<vmem>>, vector<16xf32>,
        %add3A_575 = arith.addf %add3A_527, %get3A_574 : vector<16xf32>
        %add3A_576 = arith.constant 7 : i32
        %add3A_577 = arith.addi %mul3A_222, %add3A_576 : i32
        %get3A_578 = arith.index_cast %add3A_577 : i32 to index
        %get3A_579 = arith.constant 80 : index
        %get3A_580 = tpu.vector_load %arg11[%get3A_578, %get3A_579] {strides = array<i32>} : memref<128x128xf32, #tpu.memory_space<vmem>>, vector<16xf32>,
        %add3A_581 = arith.addf %add3A_533, %get3A_580 : vector<16xf32>
        %add3A_582 = arith.constant 7 : i32
        %add3A_583 = arith.addi %mul3A_222, %add3A_582 : i32
        %get3A_584 = arith.index_cast %add3A_583 : i32 to index
        %get3A_585 = arith.constant 96 : index
        %get3A_586 = tpu.vector_load %arg11[%get3A_584, %get3A_585] {strides = array<i32>} : memref<128x128xf32, #tpu.memory_space<vmem>>, vector<16xf32>,
        %add3A_587 = arith.addf %add3A_539, %get3A_586 : vector<16xf32>
        %add3A_588 = arith.constant 7 : i32
        %add3A_589 = arith.addi %mul3A_222, %add3A_588 : i32
        %get3A_590 = arith.index_cast %add3A_589 : i32 to index
        %get3A_591 = arith.constant 112 : index
        %get3A_592 = tpu.vector_load %arg11[%get3A_590, %get3A_591] {strides = array<i32>} : memref<128x128xf32, #tpu.memory_space<vmem>>, vector<16xf32>,
        %add3A_593 = arith.addf %add3A_545, %get3A_592 : vector<16xf32>
        %add3A_594 = arith.constant 8 : i32
        %add3A_595 = arith.addi %mul3A_222, %add3A_594 : i32
        %get3A_596 = arith.index_cast %add3A_595 : i32 to index
        %get3A_597 = arith.constant 0 : index
        %get3A_598 = tpu.vector_load %arg11[%get3A_596, %get3A_597] {strides = array<i32>} : memref<128x128xf32, #tpu.memory_space<vmem>>, vector<16xf32>,
        %add3A_599 = arith.addf %add3A_551, %get3A_598 : vector<16xf32>
        %add3A_600 = arith.constant 8 : i32
        %add3A_601 = arith.addi %mul3A_222, %add3A_600 : i32
        %get3A_602 = arith.index_cast %add3A_601 : i32 to index
        %get3A_603 = arith.constant 16 : index
        %get3A_604 = tpu.vector_load %arg11[%get3A_602, %get3A_603] {strides = array<i32>} : memref<128x128xf32, #tpu.memory_space<vmem>>, vector<16xf32>,
        %add3A_605 = arith.addf %add3A_557, %get3A_604 : vector<16xf32>
        %add3A_606 = arith.constant 8 : i32
        %add3A_607 = arith.addi %mul3A_222, %add3A_606 : i32
        %get3A_608 = arith.index_cast %add3A_607 : i32 to index
        %get3A_609 = arith.constant 32 : index
        %get3A_610 = tpu.vector_load %arg11[%get3A_608, %get3A_609] {strides = array<i32>} : memref<128x128xf32, #tpu.memory_space<vmem>>, vector<16xf32>,
        %add3A_611 = arith.addf %add3A_563, %get3A_610 : vector<16xf32>
        %add3A_612 = arith.constant 8 : i32
        %add3A_613 = arith.addi %mul3A_222, %add3A_612 : i32
        %get3A_614 = arith.index_cast %add3A_613 : i32 to index
        %get3A_615 = arith.constant 48 : index
        %get3A_616 = tpu.vector_load %arg11[%get3A_614, %get3A_615] {strides = array<i32>} : memref<128x128xf32, #tpu.memory_space<vmem>>, vector<16xf32>,
        %add3A_617 = arith.addf %add3A_569, %get3A_616 : vector<16xf32>
        %add3A_618 = arith.constant 8 : i32
        %add3A_619 = arith.addi %mul3A_222, %add3A_618 : i32
        %get3A_620 = arith.index_cast %add3A_619 : i32 to index
        %get3A_621 = arith.constant 64 : index
        %get3A_622 = tpu.vector_load %arg11[%get3A_620, %get3A_621] {strides = array<i32>} : memref<128x128xf32, #tpu.memory_space<vmem>>, vector<16xf32>,
        %add3A_623 = arith.addf %add3A_575, %get3A_622 : vector<16xf32>
        %add3A_624 = arith.constant 8 : i32
        %add3A_625 = arith.addi %mul3A_222, %add3A_624 : i32
        %get3A_626 = arith.index_cast %add3A_625 : i32 to index
        %get3A_627 = arith.constant 80 : index
        %get3A_628 = tpu.vector_load %arg11[%get3A_626, %get3A_627] {strides = array<i32>} : memref<128x128xf32, #tpu.memory_space<vmem>>, vector<16xf32>,
        %add3A_629 = arith.addf %add3A_581, %get3A_628 : vector<16xf32>
        %add3A_630 = arith.constant 8 : i32
        %add3A_631 = arith.addi %mul3A_222, %add3A_630 : i32
        %get3A_632 = arith.index_cast %add3A_631 : i32 to index
        %get3A_633 = arith.constant 96 : index
        %get3A_634 = tpu.vector_load %arg11[%get3A_632, %get3A_633] {strides = array<i32>} : memref<128x128xf32, #tpu.memory_space<vmem>>, vector<16xf32>,
        %add3A_635 = arith.addf %add3A_587, %get3A_634 : vector<16xf32>
        %add3A_636 = arith.constant 8 : i32
        %add3A_637 = arith.addi %mul3A_222, %add3A_636 : i32
        %get3A_638 = arith.index_cast %add3A_637 : i32 to index
        %get3A_639 = arith.constant 112 : index
        %get3A_640 = tpu.vector_load %arg11[%get3A_638, %get3A_639] {strides = array<i32>} : memref<128x128xf32, #tpu.memory_space<vmem>>, vector<16xf32>,
        %add3A_641 = arith.addf %add3A_593, %get3A_640 : vector<16xf32>
        %add3A_642 = arith.constant 9 : i32
        %add3A_643 = arith.addi %mul3A_222, %add3A_642 : i32
        %get3A_644 = arith.index_cast %add3A_643 : i32 to index
        %get3A_645 = arith.constant 0 : index
        %get3A_646 = tpu.vector_load %arg11[%get3A_644, %get3A_645] {strides = array<i32>} : memref<128x128xf32, #tpu.memory_space<vmem>>, vector<16xf32>,
        %add3A_647 = arith.addf %add3A_599, %get3A_646 : vector<16xf32>
        %add3A_648 = arith.constant 9 : i32
        %add3A_649 = arith.addi %mul3A_222, %add3A_648 : i32
        %get3A_650 = arith.index_cast %add3A_649 : i32 to index
        %get3A_651 = arith.constant 16 : index
        %get3A_652 = tpu.vector_load %arg11[%get3A_650, %get3A_651] {strides = array<i32>} : memref<128x128xf32, #tpu.memory_space<vmem>>, vector<16xf32>,
        %add3A_653 = arith.addf %add3A_605, %get3A_652 : vector<16xf32>
        %add3A_654 = arith.constant 9 : i32
        %add3A_655 = arith.addi %mul3A_222, %add3A_654 : i32
        %get3A_656 = arith.index_cast %add3A_655 : i32 to index
        %get3A_657 = arith.constant 32 : index
        %get3A_658 = tpu.vector_load %arg11[%get3A_656, %get3A_657] {strides = array<i32>} : memref<128x128xf32, #tpu.memory_space<vmem>>, vector<16xf32>,
        %add3A_659 = arith.addf %add3A_611, %get3A_658 : vector<16xf32>
        %add3A_660 = arith.constant 9 : i32
        %add3A_661 = arith.addi %mul3A_222, %add3A_660 : i32
        %get3A_662 = arith.index_cast %add3A_661 : i32 to index
        %get3A_663 = arith.constant 48 : index
        %get3A_664 = tpu.vector_load %arg11[%get3A_662, %get3A_663] {strides = array<i32>} : memref<128x128xf32, #tpu.memory_space<vmem>>, vector<16xf32>,
        %add3A_665 = arith.addf %add3A_617, %get3A_664 : vector<16xf32>
        %add3A_666 = arith.constant 9 : i32
        %add3A_667 = arith.addi %mul3A_222, %add3A_666 : i32
        %get3A_668 = arith.index_cast %add3A_667 : i32 to index
        %get3A_669 = arith.constant 64 : index
        %get3A_670 = tpu.vector_load %arg11[%get3A_668, %get3A_669] {strides = array<i32>} : memref<128x128xf32, #tpu.memory_space<vmem>>, vector<16xf32>,
        %add3A_671 = arith.addf %add3A_623, %get3A_670 : vector<16xf32>
        %add3A_672 = arith.constant 9 : i32
        %add3A_673 = arith.addi %mul3A_222, %add3A_672 : i32
        %get3A_674 = arith.index_cast %add3A_673 : i32 to index
        %get3A_675 = arith.constant 80 : index
        %get3A_676 = tpu.vector_load %arg11[%get3A_674, %get3A_675] {strides = array<i32>} : memref<128x128xf32, #tpu.memory_space<vmem>>, vector<16xf32>,
        %add3A_677 = arith.addf %add3A_629, %get3A_676 : vector<16xf32>
        %add3A_678 = arith.constant 9 : i32
        %add3A_679 = arith.addi %mul3A_222, %add3A_678 : i32
        %get3A_680 = arith.index_cast %add3A_679 : i32 to index
        %get3A_681 = arith.constant 96 : index
        %get3A_682 = tpu.vector_load %arg11[%get3A_680, %get3A_681] {strides = array<i32>} : memref<128x128xf32, #tpu.memory_space<vmem>>, vector<16xf32>,
        %add3A_683 = arith.addf %add3A_635, %get3A_682 : vector<16xf32>
        %add3A_684 = arith.constant 9 : i32
        %add3A_685 = arith.addi %mul3A_222, %add3A_684 : i32
        %get3A_686 = arith.index_cast %add3A_685 : i32 to index
        %get3A_687 = arith.constant 112 : index
        %get3A_688 = tpu.vector_load %arg11[%get3A_686, %get3A_687] {strides = array<i32>} : memref<128x128xf32, #tpu.memory_space<vmem>>, vector<16xf32>,
        %add3A_689 = arith.addf %add3A_641, %get3A_688 : vector<16xf32>
        %add3A_690 = arith.constant 10 : i32
        %add3A_691 = arith.addi %mul3A_222, %add3A_690 : i32
        %get3A_692 = arith.index_cast %add3A_691 : i32 to index
        %get3A_693 = arith.constant 0 : index
        %get3A_694 = tpu.vector_load %arg11[%get3A_692, %get3A_693] {strides = array<i32>} : memref<128x128xf32, #tpu.memory_space<vmem>>, vector<16xf32>,
        %add3A_695 = arith.addf %add3A_647, %get3A_694 : vector<16xf32>
        %add3A_696 = arith.constant 10 : i32
        %add3A_697 = arith.addi %mul3A_222, %add3A_696 : i32
        %get3A_698 = arith.index_cast %add3A_697 : i32 to index
        %get3A_699 = arith.constant 16 : index
        %get3A_700 = tpu.vector_load %arg11[%get3A_698, %get3A_699] {strides = array<i32>} : memref<128x128xf32, #tpu.memory_space<vmem>>, vector<16xf32>,
        %add3A_701 = arith.addf %add3A_653, %get3A_700 : vector<16xf32>
        %add3A_702 = arith.constant 10 : i32
        %add3A_703 = arith.addi %mul3A_222, %add3A_702 : i32
        %get3A_704 = arith.index_cast %add3A_703 : i32 to index
        %get3A_705 = arith.constant 32 : index
        %get3A_706 = tpu.vector_load %arg11[%get3A_704, %get3A_705] {strides = array<i32>} : memref<128x128xf32, #tpu.memory_space<vmem>>, vector<16xf32>,
        %add3A_707 = arith.addf %add3A_659, %get3A_706 : vector<16xf32>
        %add3A_708 = arith.constant 10 : i32
        %add3A_709 = arith.addi %mul3A_222, %add3A_708 : i32
        %get3A_710 = arith.index_cast %add3A_709 : i32 to index
        %get3A_711 = arith.constant 48 : index
        %get3A_712 = tpu.vector_load %arg11[%get3A_710, %get3A_711] {strides = array<i32>} : memref<128x128xf32, #tpu.memory_space<vmem>>, vector<16xf32>,
        %add3A_713 = arith.addf %add3A_665, %get3A_712 : vector<16xf32>
        %add3A_714 = arith.constant 10 : i32
        %add3A_715 = arith.addi %mul3A_222, %add3A_714 : i32
        %get3A_716 = arith.index_cast %add3A_715 : i32 to index
        %get3A_717 = arith.constant 64 : index
        %get3A_718 = tpu.vector_load %arg11[%get3A_716, %get3A_717] {strides = array<i32>} : memref<128x128xf32, #tpu.memory_space<vmem>>, vector<16xf32>,
        %add3A_719 = arith.addf %add3A_671, %get3A_718 : vector<16xf32>
        %add3A_720 = arith.constant 10 : i32
        %add3A_721 = arith.addi %mul3A_222, %add3A_720 : i32
        %get3A_722 = arith.index_cast %add3A_721 : i32 to index
        %get3A_723 = arith.constant 80 : index
        %get3A_724 = tpu.vector_load %arg11[%get3A_722, %get3A_723] {strides = array<i32>} : memref<128x128xf32, #tpu.memory_space<vmem>>, vector<16xf32>,
        %add3A_725 = arith.addf %add3A_677, %get3A_724 : vector<16xf32>
        %add3A_726 = arith.constant 10 : i32
        %add3A_727 = arith.addi %mul3A_222, %add3A_726 : i32
        %get3A_728 = arith.index_cast %add3A_727 : i32 to index
        %get3A_729 = arith.constant 96 : index
        %get3A_730 = tpu.vector_load %arg11[%get3A_728, %get3A_729] {strides = array<i32>} : memref<128x128xf32, #tpu.memory_space<vmem>>, vector<16xf32>,
        %add3A_731 = arith.addf %add3A_683, %get3A_730 : vector<16xf32>
        %add3A_732 = arith.constant 10 : i32
        %add3A_733 = arith.addi %mul3A_222, %add3A_732 : i32
        %get3A_734 = arith.index_cast %add3A_733 : i32 to index
        %get3A_735 = arith.constant 112 : index
        %get3A_736 = tpu.vector_load %arg11[%get3A_734, %get3A_735] {strides = array<i32>} : memref<128x128xf32, #tpu.memory_space<vmem>>, vector<16xf32>,
        %add3A_737 = arith.addf %add3A_689, %get3A_736 : vector<16xf32>
        %add3A_738 = arith.constant 11 : i32
        %add3A_739 = arith.addi %mul3A_222, %add3A_738 : i32
        %get3A_740 = arith.index_cast %add3A_739 : i32 to index
        %get3A_741 = arith.constant 0 : index
        %get3A_742 = tpu.vector_load %arg11[%get3A_740, %get3A_741] {strides = array<i32>} : memref<128x128xf32, #tpu.memory_space<vmem>>, vector<16xf32>,
        %add3A_743 = arith.addf %add3A_695, %get3A_742 : vector<16xf32>
        %add3A_744 = arith.constant 11 : i32
        %add3A_745 = arith.addi %mul3A_222, %add3A_744 : i32
        %get3A_746 = arith.index_cast %add3A_745 : i32 to index
        %get3A_747 = arith.constant 16 : index
        %get3A_748 = tpu.vector_load %arg11[%get3A_746, %get3A_747] {strides = array<i32>} : memref<128x128xf32, #tpu.memory_space<vmem>>, vector<16xf32>,
        %add3A_749 = arith.addf %add3A_701, %get3A_748 : vector<16xf32>
        %add3A_750 = arith.constant 11 : i32
        %add3A_751 = arith.addi %mul3A_222, %add3A_750 : i32
        %get3A_752 = arith.index_cast %add3A_751 : i32 to index
        %get3A_753 = arith.constant 32 : index
        %get3A_754 = tpu.vector_load %arg11[%get3A_752, %get3A_753] {strides = array<i32>} : memref<128x128xf32, #tpu.memory_space<vmem>>, vector<16xf32>,
        %add3A_755 = arith.addf %add3A_707, %get3A_754 : vector<16xf32>
        %add3A_756 = arith.constant 11 : i32
        %add3A_757 = arith.addi %mul3A_222, %add3A_756 : i32
        %get3A_758 = arith.index_cast %add3A_757 : i32 to index
        %get3A_759 = arith.constant 48 : index
        %get3A_760 = tpu.vector_load %arg11[%get3A_758, %get3A_759] {strides = array<i32>} : memref<128x128xf32, #tpu.memory_space<vmem>>, vector<16xf32>,
        %add3A_761 = arith.addf %add3A_713, %get3A_760 : vector<16xf32>
        %add3A_762 = arith.constant 11 : i32
        %add3A_763 = arith.addi %mul3A_222, %add3A_762 : i32
        %get3A_764 = arith.index_cast %add3A_763 : i32 to index
        %get3A_765 = arith.constant 64 : index
        %get3A_766 = tpu.vector_load %arg11[%get3A_764, %get3A_765] {strides = array<i32>} : memref<128x128xf32, #tpu.memory_space<vmem>>, vector<16xf32>,
        %add3A_767 = arith.addf %add3A_719, %get3A_766 : vector<16xf32>
        %add3A_768 = arith.constant 11 : i32
        %add3A_769 = arith.addi %mul3A_222, %add3A_768 : i32
        %get3A_770 = arith.index_cast %add3A_769 : i32 to index
        %get3A_771 = arith.constant 80 : index
        %get3A_772 = tpu.vector_load %arg11[%get3A_770, %get3A_771] {strides = array<i32>} : memref<128x128xf32, #tpu.memory_space<vmem>>, vector<16xf32>,
        %add3A_773 = arith.addf %add3A_725, %get3A_772 : vector<16xf32>
        %add3A_774 = arith.constant 11 : i32
        %add3A_775 = arith.addi %mul3A_222, %add3A_774 : i32
        %get3A_776 = arith.index_cast %add3A_775 : i32 to index
        %get3A_777 = arith.constant 96 : index
        %get3A_778 = tpu.vector_load %arg11[%get3A_776, %get3A_777] {strides = array<i32>} : memref<128x128xf32, #tpu.memory_space<vmem>>, vector<16xf32>,
        %add3A_779 = arith.addf %add3A_731, %get3A_778 : vector<16xf32>
        %add3A_780 = arith.constant 11 : i32
        %add3A_781 = arith.addi %mul3A_222, %add3A_780 : i32
        %get3A_782 = arith.index_cast %add3A_781 : i32 to index
        %get3A_783 = arith.constant 112 : index
        %get3A_784 = tpu.vector_load %arg11[%get3A_782, %get3A_783] {strides = array<i32>} : memref<128x128xf32, #tpu.memory_space<vmem>>, vector<16xf32>,
        %add3A_785 = arith.addf %add3A_737, %get3A_784 : vector<16xf32>
        %add3A_786 = arith.constant 12 : i32
        %add3A_787 = arith.addi %mul3A_222, %add3A_786 : i32
        %get3A_788 = arith.index_cast %add3A_787 : i32 to index
        %get3A_789 = arith.constant 0 : index
        %get3A_790 = tpu.vector_load %arg11[%get3A_788, %get3A_789] {strides = array<i32>} : memref<128x128xf32, #tpu.memory_space<vmem>>, vector<16xf32>,
        %add3A_791 = arith.addf %add3A_743, %get3A_790 : vector<16xf32>
        %add3A_792 = arith.constant 12 : i32
        %add3A_793 = arith.addi %mul3A_222, %add3A_792 : i32
        %get3A_794 = arith.index_cast %add3A_793 : i32 to index
        %get3A_795 = arith.constant 16 : index
        %get3A_796 = tpu.vector_load %arg11[%get3A_794, %get3A_795] {strides = array<i32>} : memref<128x128xf32, #tpu.memory_space<vmem>>, vector<16xf32>,
        %add3A_797 = arith.addf %add3A_749, %get3A_796 : vector<16xf32>
        %add3A_798 = arith.constant 12 : i32
        %add3A_799 = arith.addi %mul3A_222, %add3A_798 : i32
        %get3A_800 = arith.index_cast %add3A_799 : i32 to index
        %get3A_801 = arith.constant 32 : index
        %get3A_802 = tpu.vector_load %arg11[%get3A_800, %get3A_801] {strides = array<i32>} : memref<128x128xf32, #tpu.memory_space<vmem>>, vector<16xf32>,
        %add3A_803 = arith.addf %add3A_755, %get3A_802 : vector<16xf32>
        %add3A_804 = arith.constant 12 : i32
        %add3A_805 = arith.addi %mul3A_222, %add3A_804 : i32
        %get3A_806 = arith.index_cast %add3A_805 : i32 to index
        %get3A_807 = arith.constant 48 : index
        %get3A_808 = tpu.vector_load %arg11[%get3A_806, %get3A_807] {strides = array<i32>} : memref<128x128xf32, #tpu.memory_space<vmem>>, vector<16xf32>,
        %add3A_809 = arith.addf %add3A_761, %get3A_808 : vector<16xf32>
        %add3A_810 = arith.constant 12 : i32
        %add3A_811 = arith.addi %mul3A_222, %add3A_810 : i32
        %get3A_812 = arith.index_cast %add3A_811 : i32 to index
        %get3A_813 = arith.constant 64 : index
        %get3A_814 = tpu.vector_load %arg11[%get3A_812, %get3A_813] {strides = array<i32>} : memref<128x128xf32, #tpu.memory_space<vmem>>, vector<16xf32>,
        %add3A_815 = arith.addf %add3A_767, %get3A_814 : vector<16xf32>
        %add3A_816 = arith.constant 12 : i32
        %add3A_817 = arith.addi %mul3A_222, %add3A_816 : i32
        %get3A_818 = arith.index_cast %add3A_817 : i32 to index
        %get3A_819 = arith.constant 80 : index
        %get3A_820 = tpu.vector_load %arg11[%get3A_818, %get3A_819] {strides = array<i32>} : memref<128x128xf32, #tpu.memory_space<vmem>>, vector<16xf32>,
        %add3A_821 = arith.addf %add3A_773, %get3A_820 : vector<16xf32>
        %add3A_822 = arith.constant 12 : i32
        %add3A_823 = arith.addi %mul3A_222, %add3A_822 : i32
        %get3A_824 = arith.index_cast %add3A_823 : i32 to index
        %get3A_825 = arith.constant 96 : index
        %get3A_826 = tpu.vector_load %arg11[%get3A_824, %get3A_825] {strides = array<i32>} : memref<128x128xf32, #tpu.memory_space<vmem>>, vector<16xf32>,
        %add3A_827 = arith.addf %add3A_779, %get3A_826 : vector<16xf32>
        %add3A_828 = arith.constant 12 : i32
        %add3A_829 = arith.addi %mul3A_222, %add3A_828 : i32
        %get3A_830 = arith.index_cast %add3A_829 : i32 to index
        %get3A_831 = arith.constant 112 : index
        %get3A_832 = tpu.vector_load %arg11[%get3A_830, %get3A_831] {strides = array<i32>} : memref<128x128xf32, #tpu.memory_space<vmem>>, vector<16xf32>,
        %add3A_833 = arith.addf %add3A_785, %get3A_832 : vector<16xf32>
        %add3A_834 = arith.constant 13 : i32
        %add3A_835 = arith.addi %mul3A_222, %add3A_834 : i32
        %get3A_836 = arith.index_cast %add3A_835 : i32 to index
        %get3A_837 = arith.constant 0 : index
        %get3A_838 = tpu.vector_load %arg11[%get3A_836, %get3A_837] {strides = array<i32>} : memref<128x128xf32, #tpu.memory_space<vmem>>, vector<16xf32>,
        %add3A_839 = arith.addf %add3A_791, %get3A_838 : vector<16xf32>
        %add3A_840 = arith.constant 13 : i32
        %add3A_841 = arith.addi %mul3A_222, %add3A_840 : i32
        %get3A_842 = arith.index_cast %add3A_841 : i32 to index
        %get3A_843 = arith.constant 16 : index
        %get3A_844 = tpu.vector_load %arg11[%get3A_842, %get3A_843] {strides = array<i32>} : memref<128x128xf32, #tpu.memory_space<vmem>>, vector<16xf32>,
        %add3A_845 = arith.addf %add3A_797, %get3A_844 : vector<16xf32>
        %add3A_846 = arith.constant 13 : i32
        %add3A_847 = arith.addi %mul3A_222, %add3A_846 : i32
        %get3A_848 = arith.index_cast %add3A_847 : i32 to index
        %get3A_849 = arith.constant 32 : index
        %get3A_850 = tpu.vector_load %arg11[%get3A_848, %get3A_849] {strides = array<i32>} : memref<128x128xf32, #tpu.memory_space<vmem>>, vector<16xf32>,
        %add3A_851 = arith.addf %add3A_803, %get3A_850 : vector<16xf32>
        %add3A_852 = arith.constant 13 : i32
        %add3A_853 = arith.addi %mul3A_222, %add3A_852 : i32
        %get3A_854 = arith.index_cast %add3A_853 : i32 to index
        %get3A_855 = arith.constant 48 : index
        %get3A_856 = tpu.vector_load %arg11[%get3A_854, %get3A_855] {strides = array<i32>} : memref<128x128xf32, #tpu.memory_space<vmem>>, vector<16xf32>,
        %add3A_857 = arith.addf %add3A_809, %get3A_856 : vector<16xf32>
        %add3A_858 = arith.constant 13 : i32
        %add3A_859 = arith.addi %mul3A_222, %add3A_858 : i32
        %get3A_860 = arith.index_cast %add3A_859 : i32 to index
        %get3A_861 = arith.constant 64 : index
        %get3A_862 = tpu.vector_load %arg11[%get3A_860, %get3A_861] {strides = array<i32>} : memref<128x128xf32, #tpu.memory_space<vmem>>, vector<16xf32>,
        %add3A_863 = arith.addf %add3A_815, %get3A_862 : vector<16xf32>
        %add3A_864 = arith.constant 13 : i32
        %add3A_865 = arith.addi %mul3A_222, %add3A_864 : i32
        %get3A_866 = arith.index_cast %add3A_865 : i32 to index
        %get3A_867 = arith.constant 80 : index
        %get3A_868 = tpu.vector_load %arg11[%get3A_866, %get3A_867] {strides = array<i32>} : memref<128x128xf32, #tpu.memory_space<vmem>>, vector<16xf32>,
        %add3A_869 = arith.addf %add3A_821, %get3A_868 : vector<16xf32>
        %add3A_870 = arith.constant 13 : i32
        %add3A_871 = arith.addi %mul3A_222, %add3A_870 : i32
        %get3A_872 = arith.index_cast %add3A_871 : i32 to index
        %get3A_873 = arith.constant 96 : index
        %get3A_874 = tpu.vector_load %arg11[%get3A_872, %get3A_873] {strides = array<i32>} : memref<128x128xf32, #tpu.memory_space<vmem>>, vector<16xf32>,
        %add3A_875 = arith.addf %add3A_827, %get3A_874 : vector<16xf32>
        %add3A_876 = arith.constant 13 : i32
        %add3A_877 = arith.addi %mul3A_222, %add3A_876 : i32
        %get3A_878 = arith.index_cast %add3A_877 : i32 to index
        %get3A_879 = arith.constant 112 : index
        %get3A_880 = tpu.vector_load %arg11[%get3A_878, %get3A_879] {strides = array<i32>} : memref<128x128xf32, #tpu.memory_space<vmem>>, vector<16xf32>,
        %add3A_881 = arith.addf %add3A_833, %get3A_880 : vector<16xf32>
        %add3A_882 = arith.constant 14 : i32
        %add3A_883 = arith.addi %mul3A_222, %add3A_882 : i32
        %get3A_884 = arith.index_cast %add3A_883 : i32 to index
        %get3A_885 = arith.constant 0 : index
        %get3A_886 = tpu.vector_load %arg11[%get3A_884, %get3A_885] {strides = array<i32>} : memref<128x128xf32, #tpu.memory_space<vmem>>, vector<16xf32>,
        %add3A_887 = arith.addf %add3A_839, %get3A_886 : vector<16xf32>
        %add3A_888 = arith.constant 14 : i32
        %add3A_889 = arith.addi %mul3A_222, %add3A_888 : i32
        %get3A_890 = arith.index_cast %add3A_889 : i32 to index
        %get3A_891 = arith.constant 16 : index
        %get3A_892 = tpu.vector_load %arg11[%get3A_890, %get3A_891] {strides = array<i32>} : memref<128x128xf32, #tpu.memory_space<vmem>>, vector<16xf32>,
        %add3A_893 = arith.addf %add3A_845, %get3A_892 : vector<16xf32>
        %add3A_894 = arith.constant 14 : i32
        %add3A_895 = arith.addi %mul3A_222, %add3A_894 : i32
        %get3A_896 = arith.index_cast %add3A_895 : i32 to index
        %get3A_897 = arith.constant 32 : index
        %get3A_898 = tpu.vector_load %arg11[%get3A_896, %get3A_897] {strides = array<i32>} : memref<128x128xf32, #tpu.memory_space<vmem>>, vector<16xf32>,
        %add3A_899 = arith.addf %add3A_851, %get3A_898 : vector<16xf32>
        %add3A_900 = arith.constant 14 : i32
        %add3A_901 = arith.addi %mul3A_222, %add3A_900 : i32
        %get3A_902 = arith.index_cast %add3A_901 : i32 to index
        %get3A_903 = arith.constant 48 : index
        %get3A_904 = tpu.vector_load %arg11[%get3A_902, %get3A_903] {strides = array<i32>} : memref<128x128xf32, #tpu.memory_space<vmem>>, vector<16xf32>,
        %add3A_905 = arith.addf %add3A_857, %get3A_904 : vector<16xf32>
        %add3A_906 = arith.constant 14 : i32
        %add3A_907 = arith.addi %mul3A_222, %add3A_906 : i32
        %get3A_908 = arith.index_cast %add3A_907 : i32 to index
        %get3A_909 = arith.constant 64 : index
        %get3A_910 = tpu.vector_load %arg11[%get3A_908, %get3A_909] {strides = array<i32>} : memref<128x128xf32, #tpu.memory_space<vmem>>, vector<16xf32>,
        %add3A_911 = arith.addf %add3A_863, %get3A_910 : vector<16xf32>
        %add3A_912 = arith.constant 14 : i32
        %add3A_913 = arith.addi %mul3A_222, %add3A_912 : i32
        %get3A_914 = arith.index_cast %add3A_913 : i32 to index
        %get3A_915 = arith.constant 80 : index
        %get3A_916 = tpu.vector_load %arg11[%get3A_914, %get3A_915] {strides = array<i32>} : memref<128x128xf32, #tpu.memory_space<vmem>>, vector<16xf32>,
        %add3A_917 = arith.addf %add3A_869, %get3A_916 : vector<16xf32>
        %add3A_918 = arith.constant 14 : i32
        %add3A_919 = arith.addi %mul3A_222, %add3A_918 : i32
        %get3A_920 = arith.index_cast %add3A_919 : i32 to index
        %get3A_921 = arith.constant 96 : index
        %get3A_922 = tpu.vector_load %arg11[%get3A_920, %get3A_921] {strides = array<i32>} : memref<128x128xf32, #tpu.memory_space<vmem>>, vector<16xf32>,
        %add3A_923 = arith.addf %add3A_875, %get3A_922 : vector<16xf32>
        %add3A_924 = arith.constant 14 : i32
        %add3A_925 = arith.addi %mul3A_222, %add3A_924 : i32
        %get3A_926 = arith.index_cast %add3A_925 : i32 to index
        %get3A_927 = arith.constant 112 : index
        %get3A_928 = tpu.vector_load %arg11[%get3A_926, %get3A_927] {strides = array<i32>} : memref<128x128xf32, #tpu.memory_space<vmem>>, vector<16xf32>,
        %add3A_929 = arith.addf %add3A_881, %get3A_928 : vector<16xf32>
        %add3A_930 = arith.constant 15 : i32
        %add3A_931 = arith.addi %mul3A_222, %add3A_930 : i32
        %get3A_932 = arith.index_cast %add3A_931 : i32 to index
        %get3A_933 = arith.constant 0 : index
        %get3A_934 = tpu.vector_load %arg11[%get3A_932, %get3A_933] {strides = array<i32>} : memref<128x128xf32, #tpu.memory_space<vmem>>, vector<16xf32>,
        %add3A_935 = arith.addf %add3A_887, %get3A_934 : vector<16xf32>
        %add3A_936 = arith.constant 15 : i32
        %add3A_937 = arith.addi %mul3A_222, %add3A_936 : i32
        %get3A_938 = arith.index_cast %add3A_937 : i32 to index
        %get3A_939 = arith.constant 16 : index
        %get3A_940 = tpu.vector_load %arg11[%get3A_938, %get3A_939] {strides = array<i32>} : memref<128x128xf32, #tpu.memory_space<vmem>>, vector<16xf32>,
        %add3A_941 = arith.addf %add3A_893, %get3A_940 : vector<16xf32>
        %add3A_942 = arith.constant 15 : i32
        %add3A_943 = arith.addi %mul3A_222, %add3A_942 : i32
        %get3A_944 = arith.index_cast %add3A_943 : i32 to index
        %get3A_945 = arith.constant 32 : index
        %get3A_946 = tpu.vector_load %arg11[%get3A_944, %get3A_945] {strides = array<i32>} : memref<128x128xf32, #tpu.memory_space<vmem>>, vector<16xf32>,
        %add3A_947 = arith.addf %add3A_899, %get3A_946 : vector<16xf32>
        %add3A_948 = arith.constant 15 : i32
        %add3A_949 = arith.addi %mul3A_222, %add3A_948 : i32
        %get3A_950 = arith.index_cast %add3A_949 : i32 to index
        %get3A_951 = arith.constant 48 : index
        %get3A_952 = tpu.vector_load %arg11[%get3A_950, %get3A_951] {strides = array<i32>} : memref<128x128xf32, #tpu.memory_space<vmem>>, vector<16xf32>,
        %add3A_953 = arith.addf %add3A_905, %get3A_952 : vector<16xf32>
        %add3A_954 = arith.constant 15 : i32
        %add3A_955 = arith.addi %mul3A_222, %add3A_954 : i32
        %get3A_956 = arith.index_cast %add3A_955 : i32 to index
        %get3A_957 = arith.constant 64 : index
        %get3A_958 = tpu.vector_load %arg11[%get3A_956, %get3A_957] {strides = array<i32>} : memref<128x128xf32, #tpu.memory_space<vmem>>, vector<16xf32>,
        %add3A_959 = arith.addf %add3A_911, %get3A_958 : vector<16xf32>
        %add3A_960 = arith.constant 15 : i32
        %add3A_961 = arith.addi %mul3A_222, %add3A_960 : i32
        %get3A_962 = arith.index_cast %add3A_961 : i32 to index
        %get3A_963 = arith.constant 80 : index
        %get3A_964 = tpu.vector_load %arg11[%get3A_962, %get3A_963] {strides = array<i32>} : memref<128x128xf32, #tpu.memory_space<vmem>>, vector<16xf32>,
        %add3A_965 = arith.addf %add3A_917, %get3A_964 : vector<16xf32>
        %add3A_966 = arith.constant 15 : i32
        %add3A_967 = arith.addi %mul3A_222, %add3A_966 : i32
        %get3A_968 = arith.index_cast %add3A_967 : i32 to index
        %get3A_969 = arith.constant 96 : index
        %get3A_970 = tpu.vector_load %arg11[%get3A_968, %get3A_969] {strides = array<i32>} : memref<128x128xf32, #tpu.memory_space<vmem>>, vector<16xf32>,
        %add3A_971 = arith.addf %add3A_923, %get3A_970 : vector<16xf32>
        %add3A_972 = arith.constant 15 : i32
        %add3A_973 = arith.addi %mul3A_222, %add3A_972 : i32
        %get3A_974 = arith.index_cast %add3A_973 : i32 to index
        %get3A_975 = arith.constant 112 : index
        %get3A_976 = tpu.vector_load %arg11[%get3A_974, %get3A_975] {strides = array<i32>} : memref<128x128xf32, #tpu.memory_space<vmem>>, vector<16xf32>,
        %add3A_977 = arith.addf %add3A_929, %get3A_976 : vector<16xf32>
        %div3A_978 = vector.broadcast %reduce_sum3A_233 : f32 to vector<16xf32>
        %div3A_979 = arith.divf %add3A_935, %div3A_978 : vector<16xf32>
        %swap3A = arith.index_cast %add3A_220 : i32 to index
        %swap3A_980 = arith.constant 0 : index
        %swap3A_981 = tpu.vector_load %arg15[%swap3A, %swap3A_980] {strides = array<i32>} : memref<8x128xf32, #tpu.memory_space<vmem>>, vector<16xf32>,
        tpu.vector_store %arg15[%swap3A, %swap3A_980], %div3A_979 {strides = array<i32>} : memref<8x128xf32, #tpu.memory_space<vmem>>, vector<16xf32>,
        %div3A_982 = vector.broadcast %reduce_sum3A_233 : f32 to vector<16xf32>
        %div3A_983 = arith.divf %add3A_941, %div3A_982 : vector<16xf32>
        %swap3A_984 = arith.index_cast %add3A_220 : i32 to index
        %swap3A_985 = arith.constant 16 : index
        %swap3A_986 = tpu.vector_load %arg15[%swap3A_984, %swap3A_985] {strides = array<i32>} : memref<8x128xf32, #tpu.memory_space<vmem>>, vector<16xf32>,
        tpu.vector_store %arg15[%swap3A_984, %swap3A_985], %div3A_983 {strides = array<i32>} : memref<8x128xf32, #tpu.memory_space<vmem>>, vector<16xf32>,
        %div3A_987 = vector.broadcast %reduce_sum3A_233 : f32 to vector<16xf32>
        %div3A_988 = arith.divf %add3A_947, %div3A_987 : vector<16xf32>
        %swap3A_989 = arith.index_cast %add3A_220 : i32 to index
        %swap3A_990 = arith.constant 32 : index
        %swap3A_991 = tpu.vector_load %arg15[%swap3A_989, %swap3A_990] {strides = array<i32>} : memref<8x128xf32, #tpu.memory_space<vmem>>, vector<16xf32>,
        tpu.vector_store %arg15[%swap3A_989, %swap3A_990], %div3A_988 {strides = array<i32>} : memref<8x128xf32, #tpu.memory_space<vmem>>, vector<16xf32>,
        %div3A_992 = vector.broadcast %reduce_sum3A_233 : f32 to vector<16xf32>
        %div3A_993 = arith.divf %add3A_953, %div3A_992 : vector<16xf32>
        %swap3A_994 = arith.index_cast %add3A_220 : i32 to index
        %swap3A_995 = arith.constant 48 : index
        %swap3A_996 = tpu.vector_load %arg15[%swap3A_994, %swap3A_995] {strides = array<i32>} : memref<8x128xf32, #tpu.memory_space<vmem>>, vector<16xf32>,
        tpu.vector_store %arg15[%swap3A_994, %swap3A_995], %div3A_993 {strides = array<i32>} : memref<8x128xf32, #tpu.memory_space<vmem>>, vector<16xf32>,
        %div3A_997 = vector.broadcast %reduce_sum3A_233 : f32 to vector<16xf32>
        %div3A_998 = arith.divf %add3A_959, %div3A_997 : vector<16xf32>
        %swap3A_999 = arith.index_cast %add3A_220 : i32 to index
        %swap3A_1000 = arith.constant 64 : index
        %swap3A_1001 = tpu.vector_load %arg15[%swap3A_999, %swap3A_1000] {strides = array<i32>} : memref<8x128xf32, #tpu.memory_space<vmem>>, vector<16xf32>,
        tpu.vector_store %arg15[%swap3A_999, %swap3A_1000], %div3A_998 {strides = array<i32>} : memref<8x128xf32, #tpu.memory_space<vmem>>, vector<16xf32>,
        %div3A_1002 = vector.broadcast %reduce_sum3A_233 : f32 to vector<16xf32>
        %div3A_1003 = arith.divf %add3A_965, %div3A_1002 : vector<16xf32>
        %swap3A_1004 = arith.index_cast %add3A_220 : i32 to index
        %swap3A_1005 = arith.constant 80 : index
        %swap3A_1006 = tpu.vector_load %arg15[%swap3A_1004, %swap3A_1005] {strides = array<i32>} : memref<8x128xf32, #tpu.memory_space<vmem>>, vector<16xf32>,
        tpu.vector_store %arg15[%swap3A_1004, %swap3A_1005], %div3A_1003 {strides = array<i32>} : memref<8x128xf32, #tpu.memory_space<vmem>>, vector<16xf32>,
        %div3A_1007 = vector.broadcast %reduce_sum3A_233 : f32 to vector<16xf32>
        %div3A_1008 = arith.divf %add3A_971, %div3A_1007 : vector<16xf32>
        %swap3A_1009 = arith.index_cast %add3A_220 : i32 to index
        %swap3A_1010 = arith.constant 96 : index
        %swap3A_1011 = tpu.vector_load %arg15[%swap3A_1009, %swap3A_1010] {strides = array<i32>} : memref<8x128xf32, #tpu.memory_space<vmem>>, vector<16xf32>,
        tpu.vector_store %arg15[%swap3A_1009, %swap3A_1010], %div3A_1008 {strides = array<i32>} : memref<8x128xf32, #tpu.memory_space<vmem>>, vector<16xf32>,
        %div3A_1012 = vector.broadcast %reduce_sum3A_233 : f32 to vector<16xf32>
        %div3A_1013 = arith.divf %add3A_977, %div3A_1012 : vector<16xf32>
        %swap3A_1014 = arith.index_cast %add3A_220 : i32 to index
        %swap3A_1015 = arith.constant 112 : index
        %swap3A_1016 = tpu.vector_load %arg15[%swap3A_1014, %swap3A_1015] {strides = array<i32>} : memref<8x128xf32, #tpu.memory_space<vmem>>, vector<16xf32>,
        tpu.vector_store %arg15[%swap3A_1014, %swap3A_1015], %div3A_1013 {strides = array<i32>} : memref<8x128xf32, #tpu.memory_space<vmem>>, vector<16xf32>,
      }
      %scan3A_170 = arith.constant 8 : i32
      %add3A_171 = arith.constant 4 : i32
      %add3A_172 = arith.addi %add3A_155, %add3A_171 : i32
      %lt3A_173 = arith.constant 128 : i32
      %lt3A_174 = arith.cmpi slt, %add3A_172, %lt3A_173 : i32
      %convert_element_type3A_175 = arith.extui %lt3A_174 : i1 to i32
      %cond3A_176 = arith.constant 0 : i32
      %cond3A_177 = arith.cmpi ne, %convert_element_type3A_175, %cond3A_176 : i32
      scf.if %cond3A_177 {
        %add3A_216 = arith.constant 4 : i32
        %add3A_217 = arith.addi %add3A_155, %add3A_216 : i32
        %mul3A_218 = arith.constant 128 : i32
        %mul3A_219 = arith.muli %add3A_217, %mul3A_218 : i32
        %dma_start3A_220 = tpu.memref_slice %arg7[%mul3A_219] : memref<16384xi32, #tpu.memory_space<vmem>> -> memref<128xi32, #tpu.memory_space<vmem>>
        %dma_start3A_221 = arith.constant 0 : i32
        %dma_start3A_222 = arith.constant 0 : i32
        %dma_start3A_223 = tpu.memref_slice %arg2[%dma_start3A_221, %dma_start3A_222] : memref<32768x128xf32, #tpu.memory_space<hbm>> -> memref<32768x128xf32, #tpu.memory_space<hbm>>
        tpu.enqueue_indirect_dma source(%dma_start3A_223 : memref<32768x128xf32, #tpu.memory_space<hbm>>) target(%arg11 : memref<128x128xf32, #tpu.memory_space<vmem>>) offsets(%dma_start3A_220 : memref<128xi32, #tpu.memory_space<vmem>>) semaphore(%arg19 : memref<!tpu.dma_semaphore, #tpu.memory_space<semaphore_mem>>)
      } else {
      }
      %mul3A_178 = arith.constant 8 : i32
      %mul3A_179 = arith.muli %add3A_155, %mul3A_178 : i32
      %add3A_180 = arith.addi %mul3A_34, %mul3A_179 : i32
      %dma_start3A_181 = arith.constant 0 : i32
      %dma_start3A_182 = tpu.memref_slice %arg5[%add3A_180, %dma_start3A_181] : memref<32768x128xf32, #tpu.memory_space<hbm>> -> memref<8x128xf32, #tpu.memory_space<hbm>>
      %dma_start3A_183 = arith.constant 0 : i32
      %dma_start3A_184 = tpu.memref_slice %arg5[%add3A_180, %dma_start3A_183] : memref<32768x128xf32, #tpu.memory_space<hbm>> -> memref<8x128xf32, #tpu.memory_space<hbm>>
      tpu.enqueue_dma source(%arg15 : memref<8x128xf32, #tpu.memory_space<vmem>>) target(%dma_start3A_184 : memref<8x128xf32, #tpu.memory_space<hbm>>) target_semaphore(%arg23 : memref<!tpu.dma_semaphore, #tpu.memory_space<semaphore_mem>>)
      %add3A_185 = arith.constant 3 : i32
      %add3A_186 = arith.addi %add3A_94, %add3A_185 : i32
      %dma_wait3A_187 = arith.constant 0 : i32
      %dma_wait3A_188 = tpu.memref_slice %arg7[%dma_wait3A_187] : memref<16384xi32, #tpu.memory_space<vmem>> -> memref<128xi32, #tpu.memory_space<vmem>>
      %dma_wait3A_189 = arith.constant 0 : i32
      %dma_wait3A_190 = arith.constant 0 : i32
      %dma_wait3A_191 = tpu.memref_slice %arg2[%dma_wait3A_189, %dma_wait3A_190] : memref<32768x128xf32, #tpu.memory_space<hbm>> -> memref<32768x128xf32, #tpu.memory_space<hbm>>
      tpu.wait_indirect_dma semaphore(%arg20 : memref<!tpu.dma_semaphore, #tpu.memory_space<semaphore_mem>>) src(%dma_wait3A_191 : memref<32768x128xf32, #tpu.memory_space<hbm>>) dst(%arg12 : memref<128x128xf32, #tpu.memory_space<vmem>>)
      %ge3A_192 = arith.constant 4 : i32
      %ge3A_193 = arith.cmpi sge, %add3A_94, %ge3A_192 : i32
      %convert_element_type3A_194 = arith.extui %ge3A_193 : i1 to i32
      %cond3A_195 = arith.constant 0 : i32
      %cond3A_196 = arith.cmpi ne, %convert_element_type3A_194, %cond3A_195 : i32
      scf.if %cond3A_196 {
        %dma_wait3A_216 = arith.constant 0 : i32
        %dma_wait3A_217 = tpu.memref_slice %arg5[%mul3A_34, %dma_wait3A_216] : memref<32768x128xf32, #tpu.memory_space<hbm>> -> memref<8x128xf32, #tpu.memory_space<hbm>>
        %dma_wait3A_218 = arith.constant 0 : i32
        %dma_wait3A_219 = tpu.memref_slice %arg5[%mul3A_34, %dma_wait3A_218] : memref<32768x128xf32, #tpu.memory_space<hbm>> -> memref<8x128xf32, #tpu.memory_space<hbm>>
        tpu.wait_dma2 semaphore(%arg24 : memref<!tpu.dma_semaphore, #tpu.memory_space<semaphore_mem>>) src(%arg16 : memref<8x128xf32, #tpu.memory_space<vmem>>) dst(%dma_wait3A_219 : memref<8x128xf32, #tpu.memory_space<hbm>>)
      } else {
      }
      %scan3A_197 = arith.constant 0 : i32
      %scan3A_198 = arith.constant 8 : i32
      %scan3A_199 = arith.addi %scan3A_197, %scan3A_198 : i32
      %scan3A_200 = arith.constant 1 : i32
      scf.for %scan3A_216 = %scan3A_197 to %scan3A_199 step %scan3A_200  : i32 {
        %mul3A_217 = arith.constant 1 : i32
        %mul3A_218 = arith.muli %scan3A_216, %mul3A_217 : i32
        %add3A_219 = arith.constant 0 : i32
        %add3A_220 = arith.addi %add3A_219, %mul3A_218 : i32
        %mul3A_221 = arith.constant 16 : i32
        %mul3A_222 = arith.muli %add3A_220, %mul3A_221 : i32
        %mul3A_223 = arith.constant 8 : i32
        %mul3A_224 = arith.muli %add3A_186, %mul3A_223 : i32
        %add3A_225 = arith.addi %mul3A_224, %add3A_220 : i32
        %mul3A_226 = arith.constant 16 : i32
        %mul3A_227 = arith.muli %add3A_225, %mul3A_226 : i32
        %get3A = arith.index_cast %mul3A_227 : i32 to index
        %get3A_228 = tpu.vector_load %arg7[%get3A] {strides = array<i32>} : memref<16384xi32, #tpu.memory_space<vmem>>, vector<16xi32>,
        %sub3A_229 = vector.broadcast %mul3A_36 : i32 to vector<16xi32>
        %sub3A_230 = arith.subi %get3A_228, %sub3A_229 : vector<16xi32>
        %gather3A = tpu.vector_load_idx %arg8[%sub3A_230] : memref<8192xf32, #tpu.memory_space<vmem>>[vector<16xi32>], vector<16xf32>,
        %reduce_sum3A = arith.constant true
        %reduce_sum3A_231 = vector.broadcast %reduce_sum3A : i1 to vector<16xi1>
        %reduce_sum3A_232 = tpu.scan <sum>, %gather3A masked %reduce_sum3A_231 : vector<16xf32>, vector<16xi1> -> vector<16xf32>
        %reduce_sum3A_233 = vector.extract %reduce_sum3A_232[15] : f32 from vector<16xf32>
        %get3A_234 = arith.index_cast %mul3A_222 : i32 to index
        %get3A_235 = arith.constant 0 : index
        %get3A_236 = tpu.vector_load %arg12[%get3A_234, %get3A_235] {strides = array<i32>} : memref<128x128xf32, #tpu.memory_space<vmem>>, vector<16xf32>,
        %get3A_237 = arith.index_cast %mul3A_222 : i32 to index
        %get3A_238 = arith.constant 16 : index
        %get3A_239 = tpu.vector_load %arg12[%get3A_237, %get3A_238] {strides = array<i32>} : memref<128x128xf32, #tpu.memory_space<vmem>>, vector<16xf32>,
        %get3A_240 = arith.index_cast %mul3A_222 : i32 to index
        %get3A_241 = arith.constant 32 : index
        %get3A_242 = tpu.vector_load %arg12[%get3A_240, %get3A_241] {strides = array<i32>} : memref<128x128xf32, #tpu.memory_space<vmem>>, vector<16xf32>,
        %get3A_243 = arith.index_cast %mul3A_222 : i32 to index
        %get3A_244 = arith.constant 48 : index
        %get3A_245 = tpu.vector_load %arg12[%get3A_243, %get3A_244] {strides = array<i32>} : memref<128x128xf32, #tpu.memory_space<vmem>>, vector<16xf32>,
        %get3A_246 = arith.index_cast %mul3A_222 : i32 to index
        %get3A_247 = arith.constant 64 : index
        %get3A_248 = tpu.vector_load %arg12[%get3A_246, %get3A_247] {strides = array<i32>} : memref<128x128xf32, #tpu.memory_space<vmem>>, vector<16xf32>,
        %get3A_249 = arith.index_cast %mul3A_222 : i32 to index
        %get3A_250 = arith.constant 80 : index
        %get3A_251 = tpu.vector_load %arg12[%get3A_249, %get3A_250] {strides = array<i32>} : memref<128x128xf32, #tpu.memory_space<vmem>>, vector<16xf32>,
        %get3A_252 = arith.index_cast %mul3A_222 : i32 to index
        %get3A_253 = arith.constant 96 : index
        %get3A_254 = tpu.vector_load %arg12[%get3A_252, %get3A_253] {strides = array<i32>} : memref<128x128xf32, #tpu.memory_space<vmem>>, vector<16xf32>,
        %get3A_255 = arith.index_cast %mul3A_222 : i32 to index
        %get3A_256 = arith.constant 112 : index
        %get3A_257 = tpu.vector_load %arg12[%get3A_255, %get3A_256] {strides = array<i32>} : memref<128x128xf32, #tpu.memory_space<vmem>>, vector<16xf32>,
        %add3A_258 = arith.constant 1 : i32
        %add3A_259 = arith.addi %mul3A_222, %add3A_258 : i32
        %get3A_260 = arith.index_cast %add3A_259 : i32 to index
        %get3A_261 = arith.constant 0 : index
        %get3A_262 = tpu.vector_load %arg12[%get3A_260, %get3A_261] {strides = array<i32>} : memref<128x128xf32, #tpu.memory_space<vmem>>, vector<16xf32>,
        %add3A_263 = arith.addf %get3A_236, %get3A_262 : vector<16xf32>
        %add3A_264 = arith.constant 1 : i32
        %add3A_265 = arith.addi %mul3A_222, %add3A_264 : i32
        %get3A_266 = arith.index_cast %add3A_265 : i32 to index
        %get3A_267 = arith.constant 16 : index
        %get3A_268 = tpu.vector_load %arg12[%get3A_266, %get3A_267] {strides = array<i32>} : memref<128x128xf32, #tpu.memory_space<vmem>>, vector<16xf32>,
        %add3A_269 = arith.addf %get3A_239, %get3A_268 : vector<16xf32>
        %add3A_270 = arith.constant 1 : i32
        %add3A_271 = arith.addi %mul3A_222, %add3A_270 : i32
        %get3A_272 = arith.index_cast %add3A_271 : i32 to index
        %get3A_273 = arith.constant 32 : index
        %get3A_274 = tpu.vector_load %arg12[%get3A_272, %get3A_273] {strides = array<i32>} : memref<128x128xf32, #tpu.memory_space<vmem>>, vector<16xf32>,
        %add3A_275 = arith.addf %get3A_242, %get3A_274 : vector<16xf32>
        %add3A_276 = arith.constant 1 : i32
        %add3A_277 = arith.addi %mul3A_222, %add3A_276 : i32
        %get3A_278 = arith.index_cast %add3A_277 : i32 to index
        %get3A_279 = arith.constant 48 : index
        %get3A_280 = tpu.vector_load %arg12[%get3A_278, %get3A_279] {strides = array<i32>} : memref<128x128xf32, #tpu.memory_space<vmem>>, vector<16xf32>,
        %add3A_281 = arith.addf %get3A_245, %get3A_280 : vector<16xf32>
        %add3A_282 = arith.constant 1 : i32
        %add3A_283 = arith.addi %mul3A_222, %add3A_282 : i32
        %get3A_284 = arith.index_cast %add3A_283 : i32 to index
        %get3A_285 = arith.constant 64 : index
        %get3A_286 = tpu.vector_load %arg12[%get3A_284, %get3A_285] {strides = array<i32>} : memref<128x128xf32, #tpu.memory_space<vmem>>, vector<16xf32>,
        %add3A_287 = arith.addf %get3A_248, %get3A_286 : vector<16xf32>
        %add3A_288 = arith.constant 1 : i32
        %add3A_289 = arith.addi %mul3A_222, %add3A_288 : i32
        %get3A_290 = arith.index_cast %add3A_289 : i32 to index
        %get3A_291 = arith.constant 80 : index
        %get3A_292 = tpu.vector_load %arg12[%get3A_290, %get3A_291] {strides = array<i32>} : memref<128x128xf32, #tpu.memory_space<vmem>>, vector<16xf32>,
        %add3A_293 = arith.addf %get3A_251, %get3A_292 : vector<16xf32>
        %add3A_294 = arith.constant 1 : i32
        %add3A_295 = arith.addi %mul3A_222, %add3A_294 : i32
        %get3A_296 = arith.index_cast %add3A_295 : i32 to index
        %get3A_297 = arith.constant 96 : index
        %get3A_298 = tpu.vector_load %arg12[%get3A_296, %get3A_297] {strides = array<i32>} : memref<128x128xf32, #tpu.memory_space<vmem>>, vector<16xf32>,
        %add3A_299 = arith.addf %get3A_254, %get3A_298 : vector<16xf32>
        %add3A_300 = arith.constant 1 : i32
        %add3A_301 = arith.addi %mul3A_222, %add3A_300 : i32
        %get3A_302 = arith.index_cast %add3A_301 : i32 to index
        %get3A_303 = arith.constant 112 : index
        %get3A_304 = tpu.vector_load %arg12[%get3A_302, %get3A_303] {strides = array<i32>} : memref<128x128xf32, #tpu.memory_space<vmem>>, vector<16xf32>,
        %add3A_305 = arith.addf %get3A_257, %get3A_304 : vector<16xf32>
        %add3A_306 = arith.constant 2 : i32
        %add3A_307 = arith.addi %mul3A_222, %add3A_306 : i32
        %get3A_308 = arith.index_cast %add3A_307 : i32 to index
        %get3A_309 = arith.constant 0 : index
        %get3A_310 = tpu.vector_load %arg12[%get3A_308, %get3A_309] {strides = array<i32>} : memref<128x128xf32, #tpu.memory_space<vmem>>, vector<16xf32>,
        %add3A_311 = arith.addf %add3A_263, %get3A_310 : vector<16xf32>
        %add3A_312 = arith.constant 2 : i32
        %add3A_313 = arith.addi %mul3A_222, %add3A_312 : i32
        %get3A_314 = arith.index_cast %add3A_313 : i32 to index
        %get3A_315 = arith.constant 16 : index
        %get3A_316 = tpu.vector_load %arg12[%get3A_314, %get3A_315] {strides = array<i32>} : memref<128x128xf32, #tpu.memory_space<vmem>>, vector<16xf32>,
        %add3A_317 = arith.addf %add3A_269, %get3A_316 : vector<16xf32>
        %add3A_318 = arith.constant 2 : i32
        %add3A_319 = arith.addi %mul3A_222, %add3A_318 : i32
        %get3A_320 = arith.index_cast %add3A_319 : i32 to index
        %get3A_321 = arith.constant 32 : index
        %get3A_322 = tpu.vector_load %arg12[%get3A_320, %get3A_321] {strides = array<i32>} : memref<128x128xf32, #tpu.memory_space<vmem>>, vector<16xf32>,
        %add3A_323 = arith.addf %add3A_275, %get3A_322 : vector<16xf32>
        %add3A_324 = arith.constant 2 : i32
        %add3A_325 = arith.addi %mul3A_222, %add3A_324 : i32
        %get3A_326 = arith.index_cast %add3A_325 : i32 to index
        %get3A_327 = arith.constant 48 : index
        %get3A_328 = tpu.vector_load %arg12[%get3A_326, %get3A_327] {strides = array<i32>} : memref<128x128xf32, #tpu.memory_space<vmem>>, vector<16xf32>,
        %add3A_329 = arith.addf %add3A_281, %get3A_328 : vector<16xf32>
        %add3A_330 = arith.constant 2 : i32
        %add3A_331 = arith.addi %mul3A_222, %add3A_330 : i32
        %get3A_332 = arith.index_cast %add3A_331 : i32 to index
        %get3A_333 = arith.constant 64 : index
        %get3A_334 = tpu.vector_load %arg12[%get3A_332, %get3A_333] {strides = array<i32>} : memref<128x128xf32, #tpu.memory_space<vmem>>, vector<16xf32>,
        %add3A_335 = arith.addf %add3A_287, %get3A_334 : vector<16xf32>
        %add3A_336 = arith.constant 2 : i32
        %add3A_337 = arith.addi %mul3A_222, %add3A_336 : i32
        %get3A_338 = arith.index_cast %add3A_337 : i32 to index
        %get3A_339 = arith.constant 80 : index
        %get3A_340 = tpu.vector_load %arg12[%get3A_338, %get3A_339] {strides = array<i32>} : memref<128x128xf32, #tpu.memory_space<vmem>>, vector<16xf32>,
        %add3A_341 = arith.addf %add3A_293, %get3A_340 : vector<16xf32>
        %add3A_342 = arith.constant 2 : i32
        %add3A_343 = arith.addi %mul3A_222, %add3A_342 : i32
        %get3A_344 = arith.index_cast %add3A_343 : i32 to index
        %get3A_345 = arith.constant 96 : index
        %get3A_346 = tpu.vector_load %arg12[%get3A_344, %get3A_345] {strides = array<i32>} : memref<128x128xf32, #tpu.memory_space<vmem>>, vector<16xf32>,
        %add3A_347 = arith.addf %add3A_299, %get3A_346 : vector<16xf32>
        %add3A_348 = arith.constant 2 : i32
        %add3A_349 = arith.addi %mul3A_222, %add3A_348 : i32
        %get3A_350 = arith.index_cast %add3A_349 : i32 to index
        %get3A_351 = arith.constant 112 : index
        %get3A_352 = tpu.vector_load %arg12[%get3A_350, %get3A_351] {strides = array<i32>} : memref<128x128xf32, #tpu.memory_space<vmem>>, vector<16xf32>,
        %add3A_353 = arith.addf %add3A_305, %get3A_352 : vector<16xf32>
        %add3A_354 = arith.constant 3 : i32
        %add3A_355 = arith.addi %mul3A_222, %add3A_354 : i32
        %get3A_356 = arith.index_cast %add3A_355 : i32 to index
        %get3A_357 = arith.constant 0 : index
        %get3A_358 = tpu.vector_load %arg12[%get3A_356, %get3A_357] {strides = array<i32>} : memref<128x128xf32, #tpu.memory_space<vmem>>, vector<16xf32>,
        %add3A_359 = arith.addf %add3A_311, %get3A_358 : vector<16xf32>
        %add3A_360 = arith.constant 3 : i32
        %add3A_361 = arith.addi %mul3A_222, %add3A_360 : i32
        %get3A_362 = arith.index_cast %add3A_361 : i32 to index
        %get3A_363 = arith.constant 16 : index
        %get3A_364 = tpu.vector_load %arg12[%get3A_362, %get3A_363] {strides = array<i32>} : memref<128x128xf32, #tpu.memory_space<vmem>>, vector<16xf32>,
        %add3A_365 = arith.addf %add3A_317, %get3A_364 : vector<16xf32>
        %add3A_366 = arith.constant 3 : i32
        %add3A_367 = arith.addi %mul3A_222, %add3A_366 : i32
        %get3A_368 = arith.index_cast %add3A_367 : i32 to index
        %get3A_369 = arith.constant 32 : index
        %get3A_370 = tpu.vector_load %arg12[%get3A_368, %get3A_369] {strides = array<i32>} : memref<128x128xf32, #tpu.memory_space<vmem>>, vector<16xf32>,
        %add3A_371 = arith.addf %add3A_323, %get3A_370 : vector<16xf32>
        %add3A_372 = arith.constant 3 : i32
        %add3A_373 = arith.addi %mul3A_222, %add3A_372 : i32
        %get3A_374 = arith.index_cast %add3A_373 : i32 to index
        %get3A_375 = arith.constant 48 : index
        %get3A_376 = tpu.vector_load %arg12[%get3A_374, %get3A_375] {strides = array<i32>} : memref<128x128xf32, #tpu.memory_space<vmem>>, vector<16xf32>,
        %add3A_377 = arith.addf %add3A_329, %get3A_376 : vector<16xf32>
        %add3A_378 = arith.constant 3 : i32
        %add3A_379 = arith.addi %mul3A_222, %add3A_378 : i32
        %get3A_380 = arith.index_cast %add3A_379 : i32 to index
        %get3A_381 = arith.constant 64 : index
        %get3A_382 = tpu.vector_load %arg12[%get3A_380, %get3A_381] {strides = array<i32>} : memref<128x128xf32, #tpu.memory_space<vmem>>, vector<16xf32>,
        %add3A_383 = arith.addf %add3A_335, %get3A_382 : vector<16xf32>
        %add3A_384 = arith.constant 3 : i32
        %add3A_385 = arith.addi %mul3A_222, %add3A_384 : i32
        %get3A_386 = arith.index_cast %add3A_385 : i32 to index
        %get3A_387 = arith.constant 80 : index
        %get3A_388 = tpu.vector_load %arg12[%get3A_386, %get3A_387] {strides = array<i32>} : memref<128x128xf32, #tpu.memory_space<vmem>>, vector<16xf32>,
        %add3A_389 = arith.addf %add3A_341, %get3A_388 : vector<16xf32>
        %add3A_390 = arith.constant 3 : i32
        %add3A_391 = arith.addi %mul3A_222, %add3A_390 : i32
        %get3A_392 = arith.index_cast %add3A_391 : i32 to index
        %get3A_393 = arith.constant 96 : index
        %get3A_394 = tpu.vector_load %arg12[%get3A_392, %get3A_393] {strides = array<i32>} : memref<128x128xf32, #tpu.memory_space<vmem>>, vector<16xf32>,
        %add3A_395 = arith.addf %add3A_347, %get3A_394 : vector<16xf32>
        %add3A_396 = arith.constant 3 : i32
        %add3A_397 = arith.addi %mul3A_222, %add3A_396 : i32
        %get3A_398 = arith.index_cast %add3A_397 : i32 to index
        %get3A_399 = arith.constant 112 : index
        %get3A_400 = tpu.vector_load %arg12[%get3A_398, %get3A_399] {strides = array<i32>} : memref<128x128xf32, #tpu.memory_space<vmem>>, vector<16xf32>,
        %add3A_401 = arith.addf %add3A_353, %get3A_400 : vector<16xf32>
        %add3A_402 = arith.constant 4 : i32
        %add3A_403 = arith.addi %mul3A_222, %add3A_402 : i32
        %get3A_404 = arith.index_cast %add3A_403 : i32 to index
        %get3A_405 = arith.constant 0 : index
        %get3A_406 = tpu.vector_load %arg12[%get3A_404, %get3A_405] {strides = array<i32>} : memref<128x128xf32, #tpu.memory_space<vmem>>, vector<16xf32>,
        %add3A_407 = arith.addf %add3A_359, %get3A_406 : vector<16xf32>
        %add3A_408 = arith.constant 4 : i32
        %add3A_409 = arith.addi %mul3A_222, %add3A_408 : i32
        %get3A_410 = arith.index_cast %add3A_409 : i32 to index
        %get3A_411 = arith.constant 16 : index
        %get3A_412 = tpu.vector_load %arg12[%get3A_410, %get3A_411] {strides = array<i32>} : memref<128x128xf32, #tpu.memory_space<vmem>>, vector<16xf32>,
        %add3A_413 = arith.addf %add3A_365, %get3A_412 : vector<16xf32>
        %add3A_414 = arith.constant 4 : i32
        %add3A_415 = arith.addi %mul3A_222, %add3A_414 : i32
        %get3A_416 = arith.index_cast %add3A_415 : i32 to index
        %get3A_417 = arith.constant 32 : index
        %get3A_418 = tpu.vector_load %arg12[%get3A_416, %get3A_417] {strides = array<i32>} : memref<128x128xf32, #tpu.memory_space<vmem>>, vector<16xf32>,
        %add3A_419 = arith.addf %add3A_371, %get3A_418 : vector<16xf32>
        %add3A_420 = arith.constant 4 : i32
        %add3A_421 = arith.addi %mul3A_222, %add3A_420 : i32
        %get3A_422 = arith.index_cast %add3A_421 : i32 to index
        %get3A_423 = arith.constant 48 : index
        %get3A_424 = tpu.vector_load %arg12[%get3A_422, %get3A_423] {strides = array<i32>} : memref<128x128xf32, #tpu.memory_space<vmem>>, vector<16xf32>,
        %add3A_425 = arith.addf %add3A_377, %get3A_424 : vector<16xf32>
        %add3A_426 = arith.constant 4 : i32
        %add3A_427 = arith.addi %mul3A_222, %add3A_426 : i32
        %get3A_428 = arith.index_cast %add3A_427 : i32 to index
        %get3A_429 = arith.constant 64 : index
        %get3A_430 = tpu.vector_load %arg12[%get3A_428, %get3A_429] {strides = array<i32>} : memref<128x128xf32, #tpu.memory_space<vmem>>, vector<16xf32>,
        %add3A_431 = arith.addf %add3A_383, %get3A_430 : vector<16xf32>
        %add3A_432 = arith.constant 4 : i32
        %add3A_433 = arith.addi %mul3A_222, %add3A_432 : i32
        %get3A_434 = arith.index_cast %add3A_433 : i32 to index
        %get3A_435 = arith.constant 80 : index
        %get3A_436 = tpu.vector_load %arg12[%get3A_434, %get3A_435] {strides = array<i32>} : memref<128x128xf32, #tpu.memory_space<vmem>>, vector<16xf32>,
        %add3A_437 = arith.addf %add3A_389, %get3A_436 : vector<16xf32>
        %add3A_438 = arith.constant 4 : i32
        %add3A_439 = arith.addi %mul3A_222, %add3A_438 : i32
        %get3A_440 = arith.index_cast %add3A_439 : i32 to index
        %get3A_441 = arith.constant 96 : index
        %get3A_442 = tpu.vector_load %arg12[%get3A_440, %get3A_441] {strides = array<i32>} : memref<128x128xf32, #tpu.memory_space<vmem>>, vector<16xf32>,
        %add3A_443 = arith.addf %add3A_395, %get3A_442 : vector<16xf32>
        %add3A_444 = arith.constant 4 : i32
        %add3A_445 = arith.addi %mul3A_222, %add3A_444 : i32
        %get3A_446 = arith.index_cast %add3A_445 : i32 to index
        %get3A_447 = arith.constant 112 : index
        %get3A_448 = tpu.vector_load %arg12[%get3A_446, %get3A_447] {strides = array<i32>} : memref<128x128xf32, #tpu.memory_space<vmem>>, vector<16xf32>,
        %add3A_449 = arith.addf %add3A_401, %get3A_448 : vector<16xf32>
        %add3A_450 = arith.constant 5 : i32
        %add3A_451 = arith.addi %mul3A_222, %add3A_450 : i32
        %get3A_452 = arith.index_cast %add3A_451 : i32 to index
        %get3A_453 = arith.constant 0 : index
        %get3A_454 = tpu.vector_load %arg12[%get3A_452, %get3A_453] {strides = array<i32>} : memref<128x128xf32, #tpu.memory_space<vmem>>, vector<16xf32>,
        %add3A_455 = arith.addf %add3A_407, %get3A_454 : vector<16xf32>
        %add3A_456 = arith.constant 5 : i32
        %add3A_457 = arith.addi %mul3A_222, %add3A_456 : i32
        %get3A_458 = arith.index_cast %add3A_457 : i32 to index
        %get3A_459 = arith.constant 16 : index
        %get3A_460 = tpu.vector_load %arg12[%get3A_458, %get3A_459] {strides = array<i32>} : memref<128x128xf32, #tpu.memory_space<vmem>>, vector<16xf32>,
        %add3A_461 = arith.addf %add3A_413, %get3A_460 : vector<16xf32>
        %add3A_462 = arith.constant 5 : i32
        %add3A_463 = arith.addi %mul3A_222, %add3A_462 : i32
        %get3A_464 = arith.index_cast %add3A_463 : i32 to index
        %get3A_465 = arith.constant 32 : index
        %get3A_466 = tpu.vector_load %arg12[%get3A_464, %get3A_465] {strides = array<i32>} : memref<128x128xf32, #tpu.memory_space<vmem>>, vector<16xf32>,
        %add3A_467 = arith.addf %add3A_419, %get3A_466 : vector<16xf32>
        %add3A_468 = arith.constant 5 : i32
        %add3A_469 = arith.addi %mul3A_222, %add3A_468 : i32
        %get3A_470 = arith.index_cast %add3A_469 : i32 to index
        %get3A_471 = arith.constant 48 : index
        %get3A_472 = tpu.vector_load %arg12[%get3A_470, %get3A_471] {strides = array<i32>} : memref<128x128xf32, #tpu.memory_space<vmem>>, vector<16xf32>,
        %add3A_473 = arith.addf %add3A_425, %get3A_472 : vector<16xf32>
        %add3A_474 = arith.constant 5 : i32
        %add3A_475 = arith.addi %mul3A_222, %add3A_474 : i32
        %get3A_476 = arith.index_cast %add3A_475 : i32 to index
        %get3A_477 = arith.constant 64 : index
        %get3A_478 = tpu.vector_load %arg12[%get3A_476, %get3A_477] {strides = array<i32>} : memref<128x128xf32, #tpu.memory_space<vmem>>, vector<16xf32>,
        %add3A_479 = arith.addf %add3A_431, %get3A_478 : vector<16xf32>
        %add3A_480 = arith.constant 5 : i32
        %add3A_481 = arith.addi %mul3A_222, %add3A_480 : i32
        %get3A_482 = arith.index_cast %add3A_481 : i32 to index
        %get3A_483 = arith.constant 80 : index
        %get3A_484 = tpu.vector_load %arg12[%get3A_482, %get3A_483] {strides = array<i32>} : memref<128x128xf32, #tpu.memory_space<vmem>>, vector<16xf32>,
        %add3A_485 = arith.addf %add3A_437, %get3A_484 : vector<16xf32>
        %add3A_486 = arith.constant 5 : i32
        %add3A_487 = arith.addi %mul3A_222, %add3A_486 : i32
        %get3A_488 = arith.index_cast %add3A_487 : i32 to index
        %get3A_489 = arith.constant 96 : index
        %get3A_490 = tpu.vector_load %arg12[%get3A_488, %get3A_489] {strides = array<i32>} : memref<128x128xf32, #tpu.memory_space<vmem>>, vector<16xf32>,
        %add3A_491 = arith.addf %add3A_443, %get3A_490 : vector<16xf32>
        %add3A_492 = arith.constant 5 : i32
        %add3A_493 = arith.addi %mul3A_222, %add3A_492 : i32
        %get3A_494 = arith.index_cast %add3A_493 : i32 to index
        %get3A_495 = arith.constant 112 : index
        %get3A_496 = tpu.vector_load %arg12[%get3A_494, %get3A_495] {strides = array<i32>} : memref<128x128xf32, #tpu.memory_space<vmem>>, vector<16xf32>,
        %add3A_497 = arith.addf %add3A_449, %get3A_496 : vector<16xf32>
        %add3A_498 = arith.constant 6 : i32
        %add3A_499 = arith.addi %mul3A_222, %add3A_498 : i32
        %get3A_500 = arith.index_cast %add3A_499 : i32 to index
        %get3A_501 = arith.constant 0 : index
        %get3A_502 = tpu.vector_load %arg12[%get3A_500, %get3A_501] {strides = array<i32>} : memref<128x128xf32, #tpu.memory_space<vmem>>, vector<16xf32>,
        %add3A_503 = arith.addf %add3A_455, %get3A_502 : vector<16xf32>
        %add3A_504 = arith.constant 6 : i32
        %add3A_505 = arith.addi %mul3A_222, %add3A_504 : i32
        %get3A_506 = arith.index_cast %add3A_505 : i32 to index
        %get3A_507 = arith.constant 16 : index
        %get3A_508 = tpu.vector_load %arg12[%get3A_506, %get3A_507] {strides = array<i32>} : memref<128x128xf32, #tpu.memory_space<vmem>>, vector<16xf32>,
        %add3A_509 = arith.addf %add3A_461, %get3A_508 : vector<16xf32>
        %add3A_510 = arith.constant 6 : i32
        %add3A_511 = arith.addi %mul3A_222, %add3A_510 : i32
        %get3A_512 = arith.index_cast %add3A_511 : i32 to index
        %get3A_513 = arith.constant 32 : index
        %get3A_514 = tpu.vector_load %arg12[%get3A_512, %get3A_513] {strides = array<i32>} : memref<128x128xf32, #tpu.memory_space<vmem>>, vector<16xf32>,
        %add3A_515 = arith.addf %add3A_467, %get3A_514 : vector<16xf32>
        %add3A_516 = arith.constant 6 : i32
        %add3A_517 = arith.addi %mul3A_222, %add3A_516 : i32
        %get3A_518 = arith.index_cast %add3A_517 : i32 to index
        %get3A_519 = arith.constant 48 : index
        %get3A_520 = tpu.vector_load %arg12[%get3A_518, %get3A_519] {strides = array<i32>} : memref<128x128xf32, #tpu.memory_space<vmem>>, vector<16xf32>,
        %add3A_521 = arith.addf %add3A_473, %get3A_520 : vector<16xf32>
        %add3A_522 = arith.constant 6 : i32
        %add3A_523 = arith.addi %mul3A_222, %add3A_522 : i32
        %get3A_524 = arith.index_cast %add3A_523 : i32 to index
        %get3A_525 = arith.constant 64 : index
        %get3A_526 = tpu.vector_load %arg12[%get3A_524, %get3A_525] {strides = array<i32>} : memref<128x128xf32, #tpu.memory_space<vmem>>, vector<16xf32>,
        %add3A_527 = arith.addf %add3A_479, %get3A_526 : vector<16xf32>
        %add3A_528 = arith.constant 6 : i32
        %add3A_529 = arith.addi %mul3A_222, %add3A_528 : i32
        %get3A_530 = arith.index_cast %add3A_529 : i32 to index
        %get3A_531 = arith.constant 80 : index
        %get3A_532 = tpu.vector_load %arg12[%get3A_530, %get3A_531] {strides = array<i32>} : memref<128x128xf32, #tpu.memory_space<vmem>>, vector<16xf32>,
        %add3A_533 = arith.addf %add3A_485, %get3A_532 : vector<16xf32>
        %add3A_534 = arith.constant 6 : i32
        %add3A_535 = arith.addi %mul3A_222, %add3A_534 : i32
        %get3A_536 = arith.index_cast %add3A_535 : i32 to index
        %get3A_537 = arith.constant 96 : index
        %get3A_538 = tpu.vector_load %arg12[%get3A_536, %get3A_537] {strides = array<i32>} : memref<128x128xf32, #tpu.memory_space<vmem>>, vector<16xf32>,
        %add3A_539 = arith.addf %add3A_491, %get3A_538 : vector<16xf32>
        %add3A_540 = arith.constant 6 : i32
        %add3A_541 = arith.addi %mul3A_222, %add3A_540 : i32
        %get3A_542 = arith.index_cast %add3A_541 : i32 to index
        %get3A_543 = arith.constant 112 : index
        %get3A_544 = tpu.vector_load %arg12[%get3A_542, %get3A_543] {strides = array<i32>} : memref<128x128xf32, #tpu.memory_space<vmem>>, vector<16xf32>,
        %add3A_545 = arith.addf %add3A_497, %get3A_544 : vector<16xf32>
        %add3A_546 = arith.constant 7 : i32
        %add3A_547 = arith.addi %mul3A_222, %add3A_546 : i32
        %get3A_548 = arith.index_cast %add3A_547 : i32 to index
        %get3A_549 = arith.constant 0 : index
        %get3A_550 = tpu.vector_load %arg12[%get3A_548, %get3A_549] {strides = array<i32>} : memref<128x128xf32, #tpu.memory_space<vmem>>, vector<16xf32>,
        %add3A_551 = arith.addf %add3A_503, %get3A_550 : vector<16xf32>
        %add3A_552 = arith.constant 7 : i32
        %add3A_553 = arith.addi %mul3A_222, %add3A_552 : i32
        %get3A_554 = arith.index_cast %add3A_553 : i32 to index
        %get3A_555 = arith.constant 16 : index
        %get3A_556 = tpu.vector_load %arg12[%get3A_554, %get3A_555] {strides = array<i32>} : memref<128x128xf32, #tpu.memory_space<vmem>>, vector<16xf32>,
        %add3A_557 = arith.addf %add3A_509, %get3A_556 : vector<16xf32>
        %add3A_558 = arith.constant 7 : i32
        %add3A_559 = arith.addi %mul3A_222, %add3A_558 : i32
        %get3A_560 = arith.index_cast %add3A_559 : i32 to index
        %get3A_561 = arith.constant 32 : index
        %get3A_562 = tpu.vector_load %arg12[%get3A_560, %get3A_561] {strides = array<i32>} : memref<128x128xf32, #tpu.memory_space<vmem>>, vector<16xf32>,
        %add3A_563 = arith.addf %add3A_515, %get3A_562 : vector<16xf32>
        %add3A_564 = arith.constant 7 : i32
        %add3A_565 = arith.addi %mul3A_222, %add3A_564 : i32
        %get3A_566 = arith.index_cast %add3A_565 : i32 to index
        %get3A_567 = arith.constant 48 : index
        %get3A_568 = tpu.vector_load %arg12[%get3A_566, %get3A_567] {strides = array<i32>} : memref<128x128xf32, #tpu.memory_space<vmem>>, vector<16xf32>,
        %add3A_569 = arith.addf %add3A_521, %get3A_568 : vector<16xf32>
        %add3A_570 = arith.constant 7 : i32
        %add3A_571 = arith.addi %mul3A_222, %add3A_570 : i32
        %get3A_572 = arith.index_cast %add3A_571 : i32 to index
        %get3A_573 = arith.constant 64 : index
        %get3A_574 = tpu.vector_load %arg12[%get3A_572, %get3A_573] {strides = array<i32>} : memref<128x128xf32, #tpu.memory_space<vmem>>, vector<16xf32>,
        %add3A_575 = arith.addf %add3A_527, %get3A_574 : vector<16xf32>
        %add3A_576 = arith.constant 7 : i32
        %add3A_577 = arith.addi %mul3A_222, %add3A_576 : i32
        %get3A_578 = arith.index_cast %add3A_577 : i32 to index
        %get3A_579 = arith.constant 80 : index
        %get3A_580 = tpu.vector_load %arg12[%get3A_578, %get3A_579] {strides = array<i32>} : memref<128x128xf32, #tpu.memory_space<vmem>>, vector<16xf32>,
        %add3A_581 = arith.addf %add3A_533, %get3A_580 : vector<16xf32>
        %add3A_582 = arith.constant 7 : i32
        %add3A_583 = arith.addi %mul3A_222, %add3A_582 : i32
        %get3A_584 = arith.index_cast %add3A_583 : i32 to index
        %get3A_585 = arith.constant 96 : index
        %get3A_586 = tpu.vector_load %arg12[%get3A_584, %get3A_585] {strides = array<i32>} : memref<128x128xf32, #tpu.memory_space<vmem>>, vector<16xf32>,
        %add3A_587 = arith.addf %add3A_539, %get3A_586 : vector<16xf32>
        %add3A_588 = arith.constant 7 : i32
        %add3A_589 = arith.addi %mul3A_222, %add3A_588 : i32
        %get3A_590 = arith.index_cast %add3A_589 : i32 to index
        %get3A_591 = arith.constant 112 : index
        %get3A_592 = tpu.vector_load %arg12[%get3A_590, %get3A_591] {strides = array<i32>} : memref<128x128xf32, #tpu.memory_space<vmem>>, vector<16xf32>,
        %add3A_593 = arith.addf %add3A_545, %get3A_592 : vector<16xf32>
        %add3A_594 = arith.constant 8 : i32
        %add3A_595 = arith.addi %mul3A_222, %add3A_594 : i32
        %get3A_596 = arith.index_cast %add3A_595 : i32 to index
        %get3A_597 = arith.constant 0 : index
        %get3A_598 = tpu.vector_load %arg12[%get3A_596, %get3A_597] {strides = array<i32>} : memref<128x128xf32, #tpu.memory_space<vmem>>, vector<16xf32>,
        %add3A_599 = arith.addf %add3A_551, %get3A_598 : vector<16xf32>
        %add3A_600 = arith.constant 8 : i32
        %add3A_601 = arith.addi %mul3A_222, %add3A_600 : i32
        %get3A_602 = arith.index_cast %add3A_601 : i32 to index
        %get3A_603 = arith.constant 16 : index
        %get3A_604 = tpu.vector_load %arg12[%get3A_602, %get3A_603] {strides = array<i32>} : memref<128x128xf32, #tpu.memory_space<vmem>>, vector<16xf32>,
        %add3A_605 = arith.addf %add3A_557, %get3A_604 : vector<16xf32>
        %add3A_606 = arith.constant 8 : i32
        %add3A_607 = arith.addi %mul3A_222, %add3A_606 : i32
        %get3A_608 = arith.index_cast %add3A_607 : i32 to index
        %get3A_609 = arith.constant 32 : index
        %get3A_610 = tpu.vector_load %arg12[%get3A_608, %get3A_609] {strides = array<i32>} : memref<128x128xf32, #tpu.memory_space<vmem>>, vector<16xf32>,
        %add3A_611 = arith.addf %add3A_563, %get3A_610 : vector<16xf32>
        %add3A_612 = arith.constant 8 : i32
        %add3A_613 = arith.addi %mul3A_222, %add3A_612 : i32
        %get3A_614 = arith.index_cast %add3A_613 : i32 to index
        %get3A_615 = arith.constant 48 : index
        %get3A_616 = tpu.vector_load %arg12[%get3A_614, %get3A_615] {strides = array<i32>} : memref<128x128xf32, #tpu.memory_space<vmem>>, vector<16xf32>,
        %add3A_617 = arith.addf %add3A_569, %get3A_616 : vector<16xf32>
        %add3A_618 = arith.constant 8 : i32
        %add3A_619 = arith.addi %mul3A_222, %add3A_618 : i32
        %get3A_620 = arith.index_cast %add3A_619 : i32 to index
        %get3A_621 = arith.constant 64 : index
        %get3A_622 = tpu.vector_load %arg12[%get3A_620, %get3A_621] {strides = array<i32>} : memref<128x128xf32, #tpu.memory_space<vmem>>, vector<16xf32>,
        %add3A_623 = arith.addf %add3A_575, %get3A_622 : vector<16xf32>
        %add3A_624 = arith.constant 8 : i32
        %add3A_625 = arith.addi %mul3A_222, %add3A_624 : i32
        %get3A_626 = arith.index_cast %add3A_625 : i32 to index
        %get3A_627 = arith.constant 80 : index
        %get3A_628 = tpu.vector_load %arg12[%get3A_626, %get3A_627] {strides = array<i32>} : memref<128x128xf32, #tpu.memory_space<vmem>>, vector<16xf32>,
        %add3A_629 = arith.addf %add3A_581, %get3A_628 : vector<16xf32>
        %add3A_630 = arith.constant 8 : i32
        %add3A_631 = arith.addi %mul3A_222, %add3A_630 : i32
        %get3A_632 = arith.index_cast %add3A_631 : i32 to index
        %get3A_633 = arith.constant 96 : index
        %get3A_634 = tpu.vector_load %arg12[%get3A_632, %get3A_633] {strides = array<i32>} : memref<128x128xf32, #tpu.memory_space<vmem>>, vector<16xf32>,
        %add3A_635 = arith.addf %add3A_587, %get3A_634 : vector<16xf32>
        %add3A_636 = arith.constant 8 : i32
        %add3A_637 = arith.addi %mul3A_222, %add3A_636 : i32
        %get3A_638 = arith.index_cast %add3A_637 : i32 to index
        %get3A_639 = arith.constant 112 : index
        %get3A_640 = tpu.vector_load %arg12[%get3A_638, %get3A_639] {strides = array<i32>} : memref<128x128xf32, #tpu.memory_space<vmem>>, vector<16xf32>,
        %add3A_641 = arith.addf %add3A_593, %get3A_640 : vector<16xf32>
        %add3A_642 = arith.constant 9 : i32
        %add3A_643 = arith.addi %mul3A_222, %add3A_642 : i32
        %get3A_644 = arith.index_cast %add3A_643 : i32 to index
        %get3A_645 = arith.constant 0 : index
        %get3A_646 = tpu.vector_load %arg12[%get3A_644, %get3A_645] {strides = array<i32>} : memref<128x128xf32, #tpu.memory_space<vmem>>, vector<16xf32>,
        %add3A_647 = arith.addf %add3A_599, %get3A_646 : vector<16xf32>
        %add3A_648 = arith.constant 9 : i32
        %add3A_649 = arith.addi %mul3A_222, %add3A_648 : i32
        %get3A_650 = arith.index_cast %add3A_649 : i32 to index
        %get3A_651 = arith.constant 16 : index
        %get3A_652 = tpu.vector_load %arg12[%get3A_650, %get3A_651] {strides = array<i32>} : memref<128x128xf32, #tpu.memory_space<vmem>>, vector<16xf32>,
        %add3A_653 = arith.addf %add3A_605, %get3A_652 : vector<16xf32>
        %add3A_654 = arith.constant 9 : i32
        %add3A_655 = arith.addi %mul3A_222, %add3A_654 : i32
        %get3A_656 = arith.index_cast %add3A_655 : i32 to index
        %get3A_657 = arith.constant 32 : index
        %get3A_658 = tpu.vector_load %arg12[%get3A_656, %get3A_657] {strides = array<i32>} : memref<128x128xf32, #tpu.memory_space<vmem>>, vector<16xf32>,
        %add3A_659 = arith.addf %add3A_611, %get3A_658 : vector<16xf32>
        %add3A_660 = arith.constant 9 : i32
        %add3A_661 = arith.addi %mul3A_222, %add3A_660 : i32
        %get3A_662 = arith.index_cast %add3A_661 : i32 to index
        %get3A_663 = arith.constant 48 : index
        %get3A_664 = tpu.vector_load %arg12[%get3A_662, %get3A_663] {strides = array<i32>} : memref<128x128xf32, #tpu.memory_space<vmem>>, vector<16xf32>,
        %add3A_665 = arith.addf %add3A_617, %get3A_664 : vector<16xf32>
        %add3A_666 = arith.constant 9 : i32
        %add3A_667 = arith.addi %mul3A_222, %add3A_666 : i32
        %get3A_668 = arith.index_cast %add3A_667 : i32 to index
        %get3A_669 = arith.constant 64 : index
        %get3A_670 = tpu.vector_load %arg12[%get3A_668, %get3A_669] {strides = array<i32>} : memref<128x128xf32, #tpu.memory_space<vmem>>, vector<16xf32>,
        %add3A_671 = arith.addf %add3A_623, %get3A_670 : vector<16xf32>
        %add3A_672 = arith.constant 9 : i32
        %add3A_673 = arith.addi %mul3A_222, %add3A_672 : i32
        %get3A_674 = arith.index_cast %add3A_673 : i32 to index
        %get3A_675 = arith.constant 80 : index
        %get3A_676 = tpu.vector_load %arg12[%get3A_674, %get3A_675] {strides = array<i32>} : memref<128x128xf32, #tpu.memory_space<vmem>>, vector<16xf32>,
        %add3A_677 = arith.addf %add3A_629, %get3A_676 : vector<16xf32>
        %add3A_678 = arith.constant 9 : i32
        %add3A_679 = arith.addi %mul3A_222, %add3A_678 : i32
        %get3A_680 = arith.index_cast %add3A_679 : i32 to index
        %get3A_681 = arith.constant 96 : index
        %get3A_682 = tpu.vector_load %arg12[%get3A_680, %get3A_681] {strides = array<i32>} : memref<128x128xf32, #tpu.memory_space<vmem>>, vector<16xf32>,
        %add3A_683 = arith.addf %add3A_635, %get3A_682 : vector<16xf32>
        %add3A_684 = arith.constant 9 : i32
        %add3A_685 = arith.addi %mul3A_222, %add3A_684 : i32
        %get3A_686 = arith.index_cast %add3A_685 : i32 to index
        %get3A_687 = arith.constant 112 : index
        %get3A_688 = tpu.vector_load %arg12[%get3A_686, %get3A_687] {strides = array<i32>} : memref<128x128xf32, #tpu.memory_space<vmem>>, vector<16xf32>,
        %add3A_689 = arith.addf %add3A_641, %get3A_688 : vector<16xf32>
        %add3A_690 = arith.constant 10 : i32
        %add3A_691 = arith.addi %mul3A_222, %add3A_690 : i32
        %get3A_692 = arith.index_cast %add3A_691 : i32 to index
        %get3A_693 = arith.constant 0 : index
        %get3A_694 = tpu.vector_load %arg12[%get3A_692, %get3A_693] {strides = array<i32>} : memref<128x128xf32, #tpu.memory_space<vmem>>, vector<16xf32>,
        %add3A_695 = arith.addf %add3A_647, %get3A_694 : vector<16xf32>
        %add3A_696 = arith.constant 10 : i32
        %add3A_697 = arith.addi %mul3A_222, %add3A_696 : i32
        %get3A_698 = arith.index_cast %add3A_697 : i32 to index
        %get3A_699 = arith.constant 16 : index
        %get3A_700 = tpu.vector_load %arg12[%get3A_698, %get3A_699] {strides = array<i32>} : memref<128x128xf32, #tpu.memory_space<vmem>>, vector<16xf32>,
        %add3A_701 = arith.addf %add3A_653, %get3A_700 : vector<16xf32>
        %add3A_702 = arith.constant 10 : i32
        %add3A_703 = arith.addi %mul3A_222, %add3A_702 : i32
        %get3A_704 = arith.index_cast %add3A_703 : i32 to index
        %get3A_705 = arith.constant 32 : index
        %get3A_706 = tpu.vector_load %arg12[%get3A_704, %get3A_705] {strides = array<i32>} : memref<128x128xf32, #tpu.memory_space<vmem>>, vector<16xf32>,
        %add3A_707 = arith.addf %add3A_659, %get3A_706 : vector<16xf32>
        %add3A_708 = arith.constant 10 : i32
        %add3A_709 = arith.addi %mul3A_222, %add3A_708 : i32
        %get3A_710 = arith.index_cast %add3A_709 : i32 to index
        %get3A_711 = arith.constant 48 : index
        %get3A_712 = tpu.vector_load %arg12[%get3A_710, %get3A_711] {strides = array<i32>} : memref<128x128xf32, #tpu.memory_space<vmem>>, vector<16xf32>,
        %add3A_713 = arith.addf %add3A_665, %get3A_712 : vector<16xf32>
        %add3A_714 = arith.constant 10 : i32
        %add3A_715 = arith.addi %mul3A_222, %add3A_714 : i32
        %get3A_716 = arith.index_cast %add3A_715 : i32 to index
        %get3A_717 = arith.constant 64 : index
        %get3A_718 = tpu.vector_load %arg12[%get3A_716, %get3A_717] {strides = array<i32>} : memref<128x128xf32, #tpu.memory_space<vmem>>, vector<16xf32>,
        %add3A_719 = arith.addf %add3A_671, %get3A_718 : vector<16xf32>
        %add3A_720 = arith.constant 10 : i32
        %add3A_721 = arith.addi %mul3A_222, %add3A_720 : i32
        %get3A_722 = arith.index_cast %add3A_721 : i32 to index
        %get3A_723 = arith.constant 80 : index
        %get3A_724 = tpu.vector_load %arg12[%get3A_722, %get3A_723] {strides = array<i32>} : memref<128x128xf32, #tpu.memory_space<vmem>>, vector<16xf32>,
        %add3A_725 = arith.addf %add3A_677, %get3A_724 : vector<16xf32>
        %add3A_726 = arith.constant 10 : i32
        %add3A_727 = arith.addi %mul3A_222, %add3A_726 : i32
        %get3A_728 = arith.index_cast %add3A_727 : i32 to index
        %get3A_729 = arith.constant 96 : index
        %get3A_730 = tpu.vector_load %arg12[%get3A_728, %get3A_729] {strides = array<i32>} : memref<128x128xf32, #tpu.memory_space<vmem>>, vector<16xf32>,
        %add3A_731 = arith.addf %add3A_683, %get3A_730 : vector<16xf32>
        %add3A_732 = arith.constant 10 : i32
        %add3A_733 = arith.addi %mul3A_222, %add3A_732 : i32
        %get3A_734 = arith.index_cast %add3A_733 : i32 to index
        %get3A_735 = arith.constant 112 : index
        %get3A_736 = tpu.vector_load %arg12[%get3A_734, %get3A_735] {strides = array<i32>} : memref<128x128xf32, #tpu.memory_space<vmem>>, vector<16xf32>,
        %add3A_737 = arith.addf %add3A_689, %get3A_736 : vector<16xf32>
        %add3A_738 = arith.constant 11 : i32
        %add3A_739 = arith.addi %mul3A_222, %add3A_738 : i32
        %get3A_740 = arith.index_cast %add3A_739 : i32 to index
        %get3A_741 = arith.constant 0 : index
        %get3A_742 = tpu.vector_load %arg12[%get3A_740, %get3A_741] {strides = array<i32>} : memref<128x128xf32, #tpu.memory_space<vmem>>, vector<16xf32>,
        %add3A_743 = arith.addf %add3A_695, %get3A_742 : vector<16xf32>
        %add3A_744 = arith.constant 11 : i32
        %add3A_745 = arith.addi %mul3A_222, %add3A_744 : i32
        %get3A_746 = arith.index_cast %add3A_745 : i32 to index
        %get3A_747 = arith.constant 16 : index
        %get3A_748 = tpu.vector_load %arg12[%get3A_746, %get3A_747] {strides = array<i32>} : memref<128x128xf32, #tpu.memory_space<vmem>>, vector<16xf32>,
        %add3A_749 = arith.addf %add3A_701, %get3A_748 : vector<16xf32>
        %add3A_750 = arith.constant 11 : i32
        %add3A_751 = arith.addi %mul3A_222, %add3A_750 : i32
        %get3A_752 = arith.index_cast %add3A_751 : i32 to index
        %get3A_753 = arith.constant 32 : index
        %get3A_754 = tpu.vector_load %arg12[%get3A_752, %get3A_753] {strides = array<i32>} : memref<128x128xf32, #tpu.memory_space<vmem>>, vector<16xf32>,
        %add3A_755 = arith.addf %add3A_707, %get3A_754 : vector<16xf32>
        %add3A_756 = arith.constant 11 : i32
        %add3A_757 = arith.addi %mul3A_222, %add3A_756 : i32
        %get3A_758 = arith.index_cast %add3A_757 : i32 to index
        %get3A_759 = arith.constant 48 : index
        %get3A_760 = tpu.vector_load %arg12[%get3A_758, %get3A_759] {strides = array<i32>} : memref<128x128xf32, #tpu.memory_space<vmem>>, vector<16xf32>,
        %add3A_761 = arith.addf %add3A_713, %get3A_760 : vector<16xf32>
        %add3A_762 = arith.constant 11 : i32
        %add3A_763 = arith.addi %mul3A_222, %add3A_762 : i32
        %get3A_764 = arith.index_cast %add3A_763 : i32 to index
        %get3A_765 = arith.constant 64 : index
        %get3A_766 = tpu.vector_load %arg12[%get3A_764, %get3A_765] {strides = array<i32>} : memref<128x128xf32, #tpu.memory_space<vmem>>, vector<16xf32>,
        %add3A_767 = arith.addf %add3A_719, %get3A_766 : vector<16xf32>
        %add3A_768 = arith.constant 11 : i32
        %add3A_769 = arith.addi %mul3A_222, %add3A_768 : i32
        %get3A_770 = arith.index_cast %add3A_769 : i32 to index
        %get3A_771 = arith.constant 80 : index
        %get3A_772 = tpu.vector_load %arg12[%get3A_770, %get3A_771] {strides = array<i32>} : memref<128x128xf32, #tpu.memory_space<vmem>>, vector<16xf32>,
        %add3A_773 = arith.addf %add3A_725, %get3A_772 : vector<16xf32>
        %add3A_774 = arith.constant 11 : i32
        %add3A_775 = arith.addi %mul3A_222, %add3A_774 : i32
        %get3A_776 = arith.index_cast %add3A_775 : i32 to index
        %get3A_777 = arith.constant 96 : index
        %get3A_778 = tpu.vector_load %arg12[%get3A_776, %get3A_777] {strides = array<i32>} : memref<128x128xf32, #tpu.memory_space<vmem>>, vector<16xf32>,
        %add3A_779 = arith.addf %add3A_731, %get3A_778 : vector<16xf32>
        %add3A_780 = arith.constant 11 : i32
        %add3A_781 = arith.addi %mul3A_222, %add3A_780 : i32
        %get3A_782 = arith.index_cast %add3A_781 : i32 to index
        %get3A_783 = arith.constant 112 : index
        %get3A_784 = tpu.vector_load %arg12[%get3A_782, %get3A_783] {strides = array<i32>} : memref<128x128xf32, #tpu.memory_space<vmem>>, vector<16xf32>,
        %add3A_785 = arith.addf %add3A_737, %get3A_784 : vector<16xf32>
        %add3A_786 = arith.constant 12 : i32
        %add3A_787 = arith.addi %mul3A_222, %add3A_786 : i32
        %get3A_788 = arith.index_cast %add3A_787 : i32 to index
        %get3A_789 = arith.constant 0 : index
        %get3A_790 = tpu.vector_load %arg12[%get3A_788, %get3A_789] {strides = array<i32>} : memref<128x128xf32, #tpu.memory_space<vmem>>, vector<16xf32>,
        %add3A_791 = arith.addf %add3A_743, %get3A_790 : vector<16xf32>
        %add3A_792 = arith.constant 12 : i32
        %add3A_793 = arith.addi %mul3A_222, %add3A_792 : i32
        %get3A_794 = arith.index_cast %add3A_793 : i32 to index
        %get3A_795 = arith.constant 16 : index
        %get3A_796 = tpu.vector_load %arg12[%get3A_794, %get3A_795] {strides = array<i32>} : memref<128x128xf32, #tpu.memory_space<vmem>>, vector<16xf32>,
        %add3A_797 = arith.addf %add3A_749, %get3A_796 : vector<16xf32>
        %add3A_798 = arith.constant 12 : i32
        %add3A_799 = arith.addi %mul3A_222, %add3A_798 : i32
        %get3A_800 = arith.index_cast %add3A_799 : i32 to index
        %get3A_801 = arith.constant 32 : index
        %get3A_802 = tpu.vector_load %arg12[%get3A_800, %get3A_801] {strides = array<i32>} : memref<128x128xf32, #tpu.memory_space<vmem>>, vector<16xf32>,
        %add3A_803 = arith.addf %add3A_755, %get3A_802 : vector<16xf32>
        %add3A_804 = arith.constant 12 : i32
        %add3A_805 = arith.addi %mul3A_222, %add3A_804 : i32
        %get3A_806 = arith.index_cast %add3A_805 : i32 to index
        %get3A_807 = arith.constant 48 : index
        %get3A_808 = tpu.vector_load %arg12[%get3A_806, %get3A_807] {strides = array<i32>} : memref<128x128xf32, #tpu.memory_space<vmem>>, vector<16xf32>,
        %add3A_809 = arith.addf %add3A_761, %get3A_808 : vector<16xf32>
        %add3A_810 = arith.constant 12 : i32
        %add3A_811 = arith.addi %mul3A_222, %add3A_810 : i32
        %get3A_812 = arith.index_cast %add3A_811 : i32 to index
        %get3A_813 = arith.constant 64 : index
        %get3A_814 = tpu.vector_load %arg12[%get3A_812, %get3A_813] {strides = array<i32>} : memref<128x128xf32, #tpu.memory_space<vmem>>, vector<16xf32>,
        %add3A_815 = arith.addf %add3A_767, %get3A_814 : vector<16xf32>
        %add3A_816 = arith.constant 12 : i32
        %add3A_817 = arith.addi %mul3A_222, %add3A_816 : i32
        %get3A_818 = arith.index_cast %add3A_817 : i32 to index
        %get3A_819 = arith.constant 80 : index
        %get3A_820 = tpu.vector_load %arg12[%get3A_818, %get3A_819] {strides = array<i32>} : memref<128x128xf32, #tpu.memory_space<vmem>>, vector<16xf32>,
        %add3A_821 = arith.addf %add3A_773, %get3A_820 : vector<16xf32>
        %add3A_822 = arith.constant 12 : i32
        %add3A_823 = arith.addi %mul3A_222, %add3A_822 : i32
        %get3A_824 = arith.index_cast %add3A_823 : i32 to index
        %get3A_825 = arith.constant 96 : index
        %get3A_826 = tpu.vector_load %arg12[%get3A_824, %get3A_825] {strides = array<i32>} : memref<128x128xf32, #tpu.memory_space<vmem>>, vector<16xf32>,
        %add3A_827 = arith.addf %add3A_779, %get3A_826 : vector<16xf32>
        %add3A_828 = arith.constant 12 : i32
        %add3A_829 = arith.addi %mul3A_222, %add3A_828 : i32
        %get3A_830 = arith.index_cast %add3A_829 : i32 to index
        %get3A_831 = arith.constant 112 : index
        %get3A_832 = tpu.vector_load %arg12[%get3A_830, %get3A_831] {strides = array<i32>} : memref<128x128xf32, #tpu.memory_space<vmem>>, vector<16xf32>,
        %add3A_833 = arith.addf %add3A_785, %get3A_832 : vector<16xf32>
        %add3A_834 = arith.constant 13 : i32
        %add3A_835 = arith.addi %mul3A_222, %add3A_834 : i32
        %get3A_836 = arith.index_cast %add3A_835 : i32 to index
        %get3A_837 = arith.constant 0 : index
        %get3A_838 = tpu.vector_load %arg12[%get3A_836, %get3A_837] {strides = array<i32>} : memref<128x128xf32, #tpu.memory_space<vmem>>, vector<16xf32>,
        %add3A_839 = arith.addf %add3A_791, %get3A_838 : vector<16xf32>
        %add3A_840 = arith.constant 13 : i32
        %add3A_841 = arith.addi %mul3A_222, %add3A_840 : i32
        %get3A_842 = arith.index_cast %add3A_841 : i32 to index
        %get3A_843 = arith.constant 16 : index
        %get3A_844 = tpu.vector_load %arg12[%get3A_842, %get3A_843] {strides = array<i32>} : memref<128x128xf32, #tpu.memory_space<vmem>>, vector<16xf32>,
        %add3A_845 = arith.addf %add3A_797, %get3A_844 : vector<16xf32>
        %add3A_846 = arith.constant 13 : i32
        %add3A_847 = arith.addi %mul3A_222, %add3A_846 : i32
        %get3A_848 = arith.index_cast %add3A_847 : i32 to index
        %get3A_849 = arith.constant 32 : index
        %get3A_850 = tpu.vector_load %arg12[%get3A_848, %get3A_849] {strides = array<i32>} : memref<128x128xf32, #tpu.memory_space<vmem>>, vector<16xf32>,
        %add3A_851 = arith.addf %add3A_803, %get3A_850 : vector<16xf32>
        %add3A_852 = arith.constant 13 : i32
        %add3A_853 = arith.addi %mul3A_222, %add3A_852 : i32
        %get3A_854 = arith.index_cast %add3A_853 : i32 to index
        %get3A_855 = arith.constant 48 : index
        %get3A_856 = tpu.vector_load %arg12[%get3A_854, %get3A_855] {strides = array<i32>} : memref<128x128xf32, #tpu.memory_space<vmem>>, vector<16xf32>,
        %add3A_857 = arith.addf %add3A_809, %get3A_856 : vector<16xf32>
        %add3A_858 = arith.constant 13 : i32
        %add3A_859 = arith.addi %mul3A_222, %add3A_858 : i32
        %get3A_860 = arith.index_cast %add3A_859 : i32 to index
        %get3A_861 = arith.constant 64 : index
        %get3A_862 = tpu.vector_load %arg12[%get3A_860, %get3A_861] {strides = array<i32>} : memref<128x128xf32, #tpu.memory_space<vmem>>, vector<16xf32>,
        %add3A_863 = arith.addf %add3A_815, %get3A_862 : vector<16xf32>
        %add3A_864 = arith.constant 13 : i32
        %add3A_865 = arith.addi %mul3A_222, %add3A_864 : i32
        %get3A_866 = arith.index_cast %add3A_865 : i32 to index
        %get3A_867 = arith.constant 80 : index
        %get3A_868 = tpu.vector_load %arg12[%get3A_866, %get3A_867] {strides = array<i32>} : memref<128x128xf32, #tpu.memory_space<vmem>>, vector<16xf32>,
        %add3A_869 = arith.addf %add3A_821, %get3A_868 : vector<16xf32>
        %add3A_870 = arith.constant 13 : i32
        %add3A_871 = arith.addi %mul3A_222, %add3A_870 : i32
        %get3A_872 = arith.index_cast %add3A_871 : i32 to index
        %get3A_873 = arith.constant 96 : index
        %get3A_874 = tpu.vector_load %arg12[%get3A_872, %get3A_873] {strides = array<i32>} : memref<128x128xf32, #tpu.memory_space<vmem>>, vector<16xf32>,
        %add3A_875 = arith.addf %add3A_827, %get3A_874 : vector<16xf32>
        %add3A_876 = arith.constant 13 : i32
        %add3A_877 = arith.addi %mul3A_222, %add3A_876 : i32
        %get3A_878 = arith.index_cast %add3A_877 : i32 to index
        %get3A_879 = arith.constant 112 : index
        %get3A_880 = tpu.vector_load %arg12[%get3A_878, %get3A_879] {strides = array<i32>} : memref<128x128xf32, #tpu.memory_space<vmem>>, vector<16xf32>,
        %add3A_881 = arith.addf %add3A_833, %get3A_880 : vector<16xf32>
        %add3A_882 = arith.constant 14 : i32
        %add3A_883 = arith.addi %mul3A_222, %add3A_882 : i32
        %get3A_884 = arith.index_cast %add3A_883 : i32 to index
        %get3A_885 = arith.constant 0 : index
        %get3A_886 = tpu.vector_load %arg12[%get3A_884, %get3A_885] {strides = array<i32>} : memref<128x128xf32, #tpu.memory_space<vmem>>, vector<16xf32>,
        %add3A_887 = arith.addf %add3A_839, %get3A_886 : vector<16xf32>
        %add3A_888 = arith.constant 14 : i32
        %add3A_889 = arith.addi %mul3A_222, %add3A_888 : i32
        %get3A_890 = arith.index_cast %add3A_889 : i32 to index
        %get3A_891 = arith.constant 16 : index
        %get3A_892 = tpu.vector_load %arg12[%get3A_890, %get3A_891] {strides = array<i32>} : memref<128x128xf32, #tpu.memory_space<vmem>>, vector<16xf32>,
        %add3A_893 = arith.addf %add3A_845, %get3A_892 : vector<16xf32>
        %add3A_894 = arith.constant 14 : i32
        %add3A_895 = arith.addi %mul3A_222, %add3A_894 : i32
        %get3A_896 = arith.index_cast %add3A_895 : i32 to index
        %get3A_897 = arith.constant 32 : index
        %get3A_898 = tpu.vector_load %arg12[%get3A_896, %get3A_897] {strides = array<i32>} : memref<128x128xf32, #tpu.memory_space<vmem>>, vector<16xf32>,
        %add3A_899 = arith.addf %add3A_851, %get3A_898 : vector<16xf32>
        %add3A_900 = arith.constant 14 : i32
        %add3A_901 = arith.addi %mul3A_222, %add3A_900 : i32
        %get3A_902 = arith.index_cast %add3A_901 : i32 to index
        %get3A_903 = arith.constant 48 : index
        %get3A_904 = tpu.vector_load %arg12[%get3A_902, %get3A_903] {strides = array<i32>} : memref<128x128xf32, #tpu.memory_space<vmem>>, vector<16xf32>,
        %add3A_905 = arith.addf %add3A_857, %get3A_904 : vector<16xf32>
        %add3A_906 = arith.constant 14 : i32
        %add3A_907 = arith.addi %mul3A_222, %add3A_906 : i32
        %get3A_908 = arith.index_cast %add3A_907 : i32 to index
        %get3A_909 = arith.constant 64 : index
        %get3A_910 = tpu.vector_load %arg12[%get3A_908, %get3A_909] {strides = array<i32>} : memref<128x128xf32, #tpu.memory_space<vmem>>, vector<16xf32>,
        %add3A_911 = arith.addf %add3A_863, %get3A_910 : vector<16xf32>
        %add3A_912 = arith.constant 14 : i32
        %add3A_913 = arith.addi %mul3A_222, %add3A_912 : i32
        %get3A_914 = arith.index_cast %add3A_913 : i32 to index
        %get3A_915 = arith.constant 80 : index
        %get3A_916 = tpu.vector_load %arg12[%get3A_914, %get3A_915] {strides = array<i32>} : memref<128x128xf32, #tpu.memory_space<vmem>>, vector<16xf32>,
        %add3A_917 = arith.addf %add3A_869, %get3A_916 : vector<16xf32>
        %add3A_918 = arith.constant 14 : i32
        %add3A_919 = arith.addi %mul3A_222, %add3A_918 : i32
        %get3A_920 = arith.index_cast %add3A_919 : i32 to index
        %get3A_921 = arith.constant 96 : index
        %get3A_922 = tpu.vector_load %arg12[%get3A_920, %get3A_921] {strides = array<i32>} : memref<128x128xf32, #tpu.memory_space<vmem>>, vector<16xf32>,
        %add3A_923 = arith.addf %add3A_875, %get3A_922 : vector<16xf32>
        %add3A_924 = arith.constant 14 : i32
        %add3A_925 = arith.addi %mul3A_222, %add3A_924 : i32
        %get3A_926 = arith.index_cast %add3A_925 : i32 to index
        %get3A_927 = arith.constant 112 : index
        %get3A_928 = tpu.vector_load %arg12[%get3A_926, %get3A_927] {strides = array<i32>} : memref<128x128xf32, #tpu.memory_space<vmem>>, vector<16xf32>,
        %add3A_929 = arith.addf %add3A_881, %get3A_928 : vector<16xf32>
        %add3A_930 = arith.constant 15 : i32
        %add3A_931 = arith.addi %mul3A_222, %add3A_930 : i32
        %get3A_932 = arith.index_cast %add3A_931 : i32 to index
        %get3A_933 = arith.constant 0 : index
        %get3A_934 = tpu.vector_load %arg12[%get3A_932, %get3A_933] {strides = array<i32>} : memref<128x128xf32, #tpu.memory_space<vmem>>, vector<16xf32>,
        %add3A_935 = arith.addf %add3A_887, %get3A_934 : vector<16xf32>
        %add3A_936 = arith.constant 15 : i32
        %add3A_937 = arith.addi %mul3A_222, %add3A_936 : i32
        %get3A_938 = arith.index_cast %add3A_937 : i32 to index
        %get3A_939 = arith.constant 16 : index
        %get3A_940 = tpu.vector_load %arg12[%get3A_938, %get3A_939] {strides = array<i32>} : memref<128x128xf32, #tpu.memory_space<vmem>>, vector<16xf32>,
        %add3A_941 = arith.addf %add3A_893, %get3A_940 : vector<16xf32>
        %add3A_942 = arith.constant 15 : i32
        %add3A_943 = arith.addi %mul3A_222, %add3A_942 : i32
        %get3A_944 = arith.index_cast %add3A_943 : i32 to index
        %get3A_945 = arith.constant 32 : index
        %get3A_946 = tpu.vector_load %arg12[%get3A_944, %get3A_945] {strides = array<i32>} : memref<128x128xf32, #tpu.memory_space<vmem>>, vector<16xf32>,
        %add3A_947 = arith.addf %add3A_899, %get3A_946 : vector<16xf32>
        %add3A_948 = arith.constant 15 : i32
        %add3A_949 = arith.addi %mul3A_222, %add3A_948 : i32
        %get3A_950 = arith.index_cast %add3A_949 : i32 to index
        %get3A_951 = arith.constant 48 : index
        %get3A_952 = tpu.vector_load %arg12[%get3A_950, %get3A_951] {strides = array<i32>} : memref<128x128xf32, #tpu.memory_space<vmem>>, vector<16xf32>,
        %add3A_953 = arith.addf %add3A_905, %get3A_952 : vector<16xf32>
        %add3A_954 = arith.constant 15 : i32
        %add3A_955 = arith.addi %mul3A_222, %add3A_954 : i32
        %get3A_956 = arith.index_cast %add3A_955 : i32 to index
        %get3A_957 = arith.constant 64 : index
        %get3A_958 = tpu.vector_load %arg12[%get3A_956, %get3A_957] {strides = array<i32>} : memref<128x128xf32, #tpu.memory_space<vmem>>, vector<16xf32>,
        %add3A_959 = arith.addf %add3A_911, %get3A_958 : vector<16xf32>
        %add3A_960 = arith.constant 15 : i32
        %add3A_961 = arith.addi %mul3A_222, %add3A_960 : i32
        %get3A_962 = arith.index_cast %add3A_961 : i32 to index
        %get3A_963 = arith.constant 80 : index
        %get3A_964 = tpu.vector_load %arg12[%get3A_962, %get3A_963] {strides = array<i32>} : memref<128x128xf32, #tpu.memory_space<vmem>>, vector<16xf32>,
        %add3A_965 = arith.addf %add3A_917, %get3A_964 : vector<16xf32>
        %add3A_966 = arith.constant 15 : i32
        %add3A_967 = arith.addi %mul3A_222, %add3A_966 : i32
        %get3A_968 = arith.index_cast %add3A_967 : i32 to index
        %get3A_969 = arith.constant 96 : index
        %get3A_970 = tpu.vector_load %arg12[%get3A_968, %get3A_969] {strides = array<i32>} : memref<128x128xf32, #tpu.memory_space<vmem>>, vector<16xf32>,
        %add3A_971 = arith.addf %add3A_923, %get3A_970 : vector<16xf32>
        %add3A_972 = arith.constant 15 : i32
        %add3A_973 = arith.addi %mul3A_222, %add3A_972 : i32
        %get3A_974 = arith.index_cast %add3A_973 : i32 to index
        %get3A_975 = arith.constant 112 : index
        %get3A_976 = tpu.vector_load %arg12[%get3A_974, %get3A_975] {strides = array<i32>} : memref<128x128xf32, #tpu.memory_space<vmem>>, vector<16xf32>,
        %add3A_977 = arith.addf %add3A_929, %get3A_976 : vector<16xf32>
        %div3A_978 = vector.broadcast %reduce_sum3A_233 : f32 to vector<16xf32>
        %div3A_979 = arith.divf %add3A_935, %div3A_978 : vector<16xf32>
        %swap3A = arith.index_cast %add3A_220 : i32 to index
        %swap3A_980 = arith.constant 0 : index
        %swap3A_981 = tpu.vector_load %arg16[%swap3A, %swap3A_980] {strides = array<i32>} : memref<8x128xf32, #tpu.memory_space<vmem>>, vector<16xf32>,
        tpu.vector_store %arg16[%swap3A, %swap3A_980], %div3A_979 {strides = array<i32>} : memref<8x128xf32, #tpu.memory_space<vmem>>, vector<16xf32>,
        %div3A_982 = vector.broadcast %reduce_sum3A_233 : f32 to vector<16xf32>
        %div3A_983 = arith.divf %add3A_941, %div3A_982 : vector<16xf32>
        %swap3A_984 = arith.index_cast %add3A_220 : i32 to index
        %swap3A_985 = arith.constant 16 : index
        %swap3A_986 = tpu.vector_load %arg16[%swap3A_984, %swap3A_985] {strides = array<i32>} : memref<8x128xf32, #tpu.memory_space<vmem>>, vector<16xf32>,
        tpu.vector_store %arg16[%swap3A_984, %swap3A_985], %div3A_983 {strides = array<i32>} : memref<8x128xf32, #tpu.memory_space<vmem>>, vector<16xf32>,
        %div3A_987 = vector.broadcast %reduce_sum3A_233 : f32 to vector<16xf32>
        %div3A_988 = arith.divf %add3A_947, %div3A_987 : vector<16xf32>
        %swap3A_989 = arith.index_cast %add3A_220 : i32 to index
        %swap3A_990 = arith.constant 32 : index
        %swap3A_991 = tpu.vector_load %arg16[%swap3A_989, %swap3A_990] {strides = array<i32>} : memref<8x128xf32, #tpu.memory_space<vmem>>, vector<16xf32>,
        tpu.vector_store %arg16[%swap3A_989, %swap3A_990], %div3A_988 {strides = array<i32>} : memref<8x128xf32, #tpu.memory_space<vmem>>, vector<16xf32>,
        %div3A_992 = vector.broadcast %reduce_sum3A_233 : f32 to vector<16xf32>
        %div3A_993 = arith.divf %add3A_953, %div3A_992 : vector<16xf32>
        %swap3A_994 = arith.index_cast %add3A_220 : i32 to index
        %swap3A_995 = arith.constant 48 : index
        %swap3A_996 = tpu.vector_load %arg16[%swap3A_994, %swap3A_995] {strides = array<i32>} : memref<8x128xf32, #tpu.memory_space<vmem>>, vector<16xf32>,
        tpu.vector_store %arg16[%swap3A_994, %swap3A_995], %div3A_993 {strides = array<i32>} : memref<8x128xf32, #tpu.memory_space<vmem>>, vector<16xf32>,
        %div3A_997 = vector.broadcast %reduce_sum3A_233 : f32 to vector<16xf32>
        %div3A_998 = arith.divf %add3A_959, %div3A_997 : vector<16xf32>
        %swap3A_999 = arith.index_cast %add3A_220 : i32 to index
        %swap3A_1000 = arith.constant 64 : index
        %swap3A_1001 = tpu.vector_load %arg16[%swap3A_999, %swap3A_1000] {strides = array<i32>} : memref<8x128xf32, #tpu.memory_space<vmem>>, vector<16xf32>,
        tpu.vector_store %arg16[%swap3A_999, %swap3A_1000], %div3A_998 {strides = array<i32>} : memref<8x128xf32, #tpu.memory_space<vmem>>, vector<16xf32>,
        %div3A_1002 = vector.broadcast %reduce_sum3A_233 : f32 to vector<16xf32>
        %div3A_1003 = arith.divf %add3A_965, %div3A_1002 : vector<16xf32>
        %swap3A_1004 = arith.index_cast %add3A_220 : i32 to index
        %swap3A_1005 = arith.constant 80 : index
        %swap3A_1006 = tpu.vector_load %arg16[%swap3A_1004, %swap3A_1005] {strides = array<i32>} : memref<8x128xf32, #tpu.memory_space<vmem>>, vector<16xf32>,
        tpu.vector_store %arg16[%swap3A_1004, %swap3A_1005], %div3A_1003 {strides = array<i32>} : memref<8x128xf32, #tpu.memory_space<vmem>>, vector<16xf32>,
        %div3A_1007 = vector.broadcast %reduce_sum3A_233 : f32 to vector<16xf32>
        %div3A_1008 = arith.divf %add3A_971, %div3A_1007 : vector<16xf32>
        %swap3A_1009 = arith.index_cast %add3A_220 : i32 to index
        %swap3A_1010 = arith.constant 96 : index
        %swap3A_1011 = tpu.vector_load %arg16[%swap3A_1009, %swap3A_1010] {strides = array<i32>} : memref<8x128xf32, #tpu.memory_space<vmem>>, vector<16xf32>,
        tpu.vector_store %arg16[%swap3A_1009, %swap3A_1010], %div3A_1008 {strides = array<i32>} : memref<8x128xf32, #tpu.memory_space<vmem>>, vector<16xf32>,
        %div3A_1012 = vector.broadcast %reduce_sum3A_233 : f32 to vector<16xf32>
        %div3A_1013 = arith.divf %add3A_977, %div3A_1012 : vector<16xf32>
        %swap3A_1014 = arith.index_cast %add3A_220 : i32 to index
        %swap3A_1015 = arith.constant 112 : index
        %swap3A_1016 = tpu.vector_load %arg16[%swap3A_1014, %swap3A_1015] {strides = array<i32>} : memref<8x128xf32, #tpu.memory_space<vmem>>, vector<16xf32>,
        tpu.vector_store %arg16[%swap3A_1014, %swap3A_1015], %div3A_1013 {strides = array<i32>} : memref<8x128xf32, #tpu.memory_space<vmem>>, vector<16xf32>,
      }
      %scan3A_201 = arith.constant 8 : i32
      %add3A_202 = arith.constant 4 : i32
      %add3A_203 = arith.addi %add3A_186, %add3A_202 : i32
      %lt3A_204 = arith.constant 128 : i32
      %lt3A_205 = arith.cmpi slt, %add3A_203, %lt3A_204 : i32
      %convert_element_type3A_206 = arith.extui %lt3A_205 : i1 to i32
      %cond3A_207 = arith.constant 0 : i32
      %cond3A_208 = arith.cmpi ne, %convert_element_type3A_206, %cond3A_207 : i32
      scf.if %cond3A_208 {
        %add3A_216 = arith.constant 4 : i32
        %add3A_217 = arith.addi %add3A_186, %add3A_216 : i32
        %mul3A_218 = arith.constant 128 : i32
        %mul3A_219 = arith.muli %add3A_217, %mul3A_218 : i32
        %dma_start3A_220 = tpu.memref_slice %arg7[%mul3A_219] : memref<16384xi32, #tpu.memory_space<vmem>> -> memref<128xi32, #tpu.memory_space<vmem>>
        %dma_start3A_221 = arith.constant 0 : i32
        %dma_start3A_222 = arith.constant 0 : i32
        %dma_start3A_223 = tpu.memref_slice %arg2[%dma_start3A_221, %dma_start3A_222] : memref<32768x128xf32, #tpu.memory_space<hbm>> -> memref<32768x128xf32, #tpu.memory_space<hbm>>
        tpu.enqueue_indirect_dma source(%dma_start3A_223 : memref<32768x128xf32, #tpu.memory_space<hbm>>) target(%arg12 : memref<128x128xf32, #tpu.memory_space<vmem>>) offsets(%dma_start3A_220 : memref<128xi32, #tpu.memory_space<vmem>>) semaphore(%arg20 : memref<!tpu.dma_semaphore, #tpu.memory_space<semaphore_mem>>)
      } else {
      }
      %mul3A_209 = arith.constant 8 : i32
      %mul3A_210 = arith.muli %add3A_186, %mul3A_209 : i32
      %add3A_211 = arith.addi %mul3A_34, %mul3A_210 : i32
      %dma_start3A_212 = arith.constant 0 : i32
      %dma_start3A_213 = tpu.memref_slice %arg5[%add3A_211, %dma_start3A_212] : memref<32768x128xf32, #tpu.memory_space<hbm>> -> memref<8x128xf32, #tpu.memory_space<hbm>>
      %dma_start3A_214 = arith.constant 0 : i32
      %dma_start3A_215 = tpu.memref_slice %arg5[%add3A_211, %dma_start3A_214] : memref<32768x128xf32, #tpu.memory_space<hbm>> -> memref<8x128xf32, #tpu.memory_space<hbm>>
      tpu.enqueue_dma source(%arg16 : memref<8x128xf32, #tpu.memory_space<vmem>>) target(%dma_start3A_215 : memref<8x128xf32, #tpu.memory_space<hbm>>) target_semaphore(%arg24 : memref<!tpu.dma_semaphore, #tpu.memory_space<semaphore_mem>>)
    }
    %scan3A_74 = arith.constant 32 : i32
    %dma_wait3A = arith.constant 0 : i32
    %dma_wait3A_75 = tpu.memref_slice %arg5[%mul3A_34, %dma_wait3A] : memref<32768x128xf32, #tpu.memory_space<hbm>> -> memref<8x128xf32, #tpu.memory_space<hbm>>
    %dma_wait3A_76 = arith.constant 0 : i32
    %dma_wait3A_77 = tpu.memref_slice %arg5[%mul3A_34, %dma_wait3A_76] : memref<32768x128xf32, #tpu.memory_space<hbm>> -> memref<8x128xf32, #tpu.memory_space<hbm>>
    tpu.wait_dma2 semaphore(%arg21 : memref<!tpu.dma_semaphore, #tpu.memory_space<semaphore_mem>>) src(%arg13 : memref<8x128xf32, #tpu.memory_space<vmem>>) dst(%dma_wait3A_77 : memref<8x128xf32, #tpu.memory_space<hbm>>)
    %dma_wait3A_78 = arith.constant 0 : i32
    %dma_wait3A_79 = tpu.memref_slice %arg5[%mul3A_34, %dma_wait3A_78] : memref<32768x128xf32, #tpu.memory_space<hbm>> -> memref<8x128xf32, #tpu.memory_space<hbm>>
    %dma_wait3A_80 = arith.constant 0 : i32
    %dma_wait3A_81 = tpu.memref_slice %arg5[%mul3A_34, %dma_wait3A_80] : memref<32768x128xf32, #tpu.memory_space<hbm>> -> memref<8x128xf32, #tpu.memory_space<hbm>>
    tpu.wait_dma2 semaphore(%arg22 : memref<!tpu.dma_semaphore, #tpu.memory_space<semaphore_mem>>) src(%arg14 : memref<8x128xf32, #tpu.memory_space<vmem>>) dst(%dma_wait3A_81 : memref<8x128xf32, #tpu.memory_space<hbm>>)
    %dma_wait3A_82 = arith.constant 0 : i32
    %dma_wait3A_83 = tpu.memref_slice %arg5[%mul3A_34, %dma_wait3A_82] : memref<32768x128xf32, #tpu.memory_space<hbm>> -> memref<8x128xf32, #tpu.memory_space<hbm>>
    %dma_wait3A_84 = arith.constant 0 : i32
    %dma_wait3A_85 = tpu.memref_slice %arg5[%mul3A_34, %dma_wait3A_84] : memref<32768x128xf32, #tpu.memory_space<hbm>> -> memref<8x128xf32, #tpu.memory_space<hbm>>
    tpu.wait_dma2 semaphore(%arg23 : memref<!tpu.dma_semaphore, #tpu.memory_space<semaphore_mem>>) src(%arg15 : memref<8x128xf32, #tpu.memory_space<vmem>>) dst(%dma_wait3A_85 : memref<8x128xf32, #tpu.memory_space<hbm>>)
    %dma_wait3A_86 = arith.constant 0 : i32
    %dma_wait3A_87 = tpu.memref_slice %arg5[%mul3A_34, %dma_wait3A_86] : memref<32768x128xf32, #tpu.memory_space<hbm>> -> memref<8x128xf32, #tpu.memory_space<hbm>>
    %dma_wait3A_88 = arith.constant 0 : i32
    %dma_wait3A_89 = tpu.memref_slice %arg5[%mul3A_34, %dma_wait3A_88] : memref<32768x128xf32, #tpu.memory_space<hbm>> -> memref<8x128xf32, #tpu.memory_space<hbm>>
    tpu.wait_dma2 semaphore(%arg24 : memref<!tpu.dma_semaphore, #tpu.memory_space<semaphore_mem>>) src(%arg16 : memref<8x128xf32, #tpu.memory_space<vmem>>) dst(%dma_wait3A_89 : memref<8x128xf32, #tpu.memory_space<hbm>>)
    return
  }
}

module attributes {stable_mosaic.version = 14 : i64} {
  func.func @_score_body(%arg0: i32, %arg1: i32, %arg2: memref<1x8192x128xf32, #tpu.memory_space<vmem>>, %arg3: memref<128x64xf32, #tpu.memory_space<vmem>>, %arg4: memref<1x64xf32, #tpu.memory_space<vmem>>, %arg5: memref<64x1xf32, #tpu.memory_space<vmem>>, %arg6: memref<1x1xf32, #tpu.memory_space<vmem>>, %arg7: memref<8192x128xf32, #tpu.memory_space<vmem>>, %arg8: memref<8192xf32, #tpu.memory_space<vmem>>) attributes {dimension_semantics = [#tpu.dimension_semantics<arbitrary>, #tpu.dimension_semantics<arbitrary>], iteration_bounds = array<i64: 4, 1>, scalar_prefetch = 0 : i64, scratch_operands = 0 : i64, tpu.core_type = #tpu.core_type<tc>, window_params = [{transform_indices = @transform_0, window_bounds = array<i64: 1, 8192, 128>}, {pipeline_mode = #tpu.pipeline_mode<synchronous>, transform_indices = @transform_1, window_bounds = array<i64: 128, 64>}, {pipeline_mode = #tpu.pipeline_mode<synchronous>, transform_indices = @transform_2, window_bounds = array<i64: 1, 64>}, {pipeline_mode = #tpu.pipeline_mode<synchronous>, transform_indices = @transform_3, window_bounds = array<i64: 64, 1>}, {pipeline_mode = #tpu.pipeline_mode<synchronous>, transform_indices = @transform_4, window_bounds = array<i64: 1, 1>}, {transform_indices = @transform_5, window_bounds = array<i64: 8192, 128>}, {transform_indices = @transform_6, window_bounds = array<i64: 8192>}]} {
    %get3A = arith.constant 0 : index
    %get3A_0 = arith.constant 0 : index
    %get3A_1 = arith.constant 0 : index
    %get3A_2 = vector.load %arg2[%get3A, %get3A_0, %get3A_1] : memref<1x8192x128xf32, #tpu.memory_space<vmem>>, vector<1x8192x128xf32>
    %get3A_3 = vector.shape_cast %get3A_2 : vector<1x8192x128xf32> to vector<8192x128xf32>
    %convert_element_type3A = arith.truncf %get3A_3 : vector<8192x128xf32> to vector<8192x128xbf16>
    %get3A_4 = arith.constant 0 : index
    %get3A_5 = arith.constant 0 : index
    %get3A_6 = vector.load %arg3[%get3A_4, %get3A_5] : memref<128x64xf32, #tpu.memory_space<vmem>>, vector<128x64xf32>
    %convert_element_type3A_7 = arith.truncf %get3A_6 : vector<128x64xf32> to vector<128x64xbf16>
    %dot_general3A = arith.constant dense<0.000000e+00> : vector<8192x64xf32>
    %dot_general3A_8 = tpu.matmul %convert_element_type3A, %convert_element_type3A_7, %dot_general3A {dimension_numbers = #tpu.dot_dimension_numbers<[1], [0], [0], [1], [0, 0, 1, 1], [], []>, transpose_lhs_hint = false} : vector<8192x128xbf16>, vector<128x64xbf16>, vector<8192x64xf32> -> vector<8192x64xf32>
    %get3A_9 = arith.constant 0 : index
    %get3A_10 = arith.constant 0 : index
    %get3A_11 = vector.load %arg4[%get3A_9, %get3A_10] : memref<1x64xf32, #tpu.memory_space<vmem>>, vector<1x64xf32>
    %add3A = vector.broadcast %get3A_11 : vector<1x64xf32> to vector<8192x64xf32>
    %add3A_12 = arith.addf %dot_general3A_8, %add3A : vector<8192x64xf32>
    %tanh3A = math.tanh %add3A_12 : vector<8192x64xf32>
    %get3A_13 = arith.constant 0 : index
    %get3A_14 = arith.constant 0 : index
    %get3A_15 = vector.load %arg5[%get3A_13, %get3A_14] : memref<64x1xf32, #tpu.memory_space<vmem>>, vector<64x1xf32>
    %dot_general3A_16 = arith.constant dense<0.000000e+00> : vector<8192x1xf32>
    %dot_general3A_17 = tpu.matmul %tanh3A, %get3A_15, %dot_general3A_16 {dimension_numbers = #tpu.dot_dimension_numbers<[1], [0], [0], [1], [0, 0, 1, 1], [], []>, transpose_lhs_hint = false} : vector<8192x64xf32>, vector<64x1xf32>, vector<8192x1xf32> -> vector<8192x1xf32>
    %get3A_18 = arith.constant 0 : index
    %get3A_19 = arith.constant 0 : index
    %get3A_20 = vector.load %arg6[%get3A_18, %get3A_19] : memref<1x1xf32, #tpu.memory_space<vmem>>, vector<1x1xf32>
    %add3A_21 = vector.broadcast %get3A_20 : vector<1x1xf32> to vector<8192x1xf32>
    %add3A_22 = arith.addf %dot_general3A_17, %add3A_21 : vector<8192x1xf32>
    %logistic3A = arith.negf %add3A_22 : vector<8192x1xf32>
    %logistic3A_23 = math.exp %logistic3A : vector<8192x1xf32>
    %logistic3A_24 = arith.constant 1.000000e+00 : f32
    %logistic3A_25 = vector.broadcast %logistic3A_24 : f32 to vector<8192x1xf32>
    %logistic3A_26 = arith.addf %logistic3A_25, %logistic3A_23 : vector<8192x1xf32>
    %logistic3A_27 = arith.divf %logistic3A_25, %logistic3A_26 : vector<8192x1xf32>
    %transpose3A = tpu.transpose %tanh3A, [1, 0] : vector<8192x64xf32> -> vector<64x8192xf32>
    %get3A_28 = arith.constant 0 : index
    %get3A_29 = arith.constant 0 : index
    %get3A_30 = vector.load %arg5[%get3A_28, %get3A_29] : memref<64x1xf32, #tpu.memory_space<vmem>>, vector<64x1xf32>
    %transpose3A_31 = tpu.transpose %get3A_30, [1, 0] : vector<64x1xf32> -> vector<1x64xf32>
    %dot_general3A_32 = arith.constant dense<0.000000e+00> : vector<1x8192xf32>
    %dot_general3A_33 = tpu.matmul %transpose3A_31, %transpose3A, %dot_general3A_32 {dimension_numbers = #tpu.dot_dimension_numbers<[1], [0], [0], [1], [0, 0, 1, 1], [], []>, transpose_lhs_hint = false} : vector<1x64xf32>, vector<64x8192xf32>, vector<1x8192xf32> -> vector<1x8192xf32>
    %get3A_34 = arith.constant 0 : index
    %get3A_35 = arith.constant 0 : index
    %get3A_36 = vector.load %arg6[%get3A_34, %get3A_35] : memref<1x1xf32, #tpu.memory_space<vmem>>, vector<1x1xf32>
    %add3A_37 = vector.broadcast %get3A_36 : vector<1x1xf32> to vector<1x8192xf32>
    %add3A_38 = arith.addf %dot_general3A_33, %add3A_37 : vector<1x8192xf32>
    %logistic3A_39 = arith.negf %add3A_38 : vector<1x8192xf32>
    %logistic3A_40 = math.exp %logistic3A_39 : vector<1x8192xf32>
    %logistic3A_41 = arith.constant 1.000000e+00 : f32
    %logistic3A_42 = vector.broadcast %logistic3A_41 : f32 to vector<1x8192xf32>
    %logistic3A_43 = arith.addf %logistic3A_42, %logistic3A_40 : vector<1x8192xf32>
    %logistic3A_44 = arith.divf %logistic3A_42, %logistic3A_43 : vector<1x8192xf32>
    %squeeze3A = vector.shape_cast %logistic3A_44 : vector<1x8192xf32> to vector<8192xf32>
    %swap3A = arith.constant 0 : index
    %swap3A_45 = vector.load %arg8[%swap3A] : memref<8192xf32, #tpu.memory_space<vmem>>, vector<8192xf32>
    tpu.vector_store %arg8[%swap3A], %squeeze3A {strides = array<i32>} : memref<8192xf32, #tpu.memory_space<vmem>>, vector<8192xf32>,
    %mul3A = vector.broadcast %logistic3A_27 : vector<8192x1xf32> to vector<8192x128xf32>
    %mul3A_46 = arith.mulf %get3A_3, %mul3A : vector<8192x128xf32>
    %swap3A_47 = arith.constant 0 : index
    %swap3A_48 = arith.constant 0 : index
    %swap3A_49 = vector.load %arg7[%swap3A_47, %swap3A_48] : memref<8192x128xf32, #tpu.memory_space<vmem>>, vector<8192x128xf32>
    tpu.vector_store %arg7[%swap3A_47, %swap3A_48], %mul3A_46 {strides = array<i32>} : memref<8192x128xf32, #tpu.memory_space<vmem>>, vector<8192x128xf32>,
    return
  }
  func.func @transform_0(%arg0: i32, %arg1: i32) -> (i32, i32, i32) {
    %c0_i32 = arith.constant 0 : i32
    %c0_i32_0 = arith.constant 0 : i32
    return %arg0, %arg1, %c0_i32 : i32, i32, i32
  }
  func.func @transform_1(%arg0: i32, %arg1: i32) -> (i32, i32) {
    %c0_i32 = arith.constant 0 : i32
    %c0_i32_0 = arith.constant 0 : i32
    %c0_i32_1 = arith.constant 0 : i32
    return %c0_i32, %c0_i32_0 : i32, i32
  }
  func.func @transform_2(%arg0: i32, %arg1: i32) -> (i32, i32) {
    %c0_i32 = arith.constant 0 : i32
    %c0_i32_0 = arith.constant 0 : i32
    %c0_i32_1 = arith.constant 0 : i32
    return %c0_i32, %c0_i32_0 : i32, i32
  }
  func.func @transform_3(%arg0: i32, %arg1: i32) -> (i32, i32) {
    %c0_i32 = arith.constant 0 : i32
    %c0_i32_0 = arith.constant 0 : i32
    %c0_i32_1 = arith.constant 0 : i32
    return %c0_i32, %c0_i32_0 : i32, i32
  }
  func.func @transform_4(%arg0: i32, %arg1: i32) -> (i32, i32) {
    %c0_i32 = arith.constant 0 : i32
    %c0_i32_0 = arith.constant 0 : i32
    %c0_i32_1 = arith.constant 0 : i32
    return %c0_i32, %c0_i32_0 : i32, i32
  }
  func.func @transform_5(%arg0: i32, %arg1: i32) -> (i32, i32) {
    %mul3A = arith.constant 1 : i32
    %mul3A_0 = arith.muli %arg0, %mul3A : i32
    %add3A = arith.addi %mul3A_0, %arg1 : i32
    %c0_i32 = arith.constant 0 : i32
    %c0_i32_1 = arith.constant 0 : i32
    return %add3A, %c0_i32 : i32, i32
  }
  func.func @transform_6(%arg0: i32, %arg1: i32) -> i32 {
    %mul3A = arith.constant 1 : i32
    %mul3A_0 = arith.muli %arg0, %mul3A : i32
    %add3A = arith.addi %mul3A_0, %arg1 : i32
    %c0_i32 = arith.constant 0 : i32
    return %add3A : i32
  }
}

</mosaic_0001>

<sc_bundles>
// kernel: kernel.4.cloned.1.call-start
scs
__scs_entry_jumppad:
0x0: {  	(pc) =	sbr.rel $0x88, $3  }
0x1: {  	(tag) =	ssettag $0x0;
	lr =	simm.s32 $0x1  }
0x2: {  	[smem:$0x3F9B] =	sst lr;
	_ =	strace $0xD0000000  }
0x3: {  	_ = 	snop  }
0x4: {  	_ = 	snop  }
0x5: {  	_ = 	snop  }
0x6: {  	_ = 	snop  }
0x7: {  	_ = 	snop  }
__scs_overlays_trampoline_lowered:
0x8: {  	[smem:$0x3FAA] =	sst s0  }
0x9: {  	[smem:$0x3FAB] =	sst s1  }
0xa: {  	[smem:$0x3FAC] =	sst s2  }
0xb: {  	[smem:$0x3FAD] =	sst s3  }
0xc: {  	[smem:$0x3FAE] =	sst s4  }
0xd: {  	[smem:$0x3FAF] =	sst s5  }
0xe: {  	[smem:$0x3FB0] =	sst s6  }
0xf: {  	[smem:$0x3FB1] =	sst s7  }
0x10: {  	[smem:$0x3FB2] =	sst s8  }
0x11: {  	[smem:$0x3FB3] =	sst s9;
	s0 =	simm.s32 @!p0 $0x0  }
0x12: {  	s1 =	sld [smem:$0x3F99];
	s0 =	simm.s32 @p0 $0x1  }
0x13: {  	[smem:$0x3FB4] =	sst s0;
	s0 =	simm.s32 @!p1 $0x0  }
0x14: {  	s2 =	sld [smem:$0x3F98];
	s0 =	simm.s32 @p1 $0x1  }
0x15: {  	[smem:$0x3FB5] =	sst s0;
	s0 =	simm.s32 @!p2 $0x0  }
0x16: {  	s3 =	sld [smem:$0x3FDB];
	s0 =	simm.s32 @p2 $0x1  }
0x17: {  	s4 =	simm.s32 $0x1BF5;
	[smem:$0x3FB7] =	sst s0  }
0x18: {  	s0 =	sld [smem:$0x3F9A];
	_ =	swait.ge [sflag:s4], $0x0  }
0x19: {  	s7 =	sld [smem:$0x3F9B]  }
0x1a: {  	s8 =	sadd.s32 $0xFFFFE003, lr  }
0x1b: {  	s9 =	sadd.s32 $0xFFFFFEF7, lr;
	s5 =	simm.s32 $0xFFFFFFFF;
	p2 =	slt.u32 s8, $0xFFFFF086  }
0x1c: {  	p1 =	slt.u32 s9, $0xF7A;
	s5 =	simm.s32 @!p2 $0x0  }
0x1d: {  	s5 =	simm.s32 @p1 $0x1;
	p0 =	seq.s32 s7, s2  }
0x1e: {  	s7 =	smul.u32 @!p0 $0xF7A, s2;
	p2 =	seq.s32 @!p0 s5, $0x0  }
0x1f: {  	s9 =	smul.u32 $0xF7A, s1;
	s8 =	simm.s32 @!p0 $0x1BF5;
	p2 =	por !p2, p0  }
0x20: {  	[sflag:s8] =	ssyncset.s32 @!p0 $0xFFFFF086;
	s6 =	sadd.s32 @!p0 s3, s7;
	s7 =	simm.s32 @!p0 $0x108  }
0x21: {  	s3 =	sadd.s32 s3, s9;
	s6 =	sadd.s32 @!p0 $0x88, s6;
	s7 =	simm.s32 @p2 $0x1082  }
0x22: {  	[simem:s7], [sflag:s8] =	dma.local @!p0 [hbm:s6], $0xF7A  }
0x23: {  	s9 =	sor.u32 $0xD0000000, s2;
	s6 =	simm.s32 $0x108;
	_ =	swait.ge @!p0 [sflag:s8], $0x0  }
0x24: {  	s3 =	sadd.s32 $0x88, s3;
	s6 =	simm.s32 @!p1 $0x1082;
	[sflag:s4] =	ssyncset.s32 $0xFFFFF086  }
0x25: {  	[simem:s6], [sflag:s4] =	dma.local [hbm:s3], $0xF7A  }
0x26: {  	[smem:$0x3F9B] =	sst s1;
	(tag) =	ssettag s2;
	_ =	strace s9  }
0x27: {  	s1 =	sld [smem:$0x3FAB]  }
0x28: {  	s2 =	sld [smem:$0x3FAC]  }
0x29: {  	s4 =	sld [smem:$0x3FAE]  }
0x2a: {  	p0 =	seq.s32 s5, $0x0;
	s5 =	sld [smem:$0x3FAF]  }
0x2b: {  	s6 =	sld [smem:$0x3FB0]  }
0x2c: {  	s7 =	sld [smem:$0x3FB1]  }
0x2d: {  	s3 =	simm.s32 $0x108;
	s8 =	sld [smem:$0x3FB2]  }
0x2e: {  	s3 =	simm.s32 @!p0 $0x1082;
	s9 =	sld [smem:$0x3FB3]  }
0x2f: {  	lr =	sadd.s32 s0, s3;
	s0 =	sld [smem:$0x3FAA]  }
0x30: {  	s3 =	sld [smem:$0x3FAD]  }
0x31: {  	[smem:$0x3FB6] =	sst s10  }
0x32: {  	s10 =	sld [smem:$0x3FB4];
	_ =	sdelay $0x3  }
0x33: {  	p0 =	seq.s32 s10, $0x1;
	s10 =	sld [smem:$0x3FB6];
	_ =	sdelay $0x3  }
0x34: {  	[smem:$0x3FB6] =	sst s10  }
0x35: {  	s10 =	sld [smem:$0x3FB5];
	_ =	sdelay $0x3  }
0x36: {  	p1 =	seq.s32 s10, $0x1;
	s10 =	sld [smem:$0x3FB6];
	_ =	sdelay $0x3  }
0x37: {  	[smem:$0x3FB6] =	sst s10  }
0x38: {  	s10 =	sld [smem:$0x3FB7]  }
0x39: {  	_ = 	snop;
	(pc) =	sbr.ind lr, $3  }
0x3a: {  	_ = 	snop  }
0x3b: {  	_ = 	snop  }
0x3c: {  	p2 =	seq.s32 s10, $0x1;
	s10 =	sld [smem:$0x3FB6]  }
0x3d: {  	_ =	shalt  }
0x3e: {  	_ =	shalt  }
0x3f: {  	_ =	shalt  }
0x40: {  	_ =	shalt  }
0x41: {  	_ =	shalt  }
0x42: {  	_ =	shalt  }
0x43: {  	_ =	shalt  }
0x44: {  	_ =	shalt  }
0x45: {  	_ =	shalt  }
0x46: {  	_ =	shalt  }
0x47: {  	_ =	shalt  }
0x48: {  	_ =	shalt  }
0x49: {  	_ =	shalt  }
0x4a: {  	_ =	shalt  }
0x4b: {  	_ =	shalt  }
0x4c: {  	_ =	shalt  }
0x4d: {  	_ =	shalt  }
0x4e: {  	_ =	shalt  }
0x4f: {  	_ =	shalt  }
0x50: {  	_ =	shalt  }
0x51: {  	_ =	shalt  }
0x52: {  	_ =	shalt  }
0x53: {  	_ =	shalt  }
0x54: {  	_ =	shalt  }
0x55: {  	_ =	shalt  }
0x56: {  	_ =	shalt  }
0x57: {  	_ =	shalt  }
0x58: {  	_ =	shalt  }
0x59: {  	_ =	shalt  }
0x5a: {  	_ =	shalt  }
0x5b: {  	_ =	shalt  }
0x5c: {  	_ =	shalt  }
0x5d: {  	_ =	shalt  }
0x5e: {  	_ =	shalt  }
0x5f: {  	_ =	shalt  }
0x60: {  	_ =	shalt  }
0x61: {  	_ =	shalt  }
0x62: {  	_ =	shalt  }
0x63: {  	_ =	shalt  }
0x64: {  	_ =	shalt  }
0x65: {  	_ =	shalt  }
0x66: {  	_ =	shalt  }
0x67: {  	_ =	shalt  }
0x68: {  	_ =	shalt  }
0x69: {  	_ =	shalt  }
0x6a: {  	_ =	shalt  }
0x6b: {  	_ =	shalt  }
0x6c: {  	_ =	shalt  }
0x6d: {  	_ =	shalt  }
0x6e: {  	_ =	shalt  }
0x6f: {  	_ =	shalt  }
0x70: {  	_ =	shalt  }
0x71: {  	_ =	shalt  }
0x72: {  	_ =	shalt  }
0x73: {  	_ =	shalt  }
0x74: {  	_ =	shalt  }
0x75: {  	_ =	shalt  }
0x76: {  	_ =	shalt  }
0x77: {  	_ =	shalt  }
0x78: {  	_ =	shalt  }
0x79: {  	_ =	shalt  }
0x7a: {  	_ =	shalt  }
0x7b: {  	_ =	shalt  }
0x7c: {  	_ =	shalt  }
0x7d: {  	_ =	shalt  }
0x7e: {  	_ =	shalt  }
0x7f: {  	_ =	shalt  }
0x80: {  	_ =	shalt  }
0x81: {  	_ =	shalt  }
0x82: {  	_ =	shalt  }
0x83: {  	_ =	shalt  }
0x84: {  	_ =	shalt  }
0x85: {  	_ =	shalt  }
0x86: {  	_ =	shalt  }
0x87: {  	_ =	shalt  }
.Lfunc_end0:
.L_simem_size_0:
called_computation_lowered:
.L_overlay_start_0:
0x88: {  	s2 =	sld [smem:$0x3FD9]  }
0x89: {  	s3 =	sld [smem:$0x3FFE];
	_ =	sdelay $0x1  }
0x8a: {  	s1 =	srdreg.scid  }
0x8b: {  	s0 =	sand.u32 $0x1, s1  }
0x8c: {  	s14 =	sshll.u32 s0, $0xA;
	s2 =	sadd.s32 s3, s2  }
0x8d: {  	s2 =	sadd.s32 s2, s14  }
0x8e: {  	[smem:$0x3FC2] =	sst s2  }
0x8f: {  	_ = 	snop  }
0x90: {  	s2 =	sld [smem:$0x3FD0];
	_ =	sdelay $0x2  }
0x91: {  	s4 =	simm.s32 $0xA;
	s5 =	simm.s32 $0x10;
	s15 =	sld [smem:$0x3FC8]  }
0x92: {  	[smem:s5], [sflag:s4] =	dma.local [hbm:s2], $0x1  }
0x93: {  	_ =	swait.eq [sflag:s4], $0x1  }
0x94: {  	[sflag:s4] =	ssyncset.done $0x0  }
0x95: {  	s16 =	sld [smem:$0x10];
	[sflag:s4] =	ssyncadd.s32 $0xFFFFFFFF  }
0x96: {  	s17 =	sld [smem:$0x11];
	(tm) =	ssettm $0x1  }
0x97: {  	s18 =	sld [smem:$0x3FFB];
	_ =	sdelay $0x3  }
0x98: {  	_ =	strace s18  }
0x99: {  	s5 =	sld [smem:$0x3FFC];
	_ =	sdelay $0x3  }
0x9a: {  	_ =	strace s5  }
0x9b: {  	s5 =	sld [smem:$0x3FFD];
	_ =	sdelay $0x3  }
0x9c: {  	_ =	strace s5  }
0x9d: {  	_ =	strace $0x8FFFFFFF  }
0x9e: {  	s19 =	sld [smem:$0x3FDB];
	_ =	sdelay $0x1  }
0x9f: {  	s6 =	simm.s32 $_scs_section_size  }
0xa0: {  	s7 =	simm.s32 $_size__tile_overlayer_lowered;
	s8 =	simm.s32 $_tile_overlayer_lowered  }
0xa1: {  	s22 =	simm.s32 $0x1BFF;
	s21 =	sshll.u32 s8, $0x1;
	s5 =	sadd.s32 s6, s19  }
0xa2: {  	s9 =	simm.s32 $0x0;
	s20 =	sshll.u32 s7, $0x1;
	s7 =	sadd.s32 s21, s5  }
0xa3: {  	[timem:s9], [sflag:s22] =	dma.local [hbm:s7], s20  }
0xa4: {  	_ =	swait.ge [sflag:s22], s20  }
0xa5: {  	s6 =	ssub.s32 $0x0, s20;
	[sflag:s22] =	ssyncset.done $0x0  }
0xa6: {  	[sflag:s22] =	ssyncadd.s32 s6;
	_ =	sdelay $0x1  }
0xa7: {  	s23 =	simm.s32 $0x1B8B  }
0xa8: {  	_ =	swait.ge [sflag:s23], $0x1  }
0xa9: {  	[sflag:s23] =	ssyncset.done $0x0  }
0xaa: {  	s25 =	simm.s32 $0x1B8E;
	s24 =	sld [smem:$0x3FFE];
	[sflag:s23] =	ssyncadd.s32 $0xFFFFFFFF  }
0xab: {  	s26 =	simm.s32 $execute0_lowered;
	[smem:$0x3FD2] =	sst s25  }
0xac: {  	s7 =	sshll.u32 s26, $0x1;
	_ =	strace $0x80000046;
	[dreg:$0x1] =	wrdreg $0xFFFFFFFF  }
0xad: {  	s28 =	simm.s32 $_size_execute0_lowered;
	s5 =	sadd.s32 s5, s7;
	[dreg:$0x0] =	wrdreg $0x0  }
0xae: {  	s7 =	sshll.u32 s28, $0x1;
	[dreg:$0x2] =	wrdreg s5  }
0xaf: {  	[dreg:$0x3] =	wrdreg s7  }
0xb0: {  	[dreg:$0x4] =	wrdreg $0xC0  }
0xb1: {  	_ =	task [dreg:s9], $0x5FFFF  }
0xb2: {  	[dreg:$0x1] =	wrdreg $0xFFFFFFFF  }
0xb3: {  	[dreg:$0x0] =	wrdreg $0x60  }
0xb4: {  	[dreg:$0x2] =	wrdreg s24  }
0xb5: {  	[dreg:$0x3] =	wrdreg s15  }
0xb6: {  	[dreg:$0x4] =	wrdreg s17  }
0xb7: {  	[dreg:$0x5] =	wrdreg s16  }
0xb8: {  	[dreg:$0x6] =	wrdreg $0x9  }
0xb9: {  	_ =	task.clear_ibuf [dreg:s9], $0x7FFFF;
	_ =	strace $0x90000046  }
0xba: {  	s29 =	simm.s32 $0x9;
	_ =	strace $0x80000048  }
0xbb: {  	_ =	swait.ge [sflag:s29], $0x1  }
0xbc: {  	[sflag:s29] =	ssyncadd.s32 $0xFFFFFFFF  }
0xbd: {  	_ =	strace $0x90000048  }
0xbe: {  	_ =	sfence  }
0xbf: {  	s30 =	sld [smem:$0x0];
	_ =	sdelay $0x2  }
0xc0: {  	s31 =	sshll.u32 s1, $0xD;
	s1 =	sshrl.u32 s1, $0x2  }
0xc1: {  	s3 =	sand.u32 $0x4000, s31;
	s1 =	sadd.s32 s1, s30  }
0xc2: {  	s0 =	sor.u32 s3, s0;
	s1 =	sshll.u32 s1, $0x11  }
0xc3: {  	s0 =	sor.u32 s1, s0  }
0xc4: {  	s0 =	sadd.s32 $0x8F2B, s0  }
0xc5: {  	[sflag:s0] =	ssyncadd.remote.s32 $0x1  }
0xc6: {  	_ =	sfence.sel $0xFFFF  }
0xc7: {  	[dreg:$0x0] =	wrdreg $0xFFFFFFFF;
	(pc) =	sbr.abs _section_cstart, $3  }
0xc8: {  	[dreg:$0x1] =	wrdreg $0xFFFFFFFF  }
0xc9: {  	_ =	task.clear_ibuf [dreg:s9], $0x2FFFF;
	_ =	strace $0x9FFFFFFF  }
0xca: {  	(tm) =	ssettm $0x7FFFFFFF  }
0xcb: {  	_ =	shalt  }
tec
execute0_lowered:
.L_overlay_start_1:
0x0: {  	(tag) =	ssettag $0x1  }
0x1: {  	s0 =	rddreg [dreg:$0x0]  }
0x2: {  	s1 =	rddreg [dreg:$0x1]  }
0x3: {  	s5 =	rddreg [dreg:$0x2]  }
0x4: {  	s6 =	rddreg [dreg:$0x3];
	s2 =	simm.s32 $0x0  }
0x5: {  	s3 =	srdreg.scid;
	s9 =	stileid.u32;
	s10 =	simm.s32 $0x9  }
0x6: {  	s11 =	simm.s32 $0x800;
	s20 =	simm.s32 $0x4800;
	s21 =	simm.s32 $0x1  }
0x7: {  	s22 =	simm.s32 $0x16800;
	s23 =	simm.s32 $0x2;
	s24 =	simm.s32 $0x16C00  }
0x8: {  	s28 =	simm.s32 $0x4;
	s29 =	simm.s32 $0x17400;
	[smem:$0x7FF] =	sst s2  }
0x9: {  	s4 =	sand.u32 $0x1, s3;
	s8 =	sshll.u32 s9, $0x1;
	s3 =	sadd.s32 $0xA00, s0  }
0xa: {  	s26 =	sshrl.u32 s9, $0x2;
	_ =	strace $0x80000047;
	s7 =	ssub.s32 $0x2, s4  }
0xb: {  	s4 =	sor.u32 s4, s8;
	s13 =	sshll.u32 s26, $0xD;
	s9 =	sshll.u32 s26, $0xE  }
0xc: {  	s25 =	sshrl.u32 s7, $0x1;
	s8 =	sshll.u32 s4, $0xA;
	s1 =	sadd.s32 s1, s9  }
0xd: {  	s30 =	sshll.u32 s4, $0xE;
	s9 =	simm.s32 $0x10000;
	s0 =	ssub.s32 s7, s25  }
0xe: {  	s8 =	sand.u32 $0x1C00, s8;
	s7 =	sshll.u32 s26, $0xA;
	s6 =	sadd.s32 s6, s30  }
0xf: {  	s25 =	simm.s32 $0x3;
	s26 =	simm.s32 $0x17000;
	s31 =	sadd.s32 s5, s7  }
0x10: {  	v1 =	vlaneseq.u32;
	s4 =	sadd.s32 s8, s1;
	s0 =	smax.u32 s0, $0x1;
	[dreg:$0x5] =	wrdreg s31  }
0x11: {  	v1 =	vmul.u32 $0x10, v1;
	v0 =	vmov s13;
	s8 =	simm.s32 $0x400;
	s5 =	simm.s32 $0x0;
	[dreg:$0x6] =	wrdreg s0  }
.LBB2_1:
0x12: {  	[dreg:$0x7] =	wrdreg s5  }
0x13: {  	[tilespmem:s2], [sflag:$0x9] =	stream.strided.gather [hbm4b:s4+s8], $0x800, s9, s8, $0x38;
	[tilespmem:$0x17800] =	vst v63  }
0x14: {  	_ =	swait.ge [sflag:s10], $0x800  }
0x15: {  	[sflag:s10] =	ssyncset.done $0x0  }
0x16: {  	s0 =	simm.s32 $0x40;
	[sflag:s10] =	ssyncadd.s32 $0xFFFFF800  }
0x17: {  	v2 =	vld [tilespmem:s0+$0xFFFFFFC0]  }
0x18: {  	v3 =	vor.u32 s2, v1;
	_ =	sdelay $0x3  }
0x19: {  	v2 =	vadd.s32 v0, v2  }
0x1a: {  	[tilespmem:v3+s11+$0x0] =	vst.idx.msk $0xffff, v2  }
0x1b: {  	s16 =	simm.s32 $0x100;
	v2 =	vld [tilespmem:s0+$0xFFFFFFD0]  }
0x1c: {  	v3 =	vor.u32 s16, v1;
	_ =	sdelay $0x3  }
0x1d: {  	v2 =	vadd.s32 v0, v2  }
0x1e: {  	[tilespmem:v3+s11+$0x0] =	vst.idx.msk $0xffff, v2  }
0x1f: {  	s17 =	simm.s32 $0x200;
	v2 =	vld [tilespmem:s0+$0xFFFFFFE0]  }
0x20: {  	v3 =	vor.u32 s17, v1;
	_ =	sdelay $0x3  }
0x21: {  	v2 =	vadd.s32 v0, v2  }
0x22: {  	[tilespmem:v3+s11+$0x0] =	vst.idx.msk $0xffff, v2  }
0x23: {  	s18 =	simm.s32 $0x300;
	v2 =	vld [tilespmem:s0+$0xFFFFFFF0]  }
0x24: {  	v3 =	vor.u32 s18, v1;
	_ =	sdelay $0x3  }
0x25: {  	v2 =	vadd.s32 v0, v2  }
0x26: {  	[tilespmem:v3+s11+$0x0] =	vst.idx.msk $0xffff, v2  }
0x27: {  	s19 =	simm.s32 $0x400;
	v2 =	vld [tilespmem:s0+$0x0]  }
0x28: {  	v3 =	vor.u32 s19, v1;
	_ =	sdelay $0x3  }
0x29: {  	v2 =	vadd.s32 v0, v2  }
0x2a: {  	[tilespmem:v3+s11+$0x0] =	vst.idx.msk $0xffff, v2  }
0x2b: {  	s30 =	simm.s32 $0x500;
	v2 =	vld [tilespmem:s0+$0x10]  }
0x2c: {  	v3 =	vor.u32 s30, v1;
	_ =	sdelay $0x3  }
0x2d: {  	v2 =	vadd.s32 v0, v2  }
0x2e: {  	[tilespmem:v3+s11+$0x0] =	vst.idx.msk $0xffff, v2  }
0x2f: {  	s31 =	simm.s32 $0x600;
	v2 =	vld [tilespmem:s0+$0x20]  }
0x30: {  	v3 =	vor.u32 s31, v1;
	_ =	sdelay $0x3  }
0x31: {  	v2 =	vadd.s32 v0, v2  }
0x32: {  	[tilespmem:v3+s11+$0x0] =	vst.idx.msk $0xffff, v2  }
0x33: {  	v3 =	vld [tilespmem:s0+$0x30]  }
0x34: {  	s7 =	simm.s32 $0x700  }
0x35: {  	v2 =	vor.u32 s7, v1;
	_ =	sdelay $0x2  }
0x36: {  	s5 =	simm.s32 $0x1;
	v3 =	vadd.s32 v0, v3  }
.LBB2_2:
0x37: {  	p0 =	sne.s32 s5, $0xF  }
0x38: {  	[tilespmem:v2+s11+$0x0] =	vst.idx.msk $0xffff, v3;
	s0 =	sadd.s32 $0x80, s0;
	s7 =	smov.u32 s5;
	s5 =	sadd.s32 $0x1, s5  }
0x39: {  	v2 =	vld [tilespmem:s0+$0xFFFFFFC0]  }
0x3a: {  	v3 =	vor.u32 s7, v1;
	_ =	sdelay $0x3  }
0x3b: {  	v2 =	vadd.s32 v0, v2  }
0x3c: {  	[tilespmem:v3+s11+$0x0] =	vst.idx.msk $0xffff, v2  }
0x3d: {  	s14 =	sadd.s32 $0x100, s7;
	v2 =	vld [tilespmem:s0+$0xFFFFFFD0]  }
0x3e: {  	v3 =	vor.u32 s14, v1;
	_ =	sdelay $0x3  }
0x3f: {  	v2 =	vadd.s32 v0, v2  }
0x40: {  	[tilespmem:v3+s11+$0x0] =	vst.idx.msk $0xffff, v2  }
0x41: {  	s14 =	sadd.s32 $0x200, s7;
	v2 =	vld [tilespmem:s0+$0xFFFFFFE0]  }
0x42: {  	v3 =	vor.u32 s14, v1;
	_ =	sdelay $0x3  }
0x43: {  	v2 =	vadd.s32 v0, v2  }
0x44: {  	[tilespmem:v3+s11+$0x0] =	vst.idx.msk $0xffff, v2  }
0x45: {  	s14 =	sadd.s32 $0x300, s7;
	v2 =	vld [tilespmem:s0+$0xFFFFFFF0]  }
0x46: {  	v3 =	vor.u32 s14, v1;
	_ =	sdelay $0x3  }
0x47: {  	v2 =	vadd.s32 v0, v2  }
0x48: {  	[tilespmem:v3+s11+$0x0] =	vst.idx.msk $0xffff, v2  }
0x49: {  	s14 =	sadd.s32 $0x400, s7;
	v2 =	vld [tilespmem:s0+$0x0]  }
0x4a: {  	v3 =	vor.u32 s14, v1;
	_ =	sdelay $0x3  }
0x4b: {  	v2 =	vadd.s32 v0, v2  }
0x4c: {  	[tilespmem:v3+s11+$0x0] =	vst.idx.msk $0xffff, v2  }
0x4d: {  	s14 =	sadd.s32 $0x500, s7;
	v2 =	vld [tilespmem:s0+$0x10]  }
0x4e: {  	v3 =	vor.u32 s14, v1;
	_ =	sdelay $0x3  }
0x4f: {  	v2 =	vadd.s32 v0, v2  }
0x50: {  	[tilespmem:v3+s11+$0x0] =	vst.idx.msk $0xffff, v2  }
0x51: {  	s14 =	sadd.s32 $0x600, s7;
	v2 =	vld [tilespmem:s0+$0x20]  }
0x52: {  	v3 =	vor.u32 s14, v1;
	_ =	sdelay $0x3  }
0x53: {  	v2 =	vadd.s32 v0, v2  }
0x54: {  	[tilespmem:v3+s11+$0x0] =	vst.idx.msk $0xffff, v2  }
0x55: {  	s7 =	sadd.s32 $0x700, s7;
	v3 =	vld [tilespmem:s0+$0x30]  }
.Ltmp0:
0x56: {  	v2 =	vor.u32 s7, v1;
	(pc) =	sbr.rel @p0 .LBB2_2-.Ltmp0, $2  }
0x57: {  	_ =	sdelay $0x2  }
0x58: {  	v3 =	vadd.s32 v0, v3  }
0x59: {  	_ =	sdelay $0x3  }
0x5a: {  	[tilespmem:v2+s11+$0x0] =	vst.idx.msk $0xffff, v3;
	s0 =	simm.s32 $0x80;
	s1 =	simm.s32 $0x6800  }
0x5b: {  	[tilespmem:s1], [sflag:$0x1] =	stream.indirect.gather [hbm4b:s3+s0], $0x80, s11, s0, $0xb8;
	[tilespmem:$0x17800] =	vst v63  }
0x5c: {  	s16 =	simm.s32 $0x880;
	s5 =	simm.s32 $0xA800  }
0x5d: {  	[tilespmem:s5], [sflag:$0x2] =	stream.indirect.gather [hbm4b:s3+s0], $0x80, s16, s0, $0xb8;
	[tilespmem:$0x17800] =	vst v63  }
0x5e: {  	s17 =	simm.s32 $0x900;
	s18 =	simm.s32 $0xE800  }
0x5f: {  	[tilespmem:s18], [sflag:$0x3] =	stream.indirect.gather [hbm4b:s3+s0], $0x80, s17, s0, $0xb8;
	[tilespmem:$0x17800] =	vst v63  }
0x60: {  	s19 =	simm.s32 $0x980;
	s30 =	simm.s32 $0x12800  }
0x61: {  	[tilespmem:s30], [sflag:$0x4] =	stream.indirect.gather [hbm4b:s3+s0], $0x80, s19, s0, $0xb8;
	[tilespmem:$0x17800] =	vst v63  }
0x62: {  	s31 =	rddreg [dreg:$0x5];
	s0 =	simm.s32 $0x0  }
0x63: {  	[tilespmem:s20], [sflag:$0x9] =	stream.linear.gather [hbm4b:s31+s0], $0x2000, $0x38;
	[tilespmem:$0x17800] =	vst v63  }
0x64: {  	_ =	swait.ge [sflag:s10], $0x2000  }
0x65: {  	[sflag:s10] =	ssyncset.done $0x0  }
0x66: {  	s7 =	simm.s32 $0x0;
	s5 =	simm.s32 $0x0;
	[sflag:s10] =	ssyncadd.s32 $0xFFFFE000  }
.LBB2_4:
0x67: {  	s7 =	sadd.s32 $0x1, s7  }
0x68: {  	s14 =	sshll.u32 s7, $0x7  }
0x69: {  	s14 =	sadd.s32 s14, s4  }
0x6a: {  	[tilespmem:s0], [sflag:$0x9] =	stream.strided.gather [hbm4b:s14+s8], $0x800, s9, s8, $0x38;
	[tilespmem:$0x17800] =	vst v63  }
0x6b: {  	_ =	swait.ge [sflag:s10], $0x800  }
0x6c: {  	[sflag:s10] =	ssyncset.done $0x0  }
0x6d: {  	s15 =	sadd.s32 $0x0, s5;
	s14 =	simm.s32 $0x40;
	[sflag:s10] =	ssyncadd.s32 $0xFFFFF800  }
0x6e: {  	s16 =	sadd.s32 $0x800, s15;
	v2 =	vld [tilespmem:s14+$0xFFFFFFC0]  }
0x6f: {  	v3 =	vor.u32 s16, v1;
	_ =	sdelay $0x3  }
0x70: {  	v2 =	vadd.s32 v0, v2  }
0x71: {  	[tilespmem:v3+s11+$0x0] =	vst.idx.msk $0xffff, v2  }
0x72: {  	s12 =	sadd.s32 $0x900, s15;
	v2 =	vld [tilespmem:s14+$0xFFFFFFD0]  }
0x73: {  	v3 =	vor.u32 s12, v1;
	_ =	sdelay $0x3  }
0x74: {  	v2 =	vadd.s32 v0, v2  }
0x75: {  	[tilespmem:v3+s11+$0x0] =	vst.idx.msk $0xffff, v2  }
0x76: {  	s13 =	sadd.s32 $0xA00, s15;
	v2 =	vld [tilespmem:s14+$0xFFFFFFE0]  }
0x77: {  	v3 =	vor.u32 s13, v1;
	_ =	sdelay $0x3  }
0x78: {  	v2 =	vadd.s32 v0, v2  }
0x79: {  	[tilespmem:v3+s11+$0x0] =	vst.idx.msk $0xffff, v2  }
0x7a: {  	s17 =	sadd.s32 $0xB00, s15;
	v2 =	vld [tilespmem:s14+$0xFFFFFFF0]  }
0x7b: {  	v3 =	vor.u32 s17, v1;
	_ =	sdelay $0x3  }
0x7c: {  	v2 =	vadd.s32 v0, v2  }
0x7d: {  	[tilespmem:v3+s11+$0x0] =	vst.idx.msk $0xffff, v2  }
0x7e: {  	s18 =	sadd.s32 $0xC00, s15;
	v2 =	vld [tilespmem:s14+$0x0]  }
0x7f: {  	v3 =	vor.u32 s18, v1;
	_ =	sdelay $0x3  }
0x80: {  	v2 =	vadd.s32 v0, v2  }
0x81: {  	[tilespmem:v3+s11+$0x0] =	vst.idx.msk $0xffff, v2  }
0x82: {  	s19 =	sadd.s32 $0xD00, s15;
	v2 =	vld [tilespmem:s14+$0x10]  }
0x83: {  	v3 =	vor.u32 s19, v1;
	_ =	sdelay $0x3  }
0x84: {  	v2 =	vadd.s32 v0, v2  }
0x85: {  	[tilespmem:v3+s11+$0x0] =	vst.idx.msk $0xffff, v2  }
0x86: {  	s30 =	sadd.s32 $0xE00, s15;
	v2 =	vld [tilespmem:s14+$0x20]  }
0x87: {  	v3 =	vor.u32 s30, v1;
	_ =	sdelay $0x3  }
0x88: {  	v2 =	vadd.s32 v0, v2  }
0x89: {  	[tilespmem:v3+s11+$0x0] =	vst.idx.msk $0xffff, v2  }
0x8a: {  	v3 =	vld [tilespmem:s14+$0x30]  }
0x8b: {  	s31 =	sadd.s32 $0xF00, s15  }
0x8c: {  	v2 =	vor.u32 s31, v1;
	_ =	sdelay $0x2  }
0x8d: {  	s15 =	simm.s32 $0x1;
	s17 =	simm.s32 $0x2;
	v3 =	vadd.s32 v0, v3  }
.LBB2_5:
0x8e: {  	s19 =	sadd.s32 s15, s5  }
0x8f: {  	[tilespmem:v2+s11+$0x0] =	vst.idx.msk $0xffff, v3;
	s14 =	sadd.s32 $0x80, s14;
	s15 =	smov.u32 s17;
	s16 =	sadd.s32 $0x1, s17  }
0x90: {  	v2 =	vld [tilespmem:s14+$0xFFFFFFC0];
	s18 =	sadd.s32 $0x800, s19;
	s30 =	sadd.s32 $0x900, s19;
	s31 =	sadd.s32 $0xA00, s19  }
0x91: {  	s1 =	sadd.s32 $0xB00, s19;
	s12 =	sadd.s32 $0xC00, s19;
	s13 =	sadd.s32 $0xD00, s19;
	v3 =	vor.u32 s18, v1  }
0x92: {  	p0 =	seq.s32 s17, $0xF;
	s17 =	sadd.s32 $0xF00, s19;
	s18 =	sadd.s32 $0xE00, s19  }
0x93: {  	_ =	sdelay $0x1  }
0x94: {  	v2 =	vadd.s32 v0, v2  }
0x95: {  	[tilespmem:v3+s11+$0x0] =	vst.idx.msk $0xffff, v2  }
0x96: {  	v2 =	vld [tilespmem:s14+$0xFFFFFFD0]  }
0x97: {  	v3 =	vor.u32 s30, v1;
	_ =	sdelay $0x3  }
0x98: {  	v2 =	vadd.s32 v0, v2  }
0x99: {  	[tilespmem:v3+s11+$0x0] =	vst.idx.msk $0xffff, v2  }
0x9a: {  	v2 =	vld [tilespmem:s14+$0xFFFFFFE0]  }
0x9b: {  	v3 =	vor.u32 s31, v1;
	_ =	sdelay $0x3  }
0x9c: {  	v2 =	vadd.s32 v0, v2  }
0x9d: {  	[tilespmem:v3+s11+$0x0] =	vst.idx.msk $0xffff, v2  }
0x9e: {  	v2 =	vld [tilespmem:s14+$0xFFFFFFF0]  }
0x9f: {  	v3 =	vor.u32 s1, v1;
	_ =	sdelay $0x3  }
0xa0: {  	v2 =	vadd.s32 v0, v2  }
0xa1: {  	[tilespmem:v3+s11+$0x0] =	vst.idx.msk $0xffff, v2  }
0xa2: {  	v2 =	vld [tilespmem:s14+$0x0]  }
0xa3: {  	v3 =	vor.u32 s12, v1;
	_ =	sdelay $0x3  }
0xa4: {  	v2 =	vadd.s32 v0, v2  }
0xa5: {  	[tilespmem:v3+s11+$0x0] =	vst.idx.msk $0xffff, v2  }
0xa6: {  	v2 =	vld [tilespmem:s14+$0x10]  }
0xa7: {  	v3 =	vor.u32 s13, v1;
	_ =	sdelay $0x3  }
0xa8: {  	v2 =	vadd.s32 v0, v2  }
0xa9: {  	[tilespmem:v3+s11+$0x0] =	vst.idx.msk $0xffff, v2  }
0xaa: {  	v2 =	vld [tilespmem:s14+$0x20]  }
0xab: {  	v3 =	vor.u32 s18, v1;
	_ =	sdelay $0x3  }
0xac: {  	v2 =	vadd.s32 v0, v2  }
0xad: {  	[tilespmem:v3+s11+$0x0] =	vst.idx.msk $0xffff, v2  }
0xae: {  	v3 =	vld [tilespmem:s14+$0x30]  }
.Ltmp1:
0xaf: {  	v2 =	vor.u32 s17, v1;
	(pc) =	sbr.rel @!p0 .LBB2_5-.Ltmp1, $2  }
0xb0: {  	_ =	sdelay $0x2  }
0xb1: {  	s17 =	smov.u32 s16;
	v3 =	vadd.s32 v0, v3  }
0xb2: {  	_ =	sdelay $0x3  }
0xb3: {  	s1 =	sadd.s32 s15, s5;
	[tilespmem:v2+s11+$0x0] =	vst.idx.msk $0xffff, v3;
	s12 =	sadd.s32 $0x80, s14  }
0xb4: {  	v2 =	vld [tilespmem:s12+$0xFFFFFFC0];
	s13 =	sadd.s32 $0x800, s1  }
0xb5: {  	v3 =	vor.u32 s13, v1;
	_ =	sdelay $0x3  }
0xb6: {  	v2 =	vadd.s32 v0, v2  }
0xb7: {  	[tilespmem:v3+s11+$0x0] =	vst.idx.msk $0xffff, v2  }
0xb8: {  	s16 =	sadd.s32 $0x900, s1;
	v2 =	vld [tilespmem:s12+$0xFFFFFFD0]  }
0xb9: {  	v3 =	vor.u32 s16, v1;
	_ =	sdelay $0x3  }
0xba: {  	v2 =	vadd.s32 v0, v2  }
0xbb: {  	[tilespmem:v3+s11+$0x0] =	vst.idx.msk $0xffff, v2  }
0xbc: {  	s17 =	sadd.s32 $0xA00, s1;
	v2 =	vld [tilespmem:s12+$0xFFFFFFE0]  }
0xbd: {  	v3 =	vor.u32 s17, v1;
	_ =	sdelay $0x3  }
0xbe: {  	v2 =	vadd.s32 v0, v2  }
0xbf: {  	[tilespmem:v3+s11+$0x0] =	vst.idx.msk $0xffff, v2  }
0xc0: {  	s18 =	sadd.s32 $0xB00, s1;
	v2 =	vld [tilespmem:s12+$0xFFFFFFF0]  }
0xc1: {  	v3 =	vor.u32 s18, v1;
	_ =	sdelay $0x3  }
0xc2: {  	v2 =	vadd.s32 v0, v2  }
0xc3: {  	[tilespmem:v3+s11+$0x0] =	vst.idx.msk $0xffff, v2  }
0xc4: {  	s19 =	sadd.s32 $0xC00, s1;
	v2 =	vld [tilespmem:s12+$0x0]  }
0xc5: {  	v3 =	vor.u32 s19, v1;
	_ =	sdelay $0x3  }
0xc6: {  	v2 =	vadd.s32 v0, v2  }
0xc7: {  	[tilespmem:v3+s11+$0x0] =	vst.idx.msk $0xffff, v2  }
0xc8: {  	s30 =	sadd.s32 $0xD00, s1;
	v2 =	vld [tilespmem:s12+$0x10]  }
0xc9: {  	v3 =	vor.u32 s30, v1;
	_ =	sdelay $0x3  }
0xca: {  	v2 =	vadd.s32 v0, v2  }
0xcb: {  	[tilespmem:v3+s11+$0x0] =	vst.idx.msk $0xffff, v2  }
0xcc: {  	s31 =	sadd.s32 $0xE00, s1;
	v2 =	vld [tilespmem:s12+$0x20]  }
0xcd: {  	v3 =	vor.u32 s31, v1;
	_ =	sdelay $0x3  }
0xce: {  	v2 =	vadd.s32 v0, v2  }
0xcf: {  	[tilespmem:v3+s11+$0x0] =	vst.idx.msk $0xffff, v2  }
0xd0: {  	s1 =	sadd.s32 $0xF00, s1;
	v2 =	vld [tilespmem:s12+$0x30]  }
0xd1: {  	p0 =	seq.s32 s7, $0x7;
	v3 =	vor.u32 s1, v1  }
.Ltmp2:
0xd2: {  	_ = 	snop;
	(pc) =	sbr.rel @!p0 .LBB2_4-.Ltmp2, $3  }
0xd3: {  	_ =	sdelay $0x1  }
0xd4: {  	v2 =	vadd.s32 v0, v2  }
0xd5: {  	s5 =	sadd.s32 $0x800, s5;
	[tilespmem:v3+s11+$0x0] =	vst.idx.msk $0xffff, v2  }
0xd6: {  	s14 =	simm.s32 $0x0;
	s15 =	simm.s32 $0x800  }
0xd7: {  	s16 =	simm.s32 $0x880;
	s17 =	simm.s32 $0x900;
	s18 =	simm.s32 $0x980  }
.LBB2_8:
0xd8: {  	_ =	swait.ge [sflag:s21], $0x4000  }
0xd9: {  	p0 =	seq.s32 s14, $0x0;
	[sflag:s21] =	ssyncset.done $0x0  }
0xda: {  	s0 =	simm.s32 @!p0 $0x5;
	[sflag:s21] =	ssyncadd.s32 $0xFFFFC000  }
0xdb: {  	s7 =	sshll.u32 s14, $0x9;
	s5 =	sshll.u32 s14, $0x2;
	_ =	swait.ge @!p0 [sflag:s0], $0x400  }
0xdc: {  	s30 =	simm.s32 $0x16840;
	s31 =	simm.s32 $0x6C00;
	v2 =	vmov s15;
	[sflag:s0] =	ssyncset.done @!p0 $0x0  }
0xdd: {  	s19 =	sand.u32 $0x3FFFFE00, s7;
	[tilespmem:$0x1FFF0] =	vst v2;
	[sflag:s0] =	ssyncadd.s32 @!p0 $0xFFFFFC00;
	s0 =	simm.s32 $0x0  }
.LBB2_9:
0xde: {  	v2 =	vld [tilespmem:$0x1FFF0]  }
0xdf: {  	v5 =	vld [tilespmem:s31+$0xFFFFFC10]  }
0xe0: {  	v6 =	vld [tilespmem:s31+$0xFFFFFC20]  }
0xe1: {  	v7 =	vld [tilespmem:s31+$0xFFFFFC30]  }
0xe2: {  	v8 =	vld [tilespmem:s31+$0xFFFFFC40]  }
0xe3: {  	v9 =	vld [tilespmem:s31+$0xFFFFFC50]  }
0xe4: {  	v10 =	vld [tilespmem:s31+$0xFFFFFC60]  }
0xe5: {  	v11 =	vld [tilespmem:s31+$0xFFFFFC70]  }
0xe6: {  	v12 =	vld [tilespmem:s31+$0xFFFFFC80]  }
0xe7: {  	v13 =	vld [tilespmem:s31+$0xFFFFFC90]  }
0xe8: {  	v14 =	vld [tilespmem:s31+$0xFFFFFCA0]  }
0xe9: {  	v15 =	vld [tilespmem:s31+$0xFFFFFCB0]  }
0xea: {  	v16 =	vld [tilespmem:s31+$0xFFFFFCC0]  }
0xeb: {  	v17 =	vld [tilespmem:s31+$0xFFFFFCD0]  }
0xec: {  	v18 =	vld [tilespmem:s31+$0xFFFFFCE0]  }
0xed: {  	v19 =	vld [tilespmem:s31+$0xFFFFFCF0]  }
0xee: {  	v20 =	vld [tilespmem:s31+$0xFFFFFD00]  }
0xef: {  	v21 =	vld [tilespmem:s31+$0xFFFFFD10]  }
0xf0: {  	v22 =	vld [tilespmem:s31+$0xFFFFFD20]  }
0xf1: {  	v23 =	vld [tilespmem:s31+$0xFFFFFD30]  }
0xf2: {  	v24 =	vld [tilespmem:s31+$0xFFFFFD40]  }
0xf3: {  	v25 =	vld [tilespmem:s31+$0xFFFFFD50]  }
0xf4: {  	v26 =	vld [tilespmem:s31+$0xFFFFFD60]  }
0xf5: {  	v27 =	vld [tilespmem:s31+$0xFFFFFD70]  }
0xf6: {  	v28 =	vld [tilespmem:s31+$0xFFFFFD80]  }
0xf7: {  	v29 =	vld [tilespmem:s31+$0xFFFFFD90]  }
0xf8: {  	v30 =	vld [tilespmem:s31+$0xFFFFFDA0]  }
0xf9: {  	v31 =	vld [tilespmem:s31+$0xFFFFFDB0]  }
0xfa: {  	v32 =	vld [tilespmem:s31+$0xFFFFFDC0]  }
0xfb: {  	v33 =	vld [tilespmem:s31+$0xFFFFFDD0]  }
0xfc: {  	v34 =	vld [tilespmem:s31+$0xFFFFFDE0]  }
0xfd: {  	v35 =	vld [tilespmem:s31+$0xFFFFFDF0]  }
0xfe: {  	v36 =	vld [tilespmem:s31+$0xFFFFFE00]  }
0xff: {  	v37 =	vld [tilespmem:s31+$0xFFFFFE10]  }
0x100: {  	v38 =	vld [tilespmem:s31+$0xFFFFFE20]  }
0x101: {  	v39 =	vld [tilespmem:s31+$0xFFFFFE30]  }
0x102: {  	v40 =	vld [tilespmem:s31+$0xFFFFFE40]  }
0x103: {  	v41 =	vld [tilespmem:s31+$0xFFFFFE50]  }
0x104: {  	v42 =	vld [tilespmem:s31+$0xFFFFFE60]  }
0x105: {  	v43 =	vld [tilespmem:s31+$0xFFFFFE70]  }
0x106: {  	v44 =	vld [tilespmem:s31+$0xFFFFFE80]  }
0x107: {  	v45 =	vld [tilespmem:s31+$0xFFFFFE90]  }
0x108: {  	v46 =	vld [tilespmem:s31+$0xFFFFFEA0]  }
0x109: {  	v47 =	vld [tilespmem:s31+$0xFFFFFEB0]  }
0x10a: {  	v48 =	vld [tilespmem:s31+$0xFFFFFEC0]  }
0x10b: {  	v49 =	vld [tilespmem:s31+$0xFFFFFED0]  }
0x10c: {  	v50 =	vld [tilespmem:s31+$0xFFFFFEE0]  }
0x10d: {  	v51 =	vld [tilespmem:s31+$0xFFFFFEF0]  }
0x10e: {  	v52 =	vld [tilespmem:s31+$0xFFFFFF00]  }
0x10f: {  	v53 =	vld [tilespmem:s31+$0xFFFFFF10]  }
0x110: {  	v54 =	vld [tilespmem:s31+$0xFFFFFF20]  }
0x111: {  	s1 =	sshra.s32 s0, $0x2;
	v55 =	vld [tilespmem:s31+$0xFFFFFF30]  }
0x112: {  	v3 =	vld.idx.msk [tilespmem:v2+s1+$0x0 ss:$0x1], $0xffff  }
0x113: {  	v56 =	vld [tilespmem:s31+$0xFFFFFF40]  }
0x114: {  	v57 =	vld [tilespmem:s31+$0xFFFFFF50]  }
0x115: {  	v58 =	vld [tilespmem:s31+$0xFFFFFF60]  }
0x116: {  	v59 =	vld [tilespmem:s31+$0xFFFFFF70]  }
0x117: {  	v60 =	vld [tilespmem:s31+$0xFFFFFF80];
	v4 =	vsub.s32 v3, v0  }
0x118: {  	v61 =	vld [tilespmem:s31+$0xFFFFFF90];
	v3 =	vand.u32 $0x7F, v3;
	v4 =	vand.u32 $0xFFFFFF80, v4  }
0x119: {  	v62 =	vld [tilespmem:s31+$0xFFFFFFA0];
	v3 =	vor.u32 v3, v4  }
0x11a: {  	v63 =	vld [tilespmem:s31+$0xFFFFFFB0]  }
0x11b: {  	v5 =	vadd.f32 v13, v5;
	v13 =	vld [tilespmem:s31+$0x90]  }
0x11c: {  	v6 =	vadd.f32 v14, v6;
	v14 =	vld [tilespmem:s31+$0xA0]  }
0x11d: {  	v7 =	vadd.f32 v15, v7;
	v15 =	vld [tilespmem:s31+$0xB0]  }
0x11e: {  	v2 =	vld.idx.msk [tilespmem:v3+s20+$0x0], $0xffff  }
0x11f: {  	v8 =	vadd.f32 v16, v8;
	v16 =	vld [tilespmem:s31+$0xC0]  }
0x120: {  	v9 =	vadd.f32 v17, v9;
	v17 =	vld [tilespmem:s31+$0xD0]  }
0x121: {  	v10 =	vadd.f32 v18, v10;
	v18 =	vld [tilespmem:s31+$0xE0]  }
0x122: {  	v11 =	vadd.f32 v19, v11;
	v19 =	vld [tilespmem:s31+$0xF0]  }
0x123: {  	[tilespmem:$0x1FFE0] =	vst v2;
	v2 =	vld [tilespmem:s31+$0xFFFFFFC0]  }
0x124: {  	v5 =	vadd.f32 v21, v5;
	v21 =	vld [tilespmem:s31+$0x110]  }
0x125: {  	v6 =	vadd.f32 v22, v6;
	v22 =	vld [tilespmem:s31+$0x120]  }
0x126: {  	v7 =	vadd.f32 v23, v7;
	v23 =	vld [tilespmem:s31+$0x130]  }
0x127: {  	v8 =	vadd.f32 v24, v8;
	v24 =	vld [tilespmem:s31+$0x140]  }
0x128: {  	[tilespmem:$0x1FF30] =	vst v2;
	v2 =	vld [tilespmem:s31+$0xFFFFFFE0]  }
0x129: {  	v9 =	vadd.f32 v25, v9;
	v25 =	vld [tilespmem:s31+$0x150]  }
0x12a: {  	v10 =	vadd.f32 v26, v10;
	v26 =	vld [tilespmem:s31+$0x160]  }
0x12b: {  	v11 =	vadd.f32 v27, v11;
	v27 =	vld [tilespmem:s31+$0x170]  }
0x12c: {  	v5 =	vadd.f32 v29, v5;
	v29 =	vld [tilespmem:s31+$0x190]  }
0x12d: {  	[tilespmem:$0x1FF40] =	vst v2;
	v2 =	vld [tilespmem:s31+$0xFFFFFFF0]  }
0x12e: {  	v6 =	vadd.f32 v30, v6;
	v30 =	vld [tilespmem:s31+$0x1A0]  }
0x12f: {  	v7 =	vadd.f32 v31, v7;
	v31 =	vld [tilespmem:s31+$0x1B0]  }
0x130: {  	v8 =	vadd.f32 v32, v8;
	v32 =	vld [tilespmem:s31+$0x1C0]  }
0x131: {  	v9 =	vadd.f32 v33, v9;
	v33 =	vld [tilespmem:s31+$0x1D0]  }
0x132: {  	[tilespmem:$0x1FF50] =	vst v2;
	v2 =	vld [tilespmem:s31+$0x0]  }
0x133: {  	v10 =	vadd.f32 v34, v10;
	v34 =	vld [tilespmem:s31+$0x1E0]  }
0x134: {  	v11 =	vadd.f32 v35, v11;
	v35 =	vld [tilespmem:s31+$0x1F0]  }
0x135: {  	v5 =	vadd.f32 v37, v5;
	v37 =	vld [tilespmem:s31+$0x210]  }
0x136: {  	v6 =	vadd.f32 v38, v6;
	v8 =	vadd.f32 v40, v8;
	v38 =	vld [tilespmem:s31+$0x240]  }
0x137: {  	v11 =	vadd.f32 v43, v11;
	[tilespmem:$0x1FF60] =	vst v2;
	v2 =	vld [tilespmem:s31+$0x10]  }
0x138: {  	v8 =	vadd.f32 v48, v8;
	v48 =	vld [tilespmem:s31+$0x250]  }
0x139: {  	v6 =	vadd.f32 v46, v6;
	v11 =	vadd.f32 v51, v11;
	v51 =	vld [tilespmem:s31+$0x260]  }
0x13a: {  	v9 =	vadd.f32 v41, v9;
	v4 =	vld [tilespmem:s31+$0xFFFFFC00]  }
0x13b: {  	v10 =	vadd.f32 v42, v10;
	v6 =	vadd.f32 v54, v6;
	v54 =	vld [tilespmem:s31+$0x270]  }
0x13c: {  	v9 =	vadd.f32 v49, v9;
	[tilespmem:$0x1FF70] =	vst v2;
	v2 =	vld [tilespmem:s31+$0x20]  }
0x13d: {  	v10 =	vadd.f32 v50, v10;
	v8 =	vadd.f32 v56, v8;
	v56 =	vld [tilespmem:s31+$0x280]  }
0x13e: {  	v5 =	vadd.f32 v45, v5;
	v9 =	vadd.f32 v57, v9;
	v57 =	vld [tilespmem:s31+$0x290]  }
0x13f: {  	v10 =	vadd.f32 v58, v10;
	v58 =	vld [tilespmem:s31+$0x2A0]  }
0x140: {  	v5 =	vadd.f32 v53, v5;
	v11 =	vadd.f32 v59, v11;
	v59 =	vld [tilespmem:s31+$0x2B0]  }
0x141: {  	v4 =	vadd.f32 v12, v4;
	[tilespmem:$0x1FF80] =	vst v2;
	v2 =	vld [tilespmem:s31+$0x30]  }
0x142: {  	v5 =	vadd.f32 v61, v5;
	v61 =	vld [tilespmem:s31+$0x2D0]  }
0x143: {  	v3 =	vld [tilespmem:s31+$0xFFFFFFD0];
	v4 =	vadd.f32 v20, v4  }
0x144: {  	v12 =	vld [tilespmem:s31+$0x80]  }
0x145: {  	v20 =	vld [tilespmem:s31+$0x100];
	v4 =	vadd.f32 v28, v4  }
0x146: {  	[tilespmem:$0x1FF90] =	vst v2;
	v2 =	vld [tilespmem:s31+$0x40]  }
0x147: {  	v28 =	vld [tilespmem:s31+$0x180];
	v4 =	vadd.f32 v36, v4  }
0x148: {  	v7 =	vadd.f32 v39, v7;
	v42 =	vld [tilespmem:$0x1FF40]  }
0x149: {  	v4 =	vadd.f32 v44, v4;
	v44 =	vld [tilespmem:$0x1FF60]  }
0x14a: {  	v7 =	vadd.f32 v47, v7;
	v45 =	vld [tilespmem:$0x1FF70]  }
0x14b: {  	v4 =	vadd.f32 v52, v4;
	[tilespmem:$0x1FFA0] =	vst v2;
	v2 =	vld [tilespmem:s31+$0x50]  }
0x14c: {  	v7 =	vadd.f32 v55, v7;
	v47 =	vld [tilespmem:$0x1FF90]  }
0x14d: {  	v4 =	vadd.f32 v60, v4;
	v43 =	vld [tilespmem:$0x1FF50]  }
0x14e: {  	v6 =	vadd.f32 v62, v6;
	v7 =	vadd.f32 v63, v7;
	v55 =	vld [tilespmem:$0x1FFE0]  }
0x14f: {  	v3 =	vadd.f32 v3, v9;
	v4 =	vadd.f32 v44, v4;
	v46 =	vld [tilespmem:$0x1FF80]  }
0x150: {  	v9 =	vadd.f32 v42, v10;
	v5 =	vadd.f32 v45, v5;
	[tilespmem:$0x1FFB0] =	vst v2;
	v2 =	vld [tilespmem:s31+$0x60]  }
0x151: {  	v36 =	vld [tilespmem:s31+$0x200];
	v4 =	vadd.f32 v12, v4;
	v7 =	vadd.f32 v47, v7  }
0x152: {  	v10 =	vadd.f32 v43, v11;
	v11 =	vld [tilespmem:s31+$0x230];
	v5 =	vadd.f32 v13, v5  }
0x153: {  	v44 =	vld [tilespmem:s31+$0x330];
	v4 =	vadd.f32 v20, v4;
	v7 =	vadd.f32 v15, v7  }
0x154: {  	v5 =	vadd.f32 v21, v5;
	v6 =	vadd.f32 v46, v6;
	v50 =	vld [tilespmem:$0x1FFB0]  }
0x155: {  	(xrf2) =	vadd.scan.msk.f32 $0xffff, v55;
	v4 =	vadd.f32 v28, v4;
	v7 =	vadd.f32 v23, v7;
	[tilespmem:$0x1FFC0] =	vst v2;
	v2 =	vld [tilespmem:s31+$0x70]  }
0x156: {  	v5 =	vadd.f32 v29, v5;
	v29 =	vld [tilespmem:s31+$0x300];
	v6 =	vadd.f32 v14, v6  }
0x157: {  	v4 =	vadd.f32 v36, v4;
	v7 =	vadd.f32 v31, v7;
	v31 =	vld [tilespmem:s31+$0x310]  }
0x158: {  	v5 =	vadd.f32 v37, v5;
	v6 =	vadd.f32 v22, v6;
	v52 =	vld [tilespmem:$0x1FFC0]  }
0x159: {  	v7 =	vadd.f32 v11, v7;
	v3 =	vadd.f32 v50, v3;
	v50 =	vld [tilespmem:s31+$0x390]  }
0x15a: {  	v4 =	vadd.f32 v56, v4;
	v5 =	vadd.f32 v57, v5;
	[tilespmem:$0x1FFD0] =	vst v2;
	v2 =	vld [tilespmem:$0x1FF30]  }
0x15b: {  	v49 =	vld [tilespmem:$0x1FFA0];
	v6 =	vadd.f32 v30, v6;
	v7 =	vadd.f32 v59, v7  }
0x15c: {  	v4 =	vadd.f32 v29, v4;
	v3 =	vadd.f32 v17, v3;
	v53 =	vld [tilespmem:$0x1FFD0]  }
0x15d: {  	v62 =	vld [tilespmem:s31+$0x2E0];
	v5 =	vadd.f32 v31, v5;
	v7 =	vadd.f32 v44, v7  }
0x15e: {  	v63 =	vld [tilespmem:s31+$0x2F0];
	v3 =	vadd.f32 v25, v3;
	v9 =	vadd.f32 v52, v9  }
0x15f: {  	v42, _, _ =	vpop (xrf2);
	v52 =	vld [tilespmem:s31+$0x3B0];
	v5 =	vadd.f32 v50, v5;
	v2 =	vadd.f32 v2, v8  }
0x160: {  	v60 =	vld [tilespmem:s31+$0x2C0];
	v22 =	vbroadcast v42, $0xF;
	v3 =	vadd.f32 v33, v3;
	v9 =	vadd.f32 v18, v9  }
0x161: {  	v8 =	vld [tilespmem:s31+$0x220];
	v10 =	vadd.f32 v53, v10;
	v2 =	vadd.f32 v49, v2  }
0x162: {  	v43 =	vld [tilespmem:s31+$0x320];
	(erf) = vrcp.f32 v22;
	v3 =	vadd.f32 v48, v3;
	v9 =	vadd.f32 v26, v9  }
0x163: {  	v45 =	vld [tilespmem:s31+$0x340];
	v10 =	vadd.f32 v19, v10;
	v2 =	vadd.f32 v16, v2  }
0x164: {  	v46 =	vld [tilespmem:s31+$0x350];
	v3 =	vadd.f32 v61, v3;
	v7 =	vadd.f32 v52, v7  }
0x165: {  	v47 =	vld [tilespmem:s31+$0x360];
	v10 =	vadd.f32 v27, v10;
	v2 =	vadd.f32 v24, v2  }
0x166: {  	v48 =	vld [tilespmem:s31+$0x370];
	v9 =	vadd.f32 v34, v9;
	v6 =	vadd.f32 v8, v6  }
0x167: {  	v49 =	vld [tilespmem:s31+$0x380];
	v10 =	vadd.f32 v35, v10;
	v2 =	vadd.f32 v32, v2  }
0x168: {  	v9 =	vadd.f32 v51, v9;
	v51 =	vld [tilespmem:s31+$0x3A0];
	v6 =	vadd.f32 v58, v6  }
0x169: {  	v10 =	vadd.f32 v54, v10;
	v54 =	vld [tilespmem:s31+$0x3D0];
	v2 =	vadd.f32 v38, v2  }
0x16a: {  	v53 =	vld [tilespmem:s31+$0x3C0];
	v3 =	vadd.f32 v46, v3;
	v9 =	vadd.f32 v62, v9  }
0x16b: {  	v57 =	vld [tilespmem:s31+$0x3F0];
	v56 =	vpop (erf);
	v6 =	vadd.f32 v43, v6;
	v2 =	vadd.f32 v60, v2  }
0x16c: {  	v55 =	vld [tilespmem:s31+$0x3E0];
	v5 =	vmul.f32 v5, v56;
	v4 =	vadd.f32 v49, v4;
	v10 =	vadd.f32 v63, v10  }
0x16d: {  	v61 =	vmul.f32 v7, v56;
	v6 =	vadd.f32 v51, v6;
	v2 =	vadd.f32 v45, v2  }
0x16e: {  	v4 =	vmul.f32 v4, v56;
	[tilespmem:s30+$0xFFFFFFD0] =	vst v5;
	v60 =	vadd.f32 v48, v10;
	v3 =	vadd.f32 v54, v3  }
0x16f: {  	v58 =	vadd.f32 v47, v9;
	[tilespmem:s30+$0xFFFFFFF0] =	vst v61;
	v59 =	vmul.f32 v6, v56;
	v2 =	vadd.f32 v53, v2  }
0x170: {  	p1 =	sne.s32 s0, $0x1C0;
	[tilespmem:s30+$0xFFFFFFC0] =	vst v4;
	v63 =	vadd.f32 v57, v60;
	v3 =	vmul.f32 v3, v56  }
.Ltmp3:
0x171: {  	v62 =	vadd.f32 v55, v58;
	[tilespmem:s30+$0xFFFFFFE0] =	vst v59;
	v2 =	vmul.f32 v2, v56;
	(pc) =	sbr.rel @p1 .LBB2_9-.Ltmp3, $4  }
0x172: {  	[tilespmem:s30+$0x10] =	vst v3;
	v3 =	vmul.f32 v63, v56  }
0x173: {  	[tilespmem:s30+$0x0] =	vst v2;
	v2 =	vmul.f32 v62, v56  }
0x174: {  	[tilespmem:s30+$0x30] =	vst v3  }
0x175: {  	s0 =	sadd.s32 $0x40, s0;
	s31 =	sadd.s32 $0x800, s31;
	[tilespmem:s30+$0x20] =	vst v2;
	s30 =	sadd.s32 $0x80, s30  }
0x176: {  	p1 =	seq.s32 s14, $0x1F  }
0x177: {  	s0 =	sadd.s32 @!p1 $0xA00, s19;
	s1 =	simm.s32 @!p1 $0x80;
	s12 =	simm.s32 @!p1 $0x6800  }
0x178: {  	[tilespmem:s12], [sflag:$0x1] =	stream.indirect.gather @!p1 [hbm4b:s3+s1], $0x80, s0, s1, $0xb8;
	[tilespmem:$0x17800] =	vst v63  }
0x179: {  	s13 =	sadd.s32 s7, s6  }
0x17a: {  	[hbm4b:s13+s2] =	stream.linear.scatter [tilespmem:s22], [sflag:$0x5], $0x400, $0x38;
	[tilespmem:$0x17800] =	vst v63  }
0x17b: {  	_ =	swait.ge [sflag:s23], $0x4000  }
0x17c: {  	[sflag:s23] =	ssyncset.done $0x0  }
0x17d: {  	s0 =	simm.s32 @!p0 $0x6;
	[sflag:s23] =	ssyncadd.s32 $0xFFFFC000  }
0x17e: {  	_ =	swait.ge @!p0 [sflag:s0], $0x400  }
0x17f: {  	s7 =	sor.u32 $0x1, s5;
	s30 =	simm.s32 $0x0;
	v2 =	vmov s16;
	[sflag:s0] =	ssyncset.done @!p0 $0x0  }
0x180: {  	s31 =	simm.s32 $0x16C40;
	[tilespmem:$0x1FF20] =	vst v2;
	[sflag:s0] =	ssyncadd.s32 @!p0 $0xFFFFFC00;
	s0 =	simm.s32 $0xAC00  }
.LBB2_11:
0x181: {  	v2 =	vld [tilespmem:$0x1FF20]  }
0x182: {  	v5 =	vld [tilespmem:s0+$0xFFFFFC10]  }
0x183: {  	v6 =	vld [tilespmem:s0+$0xFFFFFC20]  }
0x184: {  	v7 =	vld [tilespmem:s0+$0xFFFFFC30]  }
0x185: {  	v8 =	vld [tilespmem:s0+$0xFFFFFC40]  }
0x186: {  	v9 =	vld [tilespmem:s0+$0xFFFFFC50]  }
0x187: {  	v10 =	vld [tilespmem:s0+$0xFFFFFC60]  }
0x188: {  	v11 =	vld [tilespmem:s0+$0xFFFFFC70]  }
0x189: {  	v12 =	vld [tilespmem:s0+$0xFFFFFC80]  }
0x18a: {  	v13 =	vld [tilespmem:s0+$0xFFFFFC90]  }
0x18b: {  	v14 =	vld [tilespmem:s0+$0xFFFFFCA0]  }
0x18c: {  	v15 =	vld [tilespmem:s0+$0xFFFFFCB0]  }
0x18d: {  	v16 =	vld [tilespmem:s0+$0xFFFFFCC0]  }
0x18e: {  	v17 =	vld [tilespmem:s0+$0xFFFFFCD0]  }
0x18f: {  	v18 =	vld [tilespmem:s0+$0xFFFFFCE0]  }
0x190: {  	v19 =	vld [tilespmem:s0+$0xFFFFFCF0]  }
0x191: {  	v20 =	vld [tilespmem:s0+$0xFFFFFD00]  }
0x192: {  	v21 =	vld [tilespmem:s0+$0xFFFFFD10]  }
0x193: {  	v22 =	vld [tilespmem:s0+$0xFFFFFD20]  }
0x194: {  	v23 =	vld [tilespmem:s0+$0xFFFFFD30]  }
0x195: {  	v24 =	vld [tilespmem:s0+$0xFFFFFD40]  }
0x196: {  	v25 =	vld [tilespmem:s0+$0xFFFFFD50]  }
0x197: {  	v26 =	vld [tilespmem:s0+$0xFFFFFD60]  }
0x198: {  	v27 =	vld [tilespmem:s0+$0xFFFFFD70]  }
0x199: {  	v28 =	vld [tilespmem:s0+$0xFFFFFD80]  }
0x19a: {  	v29 =	vld [tilespmem:s0+$0xFFFFFD90]  }
0x19b: {  	v30 =	vld [tilespmem:s0+$0xFFFFFDA0]  }
0x19c: {  	v31 =	vld [tilespmem:s0+$0xFFFFFDB0]  }
0x19d: {  	v32 =	vld [tilespmem:s0+$0xFFFFFDC0]  }
0x19e: {  	v33 =	vld [tilespmem:s0+$0xFFFFFDD0]  }
0x19f: {  	v34 =	vld [tilespmem:s0+$0xFFFFFDE0]  }
0x1a0: {  	v35 =	vld [tilespmem:s0+$0xFFFFFDF0]  }
0x1a1: {  	v36 =	vld [tilespmem:s0+$0xFFFFFE00]  }
0x1a2: {  	v37 =	vld [tilespmem:s0+$0xFFFFFE10]  }
0x1a3: {  	v38 =	vld [tilespmem:s0+$0xFFFFFE20]  }
0x1a4: {  	v39 =	vld [tilespmem:s0+$0xFFFFFE30]  }
0x1a5: {  	v40 =	vld [tilespmem:s0+$0xFFFFFE40]  }
0x1a6: {  	v41 =	vld [tilespmem:s0+$0xFFFFFE50]  }
0x1a7: {  	v42 =	vld [tilespmem:s0+$0xFFFFFE60]  }
0x1a8: {  	v43 =	vld [tilespmem:s0+$0xFFFFFE70]  }
0x1a9: {  	v44 =	vld [tilespmem:s0+$0xFFFFFE80]  }
0x1aa: {  	v45 =	vld [tilespmem:s0+$0xFFFFFE90]  }
0x1ab: {  	v46 =	vld [tilespmem:s0+$0xFFFFFEA0]  }
0x1ac: {  	v47 =	vld [tilespmem:s0+$0xFFFFFEB0]  }
0x1ad: {  	v48 =	vld [tilespmem:s0+$0xFFFFFEC0]  }
0x1ae: {  	v49 =	vld [tilespmem:s0+$0xFFFFFED0]  }
0x1af: {  	v50 =	vld [tilespmem:s0+$0xFFFFFEE0]  }
0x1b0: {  	v51 =	vld [tilespmem:s0+$0xFFFFFEF0]  }
0x1b1: {  	v52 =	vld [tilespmem:s0+$0xFFFFFF00]  }
0x1b2: {  	v53 =	vld [tilespmem:s0+$0xFFFFFF10]  }
0x1b3: {  	v54 =	vld [tilespmem:s0+$0xFFFFFF20]  }
0x1b4: {  	s1 =	sshra.s32 s30, $0x2;
	v55 =	vld [tilespmem:s0+$0xFFFFFF30]  }
0x1b5: {  	v3 =	vld.idx.msk [tilespmem:v2+s1+$0x0 ss:$0x1], $0xffff  }
0x1b6: {  	v56 =	vld [tilespmem:s0+$0xFFFFFF40]  }
0x1b7: {  	v57 =	vld [tilespmem:s0+$0xFFFFFF50]  }
0x1b8: {  	v58 =	vld [tilespmem:s0+$0xFFFFFF60]  }
0x1b9: {  	v59 =	vld [tilespmem:s0+$0xFFFFFF70]  }
0x1ba: {  	v60 =	vld [tilespmem:s0+$0xFFFFFF80];
	v4 =	vsub.s32 v3, v0  }
0x1bb: {  	v61 =	vld [tilespmem:s0+$0xFFFFFF90];
	v3 =	vand.u32 $0x7F, v3;
	v4 =	vand.u32 $0xFFFFFF80, v4  }
0x1bc: {  	v62 =	vld [tilespmem:s0+$0xFFFFFFA0];
	v3 =	vor.u32 v3, v4  }
0x1bd: {  	v63 =	vld [tilespmem:s0+$0xFFFFFFB0]  }
0x1be: {  	v5 =	vadd.f32 v13, v5;
	v13 =	vld [tilespmem:s0+$0x90]  }
0x1bf: {  	v6 =	vadd.f32 v14, v6;
	v14 =	vld [tilespmem:s0+$0xA0]  }
0x1c0: {  	v7 =	vadd.f32 v15, v7;
	v15 =	vld [tilespmem:s0+$0xB0]  }
0x1c1: {  	v2 =	vld.idx.msk [tilespmem:v3+s20+$0x0], $0xffff  }
0x1c2: {  	v8 =	vadd.f32 v16, v8;
	v16 =	vld [tilespmem:s0+$0xC0]  }
0x1c3: {  	v9 =	vadd.f32 v17, v9;
	v17 =	vld [tilespmem:s0+$0xD0]  }
0x1c4: {  	v10 =	vadd.f32 v18, v10;
	v18 =	vld [tilespmem:s0+$0xE0]  }
0x1c5: {  	v11 =	vadd.f32 v19, v11;
	v19 =	vld [tilespmem:s0+$0xF0]  }
0x1c6: {  	[tilespmem:$0x1FF10] =	vst v2;
	v2 =	vld [tilespmem:s0+$0xFFFFFFC0]  }
0x1c7: {  	v5 =	vadd.f32 v21, v5;
	v21 =	vld [tilespmem:s0+$0x110]  }
0x1c8: {  	v6 =	vadd.f32 v22, v6;
	v22 =	vld [tilespmem:s0+$0x120]  }
0x1c9: {  	v7 =	vadd.f32 v23, v7;
	v23 =	vld [tilespmem:s0+$0x130]  }
0x1ca: {  	v8 =	vadd.f32 v24, v8;
	v24 =	vld [tilespmem:s0+$0x140]  }
0x1cb: {  	[tilespmem:$0x1FE60] =	vst v2;
	v2 =	vld [tilespmem:s0+$0xFFFFFFE0]  }
0x1cc: {  	v9 =	vadd.f32 v25, v9;
	v25 =	vld [tilespmem:s0+$0x150]  }
0x1cd: {  	v10 =	vadd.f32 v26, v10;
	v26 =	vld [tilespmem:s0+$0x160]  }
0x1ce: {  	v11 =	vadd.f32 v27, v11;
	v27 =	vld [tilespmem:s0+$0x170]  }
0x1cf: {  	v5 =	vadd.f32 v29, v5;
	v29 =	vld [tilespmem:s0+$0x190]  }
0x1d0: {  	[tilespmem:$0x1FE70] =	vst v2;
	v2 =	vld [tilespmem:s0+$0xFFFFFFF0]  }
0x1d1: {  	v6 =	vadd.f32 v30, v6;
	v30 =	vld [tilespmem:s0+$0x1A0]  }
0x1d2: {  	v7 =	vadd.f32 v31, v7;
	v31 =	vld [tilespmem:s0+$0x1B0]  }
0x1d3: {  	v8 =	vadd.f32 v32, v8;
	v32 =	vld [tilespmem:s0+$0x1C0]  }
0x1d4: {  	v9 =	vadd.f32 v33, v9;
	v33 =	vld [tilespmem:s0+$0x1D0]  }
0x1d5: {  	[tilespmem:$0x1FE80] =	vst v2;
	v2 =	vld [tilespmem:s0+$0x0]  }
0x1d6: {  	v10 =	vadd.f32 v34, v10;
	v34 =	vld [tilespmem:s0+$0x1E0]  }
0x1d7: {  	v11 =	vadd.f32 v35, v11;
	v35 =	vld [tilespmem:s0+$0x1F0]  }
0x1d8: {  	v5 =	vadd.f32 v37, v5;
	v37 =	vld [tilespmem:s0+$0x210]  }
0x1d9: {  	v6 =	vadd.f32 v38, v6;
	v8 =	vadd.f32 v40, v8;
	v38 =	vld [tilespmem:s0+$0x240]  }
0x1da: {  	v11 =	vadd.f32 v43, v11;
	[tilespmem:$0x1FE90] =	vst v2;
	v2 =	vld [tilespmem:s0+$0x10]  }
0x1db: {  	v8 =	vadd.f32 v48, v8;
	v48 =	vld [tilespmem:s0+$0x250]  }
0x1dc: {  	v6 =	vadd.f32 v46, v6;
	v11 =	vadd.f32 v51, v11;
	v51 =	vld [tilespmem:s0+$0x260]  }
0x1dd: {  	v9 =	vadd.f32 v41, v9;
	v4 =	vld [tilespmem:s0+$0xFFFFFC00]  }
0x1de: {  	v10 =	vadd.f32 v42, v10;
	v6 =	vadd.f32 v54, v6;
	v54 =	vld [tilespmem:s0+$0x270]  }
0x1df: {  	v9 =	vadd.f32 v49, v9;
	[tilespmem:$0x1FEA0] =	vst v2;
	v2 =	vld [tilespmem:s0+$0x20]  }
0x1e0: {  	v10 =	vadd.f32 v50, v10;
	v8 =	vadd.f32 v56, v8;
	v56 =	vld [tilespmem:s0+$0x280]  }
0x1e1: {  	v5 =	vadd.f32 v45, v5;
	v9 =	vadd.f32 v57, v9;
	v57 =	vld [tilespmem:s0+$0x290]  }
0x1e2: {  	v10 =	vadd.f32 v58, v10;
	v58 =	vld [tilespmem:s0+$0x2A0]  }
0x1e3: {  	v5 =	vadd.f32 v53, v5;
	v11 =	vadd.f32 v59, v11;
	v59 =	vld [tilespmem:s0+$0x2B0]  }
0x1e4: {  	v4 =	vadd.f32 v12, v4;
	[tilespmem:$0x1FEB0] =	vst v2;
	v2 =	vld [tilespmem:s0+$0x30]  }
0x1e5: {  	v5 =	vadd.f32 v61, v5;
	v61 =	vld [tilespmem:s0+$0x2D0]  }
0x1e6: {  	v3 =	vld [tilespmem:s0+$0xFFFFFFD0];
	v4 =	vadd.f32 v20, v4  }
0x1e7: {  	v12 =	vld [tilespmem:s0+$0x80]  }
0x1e8: {  	v20 =	vld [tilespmem:s0+$0x100];
	v4 =	vadd.f32 v28, v4  }
0x1e9: {  	[tilespmem:$0x1FEC0] =	vst v2;
	v2 =	vld [tilespmem:s0+$0x40]  }
0x1ea: {  	v28 =	vld [tilespmem:s0+$0x180];
	v4 =	vadd.f32 v36, v4  }
0x1eb: {  	v7 =	vadd.f32 v39, v7;
	v42 =	vld [tilespmem:$0x1FE70]  }
0x1ec: {  	v4 =	vadd.f32 v44, v4;
	v44 =	vld [tilespmem:$0x1FE90]  }
0x1ed: {  	v7 =	vadd.f32 v47, v7;
	v45 =	vld [tilespmem:$0x1FEA0]  }
0x1ee: {  	v4 =	vadd.f32 v52, v4;
	[tilespmem:$0x1FED0] =	vst v2;
	v2 =	vld [tilespmem:s0+$0x50]  }
0x1ef: {  	v7 =	vadd.f32 v55, v7;
	v47 =	vld [tilespmem:$0x1FEC0]  }
0x1f0: {  	v4 =	vadd.f32 v60, v4;
	v43 =	vld [tilespmem:$0x1FE80]  }
0x1f1: {  	v6 =	vadd.f32 v62, v6;
	v7 =	vadd.f32 v63, v7;
	v55 =	vld [tilespmem:$0x1FF10]  }
0x1f2: {  	v3 =	vadd.f32 v3, v9;
	v4 =	vadd.f32 v44, v4;
	v46 =	vld [tilespmem:$0x1FEB0]  }
0x1f3: {  	v9 =	vadd.f32 v42, v10;
	v5 =	vadd.f32 v45, v5;
	[tilespmem:$0x1FEE0] =	vst v2;
	v2 =	vld [tilespmem:s0+$0x60]  }
0x1f4: {  	v36 =	vld [tilespmem:s0+$0x200];
	v4 =	vadd.f32 v12, v4;
	v7 =	vadd.f32 v47, v7  }
0x1f5: {  	v10 =	vadd.f32 v43, v11;
	v11 =	vld [tilespmem:s0+$0x230];
	v5 =	vadd.f32 v13, v5  }
0x1f6: {  	v44 =	vld [tilespmem:s0+$0x330];
	v4 =	vadd.f32 v20, v4;
	v7 =	vadd.f32 v15, v7  }
0x1f7: {  	v5 =	vadd.f32 v21, v5;
	v6 =	vadd.f32 v46, v6;
	v50 =	vld [tilespmem:$0x1FEE0]  }
0x1f8: {  	(xrf2) =	vadd.scan.msk.f32 $0xffff, v55;
	v4 =	vadd.f32 v28, v4;
	v7 =	vadd.f32 v23, v7;
	[tilespmem:$0x1FEF0] =	vst v2;
	v2 =	vld [tilespmem:s0+$0x70]  }
0x1f9: {  	v5 =	vadd.f32 v29, v5;
	v29 =	vld [tilespmem:s0+$0x300];
	v6 =	vadd.f32 v14, v6  }
0x1fa: {  	v4 =	vadd.f32 v36, v4;
	v7 =	vadd.f32 v31, v7;
	v31 =	vld [tilespmem:s0+$0x310]  }
0x1fb: {  	v5 =	vadd.f32 v37, v5;
	v6 =	vadd.f32 v22, v6;
	v52 =	vld [tilespmem:$0x1FEF0]  }
0x1fc: {  	v7 =	vadd.f32 v11, v7;
	v3 =	vadd.f32 v50, v3;
	v50 =	vld [tilespmem:s0+$0x390]  }
0x1fd: {  	v4 =	vadd.f32 v56, v4;
	v5 =	vadd.f32 v57, v5;
	[tilespmem:$0x1FF00] =	vst v2;
	v2 =	vld [tilespmem:$0x1FE60]  }
0x1fe: {  	v49 =	vld [tilespmem:$0x1FED0];
	v6 =	vadd.f32 v30, v6;
	v7 =	vadd.f32 v59, v7  }
0x1ff: {  	v4 =	vadd.f32 v29, v4;
	v3 =	vadd.f32 v17, v3;
	v53 =	vld [tilespmem:$0x1FF00]  }
0x200: {  	v62 =	vld [tilespmem:s0+$0x2E0];
	v5 =	vadd.f32 v31, v5;
	v7 =	vadd.f32 v44, v7  }
0x201: {  	v63 =	vld [tilespmem:s0+$0x2F0];
	v3 =	vadd.f32 v25, v3;
	v9 =	vadd.f32 v52, v9  }
0x202: {  	v42, _, _ =	vpop (xrf2);
	v52 =	vld [tilespmem:s0+$0x3B0];
	v5 =	vadd.f32 v50, v5;
	v2 =	vadd.f32 v2, v8  }
0x203: {  	v60 =	vld [tilespmem:s0+$0x2C0];
	v22 =	vbroadcast v42, $0xF;
	v3 =	vadd.f32 v33, v3;
	v9 =	vadd.f32 v18, v9  }
0x204: {  	v8 =	vld [tilespmem:s0+$0x220];
	v10 =	vadd.f32 v53, v10;
	v2 =	vadd.f32 v49, v2  }
0x205: {  	v43 =	vld [tilespmem:s0+$0x320];
	(erf) = vrcp.f32 v22;
	v3 =	vadd.f32 v48, v3;
	v9 =	vadd.f32 v26, v9  }
0x206: {  	v45 =	vld [tilespmem:s0+$0x340];
	v10 =	vadd.f32 v19, v10;
	v2 =	vadd.f32 v16, v2  }
0x207: {  	v46 =	vld [tilespmem:s0+$0x350];
	v3 =	vadd.f32 v61, v3;
	v7 =	vadd.f32 v52, v7  }
0x208: {  	v47 =	vld [tilespmem:s0+$0x360];
	v10 =	vadd.f32 v27, v10;
	v2 =	vadd.f32 v24, v2  }
0x209: {  	v48 =	vld [tilespmem:s0+$0x370];
	v9 =	vadd.f32 v34, v9;
	v6 =	vadd.f32 v8, v6  }
0x20a: {  	v49 =	vld [tilespmem:s0+$0x380];
	v10 =	vadd.f32 v35, v10;
	v2 =	vadd.f32 v32, v2  }
0x20b: {  	v9 =	vadd.f32 v51, v9;
	v51 =	vld [tilespmem:s0+$0x3A0];
	v6 =	vadd.f32 v58, v6  }
0x20c: {  	v10 =	vadd.f32 v54, v10;
	v54 =	vld [tilespmem:s0+$0x3D0];
	v2 =	vadd.f32 v38, v2  }
0x20d: {  	v53 =	vld [tilespmem:s0+$0x3C0];
	v3 =	vadd.f32 v46, v3;
	v9 =	vadd.f32 v62, v9  }
0x20e: {  	v57 =	vld [tilespmem:s0+$0x3F0];
	v56 =	vpop (erf);
	v6 =	vadd.f32 v43, v6;
	v2 =	vadd.f32 v60, v2  }
0x20f: {  	v55 =	vld [tilespmem:s0+$0x3E0];
	v5 =	vmul.f32 v5, v56;
	v4 =	vadd.f32 v49, v4;
	v10 =	vadd.f32 v63, v10  }
0x210: {  	v61 =	vmul.f32 v7, v56;
	v6 =	vadd.f32 v51, v6;
	v2 =	vadd.f32 v45, v2  }
0x211: {  	v4 =	vmul.f32 v4, v56;
	[tilespmem:s31+$0xFFFFFFD0] =	vst v5;
	v60 =	vadd.f32 v48, v10;
	v3 =	vadd.f32 v54, v3  }
0x212: {  	v58 =	vadd.f32 v47, v9;
	[tilespmem:s31+$0xFFFFFFF0] =	vst v61;
	v59 =	vmul.f32 v6, v56;
	v2 =	vadd.f32 v53, v2  }
0x213: {  	p2 =	sne.s32 s30, $0x1C0;
	[tilespmem:s31+$0xFFFFFFC0] =	vst v4;
	v63 =	vadd.f32 v57, v60;
	v3 =	vmul.f32 v3, v56  }
.Ltmp4:
0x214: {  	v62 =	vadd.f32 v55, v58;
	[tilespmem:s31+$0xFFFFFFE0] =	vst v59;
	v2 =	vmul.f32 v2, v56;
	(pc) =	sbr.rel @p2 .LBB2_11-.Ltmp4, $4  }
0x215: {  	[tilespmem:s31+$0x10] =	vst v3;
	v3 =	vmul.f32 v63, v56  }
0x216: {  	[tilespmem:s31+$0x0] =	vst v2;
	v2 =	vmul.f32 v62, v56  }
0x217: {  	[tilespmem:s31+$0x30] =	vst v3  }
0x218: {  	s30 =	sadd.s32 $0x40, s30;
	s0 =	sadd.s32 $0x800, s0;
	[tilespmem:s31+$0x20] =	vst v2;
	s31 =	sadd.s32 $0x80, s31  }
0x219: {  	s0 =	sadd.s32 @!p1 $0xA80, s19  }
0x21a: {  	s1 =	simm.s32 @!p1 $0x80;
	s12 =	simm.s32 @!p1 $0xA800;
	s13 =	sshll.u32 s7, $0x7  }
0x21b: {  	[tilespmem:s12], [sflag:$0x2] =	stream.indirect.gather @!p1 [hbm4b:s3+s1], $0x80, s0, s1, $0xb8;
	[tilespmem:$0x17800] =	vst v63  }
0x21c: {  	s0 =	sadd.s32 s13, s6  }
0x21d: {  	[hbm4b:s0+s2] =	stream.linear.scatter [tilespmem:s24], [sflag:$0x6], $0x400, $0x38;
	[tilespmem:$0x17800] =	vst v63  }
0x21e: {  	_ =	swait.ge [sflag:s25], $0x4000  }
0x21f: {  	[sflag:s25] =	ssyncset.done $0x0  }
0x220: {  	s0 =	simm.s32 @!p0 $0x7;
	[sflag:s25] =	ssyncadd.s32 $0xFFFFC000  }
0x221: {  	_ =	swait.ge @!p0 [sflag:s0], $0x400  }
0x222: {  	s7 =	sor.u32 $0x2, s5;
	s30 =	simm.s32 $0x0;
	v2 =	vmov s17;
	[sflag:s0] =	ssyncset.done @!p0 $0x0  }
0x223: {  	s31 =	simm.s32 $0x17040;
	[tilespmem:$0x1FE50] =	vst v2;
	[sflag:s0] =	ssyncadd.s32 @!p0 $0xFFFFFC00;
	s0 =	simm.s32 $0xEC00  }
.LBB2_13:
0x224: {  	v2 =	vld [tilespmem:$0x1FE50]  }
0x225: {  	v5 =	vld [tilespmem:s0+$0xFFFFFC10]  }
0x226: {  	v6 =	vld [tilespmem:s0+$0xFFFFFC20]  }
0x227: {  	v7 =	vld [tilespmem:s0+$0xFFFFFC30]  }
0x228: {  	v8 =	vld [tilespmem:s0+$0xFFFFFC40]  }
0x229: {  	v9 =	vld [tilespmem:s0+$0xFFFFFC50]  }
0x22a: {  	v10 =	vld [tilespmem:s0+$0xFFFFFC60]  }
0x22b: {  	v11 =	vld [tilespmem:s0+$0xFFFFFC70]  }
0x22c: {  	v12 =	vld [tilespmem:s0+$0xFFFFFC80]  }
0x22d: {  	v13 =	vld [tilespmem:s0+$0xFFFFFC90]  }
0x22e: {  	v14 =	vld [tilespmem:s0+$0xFFFFFCA0]  }
0x22f: {  	v15 =	vld [tilespmem:s0+$0xFFFFFCB0]  }
0x230: {  	v16 =	vld [tilespmem:s0+$0xFFFFFCC0]  }
0x231: {  	v17 =	vld [tilespmem:s0+$0xFFFFFCD0]  }
0x232: {  	v18 =	vld [tilespmem:s0+$0xFFFFFCE0]  }
0x233: {  	v19 =	vld [tilespmem:s0+$0xFFFFFCF0]  }
0x234: {  	v20 =	vld [tilespmem:s0+$0xFFFFFD00]  }
0x235: {  	v21 =	vld [tilespmem:s0+$0xFFFFFD10]  }
0x236: {  	v22 =	vld [tilespmem:s0+$0xFFFFFD20]  }
0x237: {  	v23 =	vld [tilespmem:s0+$0xFFFFFD30]  }
0x238: {  	v24 =	vld [tilespmem:s0+$0xFFFFFD40]  }
0x239: {  	v25 =	vld [tilespmem:s0+$0xFFFFFD50]  }
0x23a: {  	v26 =	vld [tilespmem:s0+$0xFFFFFD60]  }
0x23b: {  	v27 =	vld [tilespmem:s0+$0xFFFFFD70]  }
0x23c: {  	v28 =	vld [tilespmem:s0+$0xFFFFFD80]  }
0x23d: {  	v29 =	vld [tilespmem:s0+$0xFFFFFD90]  }
0x23e: {  	v30 =	vld [tilespmem:s0+$0xFFFFFDA0]  }
0x23f: {  	v31 =	vld [tilespmem:s0+$0xFFFFFDB0]  }
0x240: {  	v32 =	vld [tilespmem:s0+$0xFFFFFDC0]  }
0x241: {  	v33 =	vld [tilespmem:s0+$0xFFFFFDD0]  }
0x242: {  	v34 =	vld [tilespmem:s0+$0xFFFFFDE0]  }
0x243: {  	v35 =	vld [tilespmem:s0+$0xFFFFFDF0]  }
0x244: {  	v36 =	vld [tilespmem:s0+$0xFFFFFE00]  }
0x245: {  	v37 =	vld [tilespmem:s0+$0xFFFFFE10]  }
0x246: {  	v38 =	vld [tilespmem:s0+$0xFFFFFE20]  }
0x247: {  	v39 =	vld [tilespmem:s0+$0xFFFFFE30]  }
0x248: {  	v40 =	vld [tilespmem:s0+$0xFFFFFE40]  }
0x249: {  	v41 =	vld [tilespmem:s0+$0xFFFFFE50]  }
0x24a: {  	v42 =	vld [tilespmem:s0+$0xFFFFFE60]  }
0x24b: {  	v43 =	vld [tilespmem:s0+$0xFFFFFE70]  }
0x24c: {  	v44 =	vld [tilespmem:s0+$0xFFFFFE80]  }
0x24d: {  	v45 =	vld [tilespmem:s0+$0xFFFFFE90]  }
0x24e: {  	v46 =	vld [tilespmem:s0+$0xFFFFFEA0]  }
0x24f: {  	v47 =	vld [tilespmem:s0+$0xFFFFFEB0]  }
0x250: {  	v48 =	vld [tilespmem:s0+$0xFFFFFEC0]  }
0x251: {  	v49 =	vld [tilespmem:s0+$0xFFFFFED0]  }
0x252: {  	v50 =	vld [tilespmem:s0+$0xFFFFFEE0]  }
0x253: {  	v51 =	vld [tilespmem:s0+$0xFFFFFEF0]  }
0x254: {  	v52 =	vld [tilespmem:s0+$0xFFFFFF00]  }
0x255: {  	v53 =	vld [tilespmem:s0+$0xFFFFFF10]  }
0x256: {  	v54 =	vld [tilespmem:s0+$0xFFFFFF20]  }
0x257: {  	s1 =	sshra.s32 s30, $0x2;
	v55 =	vld [tilespmem:s0+$0xFFFFFF30]  }
0x258: {  	v3 =	vld.idx.msk [tilespmem:v2+s1+$0x0 ss:$0x1], $0xffff  }
0x259: {  	v56 =	vld [tilespmem:s0+$0xFFFFFF40]  }
0x25a: {  	v57 =	vld [tilespmem:s0+$0xFFFFFF50]  }
0x25b: {  	v58 =	vld [tilespmem:s0+$0xFFFFFF60]  }
0x25c: {  	v59 =	vld [tilespmem:s0+$0xFFFFFF70]  }
0x25d: {  	v60 =	vld [tilespmem:s0+$0xFFFFFF80];
	v4 =	vsub.s32 v3, v0  }
0x25e: {  	v61 =	vld [tilespmem:s0+$0xFFFFFF90];
	v3 =	vand.u32 $0x7F, v3;
	v4 =	vand.u32 $0xFFFFFF80, v4  }
0x25f: {  	v62 =	vld [tilespmem:s0+$0xFFFFFFA0];
	v3 =	vor.u32 v3, v4  }
0x260: {  	v63 =	vld [tilespmem:s0+$0xFFFFFFB0]  }
0x261: {  	v5 =	vadd.f32 v13, v5;
	v13 =	vld [tilespmem:s0+$0x90]  }
0x262: {  	v6 =	vadd.f32 v14, v6;
	v14 =	vld [tilespmem:s0+$0xA0]  }
0x263: {  	v7 =	vadd.f32 v15, v7;
	v15 =	vld [tilespmem:s0+$0xB0]  }
0x264: {  	v2 =	vld.idx.msk [tilespmem:v3+s20+$0x0], $0xffff  }
0x265: {  	v8 =	vadd.f32 v16, v8;
	v16 =	vld [tilespmem:s0+$0xC0]  }
0x266: {  	v9 =	vadd.f32 v17, v9;
	v17 =	vld [tilespmem:s0+$0xD0]  }
0x267: {  	v10 =	vadd.f32 v18, v10;
	v18 =	vld [tilespmem:s0+$0xE0]  }
0x268: {  	v11 =	vadd.f32 v19, v11;
	v19 =	vld [tilespmem:s0+$0xF0]  }
0x269: {  	[tilespmem:$0x1FE40] =	vst v2;
	v2 =	vld [tilespmem:s0+$0xFFFFFFC0]  }
0x26a: {  	v5 =	vadd.f32 v21, v5;
	v21 =	vld [tilespmem:s0+$0x110]  }
0x26b: {  	v6 =	vadd.f32 v22, v6;
	v22 =	vld [tilespmem:s0+$0x120]  }
0x26c: {  	v7 =	vadd.f32 v23, v7;
	v23 =	vld [tilespmem:s0+$0x130]  }
0x26d: {  	v8 =	vadd.f32 v24, v8;
	v24 =	vld [tilespmem:s0+$0x140]  }
0x26e: {  	[tilespmem:$0x1FD90] =	vst v2;
	v2 =	vld [tilespmem:s0+$0xFFFFFFE0]  }
0x26f: {  	v9 =	vadd.f32 v25, v9;
	v25 =	vld [tilespmem:s0+$0x150]  }
0x270: {  	v10 =	vadd.f32 v26, v10;
	v26 =	vld [tilespmem:s0+$0x160]  }
0x271: {  	v11 =	vadd.f32 v27, v11;
	v27 =	vld [tilespmem:s0+$0x170]  }
0x272: {  	v5 =	vadd.f32 v29, v5;
	v29 =	vld [tilespmem:s0+$0x190]  }
0x273: {  	[tilespmem:$0x1FDA0] =	vst v2;
	v2 =	vld [tilespmem:s0+$0xFFFFFFF0]  }
0x274: {  	v6 =	vadd.f32 v30, v6;
	v30 =	vld [tilespmem:s0+$0x1A0]  }
0x275: {  	v7 =	vadd.f32 v31, v7;
	v31 =	vld [tilespmem:s0+$0x1B0]  }
0x276: {  	v8 =	vadd.f32 v32, v8;
	v32 =	vld [tilespmem:s0+$0x1C0]  }
0x277: {  	v9 =	vadd.f32 v33, v9;
	v33 =	vld [tilespmem:s0+$0x1D0]  }
0x278: {  	[tilespmem:$0x1FDB0] =	vst v2;
	v2 =	vld [tilespmem:s0+$0x0]  }
0x279: {  	v10 =	vadd.f32 v34, v10;
	v34 =	vld [tilespmem:s0+$0x1E0]  }
0x27a: {  	v11 =	vadd.f32 v35, v11;
	v35 =	vld [tilespmem:s0+$0x1F0]  }
0x27b: {  	v5 =	vadd.f32 v37, v5;
	v37 =	vld [tilespmem:s0+$0x210]  }
0x27c: {  	v6 =	vadd.f32 v38, v6;
	v8 =	vadd.f32 v40, v8;
	v38 =	vld [tilespmem:s0+$0x240]  }
0x27d: {  	v11 =	vadd.f32 v43, v11;
	[tilespmem:$0x1FDC0] =	vst v2;
	v2 =	vld [tilespmem:s0+$0x10]  }
0x27e: {  	v8 =	vadd.f32 v48, v8;
	v48 =	vld [tilespmem:s0+$0x250]  }
0x27f: {  	v6 =	vadd.f32 v46, v6;
	v11 =	vadd.f32 v51, v11;
	v51 =	vld [tilespmem:s0+$0x260]  }
0x280: {  	v9 =	vadd.f32 v41, v9;
	v4 =	vld [tilespmem:s0+$0xFFFFFC00]  }
0x281: {  	v10 =	vadd.f32 v42, v10;
	v6 =	vadd.f32 v54, v6;
	v54 =	vld [tilespmem:s0+$0x270]  }
0x282: {  	v9 =	vadd.f32 v49, v9;
	[tilespmem:$0x1FDD0] =	vst v2;
	v2 =	vld [tilespmem:s0+$0x20]  }
0x283: {  	v10 =	vadd.f32 v50, v10;
	v8 =	vadd.f32 v56, v8;
	v56 =	vld [tilespmem:s0+$0x280]  }
0x284: {  	v5 =	vadd.f32 v45, v5;
	v9 =	vadd.f32 v57, v9;
	v57 =	vld [tilespmem:s0+$0x290]  }
0x285: {  	v10 =	vadd.f32 v58, v10;
	v58 =	vld [tilespmem:s0+$0x2A0]  }
0x286: {  	v5 =	vadd.f32 v53, v5;
	v11 =	vadd.f32 v59, v11;
	v59 =	vld [tilespmem:s0+$0x2B0]  }
0x287: {  	v4 =	vadd.f32 v12, v4;
	[tilespmem:$0x1FDE0] =	vst v2;
	v2 =	vld [tilespmem:s0+$0x30]  }
0x288: {  	v5 =	vadd.f32 v61, v5;
	v61 =	vld [tilespmem:s0+$0x2D0]  }
0x289: {  	v3 =	vld [tilespmem:s0+$0xFFFFFFD0];
	v4 =	vadd.f32 v20, v4  }
0x28a: {  	v12 =	vld [tilespmem:s0+$0x80]  }
0x28b: {  	v20 =	vld [tilespmem:s0+$0x100];
	v4 =	vadd.f32 v28, v4  }
0x28c: {  	[tilespmem:$0x1FDF0] =	vst v2;
	v2 =	vld [tilespmem:s0+$0x40]  }
0x28d: {  	v28 =	vld [tilespmem:s0+$0x180];
	v4 =	vadd.f32 v36, v4  }
0x28e: {  	v7 =	vadd.f32 v39, v7;
	v42 =	vld [tilespmem:$0x1FDA0]  }
0x28f: {  	v4 =	vadd.f32 v44, v4;
	v44 =	vld [tilespmem:$0x1FDC0]  }
0x290: {  	v7 =	vadd.f32 v47, v7;
	v45 =	vld [tilespmem:$0x1FDD0]  }
0x291: {  	v4 =	vadd.f32 v52, v4;
	[tilespmem:$0x1FE00] =	vst v2;
	v2 =	vld [tilespmem:s0+$0x50]  }
0x292: {  	v7 =	vadd.f32 v55, v7;
	v47 =	vld [tilespmem:$0x1FDF0]  }
0x293: {  	v4 =	vadd.f32 v60, v4;
	v43 =	vld [tilespmem:$0x1FDB0]  }
0x294: {  	v6 =	vadd.f32 v62, v6;
	v7 =	vadd.f32 v63, v7;
	v55 =	vld [tilespmem:$0x1FE40]  }
0x295: {  	v3 =	vadd.f32 v3, v9;
	v4 =	vadd.f32 v44, v4;
	v46 =	vld [tilespmem:$0x1FDE0]  }
0x296: {  	v9 =	vadd.f32 v42, v10;
	v5 =	vadd.f32 v45, v5;
	[tilespmem:$0x1FE10] =	vst v2;
	v2 =	vld [tilespmem:s0+$0x60]  }
0x297: {  	v36 =	vld [tilespmem:s0+$0x200];
	v4 =	vadd.f32 v12, v4;
	v7 =	vadd.f32 v47, v7  }
0x298: {  	v10 =	vadd.f32 v43, v11;
	v11 =	vld [tilespmem:s0+$0x230];
	v5 =	vadd.f32 v13, v5  }
0x299: {  	v44 =	vld [tilespmem:s0+$0x330];
	v4 =	vadd.f32 v20, v4;
	v7 =	vadd.f32 v15, v7  }
0x29a: {  	v5 =	vadd.f32 v21, v5;
	v6 =	vadd.f32 v46, v6;
	v50 =	vld [tilespmem:$0x1FE10]  }
0x29b: {  	(xrf2) =	vadd.scan.msk.f32 $0xffff, v55;
	v4 =	vadd.f32 v28, v4;
	v7 =	vadd.f32 v23, v7;
	[tilespmem:$0x1FE20] =	vst v2;
	v2 =	vld [tilespmem:s0+$0x70]  }
0x29c: {  	v5 =	vadd.f32 v29, v5;
	v29 =	vld [tilespmem:s0+$0x300];
	v6 =	vadd.f32 v14, v6  }
0x29d: {  	v4 =	vadd.f32 v36, v4;
	v7 =	vadd.f32 v31, v7;
	v31 =	vld [tilespmem:s0+$0x310]  }
0x29e: {  	v5 =	vadd.f32 v37, v5;
	v6 =	vadd.f32 v22, v6;
	v52 =	vld [tilespmem:$0x1FE20]  }
0x29f: {  	v7 =	vadd.f32 v11, v7;
	v3 =	vadd.f32 v50, v3;
	v50 =	vld [tilespmem:s0+$0x390]  }
0x2a0: {  	v4 =	vadd.f32 v56, v4;
	v5 =	vadd.f32 v57, v5;
	[tilespmem:$0x1FE30] =	vst v2;
	v2 =	vld [tilespmem:$0x1FD90]  }
0x2a1: {  	v49 =	vld [tilespmem:$0x1FE00];
	v6 =	vadd.f32 v30, v6;
	v7 =	vadd.f32 v59, v7  }
0x2a2: {  	v4 =	vadd.f32 v29, v4;
	v3 =	vadd.f32 v17, v3;
	v53 =	vld [tilespmem:$0x1FE30]  }
0x2a3: {  	v62 =	vld [tilespmem:s0+$0x2E0];
	v5 =	vadd.f32 v31, v5;
	v7 =	vadd.f32 v44, v7  }
0x2a4: {  	v63 =	vld [tilespmem:s0+$0x2F0];
	v3 =	vadd.f32 v25, v3;
	v9 =	vadd.f32 v52, v9  }
0x2a5: {  	v42, _, _ =	vpop (xrf2);
	v52 =	vld [tilespmem:s0+$0x3B0];
	v5 =	vadd.f32 v50, v5;
	v2 =	vadd.f32 v2, v8  }
0x2a6: {  	v60 =	vld [tilespmem:s0+$0x2C0];
	v22 =	vbroadcast v42, $0xF;
	v3 =	vadd.f32 v33, v3;
	v9 =	vadd.f32 v18, v9  }
0x2a7: {  	v8 =	vld [tilespmem:s0+$0x220];
	v10 =	vadd.f32 v53, v10;
	v2 =	vadd.f32 v49, v2  }
0x2a8: {  	v43 =	vld [tilespmem:s0+$0x320];
	(erf) = vrcp.f32 v22;
	v3 =	vadd.f32 v48, v3;
	v9 =	vadd.f32 v26, v9  }
0x2a9: {  	v45 =	vld [tilespmem:s0+$0x340];
	v10 =	vadd.f32 v19, v10;
	v2 =	vadd.f32 v16, v2  }
0x2aa: {  	v46 =	vld [tilespmem:s0+$0x350];
	v3 =	vadd.f32 v61, v3;
	v7 =	vadd.f32 v52, v7  }
0x2ab: {  	v47 =	vld [tilespmem:s0+$0x360];
	v10 =	vadd.f32 v27, v10;
	v2 =	vadd.f32 v24, v2  }
0x2ac: {  	v48 =	vld [tilespmem:s0+$0x370];
	v9 =	vadd.f32 v34, v9;
	v6 =	vadd.f32 v8, v6  }
0x2ad: {  	v49 =	vld [tilespmem:s0+$0x380];
	v10 =	vadd.f32 v35, v10;
	v2 =	vadd.f32 v32, v2  }
0x2ae: {  	v9 =	vadd.f32 v51, v9;
	v51 =	vld [tilespmem:s0+$0x3A0];
	v6 =	vadd.f32 v58, v6  }
0x2af: {  	v10 =	vadd.f32 v54, v10;
	v54 =	vld [tilespmem:s0+$0x3D0];
	v2 =	vadd.f32 v38, v2  }
0x2b0: {  	v53 =	vld [tilespmem:s0+$0x3C0];
	v3 =	vadd.f32 v46, v3;
	v9 =	vadd.f32 v62, v9  }
0x2b1: {  	v57 =	vld [tilespmem:s0+$0x3F0];
	v56 =	vpop (erf);
	v6 =	vadd.f32 v43, v6;
	v2 =	vadd.f32 v60, v2  }
0x2b2: {  	v55 =	vld [tilespmem:s0+$0x3E0];
	v5 =	vmul.f32 v5, v56;
	v4 =	vadd.f32 v49, v4;
	v10 =	vadd.f32 v63, v10  }
0x2b3: {  	v61 =	vmul.f32 v7, v56;
	v6 =	vadd.f32 v51, v6;
	v2 =	vadd.f32 v45, v2  }
0x2b4: {  	v4 =	vmul.f32 v4, v56;
	[tilespmem:s31+$0xFFFFFFD0] =	vst v5;
	v60 =	vadd.f32 v48, v10;
	v3 =	vadd.f32 v54, v3  }
0x2b5: {  	v58 =	vadd.f32 v47, v9;
	[tilespmem:s31+$0xFFFFFFF0] =	vst v61;
	v59 =	vmul.f32 v6, v56;
	v2 =	vadd.f32 v53, v2  }
0x2b6: {  	p2 =	sne.s32 s30, $0x1C0;
	[tilespmem:s31+$0xFFFFFFC0] =	vst v4;
	v63 =	vadd.f32 v57, v60;
	v3 =	vmul.f32 v3, v56  }
.Ltmp5:
0x2b7: {  	v62 =	vadd.f32 v55, v58;
	[tilespmem:s31+$0xFFFFFFE0] =	vst v59;
	v2 =	vmul.f32 v2, v56;
	(pc) =	sbr.rel @p2 .LBB2_13-.Ltmp5, $4  }
0x2b8: {  	[tilespmem:s31+$0x10] =	vst v3;
	v3 =	vmul.f32 v63, v56  }
0x2b9: {  	[tilespmem:s31+$0x0] =	vst v2;
	v2 =	vmul.f32 v62, v56  }
0x2ba: {  	[tilespmem:s31+$0x30] =	vst v3  }
0x2bb: {  	s30 =	sadd.s32 $0x40, s30;
	s0 =	sadd.s32 $0x800, s0;
	[tilespmem:s31+$0x20] =	vst v2;
	s31 =	sadd.s32 $0x80, s31  }
0x2bc: {  	s0 =	sadd.s32 @!p1 $0xB00, s19  }
0x2bd: {  	s1 =	simm.s32 @!p1 $0x80;
	s12 =	simm.s32 @!p1 $0xE800;
	s31 =	sshll.u32 s7, $0x7  }
0x2be: {  	[tilespmem:s12], [sflag:$0x3] =	stream.indirect.gather @!p1 [hbm4b:s3+s1], $0x80, s0, s1, $0xb8;
	[tilespmem:$0x17800] =	vst v63  }
0x2bf: {  	s0 =	sadd.s32 s31, s6  }
0x2c0: {  	[hbm4b:s0+s2] =	stream.linear.scatter [tilespmem:s26], [sflag:$0x7], $0x400, $0x38;
	[tilespmem:$0x17800] =	vst v63  }
0x2c1: {  	_ =	swait.ge [sflag:s28], $0x4000  }
0x2c2: {  	[sflag:s28] =	ssyncset.done $0x0  }
0x2c3: {  	s0 =	simm.s32 @!p0 $0x8;
	[sflag:s28] =	ssyncadd.s32 $0xFFFFC000  }
0x2c4: {  	_ =	swait.ge @!p0 [sflag:s0], $0x400  }
0x2c5: {  	s5 =	sor.u32 $0x3, s5;
	s7 =	simm.s32 $0x0;
	v2 =	vmov s18;
	[sflag:s0] =	ssyncset.done @!p0 $0x0  }
0x2c6: {  	s30 =	simm.s32 $0x17440;
	[tilespmem:$0x1FD80] =	vst v2;
	[sflag:s0] =	ssyncadd.s32 @!p0 $0xFFFFFC00;
	s0 =	simm.s32 $0x12C00  }
.LBB2_15:
0x2c7: {  	v2 =	vld [tilespmem:$0x1FD80]  }
0x2c8: {  	v5 =	vld [tilespmem:s0+$0xFFFFFC10]  }
0x2c9: {  	v6 =	vld [tilespmem:s0+$0xFFFFFC20]  }
0x2ca: {  	v7 =	vld [tilespmem:s0+$0xFFFFFC30]  }
0x2cb: {  	v8 =	vld [tilespmem:s0+$0xFFFFFC40]  }
0x2cc: {  	v9 =	vld [tilespmem:s0+$0xFFFFFC50]  }
0x2cd: {  	v10 =	vld [tilespmem:s0+$0xFFFFFC60]  }
0x2ce: {  	v11 =	vld [tilespmem:s0+$0xFFFFFC70]  }
0x2cf: {  	v12 =	vld [tilespmem:s0+$0xFFFFFC80]  }
0x2d0: {  	v13 =	vld [tilespmem:s0+$0xFFFFFC90]  }
0x2d1: {  	v14 =	vld [tilespmem:s0+$0xFFFFFCA0]  }
0x2d2: {  	v15 =	vld [tilespmem:s0+$0xFFFFFCB0]  }
0x2d3: {  	v16 =	vld [tilespmem:s0+$0xFFFFFCC0]  }
0x2d4: {  	v17 =	vld [tilespmem:s0+$0xFFFFFCD0]  }
0x2d5: {  	v18 =	vld [tilespmem:s0+$0xFFFFFCE0]  }
0x2d6: {  	v19 =	vld [tilespmem:s0+$0xFFFFFCF0]  }
0x2d7: {  	v20 =	vld [tilespmem:s0+$0xFFFFFD00]  }
0x2d8: {  	v21 =	vld [tilespmem:s0+$0xFFFFFD10]  }
0x2d9: {  	v22 =	vld [tilespmem:s0+$0xFFFFFD20]  }
0x2da: {  	v23 =	vld [tilespmem:s0+$0xFFFFFD30]  }
0x2db: {  	v24 =	vld [tilespmem:s0+$0xFFFFFD40]  }
0x2dc: {  	v25 =	vld [tilespmem:s0+$0xFFFFFD50]  }
0x2dd: {  	v26 =	vld [tilespmem:s0+$0xFFFFFD60]  }
0x2de: {  	v27 =	vld [tilespmem:s0+$0xFFFFFD70]  }
0x2df: {  	v28 =	vld [tilespmem:s0+$0xFFFFFD80]  }
0x2e0: {  	v29 =	vld [tilespmem:s0+$0xFFFFFD90]  }
0x2e1: {  	v30 =	vld [tilespmem:s0+$0xFFFFFDA0]  }
0x2e2: {  	v31 =	vld [tilespmem:s0+$0xFFFFFDB0]  }
0x2e3: {  	v32 =	vld [tilespmem:s0+$0xFFFFFDC0]  }
0x2e4: {  	v33 =	vld [tilespmem:s0+$0xFFFFFDD0]  }
0x2e5: {  	v34 =	vld [tilespmem:s0+$0xFFFFFDE0]  }
0x2e6: {  	v35 =	vld [tilespmem:s0+$0xFFFFFDF0]  }
0x2e7: {  	v36 =	vld [tilespmem:s0+$0xFFFFFE00]  }
0x2e8: {  	v37 =	vld [tilespmem:s0+$0xFFFFFE10]  }
0x2e9: {  	v38 =	vld [tilespmem:s0+$0xFFFFFE20]  }
0x2ea: {  	v39 =	vld [tilespmem:s0+$0xFFFFFE30]  }
0x2eb: {  	v40 =	vld [tilespmem:s0+$0xFFFFFE40]  }
0x2ec: {  	v41 =	vld [tilespmem:s0+$0xFFFFFE50]  }
0x2ed: {  	v42 =	vld [tilespmem:s0+$0xFFFFFE60]  }
0x2ee: {  	v43 =	vld [tilespmem:s0+$0xFFFFFE70]  }
0x2ef: {  	v44 =	vld [tilespmem:s0+$0xFFFFFE80]  }
0x2f0: {  	v45 =	vld [tilespmem:s0+$0xFFFFFE90]  }
0x2f1: {  	v46 =	vld [tilespmem:s0+$0xFFFFFEA0]  }
0x2f2: {  	v47 =	vld [tilespmem:s0+$0xFFFFFEB0]  }
0x2f3: {  	v48 =	vld [tilespmem:s0+$0xFFFFFEC0]  }
0x2f4: {  	v49 =	vld [tilespmem:s0+$0xFFFFFED0]  }
0x2f5: {  	v50 =	vld [tilespmem:s0+$0xFFFFFEE0]  }
0x2f6: {  	v51 =	vld [tilespmem:s0+$0xFFFFFEF0]  }
0x2f7: {  	v52 =	vld [tilespmem:s0+$0xFFFFFF00]  }
0x2f8: {  	v53 =	vld [tilespmem:s0+$0xFFFFFF10]  }
0x2f9: {  	v54 =	vld [tilespmem:s0+$0xFFFFFF20]  }
0x2fa: {  	s1 =	sshra.s32 s7, $0x2;
	v55 =	vld [tilespmem:s0+$0xFFFFFF30]  }
0x2fb: {  	v3 =	vld.idx.msk [tilespmem:v2+s1+$0x0 ss:$0x1], $0xffff  }
0x2fc: {  	v56 =	vld [tilespmem:s0+$0xFFFFFF40]  }
0x2fd: {  	v57 =	vld [tilespmem:s0+$0xFFFFFF50]  }
0x2fe: {  	v58 =	vld [tilespmem:s0+$0xFFFFFF60]  }
0x2ff: {  	v59 =	vld [tilespmem:s0+$0xFFFFFF70]  }
0x300: {  	v60 =	vld [tilespmem:s0+$0xFFFFFF80];
	v4 =	vsub.s32 v3, v0  }
0x301: {  	v61 =	vld [tilespmem:s0+$0xFFFFFF90];
	v3 =	vand.u32 $0x7F, v3;
	v4 =	vand.u32 $0xFFFFFF80, v4  }
0x302: {  	v62 =	vld [tilespmem:s0+$0xFFFFFFA0];
	v3 =	vor.u32 v3, v4  }
0x303: {  	v63 =	vld [tilespmem:s0+$0xFFFFFFB0]  }
0x304: {  	v5 =	vadd.f32 v13, v5;
	v13 =	vld [tilespmem:s0+$0x90]  }
0x305: {  	v6 =	vadd.f32 v14, v6;
	v14 =	vld [tilespmem:s0+$0xA0]  }
0x306: {  	v7 =	vadd.f32 v15, v7;
	v15 =	vld [tilespmem:s0+$0xB0]  }
0x307: {  	v2 =	vld.idx.msk [tilespmem:v3+s20+$0x0], $0xffff  }
0x308: {  	v8 =	vadd.f32 v16, v8;
	v16 =	vld [tilespmem:s0+$0xC0]  }
0x309: {  	v9 =	vadd.f32 v17, v9;
	v17 =	vld [tilespmem:s0+$0xD0]  }
0x30a: {  	v10 =	vadd.f32 v18, v10;
	v18 =	vld [tilespmem:s0+$0xE0]  }
0x30b: {  	v11 =	vadd.f32 v19, v11;
	v19 =	vld [tilespmem:s0+$0xF0]  }
0x30c: {  	[tilespmem:$0x1FD70] =	vst v2;
	v2 =	vld [tilespmem:s0+$0xFFFFFFC0]  }
0x30d: {  	v5 =	vadd.f32 v21, v5;
	v21 =	vld [tilespmem:s0+$0x110]  }
0x30e: {  	v6 =	vadd.f32 v22, v6;
	v22 =	vld [tilespmem:s0+$0x120]  }
0x30f: {  	v7 =	vadd.f32 v23, v7;
	v23 =	vld [tilespmem:s0+$0x130]  }
0x310: {  	v8 =	vadd.f32 v24, v8;
	v24 =	vld [tilespmem:s0+$0x140]  }
0x311: {  	[tilespmem:$0x1FCC0] =	vst v2;
	v2 =	vld [tilespmem:s0+$0xFFFFFFE0]  }
0x312: {  	v9 =	vadd.f32 v25, v9;
	v25 =	vld [tilespmem:s0+$0x150]  }
0x313: {  	v10 =	vadd.f32 v26, v10;
	v26 =	vld [tilespmem:s0+$0x160]  }
0x314: {  	v11 =	vadd.f32 v27, v11;
	v27 =	vld [tilespmem:s0+$0x170]  }
0x315: {  	v5 =	vadd.f32 v29, v5;
	v29 =	vld [tilespmem:s0+$0x190]  }
0x316: {  	[tilespmem:$0x1FCD0] =	vst v2;
	v2 =	vld [tilespmem:s0+$0xFFFFFFF0]  }
0x317: {  	v6 =	vadd.f32 v30, v6;
	v30 =	vld [tilespmem:s0+$0x1A0]  }
0x318: {  	v7 =	vadd.f32 v31, v7;
	v31 =	vld [tilespmem:s0+$0x1B0]  }
0x319: {  	v8 =	vadd.f32 v32, v8;
	v32 =	vld [tilespmem:s0+$0x1C0]  }
0x31a: {  	v9 =	vadd.f32 v33, v9;
	v33 =	vld [tilespmem:s0+$0x1D0]  }
0x31b: {  	[tilespmem:$0x1FCE0] =	vst v2;
	v2 =	vld [tilespmem:s0+$0x0]  }
0x31c: {  	v10 =	vadd.f32 v34, v10;
	v34 =	vld [tilespmem:s0+$0x1E0]  }
0x31d: {  	v11 =	vadd.f32 v35, v11;
	v35 =	vld [tilespmem:s0+$0x1F0]  }
0x31e: {  	v5 =	vadd.f32 v37, v5;
	v37 =	vld [tilespmem:s0+$0x210]  }
0x31f: {  	v6 =	vadd.f32 v38, v6;
	v8 =	vadd.f32 v40, v8;
	v38 =	vld [tilespmem:s0+$0x240]  }
0x320: {  	v11 =	vadd.f32 v43, v11;
	[tilespmem:$0x1FCF0] =	vst v2;
	v2 =	vld [tilespmem:s0+$0x10]  }
0x321: {  	v8 =	vadd.f32 v48, v8;
	v48 =	vld [tilespmem:s0+$0x250]  }
0x322: {  	v6 =	vadd.f32 v46, v6;
	v11 =	vadd.f32 v51, v11;
	v51 =	vld [tilespmem:s0+$0x260]  }
0x323: {  	v9 =	vadd.f32 v41, v9;
	v4 =	vld [tilespmem:s0+$0xFFFFFC00]  }
0x324: {  	v10 =	vadd.f32 v42, v10;
	v6 =	vadd.f32 v54, v6;
	v54 =	vld [tilespmem:s0+$0x270]  }
0x325: {  	v9 =	vadd.f32 v49, v9;
	[tilespmem:$0x1FD00] =	vst v2;
	v2 =	vld [tilespmem:s0+$0x20]  }
0x326: {  	v10 =	vadd.f32 v50, v10;
	v8 =	vadd.f32 v56, v8;
	v56 =	vld [tilespmem:s0+$0x280]  }
0x327: {  	v5 =	vadd.f32 v45, v5;
	v9 =	vadd.f32 v57, v9;
	v57 =	vld [tilespmem:s0+$0x290]  }
0x328: {  	v10 =	vadd.f32 v58, v10;
	v58 =	vld [tilespmem:s0+$0x2A0]  }
0x329: {  	v5 =	vadd.f32 v53, v5;
	v11 =	vadd.f32 v59, v11;
	v59 =	vld [tilespmem:s0+$0x2B0]  }
0x32a: {  	v4 =	vadd.f32 v12, v4;
	[tilespmem:$0x1FD10] =	vst v2;
	v2 =	vld [tilespmem:s0+$0x30]  }
0x32b: {  	v5 =	vadd.f32 v61, v5;
	v61 =	vld [tilespmem:s0+$0x2D0]  }
0x32c: {  	v3 =	vld [tilespmem:s0+$0xFFFFFFD0];
	v4 =	vadd.f32 v20, v4  }
0x32d: {  	v12 =	vld [tilespmem:s0+$0x80]  }
0x32e: {  	v20 =	vld [tilespmem:s0+$0x100];
	v4 =	vadd.f32 v28, v4  }
0x32f: {  	[tilespmem:$0x1FD20] =	vst v2;
	v2 =	vld [tilespmem:s0+$0x40]  }
0x330: {  	v28 =	vld [tilespmem:s0+$0x180];
	v4 =	vadd.f32 v36, v4  }
0x331: {  	v7 =	vadd.f32 v39, v7;
	v42 =	vld [tilespmem:$0x1FCD0]  }
0x332: {  	v4 =	vadd.f32 v44, v4;
	v44 =	vld [tilespmem:$0x1FCF0]  }
0x333: {  	v7 =	vadd.f32 v47, v7;
	v45 =	vld [tilespmem:$0x1FD00]  }
0x334: {  	v4 =	vadd.f32 v52, v4;
	[tilespmem:$0x1FD30] =	vst v2;
	v2 =	vld [tilespmem:s0+$0x50]  }
0x335: {  	v7 =	vadd.f32 v55, v7;
	v47 =	vld [tilespmem:$0x1FD20]  }
0x336: {  	v4 =	vadd.f32 v60, v4;
	v43 =	vld [tilespmem:$0x1FCE0]  }
0x337: {  	v6 =	vadd.f32 v62, v6;
	v7 =	vadd.f32 v63, v7;
	v55 =	vld [tilespmem:$0x1FD70]  }
0x338: {  	v3 =	vadd.f32 v3, v9;
	v4 =	vadd.f32 v44, v4;
	v46 =	vld [tilespmem:$0x1FD10]  }
0x339: {  	v9 =	vadd.f32 v42, v10;
	v5 =	vadd.f32 v45, v5;
	[tilespmem:$0x1FD40] =	vst v2;
	v2 =	vld [tilespmem:s0+$0x60]  }
0x33a: {  	v36 =	vld [tilespmem:s0+$0x200];
	v4 =	vadd.f32 v12, v4;
	v7 =	vadd.f32 v47, v7  }
0x33b: {  	v10 =	vadd.f32 v43, v11;
	v11 =	vld [tilespmem:s0+$0x230];
	v5 =	vadd.f32 v13, v5  }
0x33c: {  	v44 =	vld [tilespmem:s0+$0x330];
	v4 =	vadd.f32 v20, v4;
	v7 =	vadd.f32 v15, v7  }
0x33d: {  	v5 =	vadd.f32 v21, v5;
	v6 =	vadd.f32 v46, v6;
	v50 =	vld [tilespmem:$0x1FD40]  }
0x33e: {  	(xrf2) =	vadd.scan.msk.f32 $0xffff, v55;
	v4 =	vadd.f32 v28, v4;
	v7 =	vadd.f32 v23, v7;
	[tilespmem:$0x1FD50] =	vst v2;
	v2 =	vld [tilespmem:s0+$0x70]  }
0x33f: {  	v5 =	vadd.f32 v29, v5;
	v29 =	vld [tilespmem:s0+$0x300];
	v6 =	vadd.f32 v14, v6  }
0x340: {  	v4 =	vadd.f32 v36, v4;
	v7 =	vadd.f32 v31, v7;
	v31 =	vld [tilespmem:s0+$0x310]  }
0x341: {  	v5 =	vadd.f32 v37, v5;
	v6 =	vadd.f32 v22, v6;
	v52 =	vld [tilespmem:$0x1FD50]  }
0x342: {  	v7 =	vadd.f32 v11, v7;
	v3 =	vadd.f32 v50, v3;
	v50 =	vld [tilespmem:s0+$0x390]  }
0x343: {  	v4 =	vadd.f32 v56, v4;
	v5 =	vadd.f32 v57, v5;
	[tilespmem:$0x1FD60] =	vst v2;
	v2 =	vld [tilespmem:$0x1FCC0]  }
0x344: {  	v49 =	vld [tilespmem:$0x1FD30];
	v6 =	vadd.f32 v30, v6;
	v7 =	vadd.f32 v59, v7  }
0x345: {  	v4 =	vadd.f32 v29, v4;
	v3 =	vadd.f32 v17, v3;
	v53 =	vld [tilespmem:$0x1FD60]  }
0x346: {  	v62 =	vld [tilespmem:s0+$0x2E0];
	v5 =	vadd.f32 v31, v5;
	v7 =	vadd.f32 v44, v7  }
0x347: {  	v63 =	vld [tilespmem:s0+$0x2F0];
	v3 =	vadd.f32 v25, v3;
	v9 =	vadd.f32 v52, v9  }
0x348: {  	v42, _, _ =	vpop (xrf2);
	v52 =	vld [tilespmem:s0+$0x3B0];
	v5 =	vadd.f32 v50, v5;
	v2 =	vadd.f32 v2, v8  }
0x349: {  	v60 =	vld [tilespmem:s0+$0x2C0];
	v22 =	vbroadcast v42, $0xF;
	v3 =	vadd.f32 v33, v3;
	v9 =	vadd.f32 v18, v9  }
0x34a: {  	v8 =	vld [tilespmem:s0+$0x220];
	v10 =	vadd.f32 v53, v10;
	v2 =	vadd.f32 v49, v2  }
0x34b: {  	v43 =	vld [tilespmem:s0+$0x320];
	(erf) = vrcp.f32 v22;
	v3 =	vadd.f32 v48, v3;
	v9 =	vadd.f32 v26, v9  }
0x34c: {  	v45 =	vld [tilespmem:s0+$0x340];
	v10 =	vadd.f32 v19, v10;
	v2 =	vadd.f32 v16, v2  }
0x34d: {  	v46 =	vld [tilespmem:s0+$0x350];
	v3 =	vadd.f32 v61, v3;
	v7 =	vadd.f32 v52, v7  }
0x34e: {  	v47 =	vld [tilespmem:s0+$0x360];
	v10 =	vadd.f32 v27, v10;
	v2 =	vadd.f32 v24, v2  }
0x34f: {  	v48 =	vld [tilespmem:s0+$0x370];
	v9 =	vadd.f32 v34, v9;
	v6 =	vadd.f32 v8, v6  }
0x350: {  	v49 =	vld [tilespmem:s0+$0x380];
	v10 =	vadd.f32 v35, v10;
	v2 =	vadd.f32 v32, v2  }
0x351: {  	v9 =	vadd.f32 v51, v9;
	v51 =	vld [tilespmem:s0+$0x3A0];
	v6 =	vadd.f32 v58, v6  }
0x352: {  	v10 =	vadd.f32 v54, v10;
	v54 =	vld [tilespmem:s0+$0x3D0];
	v2 =	vadd.f32 v38, v2  }
0x353: {  	v53 =	vld [tilespmem:s0+$0x3C0];
	v3 =	vadd.f32 v46, v3;
	v9 =	vadd.f32 v62, v9  }
0x354: {  	v57 =	vld [tilespmem:s0+$0x3F0];
	v56 =	vpop (erf);
	v6 =	vadd.f32 v43, v6;
	v2 =	vadd.f32 v60, v2  }
0x355: {  	v55 =	vld [tilespmem:s0+$0x3E0];
	v5 =	vmul.f32 v5, v56;
	v4 =	vadd.f32 v49, v4;
	v10 =	vadd.f32 v63, v10  }
0x356: {  	v61 =	vmul.f32 v7, v56;
	v6 =	vadd.f32 v51, v6;
	v2 =	vadd.f32 v45, v2  }
0x357: {  	v4 =	vmul.f32 v4, v56;
	[tilespmem:s30+$0xFFFFFFD0] =	vst v5;
	v60 =	vadd.f32 v48, v10;
	v3 =	vadd.f32 v54, v3  }
0x358: {  	v58 =	vadd.f32 v47, v9;
	[tilespmem:s30+$0xFFFFFFF0] =	vst v61;
	v59 =	vmul.f32 v6, v56;
	v2 =	vadd.f32 v53, v2  }
0x359: {  	p0 =	sne.s32 s7, $0x1C0;
	[tilespmem:s30+$0xFFFFFFC0] =	vst v4;
	v63 =	vadd.f32 v57, v60;
	v3 =	vmul.f32 v3, v56  }
.Ltmp6:
0x35a: {  	v62 =	vadd.f32 v55, v58;
	[tilespmem:s30+$0xFFFFFFE0] =	vst v59;
	v2 =	vmul.f32 v2, v56;
	(pc) =	sbr.rel @p0 .LBB2_15-.Ltmp6, $4  }
0x35b: {  	[tilespmem:s30+$0x10] =	vst v3;
	v3 =	vmul.f32 v63, v56  }
0x35c: {  	[tilespmem:s30+$0x0] =	vst v2;
	v2 =	vmul.f32 v62, v56  }
0x35d: {  	[tilespmem:s30+$0x30] =	vst v3  }
0x35e: {  	s7 =	sadd.s32 $0x40, s7;
	s0 =	sadd.s32 $0x800, s0;
	[tilespmem:s30+$0x20] =	vst v2;
	s30 =	sadd.s32 $0x80, s30  }
0x35f: {  	s14 =	sadd.s32 $0x1, s14  }
0x360: {  	s0 =	sadd.s32 @!p1 $0xB80, s19;
	p0 =	sne.s32 s14, $0x20  }
.Ltmp7:
0x361: {  	s1 =	simm.s32 @!p1 $0x80;
	s7 =	simm.s32 @!p1 $0x12800;
	(pc) =	sbr.rel @p0 .LBB2_8-.Ltmp7, $4  }
0x362: {  	s31 =	sshll.u32 s5, $0x7;
	s15 =	sadd.s32 $0x200, s15;
	s16 =	sadd.s32 $0x200, s16  }
0x363: {  	[tilespmem:s7], [sflag:$0x4] =	stream.indirect.gather @!p1 [hbm4b:s3+s1], $0x80, s0, s1, $0xb8;
	[tilespmem:$0x17800] =	vst v63  }
0x364: {  	s17 =	sadd.s32 $0x200, s17;
	s18 =	sadd.s32 $0x200, s18;
	s0 =	sadd.s32 s31, s6  }
0x365: {  	[hbm4b:s0+s2] =	stream.linear.scatter [tilespmem:s29], [sflag:$0x8], $0x400, $0x38;
	[tilespmem:$0x17800] =	vst v63  }
0x366: {  	s0 =	simm.s32 $0x5  }
0x367: {  	_ =	swait.ge [sflag:s0], $0x400  }
0x368: {  	[sflag:s0] =	ssyncset.done $0x0  }
0x369: {  	s19 =	simm.s32 $0x6;
	[sflag:s0] =	ssyncadd.s32 $0xFFFFFC00  }
0x36a: {  	_ =	swait.ge [sflag:s19], $0x400  }
0x36b: {  	[sflag:s19] =	ssyncset.done $0x0  }
0x36c: {  	s30 =	simm.s32 $0x7;
	[sflag:s19] =	ssyncadd.s32 $0xFFFFFC00  }
0x36d: {  	_ =	swait.ge [sflag:s30], $0x400  }
0x36e: {  	[sflag:s30] =	ssyncset.done $0x0  }
0x36f: {  	s1 =	simm.s32 $0x8;
	[sflag:s30] =	ssyncadd.s32 $0xFFFFFC00  }
0x370: {  	_ =	swait.ge [sflag:s1], $0x400  }
0x371: {  	s5 =	rddreg [dreg:$0x7]  }
0x372: {  	s31 =	rddreg [dreg:$0x6];
	s5 =	sadd.s32 $0x1, s5  }
0x373: {  	p0 =	sne.s32 s5, s31  }
.Ltmp8:
0x374: {  	_ = 	snop;
	(pc) =	sbr.rel @p0 .LBB2_1-.Ltmp8, $3  }
0x375: {  	_ =	sdelay $0x1  }
0x376: {  	[sflag:s1] =	ssyncset.done $0x0  }
0x377: {  	[sflag:s1] =	ssyncadd.s32 $0xFFFFFC00  }
0x378: {  	_ =	sfence.sel $0x180000  }
0x379: {  	[bflag:$0x0] =	sbarrier.arrive $0xFFFF  }
0x37a: {  	_ =	strace $0x90000047  }
0x37b: {  	s0 =	stileid.u32;
	[bflag:$0x2] =	sbarrier.arrive $0xFFFF  }
0x37c: {  	p0 =	sne.s32 s0, $0x0;
	s0 =	rddreg [dreg:$0x4]  }
0x37d: {  	s0 =	sadd.s32 @!p0 $0x100000, s0  }
0x37e: {  	[sflag:s0] =	ssyncadd.tile.s32 @!p0 $0x1;
	_ =	shalt  }
.Lfunc_end2:
_tile_overlayer_lowered:
.L_overlay_start_2:
0x37f: {  	(tag) =	ssettag $0x2  }
0x380: {  	s0 =	rddreg [dreg:$0x0];
	s2 =	stileid.u32  }
0x381: {  	s1 =	rddreg [dreg:$0x1];
	p0 =	sne.s32 s2, $0x0  }
0x382: {  	s3 =	rddreg [dreg:$0x2];
	[bflag:$0x3] =	sbarrier.arrive $0xFFFF;
	s2 =	simm.s32 @!p0 $0x1C09  }
0x383: {  	[timem:s3], [sflag:s2] =	dma.local @!p0 [hbm:s0], s1  }
0x384: {  	s0 =	simm.s32 @!p0 $0x9  }
0x385: {  	_ =	swait.ge @!p0 [sflag:s0], s1  }
0x386: {  	s1 =	ssub.s32 @!p0 $0x0, s1;
	[sflag:s0] =	ssyncset.done @!p0 $0x0  }
0x387: {  	[sflag:s0] =	ssyncadd.s32 @!p0 s1  }
0x388: {  	[bflag:$0x3] =	sbarrier.arrive $0xFFFF  }
0x389: {  	_ =	shalt  }

</sc_bundles>
